<compile_context>
chip_gen: v7x
topology: tpu7x:2x2x1
jax: 0.10.2.dev20260603
libtpu: 0.0.44.dev20260713+nightly
codegen_flags: <defaults>
</compile_context>

<pallas_src>
import functools

import jax
import jax.numpy as jnp
from jax import lax
from jax.experimental import pallas as pl
from jax.experimental.pallas import tpu as pltpu
from jax.experimental.pallas import tpu_sc as plsc

VOCAB = 1000000
EMBED_DIM = 64
BATCH = 4096
HIST = 200

NC, NS = 2, 16
NW = NC * NS
LANES = 16
CHUNK = 128
BLOCKS_PER_T = BATCH // CHUNK
N_CHUNKS = HIST * BLOCKS_PER_T
CH_PER_W = N_CHUNKS // NW
NBUF = 2
N_GROUPS = CH_PER_W // NBUF


def _gather_body(ids_t_hbm, table_hbm, out_hbm, idx0, idx1, rows0, rows1,
                 tr0, tr1, isem0, isem1, gsem0, gsem1, wsem0, wsem1):
    wid = lax.axis_index("s") * NC + lax.axis_index("c")
    c_base = wid * CH_PER_W
    idxs = (idx0, idx1)
    bufs = (rows0, rows1)
    trs = (tr0, tr1)
    isems = (isem0, isem1)
    gsems = (gsem0, gsem1)
    wsems = (wsem0, wsem1)

    def fire_idx(c, b):
        t = c // BLOCKS_PER_T
        b0 = (c % BLOCKS_PER_T) * CHUNK
        pltpu.async_copy(ids_t_hbm.at[t, pl.ds(b0, CHUNK)], idxs[b], isems[b])

    def fire_gather(b):
        pltpu.async_copy(table_hbm.at[idxs[b]], bufs[b], gsems[b])

    def drain_gather(b):
        pltpu.make_async_copy(table_hbm.at[pl.ds(0, CHUNK)], bufs[b],
                              gsems[b]).wait()

    lane = lax.iota(jnp.int32, LANES)
    diags = [(lane + k) % LANES for k in range(LANES)]

    def transpose(b):
        buf, tr = bufs[b], trs[b]

        def blk_step(cb, carry):
            cvec = lane + cb * LANES
            for e0 in range(0, EMBED_DIM, LANES):
                for k in range(LANES):
                    evec = diags[k] + e0
                    vals = plsc.load_gather(buf, [cvec, evec])
                    sb = evec >> 3
                    pos = ((evec & 7) << 7) + cvec
                    plsc.store_scatter(tr, [sb, pos], vals)
            return carry

        lax.fori_loop(0, CHUNK // LANES, blk_step, 0)

    def fire_wb(c, b):
        t = c // BLOCKS_PER_T
        vb = c % BLOCKS_PER_T
        pltpu.async_copy(trs[b], out_hbm.at[t, :, vb], wsems[b])

    def drain_wb(b):
        pltpu.make_async_copy(trs[b], out_hbm.at[0, :, 0], wsems[b]).wait()

    for b in range(NBUF):
        fire_idx(c_base + b, b)
    for b in range(NBUF):
        pltpu.make_async_copy(ids_t_hbm.at[0, pl.ds(0, CHUNK)], idxs[b],
                              isems[b]).wait()
        fire_gather(b)

    def group_step(k, carry):
        for b in range(NBUF):
            c = c_base + k * NBUF + b
            drain_gather(b)

            @pl.when(k < N_GROUPS - 1)
            def _():
                fire_idx(c + NBUF, b)

            @pl.when(k > 0)
            def _():
                drain_wb(b)

            transpose(b)
            fire_wb(c, b)

            @pl.when(k < N_GROUPS - 1)
            def _():
                pltpu.make_async_copy(ids_t_hbm.at[0, pl.ds(0, CHUNK)],
                                      idxs[b], isems[b]).wait()
                fire_gather(b)
        return carry

    lax.fori_loop(0, N_GROUPS, group_step, 0)
    for b in range(NBUF):
        drain_wb(b)


def kernel(input_ids, table):
    ids_t = input_ids.T.astype(jnp.int32)
    mesh = plsc.VectorSubcoreMesh(core_axis_name="c", subcore_axis_name="s")
    run = functools.partial(
        pl.kernel,
        mesh=mesh,
        out_type=jax.ShapeDtypeStruct(
            (HIST, EMBED_DIM // 8, BLOCKS_PER_T, 8 * CHUNK), jnp.float32),
        scratch_types=[
            pltpu.VMEM((CHUNK,), jnp.int32),
            pltpu.VMEM((CHUNK,), jnp.int32),
            pltpu.VMEM((CHUNK, EMBED_DIM), jnp.float32),
            pltpu.VMEM((CHUNK, EMBED_DIM), jnp.float32),
            pltpu.VMEM((EMBED_DIM // 8, 8 * CHUNK), jnp.float32),
            pltpu.VMEM((EMBED_DIM // 8, 8 * CHUNK), jnp.float32),
            pltpu.SemaphoreType.DMA,
            pltpu.SemaphoreType.DMA,
            pltpu.SemaphoreType.DMA,
            pltpu.SemaphoreType.DMA,
            pltpu.SemaphoreType.DMA,
            pltpu.SemaphoreType.DMA,
        ],
        compiler_params=pltpu.CompilerParams(use_tc_tiling_on_sc=False,
                                             needs_layout_passes=False),
    )(_gather_body)
    out4 = run(ids_t, table)
    out5 = out4.reshape(HIST, EMBED_DIM // 8, BLOCKS_PER_T, 8, CHUNK)
    return out5.transpose(2, 4, 0, 1, 3).reshape(BATCH, HIST, EMBED_DIM)

# --- scband reference (transcript-rebuilt; emitter-appended) ---
"""Pipeline reference for scband-embedding-5592047419697 (READ-ONLY COPY).

The authoritative reference and input builder live on the scoring server;
editing this copy changes nothing except your own understanding.
"""

import jax, jax.numpy as jnp
import numpy as np

VOCAB = 1000000
EMBED_DIM = 64
BATCH = 4096
HIST = 200

def setup_inputs(seed: int = 0) -> dict:
    key = jax.random.key(seed)
    k1, k2 = jax.random.split(key)
    input_ids = jax.random.randint(k1, (BATCH, HIST), 0, VOCAB, dtype=jnp.int64 if jax.config.jax_enable_x64 else jnp.int32)
    table = jax.random.normal(k2, (VOCAB, EMBED_DIM), dtype=jnp.float32) * 0.02
    return {"input_ids": input_ids, "table": table}

def reference(input_ids, table):
    # nn.Embedding forward: row gather from the embedding table
    return jnp.take(table, input_ids, axis=0)

if __name__ == "__main__":
    import jax
    _d = setup_inputs()
    print(jax.jit(kernel)(*tuple(_d.values())))

</pallas_src>

<mosaic_0001>
#map = affine_map<(d0, d1) -> (0, 0)>
#map1 = affine_map<(d0, d1) -> (0, 0, 0, 0)>
module attributes {stable_mosaic.version = 14 : i64} {
  func.func @_gather_body(%arg0: i32, %arg1: i32, %arg2: memref<200x4096xi32, #tpu.memory_space<hbm>>, %arg3: memref<1000000x64xf32, #tpu.memory_space<hbm>>, %arg4: memref<200x8x32x1024xf32, #tpu.memory_space<hbm>>, %arg5: memref<128xi32, #tpu.memory_space<vmem>>, %arg6: memref<128xi32, #tpu.memory_space<vmem>>, %arg7: memref<128x64xf32, #tpu.memory_space<vmem>>, %arg8: memref<128x64xf32, #tpu.memory_space<vmem>>, %arg9: memref<8x1024xf32, #tpu.memory_space<vmem>>, %arg10: memref<8x1024xf32, #tpu.memory_space<vmem>>, %arg11: memref<!tpu.dma_semaphore, #tpu.memory_space<semaphore_mem>>, %arg12: memref<!tpu.dma_semaphore, #tpu.memory_space<semaphore_mem>>, %arg13: memref<!tpu.dma_semaphore, #tpu.memory_space<semaphore_mem>>, %arg14: memref<!tpu.dma_semaphore, #tpu.memory_space<semaphore_mem>>, %arg15: memref<!tpu.dma_semaphore, #tpu.memory_space<semaphore_mem>>, %arg16: memref<!tpu.dma_semaphore, #tpu.memory_space<semaphore_mem>>) attributes {dimension_semantics = [#tpu.dimension_semantics<core_parallel>, #tpu.dimension_semantics<subcore_parallel>], iteration_bounds = array<i64: 2, 16>, scalar_prefetch = 0 : i64, scratch_operands = 12 : i64, tpu.core_type = #tpu.core_type<sc_vector_subcore>, window_params = [{transform_indices = #map}, {transform_indices = #map}, {transform_indices = #map1}]} {
    %mul3A = arith.constant 2 : i32
    %mul3A_0 = arith.muli %arg1, %mul3A : i32
    %add3A = arith.addi %mul3A_0, %arg0 : i32
    %mul3A_1 = arith.constant 200 : i32
    %mul3A_2 = arith.muli %add3A, %mul3A_1 : i32
    %iota3A = tpu.iota {dimensions = array<i32: 0>} : vector<16xi32>
    %add3A_3 = arith.constant 0 : i32
    %add3A_4 = vector.broadcast %add3A_3 : i32 to vector<16xi32>
    %add3A_5 = arith.addi %iota3A, %add3A_4 : vector<16xi32>
    %jit3A = arith.constant 16 : i32
    %eq3A = arith.constant 0 : i32
    %eq3A_6 = arith.cmpi eq, %jit3A, %eq3A : i32
    %jit3A_7 = arith.constant 1 : i32
    %select_n3A = arith.select %eq3A_6, %jit3A_7, %jit3A : i32
    %rem3A = vector.broadcast %select_n3A : i32 to vector<16xi32>
    %rem3A_8 = arith.remsi %add3A_5, %rem3A : vector<16xi32>
    %ne3A = arith.constant 0 : i32
    %ne3A_9 = vector.broadcast %ne3A : i32 to vector<16xi32>
    %ne3A_10 = arith.cmpi ne, %rem3A_8, %ne3A_9 : vector<16xi32>
    %lt3A = arith.constant 0 : i32
    %lt3A_11 = vector.broadcast %lt3A : i32 to vector<16xi32>
    %lt3A_12 = arith.cmpi slt, %rem3A_8, %lt3A_11 : vector<16xi32>
    %lt3A_13 = arith.constant 0 : i32
    %lt3A_14 = arith.cmpi slt, %select_n3A, %lt3A_13 : i32
    %ne3A_15 = vector.broadcast %lt3A_14 : i1 to vector<16xi1>
    %ne3A_16 = vector.broadcast %ne3A_15 : vector<16xi1> to vector<16xi1>
    %ne3A_17 = arith.xori %lt3A_12, %ne3A_16 : vector<16xi1>
    %and3A = arith.andi %ne3A_17, %ne3A_10 : vector<16xi1>
    %add3A_18 = vector.broadcast %select_n3A : i32 to vector<16xi32>
    %add3A_19 = arith.addi %rem3A_8, %add3A_18 : vector<16xi32>
    %select_n3A_20 = arith.select %and3A, %add3A_19, %rem3A_8 : vector<16xi1>, vector<16xi32>
    %add3A_21 = arith.constant 1 : i32
    %add3A_22 = vector.broadcast %add3A_21 : i32 to vector<16xi32>
    %add3A_23 = arith.addi %iota3A, %add3A_22 : vector<16xi32>
    %jit3A_24 = arith.constant 16 : i32
    %eq3A_25 = arith.constant 0 : i32
    %eq3A_26 = arith.cmpi eq, %jit3A_24, %eq3A_25 : i32
    %jit3A_27 = arith.constant 1 : i32
    %select_n3A_28 = arith.select %eq3A_26, %jit3A_27, %jit3A_24 : i32
    %rem3A_29 = vector.broadcast %select_n3A_28 : i32 to vector<16xi32>
    %rem3A_30 = arith.remsi %add3A_23, %rem3A_29 : vector<16xi32>
    %ne3A_31 = arith.constant 0 : i32
    %ne3A_32 = vector.broadcast %ne3A_31 : i32 to vector<16xi32>
    %ne3A_33 = arith.cmpi ne, %rem3A_30, %ne3A_32 : vector<16xi32>
    %lt3A_34 = arith.constant 0 : i32
    %lt3A_35 = vector.broadcast %lt3A_34 : i32 to vector<16xi32>
    %lt3A_36 = arith.cmpi slt, %rem3A_30, %lt3A_35 : vector<16xi32>
    %lt3A_37 = arith.constant 0 : i32
    %lt3A_38 = arith.cmpi slt, %select_n3A_28, %lt3A_37 : i32
    %ne3A_39 = vector.broadcast %lt3A_38 : i1 to vector<16xi1>
    %ne3A_40 = vector.broadcast %ne3A_39 : vector<16xi1> to vector<16xi1>
    %ne3A_41 = arith.xori %lt3A_36, %ne3A_40 : vector<16xi1>
    %and3A_42 = arith.andi %ne3A_41, %ne3A_33 : vector<16xi1>
    %add3A_43 = vector.broadcast %select_n3A_28 : i32 to vector<16xi32>
    %add3A_44 = arith.addi %rem3A_30, %add3A_43 : vector<16xi32>
    %select_n3A_45 = arith.select %and3A_42, %add3A_44, %rem3A_30 : vector<16xi1>, vector<16xi32>
    %add3A_46 = arith.constant 2 : i32
    %add3A_47 = vector.broadcast %add3A_46 : i32 to vector<16xi32>
    %add3A_48 = arith.addi %iota3A, %add3A_47 : vector<16xi32>
    %jit3A_49 = arith.constant 16 : i32
    %eq3A_50 = arith.constant 0 : i32
    %eq3A_51 = arith.cmpi eq, %jit3A_49, %eq3A_50 : i32
    %jit3A_52 = arith.constant 1 : i32
    %select_n3A_53 = arith.select %eq3A_51, %jit3A_52, %jit3A_49 : i32
    %rem3A_54 = vector.broadcast %select_n3A_53 : i32 to vector<16xi32>
    %rem3A_55 = arith.remsi %add3A_48, %rem3A_54 : vector<16xi32>
    %ne3A_56 = arith.constant 0 : i32
    %ne3A_57 = vector.broadcast %ne3A_56 : i32 to vector<16xi32>
    %ne3A_58 = arith.cmpi ne, %rem3A_55, %ne3A_57 : vector<16xi32>
    %lt3A_59 = arith.constant 0 : i32
    %lt3A_60 = vector.broadcast %lt3A_59 : i32 to vector<16xi32>
    %lt3A_61 = arith.cmpi slt, %rem3A_55, %lt3A_60 : vector<16xi32>
    %lt3A_62 = arith.constant 0 : i32
    %lt3A_63 = arith.cmpi slt, %select_n3A_53, %lt3A_62 : i32
    %ne3A_64 = vector.broadcast %lt3A_63 : i1 to vector<16xi1>
    %ne3A_65 = vector.broadcast %ne3A_64 : vector<16xi1> to vector<16xi1>
    %ne3A_66 = arith.xori %lt3A_61, %ne3A_65 : vector<16xi1>
    %and3A_67 = arith.andi %ne3A_66, %ne3A_58 : vector<16xi1>
    %add3A_68 = vector.broadcast %select_n3A_53 : i32 to vector<16xi32>
    %add3A_69 = arith.addi %rem3A_55, %add3A_68 : vector<16xi32>
    %select_n3A_70 = arith.select %and3A_67, %add3A_69, %rem3A_55 : vector<16xi1>, vector<16xi32>
    %add3A_71 = arith.constant 3 : i32
    %add3A_72 = vector.broadcast %add3A_71 : i32 to vector<16xi32>
    %add3A_73 = arith.addi %iota3A, %add3A_72 : vector<16xi32>
    %jit3A_74 = arith.constant 16 : i32
    %eq3A_75 = arith.constant 0 : i32
    %eq3A_76 = arith.cmpi eq, %jit3A_74, %eq3A_75 : i32
    %jit3A_77 = arith.constant 1 : i32
    %select_n3A_78 = arith.select %eq3A_76, %jit3A_77, %jit3A_74 : i32
    %rem3A_79 = vector.broadcast %select_n3A_78 : i32 to vector<16xi32>
    %rem3A_80 = arith.remsi %add3A_73, %rem3A_79 : vector<16xi32>
    %ne3A_81 = arith.constant 0 : i32
    %ne3A_82 = vector.broadcast %ne3A_81 : i32 to vector<16xi32>
    %ne3A_83 = arith.cmpi ne, %rem3A_80, %ne3A_82 : vector<16xi32>
    %lt3A_84 = arith.constant 0 : i32
    %lt3A_85 = vector.broadcast %lt3A_84 : i32 to vector<16xi32>
    %lt3A_86 = arith.cmpi slt, %rem3A_80, %lt3A_85 : vector<16xi32>
    %lt3A_87 = arith.constant 0 : i32
    %lt3A_88 = arith.cmpi slt, %select_n3A_78, %lt3A_87 : i32
    %ne3A_89 = vector.broadcast %lt3A_88 : i1 to vector<16xi1>
    %ne3A_90 = vector.broadcast %ne3A_89 : vector<16xi1> to vector<16xi1>
    %ne3A_91 = arith.xori %lt3A_86, %ne3A_90 : vector<16xi1>
    %and3A_92 = arith.andi %ne3A_91, %ne3A_83 : vector<16xi1>
    %add3A_93 = vector.broadcast %select_n3A_78 : i32 to vector<16xi32>
    %add3A_94 = arith.addi %rem3A_80, %add3A_93 : vector<16xi32>
    %select_n3A_95 = arith.select %and3A_92, %add3A_94, %rem3A_80 : vector<16xi1>, vector<16xi32>
    %add3A_96 = arith.constant 4 : i32
    %add3A_97 = vector.broadcast %add3A_96 : i32 to vector<16xi32>
    %add3A_98 = arith.addi %iota3A, %add3A_97 : vector<16xi32>
    %jit3A_99 = arith.constant 16 : i32
    %eq3A_100 = arith.constant 0 : i32
    %eq3A_101 = arith.cmpi eq, %jit3A_99, %eq3A_100 : i32
    %jit3A_102 = arith.constant 1 : i32
    %select_n3A_103 = arith.select %eq3A_101, %jit3A_102, %jit3A_99 : i32
    %rem3A_104 = vector.broadcast %select_n3A_103 : i32 to vector<16xi32>
    %rem3A_105 = arith.remsi %add3A_98, %rem3A_104 : vector<16xi32>
    %ne3A_106 = arith.constant 0 : i32
    %ne3A_107 = vector.broadcast %ne3A_106 : i32 to vector<16xi32>
    %ne3A_108 = arith.cmpi ne, %rem3A_105, %ne3A_107 : vector<16xi32>
    %lt3A_109 = arith.constant 0 : i32
    %lt3A_110 = vector.broadcast %lt3A_109 : i32 to vector<16xi32>
    %lt3A_111 = arith.cmpi slt, %rem3A_105, %lt3A_110 : vector<16xi32>
    %lt3A_112 = arith.constant 0 : i32
    %lt3A_113 = arith.cmpi slt, %select_n3A_103, %lt3A_112 : i32
    %ne3A_114 = vector.broadcast %lt3A_113 : i1 to vector<16xi1>
    %ne3A_115 = vector.broadcast %ne3A_114 : vector<16xi1> to vector<16xi1>
    %ne3A_116 = arith.xori %lt3A_111, %ne3A_115 : vector<16xi1>
    %and3A_117 = arith.andi %ne3A_116, %ne3A_108 : vector<16xi1>
    %add3A_118 = vector.broadcast %select_n3A_103 : i32 to vector<16xi32>
    %add3A_119 = arith.addi %rem3A_105, %add3A_118 : vector<16xi32>
    %select_n3A_120 = arith.select %and3A_117, %add3A_119, %rem3A_105 : vector<16xi1>, vector<16xi32>
    %add3A_121 = arith.constant 5 : i32
    %add3A_122 = vector.broadcast %add3A_121 : i32 to vector<16xi32>
    %add3A_123 = arith.addi %iota3A, %add3A_122 : vector<16xi32>
    %jit3A_124 = arith.constant 16 : i32
    %eq3A_125 = arith.constant 0 : i32
    %eq3A_126 = arith.cmpi eq, %jit3A_124, %eq3A_125 : i32
    %jit3A_127 = arith.constant 1 : i32
    %select_n3A_128 = arith.select %eq3A_126, %jit3A_127, %jit3A_124 : i32
    %rem3A_129 = vector.broadcast %select_n3A_128 : i32 to vector<16xi32>
    %rem3A_130 = arith.remsi %add3A_123, %rem3A_129 : vector<16xi32>
    %ne3A_131 = arith.constant 0 : i32
    %ne3A_132 = vector.broadcast %ne3A_131 : i32 to vector<16xi32>
    %ne3A_133 = arith.cmpi ne, %rem3A_130, %ne3A_132 : vector<16xi32>
    %lt3A_134 = arith.constant 0 : i32
    %lt3A_135 = vector.broadcast %lt3A_134 : i32 to vector<16xi32>
    %lt3A_136 = arith.cmpi slt, %rem3A_130, %lt3A_135 : vector<16xi32>
    %lt3A_137 = arith.constant 0 : i32
    %lt3A_138 = arith.cmpi slt, %select_n3A_128, %lt3A_137 : i32
    %ne3A_139 = vector.broadcast %lt3A_138 : i1 to vector<16xi1>
    %ne3A_140 = vector.broadcast %ne3A_139 : vector<16xi1> to vector<16xi1>
    %ne3A_141 = arith.xori %lt3A_136, %ne3A_140 : vector<16xi1>
    %and3A_142 = arith.andi %ne3A_141, %ne3A_133 : vector<16xi1>
    %add3A_143 = vector.broadcast %select_n3A_128 : i32 to vector<16xi32>
    %add3A_144 = arith.addi %rem3A_130, %add3A_143 : vector<16xi32>
    %select_n3A_145 = arith.select %and3A_142, %add3A_144, %rem3A_130 : vector<16xi1>, vector<16xi32>
    %add3A_146 = arith.constant 6 : i32
    %add3A_147 = vector.broadcast %add3A_146 : i32 to vector<16xi32>
    %add3A_148 = arith.addi %iota3A, %add3A_147 : vector<16xi32>
    %jit3A_149 = arith.constant 16 : i32
    %eq3A_150 = arith.constant 0 : i32
    %eq3A_151 = arith.cmpi eq, %jit3A_149, %eq3A_150 : i32
    %jit3A_152 = arith.constant 1 : i32
    %select_n3A_153 = arith.select %eq3A_151, %jit3A_152, %jit3A_149 : i32
    %rem3A_154 = vector.broadcast %select_n3A_153 : i32 to vector<16xi32>
    %rem3A_155 = arith.remsi %add3A_148, %rem3A_154 : vector<16xi32>
    %ne3A_156 = arith.constant 0 : i32
    %ne3A_157 = vector.broadcast %ne3A_156 : i32 to vector<16xi32>
    %ne3A_158 = arith.cmpi ne, %rem3A_155, %ne3A_157 : vector<16xi32>
    %lt3A_159 = arith.constant 0 : i32
    %lt3A_160 = vector.broadcast %lt3A_159 : i32 to vector<16xi32>
    %lt3A_161 = arith.cmpi slt, %rem3A_155, %lt3A_160 : vector<16xi32>
    %lt3A_162 = arith.constant 0 : i32
    %lt3A_163 = arith.cmpi slt, %select_n3A_153, %lt3A_162 : i32
    %ne3A_164 = vector.broadcast %lt3A_163 : i1 to vector<16xi1>
    %ne3A_165 = vector.broadcast %ne3A_164 : vector<16xi1> to vector<16xi1>
    %ne3A_166 = arith.xori %lt3A_161, %ne3A_165 : vector<16xi1>
    %and3A_167 = arith.andi %ne3A_166, %ne3A_158 : vector<16xi1>
    %add3A_168 = vector.broadcast %select_n3A_153 : i32 to vector<16xi32>
    %add3A_169 = arith.addi %rem3A_155, %add3A_168 : vector<16xi32>
    %select_n3A_170 = arith.select %and3A_167, %add3A_169, %rem3A_155 : vector<16xi1>, vector<16xi32>
    %add3A_171 = arith.constant 7 : i32
    %add3A_172 = vector.broadcast %add3A_171 : i32 to vector<16xi32>
    %add3A_173 = arith.addi %iota3A, %add3A_172 : vector<16xi32>
    %jit3A_174 = arith.constant 16 : i32
    %eq3A_175 = arith.constant 0 : i32
    %eq3A_176 = arith.cmpi eq, %jit3A_174, %eq3A_175 : i32
    %jit3A_177 = arith.constant 1 : i32
    %select_n3A_178 = arith.select %eq3A_176, %jit3A_177, %jit3A_174 : i32
    %rem3A_179 = vector.broadcast %select_n3A_178 : i32 to vector<16xi32>
    %rem3A_180 = arith.remsi %add3A_173, %rem3A_179 : vector<16xi32>
    %ne3A_181 = arith.constant 0 : i32
    %ne3A_182 = vector.broadcast %ne3A_181 : i32 to vector<16xi32>
    %ne3A_183 = arith.cmpi ne, %rem3A_180, %ne3A_182 : vector<16xi32>
    %lt3A_184 = arith.constant 0 : i32
    %lt3A_185 = vector.broadcast %lt3A_184 : i32 to vector<16xi32>
    %lt3A_186 = arith.cmpi slt, %rem3A_180, %lt3A_185 : vector<16xi32>
    %lt3A_187 = arith.constant 0 : i32
    %lt3A_188 = arith.cmpi slt, %select_n3A_178, %lt3A_187 : i32
    %ne3A_189 = vector.broadcast %lt3A_188 : i1 to vector<16xi1>
    %ne3A_190 = vector.broadcast %ne3A_189 : vector<16xi1> to vector<16xi1>
    %ne3A_191 = arith.xori %lt3A_186, %ne3A_190 : vector<16xi1>
    %and3A_192 = arith.andi %ne3A_191, %ne3A_183 : vector<16xi1>
    %add3A_193 = vector.broadcast %select_n3A_178 : i32 to vector<16xi32>
    %add3A_194 = arith.addi %rem3A_180, %add3A_193 : vector<16xi32>
    %select_n3A_195 = arith.select %and3A_192, %add3A_194, %rem3A_180 : vector<16xi1>, vector<16xi32>
    %add3A_196 = arith.constant 8 : i32
    %add3A_197 = vector.broadcast %add3A_196 : i32 to vector<16xi32>
    %add3A_198 = arith.addi %iota3A, %add3A_197 : vector<16xi32>
    %jit3A_199 = arith.constant 16 : i32
    %eq3A_200 = arith.constant 0 : i32
    %eq3A_201 = arith.cmpi eq, %jit3A_199, %eq3A_200 : i32
    %jit3A_202 = arith.constant 1 : i32
    %select_n3A_203 = arith.select %eq3A_201, %jit3A_202, %jit3A_199 : i32
    %rem3A_204 = vector.broadcast %select_n3A_203 : i32 to vector<16xi32>
    %rem3A_205 = arith.remsi %add3A_198, %rem3A_204 : vector<16xi32>
    %ne3A_206 = arith.constant 0 : i32
    %ne3A_207 = vector.broadcast %ne3A_206 : i32 to vector<16xi32>
    %ne3A_208 = arith.cmpi ne, %rem3A_205, %ne3A_207 : vector<16xi32>
    %lt3A_209 = arith.constant 0 : i32
    %lt3A_210 = vector.broadcast %lt3A_209 : i32 to vector<16xi32>
    %lt3A_211 = arith.cmpi slt, %rem3A_205, %lt3A_210 : vector<16xi32>
    %lt3A_212 = arith.constant 0 : i32
    %lt3A_213 = arith.cmpi slt, %select_n3A_203, %lt3A_212 : i32
    %ne3A_214 = vector.broadcast %lt3A_213 : i1 to vector<16xi1>
    %ne3A_215 = vector.broadcast %ne3A_214 : vector<16xi1> to vector<16xi1>
    %ne3A_216 = arith.xori %lt3A_211, %ne3A_215 : vector<16xi1>
    %and3A_217 = arith.andi %ne3A_216, %ne3A_208 : vector<16xi1>
    %add3A_218 = vector.broadcast %select_n3A_203 : i32 to vector<16xi32>
    %add3A_219 = arith.addi %rem3A_205, %add3A_218 : vector<16xi32>
    %select_n3A_220 = arith.select %and3A_217, %add3A_219, %rem3A_205 : vector<16xi1>, vector<16xi32>
    %add3A_221 = arith.constant 9 : i32
    %add3A_222 = vector.broadcast %add3A_221 : i32 to vector<16xi32>
    %add3A_223 = arith.addi %iota3A, %add3A_222 : vector<16xi32>
    %jit3A_224 = arith.constant 16 : i32
    %eq3A_225 = arith.constant 0 : i32
    %eq3A_226 = arith.cmpi eq, %jit3A_224, %eq3A_225 : i32
    %jit3A_227 = arith.constant 1 : i32
    %select_n3A_228 = arith.select %eq3A_226, %jit3A_227, %jit3A_224 : i32
    %rem3A_229 = vector.broadcast %select_n3A_228 : i32 to vector<16xi32>
    %rem3A_230 = arith.remsi %add3A_223, %rem3A_229 : vector<16xi32>
    %ne3A_231 = arith.constant 0 : i32
    %ne3A_232 = vector.broadcast %ne3A_231 : i32 to vector<16xi32>
    %ne3A_233 = arith.cmpi ne, %rem3A_230, %ne3A_232 : vector<16xi32>
    %lt3A_234 = arith.constant 0 : i32
    %lt3A_235 = vector.broadcast %lt3A_234 : i32 to vector<16xi32>
    %lt3A_236 = arith.cmpi slt, %rem3A_230, %lt3A_235 : vector<16xi32>
    %lt3A_237 = arith.constant 0 : i32
    %lt3A_238 = arith.cmpi slt, %select_n3A_228, %lt3A_237 : i32
    %ne3A_239 = vector.broadcast %lt3A_238 : i1 to vector<16xi1>
    %ne3A_240 = vector.broadcast %ne3A_239 : vector<16xi1> to vector<16xi1>
    %ne3A_241 = arith.xori %lt3A_236, %ne3A_240 : vector<16xi1>
    %and3A_242 = arith.andi %ne3A_241, %ne3A_233 : vector<16xi1>
    %add3A_243 = vector.broadcast %select_n3A_228 : i32 to vector<16xi32>
    %add3A_244 = arith.addi %rem3A_230, %add3A_243 : vector<16xi32>
    %select_n3A_245 = arith.select %and3A_242, %add3A_244, %rem3A_230 : vector<16xi1>, vector<16xi32>
    %add3A_246 = arith.constant 10 : i32
    %add3A_247 = vector.broadcast %add3A_246 : i32 to vector<16xi32>
    %add3A_248 = arith.addi %iota3A, %add3A_247 : vector<16xi32>
    %jit3A_249 = arith.constant 16 : i32
    %eq3A_250 = arith.constant 0 : i32
    %eq3A_251 = arith.cmpi eq, %jit3A_249, %eq3A_250 : i32
    %jit3A_252 = arith.constant 1 : i32
    %select_n3A_253 = arith.select %eq3A_251, %jit3A_252, %jit3A_249 : i32
    %rem3A_254 = vector.broadcast %select_n3A_253 : i32 to vector<16xi32>
    %rem3A_255 = arith.remsi %add3A_248, %rem3A_254 : vector<16xi32>
    %ne3A_256 = arith.constant 0 : i32
    %ne3A_257 = vector.broadcast %ne3A_256 : i32 to vector<16xi32>
    %ne3A_258 = arith.cmpi ne, %rem3A_255, %ne3A_257 : vector<16xi32>
    %lt3A_259 = arith.constant 0 : i32
    %lt3A_260 = vector.broadcast %lt3A_259 : i32 to vector<16xi32>
    %lt3A_261 = arith.cmpi slt, %rem3A_255, %lt3A_260 : vector<16xi32>
    %lt3A_262 = arith.constant 0 : i32
    %lt3A_263 = arith.cmpi slt, %select_n3A_253, %lt3A_262 : i32
    %ne3A_264 = vector.broadcast %lt3A_263 : i1 to vector<16xi1>
    %ne3A_265 = vector.broadcast %ne3A_264 : vector<16xi1> to vector<16xi1>
    %ne3A_266 = arith.xori %lt3A_261, %ne3A_265 : vector<16xi1>
    %and3A_267 = arith.andi %ne3A_266, %ne3A_258 : vector<16xi1>
    %add3A_268 = vector.broadcast %select_n3A_253 : i32 to vector<16xi32>
    %add3A_269 = arith.addi %rem3A_255, %add3A_268 : vector<16xi32>
    %select_n3A_270 = arith.select %and3A_267, %add3A_269, %rem3A_255 : vector<16xi1>, vector<16xi32>
    %add3A_271 = arith.constant 11 : i32
    %add3A_272 = vector.broadcast %add3A_271 : i32 to vector<16xi32>
    %add3A_273 = arith.addi %iota3A, %add3A_272 : vector<16xi32>
    %jit3A_274 = arith.constant 16 : i32
    %eq3A_275 = arith.constant 0 : i32
    %eq3A_276 = arith.cmpi eq, %jit3A_274, %eq3A_275 : i32
    %jit3A_277 = arith.constant 1 : i32
    %select_n3A_278 = arith.select %eq3A_276, %jit3A_277, %jit3A_274 : i32
    %rem3A_279 = vector.broadcast %select_n3A_278 : i32 to vector<16xi32>
    %rem3A_280 = arith.remsi %add3A_273, %rem3A_279 : vector<16xi32>
    %ne3A_281 = arith.constant 0 : i32
    %ne3A_282 = vector.broadcast %ne3A_281 : i32 to vector<16xi32>
    %ne3A_283 = arith.cmpi ne, %rem3A_280, %ne3A_282 : vector<16xi32>
    %lt3A_284 = arith.constant 0 : i32
    %lt3A_285 = vector.broadcast %lt3A_284 : i32 to vector<16xi32>
    %lt3A_286 = arith.cmpi slt, %rem3A_280, %lt3A_285 : vector<16xi32>
    %lt3A_287 = arith.constant 0 : i32
    %lt3A_288 = arith.cmpi slt, %select_n3A_278, %lt3A_287 : i32
    %ne3A_289 = vector.broadcast %lt3A_288 : i1 to vector<16xi1>
    %ne3A_290 = vector.broadcast %ne3A_289 : vector<16xi1> to vector<16xi1>
    %ne3A_291 = arith.xori %lt3A_286, %ne3A_290 : vector<16xi1>
    %and3A_292 = arith.andi %ne3A_291, %ne3A_283 : vector<16xi1>
    %add3A_293 = vector.broadcast %select_n3A_278 : i32 to vector<16xi32>
    %add3A_294 = arith.addi %rem3A_280, %add3A_293 : vector<16xi32>
    %select_n3A_295 = arith.select %and3A_292, %add3A_294, %rem3A_280 : vector<16xi1>, vector<16xi32>
    %add3A_296 = arith.constant 12 : i32
    %add3A_297 = vector.broadcast %add3A_296 : i32 to vector<16xi32>
    %add3A_298 = arith.addi %iota3A, %add3A_297 : vector<16xi32>
    %jit3A_299 = arith.constant 16 : i32
    %eq3A_300 = arith.constant 0 : i32
    %eq3A_301 = arith.cmpi eq, %jit3A_299, %eq3A_300 : i32
    %jit3A_302 = arith.constant 1 : i32
    %select_n3A_303 = arith.select %eq3A_301, %jit3A_302, %jit3A_299 : i32
    %rem3A_304 = vector.broadcast %select_n3A_303 : i32 to vector<16xi32>
    %rem3A_305 = arith.remsi %add3A_298, %rem3A_304 : vector<16xi32>
    %ne3A_306 = arith.constant 0 : i32
    %ne3A_307 = vector.broadcast %ne3A_306 : i32 to vector<16xi32>
    %ne3A_308 = arith.cmpi ne, %rem3A_305, %ne3A_307 : vector<16xi32>
    %lt3A_309 = arith.constant 0 : i32
    %lt3A_310 = vector.broadcast %lt3A_309 : i32 to vector<16xi32>
    %lt3A_311 = arith.cmpi slt, %rem3A_305, %lt3A_310 : vector<16xi32>
    %lt3A_312 = arith.constant 0 : i32
    %lt3A_313 = arith.cmpi slt, %select_n3A_303, %lt3A_312 : i32
    %ne3A_314 = vector.broadcast %lt3A_313 : i1 to vector<16xi1>
    %ne3A_315 = vector.broadcast %ne3A_314 : vector<16xi1> to vector<16xi1>
    %ne3A_316 = arith.xori %lt3A_311, %ne3A_315 : vector<16xi1>
    %and3A_317 = arith.andi %ne3A_316, %ne3A_308 : vector<16xi1>
    %add3A_318 = vector.broadcast %select_n3A_303 : i32 to vector<16xi32>
    %add3A_319 = arith.addi %rem3A_305, %add3A_318 : vector<16xi32>
    %select_n3A_320 = arith.select %and3A_317, %add3A_319, %rem3A_305 : vector<16xi1>, vector<16xi32>
    %add3A_321 = arith.constant 13 : i32
    %add3A_322 = vector.broadcast %add3A_321 : i32 to vector<16xi32>
    %add3A_323 = arith.addi %iota3A, %add3A_322 : vector<16xi32>
    %jit3A_324 = arith.constant 16 : i32
    %eq3A_325 = arith.constant 0 : i32
    %eq3A_326 = arith.cmpi eq, %jit3A_324, %eq3A_325 : i32
    %jit3A_327 = arith.constant 1 : i32
    %select_n3A_328 = arith.select %eq3A_326, %jit3A_327, %jit3A_324 : i32
    %rem3A_329 = vector.broadcast %select_n3A_328 : i32 to vector<16xi32>
    %rem3A_330 = arith.remsi %add3A_323, %rem3A_329 : vector<16xi32>
    %ne3A_331 = arith.constant 0 : i32
    %ne3A_332 = vector.broadcast %ne3A_331 : i32 to vector<16xi32>
    %ne3A_333 = arith.cmpi ne, %rem3A_330, %ne3A_332 : vector<16xi32>
    %lt3A_334 = arith.constant 0 : i32
    %lt3A_335 = vector.broadcast %lt3A_334 : i32 to vector<16xi32>
    %lt3A_336 = arith.cmpi slt, %rem3A_330, %lt3A_335 : vector<16xi32>
    %lt3A_337 = arith.constant 0 : i32
    %lt3A_338 = arith.cmpi slt, %select_n3A_328, %lt3A_337 : i32
    %ne3A_339 = vector.broadcast %lt3A_338 : i1 to vector<16xi1>
    %ne3A_340 = vector.broadcast %ne3A_339 : vector<16xi1> to vector<16xi1>
    %ne3A_341 = arith.xori %lt3A_336, %ne3A_340 : vector<16xi1>
    %and3A_342 = arith.andi %ne3A_341, %ne3A_333 : vector<16xi1>
    %add3A_343 = vector.broadcast %select_n3A_328 : i32 to vector<16xi32>
    %add3A_344 = arith.addi %rem3A_330, %add3A_343 : vector<16xi32>
    %select_n3A_345 = arith.select %and3A_342, %add3A_344, %rem3A_330 : vector<16xi1>, vector<16xi32>
    %add3A_346 = arith.constant 14 : i32
    %add3A_347 = vector.broadcast %add3A_346 : i32 to vector<16xi32>
    %add3A_348 = arith.addi %iota3A, %add3A_347 : vector<16xi32>
    %jit3A_349 = arith.constant 16 : i32
    %eq3A_350 = arith.constant 0 : i32
    %eq3A_351 = arith.cmpi eq, %jit3A_349, %eq3A_350 : i32
    %jit3A_352 = arith.constant 1 : i32
    %select_n3A_353 = arith.select %eq3A_351, %jit3A_352, %jit3A_349 : i32
    %rem3A_354 = vector.broadcast %select_n3A_353 : i32 to vector<16xi32>
    %rem3A_355 = arith.remsi %add3A_348, %rem3A_354 : vector<16xi32>
    %ne3A_356 = arith.constant 0 : i32
    %ne3A_357 = vector.broadcast %ne3A_356 : i32 to vector<16xi32>
    %ne3A_358 = arith.cmpi ne, %rem3A_355, %ne3A_357 : vector<16xi32>
    %lt3A_359 = arith.constant 0 : i32
    %lt3A_360 = vector.broadcast %lt3A_359 : i32 to vector<16xi32>
    %lt3A_361 = arith.cmpi slt, %rem3A_355, %lt3A_360 : vector<16xi32>
    %lt3A_362 = arith.constant 0 : i32
    %lt3A_363 = arith.cmpi slt, %select_n3A_353, %lt3A_362 : i32
    %ne3A_364 = vector.broadcast %lt3A_363 : i1 to vector<16xi1>
    %ne3A_365 = vector.broadcast %ne3A_364 : vector<16xi1> to vector<16xi1>
    %ne3A_366 = arith.xori %lt3A_361, %ne3A_365 : vector<16xi1>
    %and3A_367 = arith.andi %ne3A_366, %ne3A_358 : vector<16xi1>
    %add3A_368 = vector.broadcast %select_n3A_353 : i32 to vector<16xi32>
    %add3A_369 = arith.addi %rem3A_355, %add3A_368 : vector<16xi32>
    %select_n3A_370 = arith.select %and3A_367, %add3A_369, %rem3A_355 : vector<16xi1>, vector<16xi32>
    %add3A_371 = arith.constant 15 : i32
    %add3A_372 = vector.broadcast %add3A_371 : i32 to vector<16xi32>
    %add3A_373 = arith.addi %iota3A, %add3A_372 : vector<16xi32>
    %jit3A_374 = arith.constant 16 : i32
    %eq3A_375 = arith.constant 0 : i32
    %eq3A_376 = arith.cmpi eq, %jit3A_374, %eq3A_375 : i32
    %jit3A_377 = arith.constant 1 : i32
    %select_n3A_378 = arith.select %eq3A_376, %jit3A_377, %jit3A_374 : i32
    %rem3A_379 = vector.broadcast %select_n3A_378 : i32 to vector<16xi32>
    %rem3A_380 = arith.remsi %add3A_373, %rem3A_379 : vector<16xi32>
    %ne3A_381 = arith.constant 0 : i32
    %ne3A_382 = vector.broadcast %ne3A_381 : i32 to vector<16xi32>
    %ne3A_383 = arith.cmpi ne, %rem3A_380, %ne3A_382 : vector<16xi32>
    %lt3A_384 = arith.constant 0 : i32
    %lt3A_385 = vector.broadcast %lt3A_384 : i32 to vector<16xi32>
    %lt3A_386 = arith.cmpi slt, %rem3A_380, %lt3A_385 : vector<16xi32>
    %lt3A_387 = arith.constant 0 : i32
    %lt3A_388 = arith.cmpi slt, %select_n3A_378, %lt3A_387 : i32
    %ne3A_389 = vector.broadcast %lt3A_388 : i1 to vector<16xi1>
    %ne3A_390 = vector.broadcast %ne3A_389 : vector<16xi1> to vector<16xi1>
    %ne3A_391 = arith.xori %lt3A_386, %ne3A_390 : vector<16xi1>
    %and3A_392 = arith.andi %ne3A_391, %ne3A_383 : vector<16xi1>
    %add3A_393 = vector.broadcast %select_n3A_378 : i32 to vector<16xi32>
    %add3A_394 = arith.addi %rem3A_380, %add3A_393 : vector<16xi32>
    %select_n3A_395 = arith.select %and3A_392, %add3A_394, %rem3A_380 : vector<16xi1>, vector<16xi32>
    %add3A_396 = arith.constant 0 : i32
    %add3A_397 = arith.addi %mul3A_2, %add3A_396 : i32
    %jit3A_398 = arith.constant 32 : i32
    %div3A = arith.divsi %add3A_397, %jit3A_398 : i32
    %sign3A = arith.constant 0 : i32
    %sign3A_399 = arith.cmpi sgt, %add3A_397, %sign3A : i32
    %sign3A_400 = arith.extui %sign3A_399 : i1 to i32
    %sign3A_401 = arith.constant 0 : i32
    %sign3A_402 = arith.cmpi slt, %add3A_397, %sign3A_401 : i32
    %sign3A_403 = arith.extui %sign3A_402 : i1 to i32
    %sign3A_404 = arith.subi %sign3A_400, %sign3A_403 : i32
    %sign3A_405 = arith.constant 0 : i32
    %sign3A_406 = arith.cmpi sgt, %jit3A_398, %sign3A_405 : i32
    %sign3A_407 = arith.extui %sign3A_406 : i1 to i32
    %sign3A_408 = arith.constant 0 : i32
    %sign3A_409 = arith.cmpi slt, %jit3A_398, %sign3A_408 : i32
    %sign3A_410 = arith.extui %sign3A_409 : i1 to i32
    %sign3A_411 = arith.subi %sign3A_407, %sign3A_410 : i32
    %ne3A_412 = arith.cmpi ne, %sign3A_404, %sign3A_411 : i32
    %rem3A_413 = arith.remsi %add3A_397, %jit3A_398 : i32
    %ne3A_414 = arith.constant 0 : i32
    %ne3A_415 = arith.cmpi ne, %rem3A_413, %ne3A_414 : i32
    %and3A_416 = arith.andi %ne3A_412, %ne3A_415 : i1
    %sub3A = arith.constant 1 : i32
    %sub3A_417 = arith.subi %div3A, %sub3A : i32
    %select_n3A_418 = arith.select %and3A_416, %sub3A_417, %div3A : i32
    %jit3A_419 = arith.constant 32 : i32
    %eq3A_420 = arith.constant 0 : i32
    %eq3A_421 = arith.cmpi eq, %jit3A_419, %eq3A_420 : i32
    %jit3A_422 = arith.constant 1 : i32
    %select_n3A_423 = arith.select %eq3A_421, %jit3A_422, %jit3A_419 : i32
    %rem3A_424 = arith.remsi %add3A_397, %select_n3A_423 : i32
    %ne3A_425 = arith.constant 0 : i32
    %ne3A_426 = arith.cmpi ne, %rem3A_424, %ne3A_425 : i32
    %lt3A_427 = arith.constant 0 : i32
    %lt3A_428 = arith.cmpi slt, %rem3A_424, %lt3A_427 : i32
    %lt3A_429 = arith.constant 0 : i32
    %lt3A_430 = arith.cmpi slt, %select_n3A_423, %lt3A_429 : i32
    %ne3A_431 = arith.xori %lt3A_428, %lt3A_430 : i1
    %and3A_432 = arith.andi %ne3A_431, %ne3A_426 : i1
    %add3A_433 = arith.addi %rem3A_424, %select_n3A_423 : i32
    %select_n3A_434 = arith.select %and3A_432, %add3A_433, %rem3A_424 : i32
    %mul3A_435 = arith.constant 128 : i32
    %mul3A_436 = arith.muli %select_n3A_434, %mul3A_435 : i32
    %dma_start3A = tpu.memref_slice %arg2[%select_n3A_418, %mul3A_436] : memref<200x4096xi32, #tpu.memory_space<hbm>> -> memref<1x128xi32, #tpu.memory_space<hbm>>
    %dma_start3A_437 = tpu.memref_squeeze %dma_start3A : memref<1x128xi32, #tpu.memory_space<hbm>> -> memref<128xi32, #tpu.memory_space<hbm>>
    %dma_start3A_438 = tpu.memref_slice %arg2[%select_n3A_418, %mul3A_436] : memref<200x4096xi32, #tpu.memory_space<hbm>> -> memref<1x128xi32, #tpu.memory_space<hbm>>
    %dma_start3A_439 = tpu.memref_squeeze %dma_start3A_438 : memref<1x128xi32, #tpu.memory_space<hbm>> -> memref<128xi32, #tpu.memory_space<hbm>>
    tpu.enqueue_dma source(%dma_start3A_439 : memref<128xi32, #tpu.memory_space<hbm>>) target(%arg5 : memref<128xi32, #tpu.memory_space<vmem>>) target_semaphore(%arg11 : memref<!tpu.dma_semaphore, #tpu.memory_space<semaphore_mem>>)
    %add3A_440 = arith.constant 1 : i32
    %add3A_441 = arith.addi %mul3A_2, %add3A_440 : i32
    %jit3A_442 = arith.constant 32 : i32
    %div3A_443 = arith.divsi %add3A_441, %jit3A_442 : i32
    %sign3A_444 = arith.constant 0 : i32
    %sign3A_445 = arith.cmpi sgt, %add3A_441, %sign3A_444 : i32
    %sign3A_446 = arith.extui %sign3A_445 : i1 to i32
    %sign3A_447 = arith.constant 0 : i32
    %sign3A_448 = arith.cmpi slt, %add3A_441, %sign3A_447 : i32
    %sign3A_449 = arith.extui %sign3A_448 : i1 to i32
    %sign3A_450 = arith.subi %sign3A_446, %sign3A_449 : i32
    %sign3A_451 = arith.constant 0 : i32
    %sign3A_452 = arith.cmpi sgt, %jit3A_442, %sign3A_451 : i32
    %sign3A_453 = arith.extui %sign3A_452 : i1 to i32
    %sign3A_454 = arith.constant 0 : i32
    %sign3A_455 = arith.cmpi slt, %jit3A_442, %sign3A_454 : i32
    %sign3A_456 = arith.extui %sign3A_455 : i1 to i32
    %sign3A_457 = arith.subi %sign3A_453, %sign3A_456 : i32
    %ne3A_458 = arith.cmpi ne, %sign3A_450, %sign3A_457 : i32
    %rem3A_459 = arith.remsi %add3A_441, %jit3A_442 : i32
    %ne3A_460 = arith.constant 0 : i32
    %ne3A_461 = arith.cmpi ne, %rem3A_459, %ne3A_460 : i32
    %and3A_462 = arith.andi %ne3A_458, %ne3A_461 : i1
    %sub3A_463 = arith.constant 1 : i32
    %sub3A_464 = arith.subi %div3A_443, %sub3A_463 : i32
    %select_n3A_465 = arith.select %and3A_462, %sub3A_464, %div3A_443 : i32
    %jit3A_466 = arith.constant 32 : i32
    %eq3A_467 = arith.constant 0 : i32
    %eq3A_468 = arith.cmpi eq, %jit3A_466, %eq3A_467 : i32
    %jit3A_469 = arith.constant 1 : i32
    %select_n3A_470 = arith.select %eq3A_468, %jit3A_469, %jit3A_466 : i32
    %rem3A_471 = arith.remsi %add3A_441, %select_n3A_470 : i32
    %ne3A_472 = arith.constant 0 : i32
    %ne3A_473 = arith.cmpi ne, %rem3A_471, %ne3A_472 : i32
    %lt3A_474 = arith.constant 0 : i32
    %lt3A_475 = arith.cmpi slt, %rem3A_471, %lt3A_474 : i32
    %lt3A_476 = arith.constant 0 : i32
    %lt3A_477 = arith.cmpi slt, %select_n3A_470, %lt3A_476 : i32
    %ne3A_478 = arith.xori %lt3A_475, %lt3A_477 : i1
    %and3A_479 = arith.andi %ne3A_478, %ne3A_473 : i1
    %add3A_480 = arith.addi %rem3A_471, %select_n3A_470 : i32
    %select_n3A_481 = arith.select %and3A_479, %add3A_480, %rem3A_471 : i32
    %mul3A_482 = arith.constant 128 : i32
    %mul3A_483 = arith.muli %select_n3A_481, %mul3A_482 : i32
    %dma_start3A_484 = tpu.memref_slice %arg2[%select_n3A_465, %mul3A_483] : memref<200x4096xi32, #tpu.memory_space<hbm>> -> memref<1x128xi32, #tpu.memory_space<hbm>>
    %dma_start3A_485 = tpu.memref_squeeze %dma_start3A_484 : memref<1x128xi32, #tpu.memory_space<hbm>> -> memref<128xi32, #tpu.memory_space<hbm>>
    %dma_start3A_486 = tpu.memref_slice %arg2[%select_n3A_465, %mul3A_483] : memref<200x4096xi32, #tpu.memory_space<hbm>> -> memref<1x128xi32, #tpu.memory_space<hbm>>
    %dma_start3A_487 = tpu.memref_squeeze %dma_start3A_486 : memref<1x128xi32, #tpu.memory_space<hbm>> -> memref<128xi32, #tpu.memory_space<hbm>>
    tpu.enqueue_dma source(%dma_start3A_487 : memref<128xi32, #tpu.memory_space<hbm>>) target(%arg6 : memref<128xi32, #tpu.memory_space<vmem>>) target_semaphore(%arg12 : memref<!tpu.dma_semaphore, #tpu.memory_space<semaphore_mem>>)
    %dma_wait3A = arith.constant 0 : i32
    %dma_wait3A_488 = arith.constant 0 : i32
    %dma_wait3A_489 = tpu.memref_slice %arg2[%dma_wait3A, %dma_wait3A_488] : memref<200x4096xi32, #tpu.memory_space<hbm>> -> memref<1x128xi32, #tpu.memory_space<hbm>>
    %dma_wait3A_490 = tpu.memref_squeeze %dma_wait3A_489 : memref<1x128xi32, #tpu.memory_space<hbm>> -> memref<128xi32, #tpu.memory_space<hbm>>
    %dma_wait3A_491 = arith.constant 0 : i32
    %dma_wait3A_492 = tpu.memref_slice %arg2[%dma_wait3A, %dma_wait3A_491] : memref<200x4096xi32, #tpu.memory_space<hbm>> -> memref<1x128xi32, #tpu.memory_space<hbm>>
    %dma_wait3A_493 = tpu.memref_squeeze %dma_wait3A_492 : memref<1x128xi32, #tpu.memory_space<hbm>> -> memref<128xi32, #tpu.memory_space<hbm>>
    tpu.wait_dma2 semaphore(%arg11 : memref<!tpu.dma_semaphore, #tpu.memory_space<semaphore_mem>>) src(%dma_wait3A_493 : memref<128xi32, #tpu.memory_space<hbm>>) dst(%arg5 : memref<128xi32, #tpu.memory_space<vmem>>)
    %dma_start3A_494 = arith.constant 0 : i32
    %dma_start3A_495 = arith.constant 0 : i32
    %dma_start3A_496 = tpu.memref_slice %arg3[%dma_start3A_494, %dma_start3A_495] : memref<1000000x64xf32, #tpu.memory_space<hbm>> -> memref<1000000x64xf32, #tpu.memory_space<hbm>>
    tpu.enqueue_indirect_dma source(%dma_start3A_496 : memref<1000000x64xf32, #tpu.memory_space<hbm>>) target(%arg7 : memref<128x64xf32, #tpu.memory_space<vmem>>) offsets(%arg5 : memref<128xi32, #tpu.memory_space<vmem>>) semaphore(%arg13 : memref<!tpu.dma_semaphore, #tpu.memory_space<semaphore_mem>>)
    %dma_wait3A_497 = arith.constant 0 : i32
    %dma_wait3A_498 = arith.constant 0 : i32
    %dma_wait3A_499 = tpu.memref_slice %arg2[%dma_wait3A_497, %dma_wait3A_498] : memref<200x4096xi32, #tpu.memory_space<hbm>> -> memref<1x128xi32, #tpu.memory_space<hbm>>
    %dma_wait3A_500 = tpu.memref_squeeze %dma_wait3A_499 : memref<1x128xi32, #tpu.memory_space<hbm>> -> memref<128xi32, #tpu.memory_space<hbm>>
    %dma_wait3A_501 = arith.constant 0 : i32
    %dma_wait3A_502 = tpu.memref_slice %arg2[%dma_wait3A_497, %dma_wait3A_501] : memref<200x4096xi32, #tpu.memory_space<hbm>> -> memref<1x128xi32, #tpu.memory_space<hbm>>
    %dma_wait3A_503 = tpu.memref_squeeze %dma_wait3A_502 : memref<1x128xi32, #tpu.memory_space<hbm>> -> memref<128xi32, #tpu.memory_space<hbm>>
    tpu.wait_dma2 semaphore(%arg12 : memref<!tpu.dma_semaphore, #tpu.memory_space<semaphore_mem>>) src(%dma_wait3A_503 : memref<128xi32, #tpu.memory_space<hbm>>) dst(%arg6 : memref<128xi32, #tpu.memory_space<vmem>>)
    %dma_start3A_504 = arith.constant 0 : i32
    %dma_start3A_505 = arith.constant 0 : i32
    %dma_start3A_506 = tpu.memref_slice %arg3[%dma_start3A_504, %dma_start3A_505] : memref<1000000x64xf32, #tpu.memory_space<hbm>> -> memref<1000000x64xf32, #tpu.memory_space<hbm>>
    tpu.enqueue_indirect_dma source(%dma_start3A_506 : memref<1000000x64xf32, #tpu.memory_space<hbm>>) target(%arg8 : memref<128x64xf32, #tpu.memory_space<vmem>>) offsets(%arg6 : memref<128xi32, #tpu.memory_space<vmem>>) semaphore(%arg14 : memref<!tpu.dma_semaphore, #tpu.memory_space<semaphore_mem>>)
    %scan3A = arith.constant 0 : i32
    %scan3A_507 = arith.constant 0 : i32
    %scan3A_508 = arith.constant 100 : i32
    %scan3A_509 = arith.addi %scan3A_507, %scan3A_508 : i32
    %scan3A_510 = arith.constant 1 : i32
    scf.for %scan3A_532 = %scan3A_507 to %scan3A_509 step %scan3A_510  : i32 {
      %mul3A_533 = arith.constant 2 : i32
      %mul3A_534 = arith.muli %scan3A_532, %mul3A_533 : i32
      %add3A_535 = arith.addi %mul3A_2, %mul3A_534 : i32
      %add3A_536 = arith.constant 0 : i32
      %add3A_537 = arith.addi %add3A_535, %add3A_536 : i32
      %dma_wait3A_538 = arith.constant 0 : i32
      %dma_wait3A_539 = arith.constant 0 : i32
      %dma_wait3A_540 = tpu.memref_slice %arg3[%dma_wait3A_538, %dma_wait3A_539] : memref<1000000x64xf32, #tpu.memory_space<hbm>> -> memref<128x64xf32, #tpu.memory_space<hbm>>
      %dma_wait3A_541 = arith.constant 0 : i32
      %dma_wait3A_542 = arith.constant 0 : i32
      %dma_wait3A_543 = tpu.memref_slice %arg3[%dma_wait3A_541, %dma_wait3A_542] : memref<1000000x64xf32, #tpu.memory_space<hbm>> -> memref<128x64xf32, #tpu.memory_space<hbm>>
      tpu.wait_dma2 semaphore(%arg13 : memref<!tpu.dma_semaphore, #tpu.memory_space<semaphore_mem>>) src(%dma_wait3A_543 : memref<128x64xf32, #tpu.memory_space<hbm>>) dst(%arg7 : memref<128x64xf32, #tpu.memory_space<vmem>>)
      %lt3A_544 = arith.constant 99 : i32
      %lt3A_545 = arith.cmpi slt, %scan3A_532, %lt3A_544 : i32
      %convert_element_type3A = arith.extui %lt3A_545 : i1 to i32
      %cond3A = arith.constant 0 : i32
      %cond3A_546 = arith.cmpi ne, %convert_element_type3A, %cond3A : i32
      scf.if %cond3A_546 {
        %add3A_690 = arith.constant 2 : i32
        %add3A_691 = arith.addi %add3A_537, %add3A_690 : i32
        %jit3A_692 = arith.constant 32 : i32
        %div3A_693 = arith.divsi %add3A_691, %jit3A_692 : i32
        %sign3A_694 = arith.constant 0 : i32
        %sign3A_695 = arith.cmpi sgt, %add3A_691, %sign3A_694 : i32
        %sign3A_696 = arith.extui %sign3A_695 : i1 to i32
        %sign3A_697 = arith.constant 0 : i32
        %sign3A_698 = arith.cmpi slt, %add3A_691, %sign3A_697 : i32
        %sign3A_699 = arith.extui %sign3A_698 : i1 to i32
        %sign3A_700 = arith.subi %sign3A_696, %sign3A_699 : i32
        %sign3A_701 = arith.constant 0 : i32
        %sign3A_702 = arith.cmpi sgt, %jit3A_692, %sign3A_701 : i32
        %sign3A_703 = arith.extui %sign3A_702 : i1 to i32
        %sign3A_704 = arith.constant 0 : i32
        %sign3A_705 = arith.cmpi slt, %jit3A_692, %sign3A_704 : i32
        %sign3A_706 = arith.extui %sign3A_705 : i1 to i32
        %sign3A_707 = arith.subi %sign3A_703, %sign3A_706 : i32
        %ne3A_708 = arith.cmpi ne, %sign3A_700, %sign3A_707 : i32
        %rem3A_709 = arith.remsi %add3A_691, %jit3A_692 : i32
        %ne3A_710 = arith.constant 0 : i32
        %ne3A_711 = arith.cmpi ne, %rem3A_709, %ne3A_710 : i32
        %and3A_712 = arith.andi %ne3A_708, %ne3A_711 : i1
        %sub3A_713 = arith.constant 1 : i32
        %sub3A_714 = arith.subi %div3A_693, %sub3A_713 : i32
        %select_n3A_715 = arith.select %and3A_712, %sub3A_714, %div3A_693 : i32
        %jit3A_716 = arith.constant 32 : i32
        %eq3A_717 = arith.constant 0 : i32
        %eq3A_718 = arith.cmpi eq, %jit3A_716, %eq3A_717 : i32
        %jit3A_719 = arith.constant 1 : i32
        %select_n3A_720 = arith.select %eq3A_718, %jit3A_719, %jit3A_716 : i32
        %rem3A_721 = arith.remsi %add3A_691, %select_n3A_720 : i32
        %ne3A_722 = arith.constant 0 : i32
        %ne3A_723 = arith.cmpi ne, %rem3A_721, %ne3A_722 : i32
        %lt3A_724 = arith.constant 0 : i32
        %lt3A_725 = arith.cmpi slt, %rem3A_721, %lt3A_724 : i32
        %lt3A_726 = arith.constant 0 : i32
        %lt3A_727 = arith.cmpi slt, %select_n3A_720, %lt3A_726 : i32
        %ne3A_728 = arith.xori %lt3A_725, %lt3A_727 : i1
        %and3A_729 = arith.andi %ne3A_728, %ne3A_723 : i1
        %add3A_730 = arith.addi %rem3A_721, %select_n3A_720 : i32
        %select_n3A_731 = arith.select %and3A_729, %add3A_730, %rem3A_721 : i32
        %mul3A_732 = arith.constant 128 : i32
        %mul3A_733 = arith.muli %select_n3A_731, %mul3A_732 : i32
        %dma_start3A_734 = tpu.memref_slice %arg2[%select_n3A_715, %mul3A_733] : memref<200x4096xi32, #tpu.memory_space<hbm>> -> memref<1x128xi32, #tpu.memory_space<hbm>>
        %dma_start3A_735 = tpu.memref_squeeze %dma_start3A_734 : memref<1x128xi32, #tpu.memory_space<hbm>> -> memref<128xi32, #tpu.memory_space<hbm>>
        %dma_start3A_736 = tpu.memref_slice %arg2[%select_n3A_715, %mul3A_733] : memref<200x4096xi32, #tpu.memory_space<hbm>> -> memref<1x128xi32, #tpu.memory_space<hbm>>
        %dma_start3A_737 = tpu.memref_squeeze %dma_start3A_736 : memref<1x128xi32, #tpu.memory_space<hbm>> -> memref<128xi32, #tpu.memory_space<hbm>>
        tpu.enqueue_dma source(%dma_start3A_737 : memref<128xi32, #tpu.memory_space<hbm>>) target(%arg5 : memref<128xi32, #tpu.memory_space<vmem>>) target_semaphore(%arg11 : memref<!tpu.dma_semaphore, #tpu.memory_space<semaphore_mem>>)
      } else {
      }
      %gt3A = arith.constant 0 : i32
      %gt3A_547 = arith.cmpi sgt, %scan3A_532, %gt3A : i32
      %convert_element_type3A_548 = arith.extui %gt3A_547 : i1 to i32
      %cond3A_549 = arith.constant 0 : i32
      %cond3A_550 = arith.cmpi ne, %convert_element_type3A_548, %cond3A_549 : i32
      scf.if %cond3A_550 {
        %dma_wait3A_690 = arith.constant 0 : i32
        %dma_wait3A_691 = arith.constant 0 : i32
        %dma_wait3A_692 = arith.constant 0 : i32
        %dma_wait3A_693 = arith.constant 0 : i32
        %dma_wait3A_694 = tpu.memref_slice %arg4[%dma_wait3A_690, %dma_wait3A_692, %dma_wait3A_691, %dma_wait3A_693] : memref<200x8x32x1024xf32, #tpu.memory_space<hbm>> -> memref<1x8x1x1024xf32, #tpu.memory_space<hbm>>
        %dma_wait3A_695 = tpu.memref_squeeze %dma_wait3A_694 : memref<1x8x1x1024xf32, #tpu.memory_space<hbm>> -> memref<8x1024xf32, #tpu.memory_space<hbm>>
        %dma_wait3A_696 = arith.constant 0 : i32
        %dma_wait3A_697 = arith.constant 0 : i32
        %dma_wait3A_698 = tpu.memref_slice %arg4[%dma_wait3A_690, %dma_wait3A_696, %dma_wait3A_691, %dma_wait3A_697] : memref<200x8x32x1024xf32, #tpu.memory_space<hbm>> -> memref<1x8x1x1024xf32, #tpu.memory_space<hbm>>
        %dma_wait3A_699 = tpu.memref_squeeze %dma_wait3A_698 : memref<1x8x1x1024xf32, #tpu.memory_space<hbm>> -> memref<8x1024xf32, #tpu.memory_space<hbm>>
        tpu.wait_dma2 semaphore(%arg15 : memref<!tpu.dma_semaphore, #tpu.memory_space<semaphore_mem>>) src(%arg9 : memref<8x1024xf32, #tpu.memory_space<vmem>>) dst(%dma_wait3A_699 : memref<8x1024xf32, #tpu.memory_space<hbm>>)
      } else {
      }
      %scan3A_551 = arith.constant 0 : i32
      %scan3A_552 = arith.constant 0 : i32
      %scan3A_553 = arith.constant 8 : i32
      %scan3A_554 = arith.addi %scan3A_552, %scan3A_553 : i32
      %scan3A_555 = arith.constant 1 : i32
      scf.for %scan3A_690 = %scan3A_552 to %scan3A_554 step %scan3A_555  : i32 {
        %mul3A_691 = arith.constant 16 : i32
        %mul3A_692 = arith.muli %scan3A_690, %mul3A_691 : i32
        %add3A_693 = vector.broadcast %mul3A_692 : i32 to vector<16xi32>
        %add3A_694 = arith.addi %iota3A, %add3A_693 : vector<16xi32>
        %add3A_695 = arith.constant 0 : i32
        %add3A_696 = vector.broadcast %add3A_695 : i32 to vector<16xi32>
        %add3A_697 = arith.addi %select_n3A_20, %add3A_696 : vector<16xi32>
        %gather3A = tpu.vector_load_idx %arg7[%add3A_694, %add3A_697] : memref<128x64xf32, #tpu.memory_space<vmem>>[vector<16xi32>, vector<16xi32>], vector<16xf32>,
        %shift_right_arithmetic3A = arith.constant 3 : i32
        %shift_right_arithmetic3A_698 = vector.broadcast %shift_right_arithmetic3A : i32 to vector<16xi32>
        %shift_right_arithmetic3A_699 = arith.shrsi %add3A_697, %shift_right_arithmetic3A_698 : vector<16xi32>
        %and3A_700 = arith.constant 7 : i32
        %and3A_701 = vector.broadcast %and3A_700 : i32 to vector<16xi32>
        %and3A_702 = arith.andi %add3A_697, %and3A_701 : vector<16xi32>
        %shift_left3A = arith.constant 7 : i32
        %shift_left3A_703 = vector.broadcast %shift_left3A : i32 to vector<16xi32>
        %shift_left3A_704 = arith.shli %and3A_702, %shift_left3A_703 : vector<16xi32>
        %add3A_705 = arith.addi %shift_left3A_704, %add3A_694 : vector<16xi32>
        tpu.vector_store_idx %arg9[%shift_right_arithmetic3A_699, %add3A_705], %gather3A : memref<8x1024xf32, #tpu.memory_space<vmem>>[vector<16xi32>, vector<16xi32>], vector<16xf32>,
        %add3A_706 = arith.constant 0 : i32
        %add3A_707 = vector.broadcast %add3A_706 : i32 to vector<16xi32>
        %add3A_708 = arith.addi %select_n3A_45, %add3A_707 : vector<16xi32>
        %gather3A_709 = tpu.vector_load_idx %arg7[%add3A_694, %add3A_708] : memref<128x64xf32, #tpu.memory_space<vmem>>[vector<16xi32>, vector<16xi32>], vector<16xf32>,
        %shift_right_arithmetic3A_710 = arith.constant 3 : i32
        %shift_right_arithmetic3A_711 = vector.broadcast %shift_right_arithmetic3A_710 : i32 to vector<16xi32>
        %shift_right_arithmetic3A_712 = arith.shrsi %add3A_708, %shift_right_arithmetic3A_711 : vector<16xi32>
        %and3A_713 = arith.constant 7 : i32
        %and3A_714 = vector.broadcast %and3A_713 : i32 to vector<16xi32>
        %and3A_715 = arith.andi %add3A_708, %and3A_714 : vector<16xi32>
        %shift_left3A_716 = arith.constant 7 : i32
        %shift_left3A_717 = vector.broadcast %shift_left3A_716 : i32 to vector<16xi32>
        %shift_left3A_718 = arith.shli %and3A_715, %shift_left3A_717 : vector<16xi32>
        %add3A_719 = arith.addi %shift_left3A_718, %add3A_694 : vector<16xi32>
        tpu.vector_store_idx %arg9[%shift_right_arithmetic3A_712, %add3A_719], %gather3A_709 : memref<8x1024xf32, #tpu.memory_space<vmem>>[vector<16xi32>, vector<16xi32>], vector<16xf32>,
        %add3A_720 = arith.constant 0 : i32
        %add3A_721 = vector.broadcast %add3A_720 : i32 to vector<16xi32>
        %add3A_722 = arith.addi %select_n3A_70, %add3A_721 : vector<16xi32>
        %gather3A_723 = tpu.vector_load_idx %arg7[%add3A_694, %add3A_722] : memref<128x64xf32, #tpu.memory_space<vmem>>[vector<16xi32>, vector<16xi32>], vector<16xf32>,
        %shift_right_arithmetic3A_724 = arith.constant 3 : i32
        %shift_right_arithmetic3A_725 = vector.broadcast %shift_right_arithmetic3A_724 : i32 to vector<16xi32>
        %shift_right_arithmetic3A_726 = arith.shrsi %add3A_722, %shift_right_arithmetic3A_725 : vector<16xi32>
        %and3A_727 = arith.constant 7 : i32
        %and3A_728 = vector.broadcast %and3A_727 : i32 to vector<16xi32>
        %and3A_729 = arith.andi %add3A_722, %and3A_728 : vector<16xi32>
        %shift_left3A_730 = arith.constant 7 : i32
        %shift_left3A_731 = vector.broadcast %shift_left3A_730 : i32 to vector<16xi32>
        %shift_left3A_732 = arith.shli %and3A_729, %shift_left3A_731 : vector<16xi32>
        %add3A_733 = arith.addi %shift_left3A_732, %add3A_694 : vector<16xi32>
        tpu.vector_store_idx %arg9[%shift_right_arithmetic3A_726, %add3A_733], %gather3A_723 : memref<8x1024xf32, #tpu.memory_space<vmem>>[vector<16xi32>, vector<16xi32>], vector<16xf32>,
        %add3A_734 = arith.constant 0 : i32
        %add3A_735 = vector.broadcast %add3A_734 : i32 to vector<16xi32>
        %add3A_736 = arith.addi %select_n3A_95, %add3A_735 : vector<16xi32>
        %gather3A_737 = tpu.vector_load_idx %arg7[%add3A_694, %add3A_736] : memref<128x64xf32, #tpu.memory_space<vmem>>[vector<16xi32>, vector<16xi32>], vector<16xf32>,
        %shift_right_arithmetic3A_738 = arith.constant 3 : i32
        %shift_right_arithmetic3A_739 = vector.broadcast %shift_right_arithmetic3A_738 : i32 to vector<16xi32>
        %shift_right_arithmetic3A_740 = arith.shrsi %add3A_736, %shift_right_arithmetic3A_739 : vector<16xi32>
        %and3A_741 = arith.constant 7 : i32
        %and3A_742 = vector.broadcast %and3A_741 : i32 to vector<16xi32>
        %and3A_743 = arith.andi %add3A_736, %and3A_742 : vector<16xi32>
        %shift_left3A_744 = arith.constant 7 : i32
        %shift_left3A_745 = vector.broadcast %shift_left3A_744 : i32 to vector<16xi32>
        %shift_left3A_746 = arith.shli %and3A_743, %shift_left3A_745 : vector<16xi32>
        %add3A_747 = arith.addi %shift_left3A_746, %add3A_694 : vector<16xi32>
        tpu.vector_store_idx %arg9[%shift_right_arithmetic3A_740, %add3A_747], %gather3A_737 : memref<8x1024xf32, #tpu.memory_space<vmem>>[vector<16xi32>, vector<16xi32>], vector<16xf32>,
        %add3A_748 = arith.constant 0 : i32
        %add3A_749 = vector.broadcast %add3A_748 : i32 to vector<16xi32>
        %add3A_750 = arith.addi %select_n3A_120, %add3A_749 : vector<16xi32>
        %gather3A_751 = tpu.vector_load_idx %arg7[%add3A_694, %add3A_750] : memref<128x64xf32, #tpu.memory_space<vmem>>[vector<16xi32>, vector<16xi32>], vector<16xf32>,
        %shift_right_arithmetic3A_752 = arith.constant 3 : i32
        %shift_right_arithmetic3A_753 = vector.broadcast %shift_right_arithmetic3A_752 : i32 to vector<16xi32>
        %shift_right_arithmetic3A_754 = arith.shrsi %add3A_750, %shift_right_arithmetic3A_753 : vector<16xi32>
        %and3A_755 = arith.constant 7 : i32
        %and3A_756 = vector.broadcast %and3A_755 : i32 to vector<16xi32>
        %and3A_757 = arith.andi %add3A_750, %and3A_756 : vector<16xi32>
        %shift_left3A_758 = arith.constant 7 : i32
        %shift_left3A_759 = vector.broadcast %shift_left3A_758 : i32 to vector<16xi32>
        %shift_left3A_760 = arith.shli %and3A_757, %shift_left3A_759 : vector<16xi32>
        %add3A_761 = arith.addi %shift_left3A_760, %add3A_694 : vector<16xi32>
        tpu.vector_store_idx %arg9[%shift_right_arithmetic3A_754, %add3A_761], %gather3A_751 : memref<8x1024xf32, #tpu.memory_space<vmem>>[vector<16xi32>, vector<16xi32>], vector<16xf32>,
        %add3A_762 = arith.constant 0 : i32
        %add3A_763 = vector.broadcast %add3A_762 : i32 to vector<16xi32>
        %add3A_764 = arith.addi %select_n3A_145, %add3A_763 : vector<16xi32>
        %gather3A_765 = tpu.vector_load_idx %arg7[%add3A_694, %add3A_764] : memref<128x64xf32, #tpu.memory_space<vmem>>[vector<16xi32>, vector<16xi32>], vector<16xf32>,
        %shift_right_arithmetic3A_766 = arith.constant 3 : i32
        %shift_right_arithmetic3A_767 = vector.broadcast %shift_right_arithmetic3A_766 : i32 to vector<16xi32>
        %shift_right_arithmetic3A_768 = arith.shrsi %add3A_764, %shift_right_arithmetic3A_767 : vector<16xi32>
        %and3A_769 = arith.constant 7 : i32
        %and3A_770 = vector.broadcast %and3A_769 : i32 to vector<16xi32>
        %and3A_771 = arith.andi %add3A_764, %and3A_770 : vector<16xi32>
        %shift_left3A_772 = arith.constant 7 : i32
        %shift_left3A_773 = vector.broadcast %shift_left3A_772 : i32 to vector<16xi32>
        %shift_left3A_774 = arith.shli %and3A_771, %shift_left3A_773 : vector<16xi32>
        %add3A_775 = arith.addi %shift_left3A_774, %add3A_694 : vector<16xi32>
        tpu.vector_store_idx %arg9[%shift_right_arithmetic3A_768, %add3A_775], %gather3A_765 : memref<8x1024xf32, #tpu.memory_space<vmem>>[vector<16xi32>, vector<16xi32>], vector<16xf32>,
        %add3A_776 = arith.constant 0 : i32
        %add3A_777 = vector.broadcast %add3A_776 : i32 to vector<16xi32>
        %add3A_778 = arith.addi %select_n3A_170, %add3A_777 : vector<16xi32>
        %gather3A_779 = tpu.vector_load_idx %arg7[%add3A_694, %add3A_778] : memref<128x64xf32, #tpu.memory_space<vmem>>[vector<16xi32>, vector<16xi32>], vector<16xf32>,
        %shift_right_arithmetic3A_780 = arith.constant 3 : i32
        %shift_right_arithmetic3A_781 = vector.broadcast %shift_right_arithmetic3A_780 : i32 to vector<16xi32>
        %shift_right_arithmetic3A_782 = arith.shrsi %add3A_778, %shift_right_arithmetic3A_781 : vector<16xi32>
        %and3A_783 = arith.constant 7 : i32
        %and3A_784 = vector.broadcast %and3A_783 : i32 to vector<16xi32>
        %and3A_785 = arith.andi %add3A_778, %and3A_784 : vector<16xi32>
        %shift_left3A_786 = arith.constant 7 : i32
        %shift_left3A_787 = vector.broadcast %shift_left3A_786 : i32 to vector<16xi32>
        %shift_left3A_788 = arith.shli %and3A_785, %shift_left3A_787 : vector<16xi32>
        %add3A_789 = arith.addi %shift_left3A_788, %add3A_694 : vector<16xi32>
        tpu.vector_store_idx %arg9[%shift_right_arithmetic3A_782, %add3A_789], %gather3A_779 : memref<8x1024xf32, #tpu.memory_space<vmem>>[vector<16xi32>, vector<16xi32>], vector<16xf32>,
        %add3A_790 = arith.constant 0 : i32
        %add3A_791 = vector.broadcast %add3A_790 : i32 to vector<16xi32>
        %add3A_792 = arith.addi %select_n3A_195, %add3A_791 : vector<16xi32>
        %gather3A_793 = tpu.vector_load_idx %arg7[%add3A_694, %add3A_792] : memref<128x64xf32, #tpu.memory_space<vmem>>[vector<16xi32>, vector<16xi32>], vector<16xf32>,
        %shift_right_arithmetic3A_794 = arith.constant 3 : i32
        %shift_right_arithmetic3A_795 = vector.broadcast %shift_right_arithmetic3A_794 : i32 to vector<16xi32>
        %shift_right_arithmetic3A_796 = arith.shrsi %add3A_792, %shift_right_arithmetic3A_795 : vector<16xi32>
        %and3A_797 = arith.constant 7 : i32
        %and3A_798 = vector.broadcast %and3A_797 : i32 to vector<16xi32>
        %and3A_799 = arith.andi %add3A_792, %and3A_798 : vector<16xi32>
        %shift_left3A_800 = arith.constant 7 : i32
        %shift_left3A_801 = vector.broadcast %shift_left3A_800 : i32 to vector<16xi32>
        %shift_left3A_802 = arith.shli %and3A_799, %shift_left3A_801 : vector<16xi32>
        %add3A_803 = arith.addi %shift_left3A_802, %add3A_694 : vector<16xi32>
        tpu.vector_store_idx %arg9[%shift_right_arithmetic3A_796, %add3A_803], %gather3A_793 : memref<8x1024xf32, #tpu.memory_space<vmem>>[vector<16xi32>, vector<16xi32>], vector<16xf32>,
        %add3A_804 = arith.constant 0 : i32
        %add3A_805 = vector.broadcast %add3A_804 : i32 to vector<16xi32>
        %add3A_806 = arith.addi %select_n3A_220, %add3A_805 : vector<16xi32>
        %gather3A_807 = tpu.vector_load_idx %arg7[%add3A_694, %add3A_806] : memref<128x64xf32, #tpu.memory_space<vmem>>[vector<16xi32>, vector<16xi32>], vector<16xf32>,
        %shift_right_arithmetic3A_808 = arith.constant 3 : i32
        %shift_right_arithmetic3A_809 = vector.broadcast %shift_right_arithmetic3A_808 : i32 to vector<16xi32>
        %shift_right_arithmetic3A_810 = arith.shrsi %add3A_806, %shift_right_arithmetic3A_809 : vector<16xi32>
        %and3A_811 = arith.constant 7 : i32
        %and3A_812 = vector.broadcast %and3A_811 : i32 to vector<16xi32>
        %and3A_813 = arith.andi %add3A_806, %and3A_812 : vector<16xi32>
        %shift_left3A_814 = arith.constant 7 : i32
        %shift_left3A_815 = vector.broadcast %shift_left3A_814 : i32 to vector<16xi32>
        %shift_left3A_816 = arith.shli %and3A_813, %shift_left3A_815 : vector<16xi32>
        %add3A_817 = arith.addi %shift_left3A_816, %add3A_694 : vector<16xi32>
        tpu.vector_store_idx %arg9[%shift_right_arithmetic3A_810, %add3A_817], %gather3A_807 : memref<8x1024xf32, #tpu.memory_space<vmem>>[vector<16xi32>, vector<16xi32>], vector<16xf32>,
        %add3A_818 = arith.constant 0 : i32
        %add3A_819 = vector.broadcast %add3A_818 : i32 to vector<16xi32>
        %add3A_820 = arith.addi %select_n3A_245, %add3A_819 : vector<16xi32>
        %gather3A_821 = tpu.vector_load_idx %arg7[%add3A_694, %add3A_820] : memref<128x64xf32, #tpu.memory_space<vmem>>[vector<16xi32>, vector<16xi32>], vector<16xf32>,
        %shift_right_arithmetic3A_822 = arith.constant 3 : i32
        %shift_right_arithmetic3A_823 = vector.broadcast %shift_right_arithmetic3A_822 : i32 to vector<16xi32>
        %shift_right_arithmetic3A_824 = arith.shrsi %add3A_820, %shift_right_arithmetic3A_823 : vector<16xi32>
        %and3A_825 = arith.constant 7 : i32
        %and3A_826 = vector.broadcast %and3A_825 : i32 to vector<16xi32>
        %and3A_827 = arith.andi %add3A_820, %and3A_826 : vector<16xi32>
        %shift_left3A_828 = arith.constant 7 : i32
        %shift_left3A_829 = vector.broadcast %shift_left3A_828 : i32 to vector<16xi32>
        %shift_left3A_830 = arith.shli %and3A_827, %shift_left3A_829 : vector<16xi32>
        %add3A_831 = arith.addi %shift_left3A_830, %add3A_694 : vector<16xi32>
        tpu.vector_store_idx %arg9[%shift_right_arithmetic3A_824, %add3A_831], %gather3A_821 : memref<8x1024xf32, #tpu.memory_space<vmem>>[vector<16xi32>, vector<16xi32>], vector<16xf32>,
        %add3A_832 = arith.constant 0 : i32
        %add3A_833 = vector.broadcast %add3A_832 : i32 to vector<16xi32>
        %add3A_834 = arith.addi %select_n3A_270, %add3A_833 : vector<16xi32>
        %gather3A_835 = tpu.vector_load_idx %arg7[%add3A_694, %add3A_834] : memref<128x64xf32, #tpu.memory_space<vmem>>[vector<16xi32>, vector<16xi32>], vector<16xf32>,
        %shift_right_arithmetic3A_836 = arith.constant 3 : i32
        %shift_right_arithmetic3A_837 = vector.broadcast %shift_right_arithmetic3A_836 : i32 to vector<16xi32>
        %shift_right_arithmetic3A_838 = arith.shrsi %add3A_834, %shift_right_arithmetic3A_837 : vector<16xi32>
        %and3A_839 = arith.constant 7 : i32
        %and3A_840 = vector.broadcast %and3A_839 : i32 to vector<16xi32>
        %and3A_841 = arith.andi %add3A_834, %and3A_840 : vector<16xi32>
        %shift_left3A_842 = arith.constant 7 : i32
        %shift_left3A_843 = vector.broadcast %shift_left3A_842 : i32 to vector<16xi32>
        %shift_left3A_844 = arith.shli %and3A_841, %shift_left3A_843 : vector<16xi32>
        %add3A_845 = arith.addi %shift_left3A_844, %add3A_694 : vector<16xi32>
        tpu.vector_store_idx %arg9[%shift_right_arithmetic3A_838, %add3A_845], %gather3A_835 : memref<8x1024xf32, #tpu.memory_space<vmem>>[vector<16xi32>, vector<16xi32>], vector<16xf32>,
        %add3A_846 = arith.constant 0 : i32
        %add3A_847 = vector.broadcast %add3A_846 : i32 to vector<16xi32>
        %add3A_848 = arith.addi %select_n3A_295, %add3A_847 : vector<16xi32>
        %gather3A_849 = tpu.vector_load_idx %arg7[%add3A_694, %add3A_848] : memref<128x64xf32, #tpu.memory_space<vmem>>[vector<16xi32>, vector<16xi32>], vector<16xf32>,
        %shift_right_arithmetic3A_850 = arith.constant 3 : i32
        %shift_right_arithmetic3A_851 = vector.broadcast %shift_right_arithmetic3A_850 : i32 to vector<16xi32>
        %shift_right_arithmetic3A_852 = arith.shrsi %add3A_848, %shift_right_arithmetic3A_851 : vector<16xi32>
        %and3A_853 = arith.constant 7 : i32
        %and3A_854 = vector.broadcast %and3A_853 : i32 to vector<16xi32>
        %and3A_855 = arith.andi %add3A_848, %and3A_854 : vector<16xi32>
        %shift_left3A_856 = arith.constant 7 : i32
        %shift_left3A_857 = vector.broadcast %shift_left3A_856 : i32 to vector<16xi32>
        %shift_left3A_858 = arith.shli %and3A_855, %shift_left3A_857 : vector<16xi32>
        %add3A_859 = arith.addi %shift_left3A_858, %add3A_694 : vector<16xi32>
        tpu.vector_store_idx %arg9[%shift_right_arithmetic3A_852, %add3A_859], %gather3A_849 : memref<8x1024xf32, #tpu.memory_space<vmem>>[vector<16xi32>, vector<16xi32>], vector<16xf32>,
        %add3A_860 = arith.constant 0 : i32
        %add3A_861 = vector.broadcast %add3A_860 : i32 to vector<16xi32>
        %add3A_862 = arith.addi %select_n3A_320, %add3A_861 : vector<16xi32>
        %gather3A_863 = tpu.vector_load_idx %arg7[%add3A_694, %add3A_862] : memref<128x64xf32, #tpu.memory_space<vmem>>[vector<16xi32>, vector<16xi32>], vector<16xf32>,
        %shift_right_arithmetic3A_864 = arith.constant 3 : i32
        %shift_right_arithmetic3A_865 = vector.broadcast %shift_right_arithmetic3A_864 : i32 to vector<16xi32>
        %shift_right_arithmetic3A_866 = arith.shrsi %add3A_862, %shift_right_arithmetic3A_865 : vector<16xi32>
        %and3A_867 = arith.constant 7 : i32
        %and3A_868 = vector.broadcast %and3A_867 : i32 to vector<16xi32>
        %and3A_869 = arith.andi %add3A_862, %and3A_868 : vector<16xi32>
        %shift_left3A_870 = arith.constant 7 : i32
        %shift_left3A_871 = vector.broadcast %shift_left3A_870 : i32 to vector<16xi32>
        %shift_left3A_872 = arith.shli %and3A_869, %shift_left3A_871 : vector<16xi32>
        %add3A_873 = arith.addi %shift_left3A_872, %add3A_694 : vector<16xi32>
        tpu.vector_store_idx %arg9[%shift_right_arithmetic3A_866, %add3A_873], %gather3A_863 : memref<8x1024xf32, #tpu.memory_space<vmem>>[vector<16xi32>, vector<16xi32>], vector<16xf32>,
        %add3A_874 = arith.constant 0 : i32
        %add3A_875 = vector.broadcast %add3A_874 : i32 to vector<16xi32>
        %add3A_876 = arith.addi %select_n3A_345, %add3A_875 : vector<16xi32>
        %gather3A_877 = tpu.vector_load_idx %arg7[%add3A_694, %add3A_876] : memref<128x64xf32, #tpu.memory_space<vmem>>[vector<16xi32>, vector<16xi32>], vector<16xf32>,
        %shift_right_arithmetic3A_878 = arith.constant 3 : i32
        %shift_right_arithmetic3A_879 = vector.broadcast %shift_right_arithmetic3A_878 : i32 to vector<16xi32>
        %shift_right_arithmetic3A_880 = arith.shrsi %add3A_876, %shift_right_arithmetic3A_879 : vector<16xi32>
        %and3A_881 = arith.constant 7 : i32
        %and3A_882 = vector.broadcast %and3A_881 : i32 to vector<16xi32>
        %and3A_883 = arith.andi %add3A_876, %and3A_882 : vector<16xi32>
        %shift_left3A_884 = arith.constant 7 : i32
        %shift_left3A_885 = vector.broadcast %shift_left3A_884 : i32 to vector<16xi32>
        %shift_left3A_886 = arith.shli %and3A_883, %shift_left3A_885 : vector<16xi32>
        %add3A_887 = arith.addi %shift_left3A_886, %add3A_694 : vector<16xi32>
        tpu.vector_store_idx %arg9[%shift_right_arithmetic3A_880, %add3A_887], %gather3A_877 : memref<8x1024xf32, #tpu.memory_space<vmem>>[vector<16xi32>, vector<16xi32>], vector<16xf32>,
        %add3A_888 = arith.constant 0 : i32
        %add3A_889 = vector.broadcast %add3A_888 : i32 to vector<16xi32>
        %add3A_890 = arith.addi %select_n3A_370, %add3A_889 : vector<16xi32>
        %gather3A_891 = tpu.vector_load_idx %arg7[%add3A_694, %add3A_890] : memref<128x64xf32, #tpu.memory_space<vmem>>[vector<16xi32>, vector<16xi32>], vector<16xf32>,
        %shift_right_arithmetic3A_892 = arith.constant 3 : i32
        %shift_right_arithmetic3A_893 = vector.broadcast %shift_right_arithmetic3A_892 : i32 to vector<16xi32>
        %shift_right_arithmetic3A_894 = arith.shrsi %add3A_890, %shift_right_arithmetic3A_893 : vector<16xi32>
        %and3A_895 = arith.constant 7 : i32
        %and3A_896 = vector.broadcast %and3A_895 : i32 to vector<16xi32>
        %and3A_897 = arith.andi %add3A_890, %and3A_896 : vector<16xi32>
        %shift_left3A_898 = arith.constant 7 : i32
        %shift_left3A_899 = vector.broadcast %shift_left3A_898 : i32 to vector<16xi32>
        %shift_left3A_900 = arith.shli %and3A_897, %shift_left3A_899 : vector<16xi32>
        %add3A_901 = arith.addi %shift_left3A_900, %add3A_694 : vector<16xi32>
        tpu.vector_store_idx %arg9[%shift_right_arithmetic3A_894, %add3A_901], %gather3A_891 : memref<8x1024xf32, #tpu.memory_space<vmem>>[vector<16xi32>, vector<16xi32>], vector<16xf32>,
        %add3A_902 = arith.constant 0 : i32
        %add3A_903 = vector.broadcast %add3A_902 : i32 to vector<16xi32>
        %add3A_904 = arith.addi %select_n3A_395, %add3A_903 : vector<16xi32>
        %gather3A_905 = tpu.vector_load_idx %arg7[%add3A_694, %add3A_904] : memref<128x64xf32, #tpu.memory_space<vmem>>[vector<16xi32>, vector<16xi32>], vector<16xf32>,
        %shift_right_arithmetic3A_906 = arith.constant 3 : i32
        %shift_right_arithmetic3A_907 = vector.broadcast %shift_right_arithmetic3A_906 : i32 to vector<16xi32>
        %shift_right_arithmetic3A_908 = arith.shrsi %add3A_904, %shift_right_arithmetic3A_907 : vector<16xi32>
        %and3A_909 = arith.constant 7 : i32
        %and3A_910 = vector.broadcast %and3A_909 : i32 to vector<16xi32>
        %and3A_911 = arith.andi %add3A_904, %and3A_910 : vector<16xi32>
        %shift_left3A_912 = arith.constant 7 : i32
        %shift_left3A_913 = vector.broadcast %shift_left3A_912 : i32 to vector<16xi32>
        %shift_left3A_914 = arith.shli %and3A_911, %shift_left3A_913 : vector<16xi32>
        %add3A_915 = arith.addi %shift_left3A_914, %add3A_694 : vector<16xi32>
        tpu.vector_store_idx %arg9[%shift_right_arithmetic3A_908, %add3A_915], %gather3A_905 : memref<8x1024xf32, #tpu.memory_space<vmem>>[vector<16xi32>, vector<16xi32>], vector<16xf32>,
        %add3A_916 = arith.constant 16 : i32
        %add3A_917 = vector.broadcast %add3A_916 : i32 to vector<16xi32>
        %add3A_918 = arith.addi %select_n3A_20, %add3A_917 : vector<16xi32>
        %gather3A_919 = tpu.vector_load_idx %arg7[%add3A_694, %add3A_918] : memref<128x64xf32, #tpu.memory_space<vmem>>[vector<16xi32>, vector<16xi32>], vector<16xf32>,
        %shift_right_arithmetic3A_920 = arith.constant 3 : i32
        %shift_right_arithmetic3A_921 = vector.broadcast %shift_right_arithmetic3A_920 : i32 to vector<16xi32>
        %shift_right_arithmetic3A_922 = arith.shrsi %add3A_918, %shift_right_arithmetic3A_921 : vector<16xi32>
        %and3A_923 = arith.constant 7 : i32
        %and3A_924 = vector.broadcast %and3A_923 : i32 to vector<16xi32>
        %and3A_925 = arith.andi %add3A_918, %and3A_924 : vector<16xi32>
        %shift_left3A_926 = arith.constant 7 : i32
        %shift_left3A_927 = vector.broadcast %shift_left3A_926 : i32 to vector<16xi32>
        %shift_left3A_928 = arith.shli %and3A_925, %shift_left3A_927 : vector<16xi32>
        %add3A_929 = arith.addi %shift_left3A_928, %add3A_694 : vector<16xi32>
        tpu.vector_store_idx %arg9[%shift_right_arithmetic3A_922, %add3A_929], %gather3A_919 : memref<8x1024xf32, #tpu.memory_space<vmem>>[vector<16xi32>, vector<16xi32>], vector<16xf32>,
        %add3A_930 = arith.constant 16 : i32
        %add3A_931 = vector.broadcast %add3A_930 : i32 to vector<16xi32>
        %add3A_932 = arith.addi %select_n3A_45, %add3A_931 : vector<16xi32>
        %gather3A_933 = tpu.vector_load_idx %arg7[%add3A_694, %add3A_932] : memref<128x64xf32, #tpu.memory_space<vmem>>[vector<16xi32>, vector<16xi32>], vector<16xf32>,
        %shift_right_arithmetic3A_934 = arith.constant 3 : i32
        %shift_right_arithmetic3A_935 = vector.broadcast %shift_right_arithmetic3A_934 : i32 to vector<16xi32>
        %shift_right_arithmetic3A_936 = arith.shrsi %add3A_932, %shift_right_arithmetic3A_935 : vector<16xi32>
        %and3A_937 = arith.constant 7 : i32
        %and3A_938 = vector.broadcast %and3A_937 : i32 to vector<16xi32>
        %and3A_939 = arith.andi %add3A_932, %and3A_938 : vector<16xi32>
        %shift_left3A_940 = arith.constant 7 : i32
        %shift_left3A_941 = vector.broadcast %shift_left3A_940 : i32 to vector<16xi32>
        %shift_left3A_942 = arith.shli %and3A_939, %shift_left3A_941 : vector<16xi32>
        %add3A_943 = arith.addi %shift_left3A_942, %add3A_694 : vector<16xi32>
        tpu.vector_store_idx %arg9[%shift_right_arithmetic3A_936, %add3A_943], %gather3A_933 : memref<8x1024xf32, #tpu.memory_space<vmem>>[vector<16xi32>, vector<16xi32>], vector<16xf32>,
        %add3A_944 = arith.constant 16 : i32
        %add3A_945 = vector.broadcast %add3A_944 : i32 to vector<16xi32>
        %add3A_946 = arith.addi %select_n3A_70, %add3A_945 : vector<16xi32>
        %gather3A_947 = tpu.vector_load_idx %arg7[%add3A_694, %add3A_946] : memref<128x64xf32, #tpu.memory_space<vmem>>[vector<16xi32>, vector<16xi32>], vector<16xf32>,
        %shift_right_arithmetic3A_948 = arith.constant 3 : i32
        %shift_right_arithmetic3A_949 = vector.broadcast %shift_right_arithmetic3A_948 : i32 to vector<16xi32>
        %shift_right_arithmetic3A_950 = arith.shrsi %add3A_946, %shift_right_arithmetic3A_949 : vector<16xi32>
        %and3A_951 = arith.constant 7 : i32
        %and3A_952 = vector.broadcast %and3A_951 : i32 to vector<16xi32>
        %and3A_953 = arith.andi %add3A_946, %and3A_952 : vector<16xi32>
        %shift_left3A_954 = arith.constant 7 : i32
        %shift_left3A_955 = vector.broadcast %shift_left3A_954 : i32 to vector<16xi32>
        %shift_left3A_956 = arith.shli %and3A_953, %shift_left3A_955 : vector<16xi32>
        %add3A_957 = arith.addi %shift_left3A_956, %add3A_694 : vector<16xi32>
        tpu.vector_store_idx %arg9[%shift_right_arithmetic3A_950, %add3A_957], %gather3A_947 : memref<8x1024xf32, #tpu.memory_space<vmem>>[vector<16xi32>, vector<16xi32>], vector<16xf32>,
        %add3A_958 = arith.constant 16 : i32
        %add3A_959 = vector.broadcast %add3A_958 : i32 to vector<16xi32>
        %add3A_960 = arith.addi %select_n3A_95, %add3A_959 : vector<16xi32>
        %gather3A_961 = tpu.vector_load_idx %arg7[%add3A_694, %add3A_960] : memref<128x64xf32, #tpu.memory_space<vmem>>[vector<16xi32>, vector<16xi32>], vector<16xf32>,
        %shift_right_arithmetic3A_962 = arith.constant 3 : i32
        %shift_right_arithmetic3A_963 = vector.broadcast %shift_right_arithmetic3A_962 : i32 to vector<16xi32>
        %shift_right_arithmetic3A_964 = arith.shrsi %add3A_960, %shift_right_arithmetic3A_963 : vector<16xi32>
        %and3A_965 = arith.constant 7 : i32
        %and3A_966 = vector.broadcast %and3A_965 : i32 to vector<16xi32>
        %and3A_967 = arith.andi %add3A_960, %and3A_966 : vector<16xi32>
        %shift_left3A_968 = arith.constant 7 : i32
        %shift_left3A_969 = vector.broadcast %shift_left3A_968 : i32 to vector<16xi32>
        %shift_left3A_970 = arith.shli %and3A_967, %shift_left3A_969 : vector<16xi32>
        %add3A_971 = arith.addi %shift_left3A_970, %add3A_694 : vector<16xi32>
        tpu.vector_store_idx %arg9[%shift_right_arithmetic3A_964, %add3A_971], %gather3A_961 : memref<8x1024xf32, #tpu.memory_space<vmem>>[vector<16xi32>, vector<16xi32>], vector<16xf32>,
        %add3A_972 = arith.constant 16 : i32
        %add3A_973 = vector.broadcast %add3A_972 : i32 to vector<16xi32>
        %add3A_974 = arith.addi %select_n3A_120, %add3A_973 : vector<16xi32>
        %gather3A_975 = tpu.vector_load_idx %arg7[%add3A_694, %add3A_974] : memref<128x64xf32, #tpu.memory_space<vmem>>[vector<16xi32>, vector<16xi32>], vector<16xf32>,
        %shift_right_arithmetic3A_976 = arith.constant 3 : i32
        %shift_right_arithmetic3A_977 = vector.broadcast %shift_right_arithmetic3A_976 : i32 to vector<16xi32>
        %shift_right_arithmetic3A_978 = arith.shrsi %add3A_974, %shift_right_arithmetic3A_977 : vector<16xi32>
        %and3A_979 = arith.constant 7 : i32
        %and3A_980 = vector.broadcast %and3A_979 : i32 to vector<16xi32>
        %and3A_981 = arith.andi %add3A_974, %and3A_980 : vector<16xi32>
        %shift_left3A_982 = arith.constant 7 : i32
        %shift_left3A_983 = vector.broadcast %shift_left3A_982 : i32 to vector<16xi32>
        %shift_left3A_984 = arith.shli %and3A_981, %shift_left3A_983 : vector<16xi32>
        %add3A_985 = arith.addi %shift_left3A_984, %add3A_694 : vector<16xi32>
        tpu.vector_store_idx %arg9[%shift_right_arithmetic3A_978, %add3A_985], %gather3A_975 : memref<8x1024xf32, #tpu.memory_space<vmem>>[vector<16xi32>, vector<16xi32>], vector<16xf32>,
        %add3A_986 = arith.constant 16 : i32
        %add3A_987 = vector.broadcast %add3A_986 : i32 to vector<16xi32>
        %add3A_988 = arith.addi %select_n3A_145, %add3A_987 : vector<16xi32>
        %gather3A_989 = tpu.vector_load_idx %arg7[%add3A_694, %add3A_988] : memref<128x64xf32, #tpu.memory_space<vmem>>[vector<16xi32>, vector<16xi32>], vector<16xf32>,
        %shift_right_arithmetic3A_990 = arith.constant 3 : i32
        %shift_right_arithmetic3A_991 = vector.broadcast %shift_right_arithmetic3A_990 : i32 to vector<16xi32>
        %shift_right_arithmetic3A_992 = arith.shrsi %add3A_988, %shift_right_arithmetic3A_991 : vector<16xi32>
        %and3A_993 = arith.constant 7 : i32
        %and3A_994 = vector.broadcast %and3A_993 : i32 to vector<16xi32>
        %and3A_995 = arith.andi %add3A_988, %and3A_994 : vector<16xi32>
        %shift_left3A_996 = arith.constant 7 : i32
        %shift_left3A_997 = vector.broadcast %shift_left3A_996 : i32 to vector<16xi32>
        %shift_left3A_998 = arith.shli %and3A_995, %shift_left3A_997 : vector<16xi32>
        %add3A_999 = arith.addi %shift_left3A_998, %add3A_694 : vector<16xi32>
        tpu.vector_store_idx %arg9[%shift_right_arithmetic3A_992, %add3A_999], %gather3A_989 : memref<8x1024xf32, #tpu.memory_space<vmem>>[vector<16xi32>, vector<16xi32>], vector<16xf32>,
        %add3A_1000 = arith.constant 16 : i32
        %add3A_1001 = vector.broadcast %add3A_1000 : i32 to vector<16xi32>
        %add3A_1002 = arith.addi %select_n3A_170, %add3A_1001 : vector<16xi32>
        %gather3A_1003 = tpu.vector_load_idx %arg7[%add3A_694, %add3A_1002] : memref<128x64xf32, #tpu.memory_space<vmem>>[vector<16xi32>, vector<16xi32>], vector<16xf32>,
        %shift_right_arithmetic3A_1004 = arith.constant 3 : i32
        %shift_right_arithmetic3A_1005 = vector.broadcast %shift_right_arithmetic3A_1004 : i32 to vector<16xi32>
        %shift_right_arithmetic3A_1006 = arith.shrsi %add3A_1002, %shift_right_arithmetic3A_1005 : vector<16xi32>
        %and3A_1007 = arith.constant 7 : i32
        %and3A_1008 = vector.broadcast %and3A_1007 : i32 to vector<16xi32>
        %and3A_1009 = arith.andi %add3A_1002, %and3A_1008 : vector<16xi32>
        %shift_left3A_1010 = arith.constant 7 : i32
        %shift_left3A_1011 = vector.broadcast %shift_left3A_1010 : i32 to vector<16xi32>
        %shift_left3A_1012 = arith.shli %and3A_1009, %shift_left3A_1011 : vector<16xi32>
        %add3A_1013 = arith.addi %shift_left3A_1012, %add3A_694 : vector<16xi32>
        tpu.vector_store_idx %arg9[%shift_right_arithmetic3A_1006, %add3A_1013], %gather3A_1003 : memref<8x1024xf32, #tpu.memory_space<vmem>>[vector<16xi32>, vector<16xi32>], vector<16xf32>,
        %add3A_1014 = arith.constant 16 : i32
        %add3A_1015 = vector.broadcast %add3A_1014 : i32 to vector<16xi32>
        %add3A_1016 = arith.addi %select_n3A_195, %add3A_1015 : vector<16xi32>
        %gather3A_1017 = tpu.vector_load_idx %arg7[%add3A_694, %add3A_1016] : memref<128x64xf32, #tpu.memory_space<vmem>>[vector<16xi32>, vector<16xi32>], vector<16xf32>,
        %shift_right_arithmetic3A_1018 = arith.constant 3 : i32
        %shift_right_arithmetic3A_1019 = vector.broadcast %shift_right_arithmetic3A_1018 : i32 to vector<16xi32>
        %shift_right_arithmetic3A_1020 = arith.shrsi %add3A_1016, %shift_right_arithmetic3A_1019 : vector<16xi32>
        %and3A_1021 = arith.constant 7 : i32
        %and3A_1022 = vector.broadcast %and3A_1021 : i32 to vector<16xi32>
        %and3A_1023 = arith.andi %add3A_1016, %and3A_1022 : vector<16xi32>
        %shift_left3A_1024 = arith.constant 7 : i32
        %shift_left3A_1025 = vector.broadcast %shift_left3A_1024 : i32 to vector<16xi32>
        %shift_left3A_1026 = arith.shli %and3A_1023, %shift_left3A_1025 : vector<16xi32>
        %add3A_1027 = arith.addi %shift_left3A_1026, %add3A_694 : vector<16xi32>
        tpu.vector_store_idx %arg9[%shift_right_arithmetic3A_1020, %add3A_1027], %gather3A_1017 : memref<8x1024xf32, #tpu.memory_space<vmem>>[vector<16xi32>, vector<16xi32>], vector<16xf32>,
        %add3A_1028 = arith.constant 16 : i32
        %add3A_1029 = vector.broadcast %add3A_1028 : i32 to vector<16xi32>
        %add3A_1030 = arith.addi %select_n3A_220, %add3A_1029 : vector<16xi32>
        %gather3A_1031 = tpu.vector_load_idx %arg7[%add3A_694, %add3A_1030] : memref<128x64xf32, #tpu.memory_space<vmem>>[vector<16xi32>, vector<16xi32>], vector<16xf32>,
        %shift_right_arithmetic3A_1032 = arith.constant 3 : i32
        %shift_right_arithmetic3A_1033 = vector.broadcast %shift_right_arithmetic3A_1032 : i32 to vector<16xi32>
        %shift_right_arithmetic3A_1034 = arith.shrsi %add3A_1030, %shift_right_arithmetic3A_1033 : vector<16xi32>
        %and3A_1035 = arith.constant 7 : i32
        %and3A_1036 = vector.broadcast %and3A_1035 : i32 to vector<16xi32>
        %and3A_1037 = arith.andi %add3A_1030, %and3A_1036 : vector<16xi32>
        %shift_left3A_1038 = arith.constant 7 : i32
        %shift_left3A_1039 = vector.broadcast %shift_left3A_1038 : i32 to vector<16xi32>
        %shift_left3A_1040 = arith.shli %and3A_1037, %shift_left3A_1039 : vector<16xi32>
        %add3A_1041 = arith.addi %shift_left3A_1040, %add3A_694 : vector<16xi32>
        tpu.vector_store_idx %arg9[%shift_right_arithmetic3A_1034, %add3A_1041], %gather3A_1031 : memref<8x1024xf32, #tpu.memory_space<vmem>>[vector<16xi32>, vector<16xi32>], vector<16xf32>,
        %add3A_1042 = arith.constant 16 : i32
        %add3A_1043 = vector.broadcast %add3A_1042 : i32 to vector<16xi32>
        %add3A_1044 = arith.addi %select_n3A_245, %add3A_1043 : vector<16xi32>
        %gather3A_1045 = tpu.vector_load_idx %arg7[%add3A_694, %add3A_1044] : memref<128x64xf32, #tpu.memory_space<vmem>>[vector<16xi32>, vector<16xi32>], vector<16xf32>,
        %shift_right_arithmetic3A_1046 = arith.constant 3 : i32
        %shift_right_arithmetic3A_1047 = vector.broadcast %shift_right_arithmetic3A_1046 : i32 to vector<16xi32>
        %shift_right_arithmetic3A_1048 = arith.shrsi %add3A_1044, %shift_right_arithmetic3A_1047 : vector<16xi32>
        %and3A_1049 = arith.constant 7 : i32
        %and3A_1050 = vector.broadcast %and3A_1049 : i32 to vector<16xi32>
        %and3A_1051 = arith.andi %add3A_1044, %and3A_1050 : vector<16xi32>
        %shift_left3A_1052 = arith.constant 7 : i32
        %shift_left3A_1053 = vector.broadcast %shift_left3A_1052 : i32 to vector<16xi32>
        %shift_left3A_1054 = arith.shli %and3A_1051, %shift_left3A_1053 : vector<16xi32>
        %add3A_1055 = arith.addi %shift_left3A_1054, %add3A_694 : vector<16xi32>
        tpu.vector_store_idx %arg9[%shift_right_arithmetic3A_1048, %add3A_1055], %gather3A_1045 : memref<8x1024xf32, #tpu.memory_space<vmem>>[vector<16xi32>, vector<16xi32>], vector<16xf32>,
        %add3A_1056 = arith.constant 16 : i32
        %add3A_1057 = vector.broadcast %add3A_1056 : i32 to vector<16xi32>
        %add3A_1058 = arith.addi %select_n3A_270, %add3A_1057 : vector<16xi32>
        %gather3A_1059 = tpu.vector_load_idx %arg7[%add3A_694, %add3A_1058] : memref<128x64xf32, #tpu.memory_space<vmem>>[vector<16xi32>, vector<16xi32>], vector<16xf32>,
        %shift_right_arithmetic3A_1060 = arith.constant 3 : i32
        %shift_right_arithmetic3A_1061 = vector.broadcast %shift_right_arithmetic3A_1060 : i32 to vector<16xi32>
        %shift_right_arithmetic3A_1062 = arith.shrsi %add3A_1058, %shift_right_arithmetic3A_1061 : vector<16xi32>
        %and3A_1063 = arith.constant 7 : i32
        %and3A_1064 = vector.broadcast %and3A_1063 : i32 to vector<16xi32>
        %and3A_1065 = arith.andi %add3A_1058, %and3A_1064 : vector<16xi32>
        %shift_left3A_1066 = arith.constant 7 : i32
        %shift_left3A_1067 = vector.broadcast %shift_left3A_1066 : i32 to vector<16xi32>
        %shift_left3A_1068 = arith.shli %and3A_1065, %shift_left3A_1067 : vector<16xi32>
        %add3A_1069 = arith.addi %shift_left3A_1068, %add3A_694 : vector<16xi32>
        tpu.vector_store_idx %arg9[%shift_right_arithmetic3A_1062, %add3A_1069], %gather3A_1059 : memref<8x1024xf32, #tpu.memory_space<vmem>>[vector<16xi32>, vector<16xi32>], vector<16xf32>,
        %add3A_1070 = arith.constant 16 : i32
        %add3A_1071 = vector.broadcast %add3A_1070 : i32 to vector<16xi32>
        %add3A_1072 = arith.addi %select_n3A_295, %add3A_1071 : vector<16xi32>
        %gather3A_1073 = tpu.vector_load_idx %arg7[%add3A_694, %add3A_1072] : memref<128x64xf32, #tpu.memory_space<vmem>>[vector<16xi32>, vector<16xi32>], vector<16xf32>,
        %shift_right_arithmetic3A_1074 = arith.constant 3 : i32
        %shift_right_arithmetic3A_1075 = vector.broadcast %shift_right_arithmetic3A_1074 : i32 to vector<16xi32>
        %shift_right_arithmetic3A_1076 = arith.shrsi %add3A_1072, %shift_right_arithmetic3A_1075 : vector<16xi32>
        %and3A_1077 = arith.constant 7 : i32
        %and3A_1078 = vector.broadcast %and3A_1077 : i32 to vector<16xi32>
        %and3A_1079 = arith.andi %add3A_1072, %and3A_1078 : vector<16xi32>
        %shift_left3A_1080 = arith.constant 7 : i32
        %shift_left3A_1081 = vector.broadcast %shift_left3A_1080 : i32 to vector<16xi32>
        %shift_left3A_1082 = arith.shli %and3A_1079, %shift_left3A_1081 : vector<16xi32>
        %add3A_1083 = arith.addi %shift_left3A_1082, %add3A_694 : vector<16xi32>
        tpu.vector_store_idx %arg9[%shift_right_arithmetic3A_1076, %add3A_1083], %gather3A_1073 : memref<8x1024xf32, #tpu.memory_space<vmem>>[vector<16xi32>, vector<16xi32>], vector<16xf32>,
        %add3A_1084 = arith.constant 16 : i32
        %add3A_1085 = vector.broadcast %add3A_1084 : i32 to vector<16xi32>
        %add3A_1086 = arith.addi %select_n3A_320, %add3A_1085 : vector<16xi32>
        %gather3A_1087 = tpu.vector_load_idx %arg7[%add3A_694, %add3A_1086] : memref<128x64xf32, #tpu.memory_space<vmem>>[vector<16xi32>, vector<16xi32>], vector<16xf32>,
        %shift_right_arithmetic3A_1088 = arith.constant 3 : i32
        %shift_right_arithmetic3A_1089 = vector.broadcast %shift_right_arithmetic3A_1088 : i32 to vector<16xi32>
        %shift_right_arithmetic3A_1090 = arith.shrsi %add3A_1086, %shift_right_arithmetic3A_1089 : vector<16xi32>
        %and3A_1091 = arith.constant 7 : i32
        %and3A_1092 = vector.broadcast %and3A_1091 : i32 to vector<16xi32>
        %and3A_1093 = arith.andi %add3A_1086, %and3A_1092 : vector<16xi32>
        %shift_left3A_1094 = arith.constant 7 : i32
        %shift_left3A_1095 = vector.broadcast %shift_left3A_1094 : i32 to vector<16xi32>
        %shift_left3A_1096 = arith.shli %and3A_1093, %shift_left3A_1095 : vector<16xi32>
        %add3A_1097 = arith.addi %shift_left3A_1096, %add3A_694 : vector<16xi32>
        tpu.vector_store_idx %arg9[%shift_right_arithmetic3A_1090, %add3A_1097], %gather3A_1087 : memref<8x1024xf32, #tpu.memory_space<vmem>>[vector<16xi32>, vector<16xi32>], vector<16xf32>,
        %add3A_1098 = arith.constant 16 : i32
        %add3A_1099 = vector.broadcast %add3A_1098 : i32 to vector<16xi32>
        %add3A_1100 = arith.addi %select_n3A_345, %add3A_1099 : vector<16xi32>
        %gather3A_1101 = tpu.vector_load_idx %arg7[%add3A_694, %add3A_1100] : memref<128x64xf32, #tpu.memory_space<vmem>>[vector<16xi32>, vector<16xi32>], vector<16xf32>,
        %shift_right_arithmetic3A_1102 = arith.constant 3 : i32
        %shift_right_arithmetic3A_1103 = vector.broadcast %shift_right_arithmetic3A_1102 : i32 to vector<16xi32>
        %shift_right_arithmetic3A_1104 = arith.shrsi %add3A_1100, %shift_right_arithmetic3A_1103 : vector<16xi32>
        %and3A_1105 = arith.constant 7 : i32
        %and3A_1106 = vector.broadcast %and3A_1105 : i32 to vector<16xi32>
        %and3A_1107 = arith.andi %add3A_1100, %and3A_1106 : vector<16xi32>
        %shift_left3A_1108 = arith.constant 7 : i32
        %shift_left3A_1109 = vector.broadcast %shift_left3A_1108 : i32 to vector<16xi32>
        %shift_left3A_1110 = arith.shli %and3A_1107, %shift_left3A_1109 : vector<16xi32>
        %add3A_1111 = arith.addi %shift_left3A_1110, %add3A_694 : vector<16xi32>
        tpu.vector_store_idx %arg9[%shift_right_arithmetic3A_1104, %add3A_1111], %gather3A_1101 : memref<8x1024xf32, #tpu.memory_space<vmem>>[vector<16xi32>, vector<16xi32>], vector<16xf32>,
        %add3A_1112 = arith.constant 16 : i32
        %add3A_1113 = vector.broadcast %add3A_1112 : i32 to vector<16xi32>
        %add3A_1114 = arith.addi %select_n3A_370, %add3A_1113 : vector<16xi32>
        %gather3A_1115 = tpu.vector_load_idx %arg7[%add3A_694, %add3A_1114] : memref<128x64xf32, #tpu.memory_space<vmem>>[vector<16xi32>, vector<16xi32>], vector<16xf32>,
        %shift_right_arithmetic3A_1116 = arith.constant 3 : i32
        %shift_right_arithmetic3A_1117 = vector.broadcast %shift_right_arithmetic3A_1116 : i32 to vector<16xi32>
        %shift_right_arithmetic3A_1118 = arith.shrsi %add3A_1114, %shift_right_arithmetic3A_1117 : vector<16xi32>
        %and3A_1119 = arith.constant 7 : i32
        %and3A_1120 = vector.broadcast %and3A_1119 : i32 to vector<16xi32>
        %and3A_1121 = arith.andi %add3A_1114, %and3A_1120 : vector<16xi32>
        %shift_left3A_1122 = arith.constant 7 : i32
        %shift_left3A_1123 = vector.broadcast %shift_left3A_1122 : i32 to vector<16xi32>
        %shift_left3A_1124 = arith.shli %and3A_1121, %shift_left3A_1123 : vector<16xi32>
        %add3A_1125 = arith.addi %shift_left3A_1124, %add3A_694 : vector<16xi32>
        tpu.vector_store_idx %arg9[%shift_right_arithmetic3A_1118, %add3A_1125], %gather3A_1115 : memref<8x1024xf32, #tpu.memory_space<vmem>>[vector<16xi32>, vector<16xi32>], vector<16xf32>,
        %add3A_1126 = arith.constant 16 : i32
        %add3A_1127 = vector.broadcast %add3A_1126 : i32 to vector<16xi32>
        %add3A_1128 = arith.addi %select_n3A_395, %add3A_1127 : vector<16xi32>
        %gather3A_1129 = tpu.vector_load_idx %arg7[%add3A_694, %add3A_1128] : memref<128x64xf32, #tpu.memory_space<vmem>>[vector<16xi32>, vector<16xi32>], vector<16xf32>,
        %shift_right_arithmetic3A_1130 = arith.constant 3 : i32
        %shift_right_arithmetic3A_1131 = vector.broadcast %shift_right_arithmetic3A_1130 : i32 to vector<16xi32>
        %shift_right_arithmetic3A_1132 = arith.shrsi %add3A_1128, %shift_right_arithmetic3A_1131 : vector<16xi32>
        %and3A_1133 = arith.constant 7 : i32
        %and3A_1134 = vector.broadcast %and3A_1133 : i32 to vector<16xi32>
        %and3A_1135 = arith.andi %add3A_1128, %and3A_1134 : vector<16xi32>
        %shift_left3A_1136 = arith.constant 7 : i32
        %shift_left3A_1137 = vector.broadcast %shift_left3A_1136 : i32 to vector<16xi32>
        %shift_left3A_1138 = arith.shli %and3A_1135, %shift_left3A_1137 : vector<16xi32>
        %add3A_1139 = arith.addi %shift_left3A_1138, %add3A_694 : vector<16xi32>
        tpu.vector_store_idx %arg9[%shift_right_arithmetic3A_1132, %add3A_1139], %gather3A_1129 : memref<8x1024xf32, #tpu.memory_space<vmem>>[vector<16xi32>, vector<16xi32>], vector<16xf32>,
        %add3A_1140 = arith.constant 32 : i32
        %add3A_1141 = vector.broadcast %add3A_1140 : i32 to vector<16xi32>
        %add3A_1142 = arith.addi %select_n3A_20, %add3A_1141 : vector<16xi32>
        %gather3A_1143 = tpu.vector_load_idx %arg7[%add3A_694, %add3A_1142] : memref<128x64xf32, #tpu.memory_space<vmem>>[vector<16xi32>, vector<16xi32>], vector<16xf32>,
        %shift_right_arithmetic3A_1144 = arith.constant 3 : i32
        %shift_right_arithmetic3A_1145 = vector.broadcast %shift_right_arithmetic3A_1144 : i32 to vector<16xi32>
        %shift_right_arithmetic3A_1146 = arith.shrsi %add3A_1142, %shift_right_arithmetic3A_1145 : vector<16xi32>
        %and3A_1147 = arith.constant 7 : i32
        %and3A_1148 = vector.broadcast %and3A_1147 : i32 to vector<16xi32>
        %and3A_1149 = arith.andi %add3A_1142, %and3A_1148 : vector<16xi32>
        %shift_left3A_1150 = arith.constant 7 : i32
        %shift_left3A_1151 = vector.broadcast %shift_left3A_1150 : i32 to vector<16xi32>
        %shift_left3A_1152 = arith.shli %and3A_1149, %shift_left3A_1151 : vector<16xi32>
        %add3A_1153 = arith.addi %shift_left3A_1152, %add3A_694 : vector<16xi32>
        tpu.vector_store_idx %arg9[%shift_right_arithmetic3A_1146, %add3A_1153], %gather3A_1143 : memref<8x1024xf32, #tpu.memory_space<vmem>>[vector<16xi32>, vector<16xi32>], vector<16xf32>,
        %add3A_1154 = arith.constant 32 : i32
        %add3A_1155 = vector.broadcast %add3A_1154 : i32 to vector<16xi32>
        %add3A_1156 = arith.addi %select_n3A_45, %add3A_1155 : vector<16xi32>
        %gather3A_1157 = tpu.vector_load_idx %arg7[%add3A_694, %add3A_1156] : memref<128x64xf32, #tpu.memory_space<vmem>>[vector<16xi32>, vector<16xi32>], vector<16xf32>,
        %shift_right_arithmetic3A_1158 = arith.constant 3 : i32
        %shift_right_arithmetic3A_1159 = vector.broadcast %shift_right_arithmetic3A_1158 : i32 to vector<16xi32>
        %shift_right_arithmetic3A_1160 = arith.shrsi %add3A_1156, %shift_right_arithmetic3A_1159 : vector<16xi32>
        %and3A_1161 = arith.constant 7 : i32
        %and3A_1162 = vector.broadcast %and3A_1161 : i32 to vector<16xi32>
        %and3A_1163 = arith.andi %add3A_1156, %and3A_1162 : vector<16xi32>
        %shift_left3A_1164 = arith.constant 7 : i32
        %shift_left3A_1165 = vector.broadcast %shift_left3A_1164 : i32 to vector<16xi32>
        %shift_left3A_1166 = arith.shli %and3A_1163, %shift_left3A_1165 : vector<16xi32>
        %add3A_1167 = arith.addi %shift_left3A_1166, %add3A_694 : vector<16xi32>
        tpu.vector_store_idx %arg9[%shift_right_arithmetic3A_1160, %add3A_1167], %gather3A_1157 : memref<8x1024xf32, #tpu.memory_space<vmem>>[vector<16xi32>, vector<16xi32>], vector<16xf32>,
        %add3A_1168 = arith.constant 32 : i32
        %add3A_1169 = vector.broadcast %add3A_1168 : i32 to vector<16xi32>
        %add3A_1170 = arith.addi %select_n3A_70, %add3A_1169 : vector<16xi32>
        %gather3A_1171 = tpu.vector_load_idx %arg7[%add3A_694, %add3A_1170] : memref<128x64xf32, #tpu.memory_space<vmem>>[vector<16xi32>, vector<16xi32>], vector<16xf32>,
        %shift_right_arithmetic3A_1172 = arith.constant 3 : i32
        %shift_right_arithmetic3A_1173 = vector.broadcast %shift_right_arithmetic3A_1172 : i32 to vector<16xi32>
        %shift_right_arithmetic3A_1174 = arith.shrsi %add3A_1170, %shift_right_arithmetic3A_1173 : vector<16xi32>
        %and3A_1175 = arith.constant 7 : i32
        %and3A_1176 = vector.broadcast %and3A_1175 : i32 to vector<16xi32>
        %and3A_1177 = arith.andi %add3A_1170, %and3A_1176 : vector<16xi32>
        %shift_left3A_1178 = arith.constant 7 : i32
        %shift_left3A_1179 = vector.broadcast %shift_left3A_1178 : i32 to vector<16xi32>
        %shift_left3A_1180 = arith.shli %and3A_1177, %shift_left3A_1179 : vector<16xi32>
        %add3A_1181 = arith.addi %shift_left3A_1180, %add3A_694 : vector<16xi32>
        tpu.vector_store_idx %arg9[%shift_right_arithmetic3A_1174, %add3A_1181], %gather3A_1171 : memref<8x1024xf32, #tpu.memory_space<vmem>>[vector<16xi32>, vector<16xi32>], vector<16xf32>,
        %add3A_1182 = arith.constant 32 : i32
        %add3A_1183 = vector.broadcast %add3A_1182 : i32 to vector<16xi32>
        %add3A_1184 = arith.addi %select_n3A_95, %add3A_1183 : vector<16xi32>
        %gather3A_1185 = tpu.vector_load_idx %arg7[%add3A_694, %add3A_1184] : memref<128x64xf32, #tpu.memory_space<vmem>>[vector<16xi32>, vector<16xi32>], vector<16xf32>,
        %shift_right_arithmetic3A_1186 = arith.constant 3 : i32
        %shift_right_arithmetic3A_1187 = vector.broadcast %shift_right_arithmetic3A_1186 : i32 to vector<16xi32>
        %shift_right_arithmetic3A_1188 = arith.shrsi %add3A_1184, %shift_right_arithmetic3A_1187 : vector<16xi32>
        %and3A_1189 = arith.constant 7 : i32
        %and3A_1190 = vector.broadcast %and3A_1189 : i32 to vector<16xi32>
        %and3A_1191 = arith.andi %add3A_1184, %and3A_1190 : vector<16xi32>
        %shift_left3A_1192 = arith.constant 7 : i32
        %shift_left3A_1193 = vector.broadcast %shift_left3A_1192 : i32 to vector<16xi32>
        %shift_left3A_1194 = arith.shli %and3A_1191, %shift_left3A_1193 : vector<16xi32>
        %add3A_1195 = arith.addi %shift_left3A_1194, %add3A_694 : vector<16xi32>
        tpu.vector_store_idx %arg9[%shift_right_arithmetic3A_1188, %add3A_1195], %gather3A_1185 : memref<8x1024xf32, #tpu.memory_space<vmem>>[vector<16xi32>, vector<16xi32>], vector<16xf32>,
        %add3A_1196 = arith.constant 32 : i32
        %add3A_1197 = vector.broadcast %add3A_1196 : i32 to vector<16xi32>
        %add3A_1198 = arith.addi %select_n3A_120, %add3A_1197 : vector<16xi32>
        %gather3A_1199 = tpu.vector_load_idx %arg7[%add3A_694, %add3A_1198] : memref<128x64xf32, #tpu.memory_space<vmem>>[vector<16xi32>, vector<16xi32>], vector<16xf32>,
        %shift_right_arithmetic3A_1200 = arith.constant 3 : i32
        %shift_right_arithmetic3A_1201 = vector.broadcast %shift_right_arithmetic3A_1200 : i32 to vector<16xi32>
        %shift_right_arithmetic3A_1202 = arith.shrsi %add3A_1198, %shift_right_arithmetic3A_1201 : vector<16xi32>
        %and3A_1203 = arith.constant 7 : i32
        %and3A_1204 = vector.broadcast %and3A_1203 : i32 to vector<16xi32>
        %and3A_1205 = arith.andi %add3A_1198, %and3A_1204 : vector<16xi32>
        %shift_left3A_1206 = arith.constant 7 : i32
        %shift_left3A_1207 = vector.broadcast %shift_left3A_1206 : i32 to vector<16xi32>
        %shift_left3A_1208 = arith.shli %and3A_1205, %shift_left3A_1207 : vector<16xi32>
        %add3A_1209 = arith.addi %shift_left3A_1208, %add3A_694 : vector<16xi32>
        tpu.vector_store_idx %arg9[%shift_right_arithmetic3A_1202, %add3A_1209], %gather3A_1199 : memref<8x1024xf32, #tpu.memory_space<vmem>>[vector<16xi32>, vector<16xi32>], vector<16xf32>,
        %add3A_1210 = arith.constant 32 : i32
        %add3A_1211 = vector.broadcast %add3A_1210 : i32 to vector<16xi32>
        %add3A_1212 = arith.addi %select_n3A_145, %add3A_1211 : vector<16xi32>
        %gather3A_1213 = tpu.vector_load_idx %arg7[%add3A_694, %add3A_1212] : memref<128x64xf32, #tpu.memory_space<vmem>>[vector<16xi32>, vector<16xi32>], vector<16xf32>,
        %shift_right_arithmetic3A_1214 = arith.constant 3 : i32
        %shift_right_arithmetic3A_1215 = vector.broadcast %shift_right_arithmetic3A_1214 : i32 to vector<16xi32>
        %shift_right_arithmetic3A_1216 = arith.shrsi %add3A_1212, %shift_right_arithmetic3A_1215 : vector<16xi32>
        %and3A_1217 = arith.constant 7 : i32
        %and3A_1218 = vector.broadcast %and3A_1217 : i32 to vector<16xi32>
        %and3A_1219 = arith.andi %add3A_1212, %and3A_1218 : vector<16xi32>
        %shift_left3A_1220 = arith.constant 7 : i32
        %shift_left3A_1221 = vector.broadcast %shift_left3A_1220 : i32 to vector<16xi32>
        %shift_left3A_1222 = arith.shli %and3A_1219, %shift_left3A_1221 : vector<16xi32>
        %add3A_1223 = arith.addi %shift_left3A_1222, %add3A_694 : vector<16xi32>
        tpu.vector_store_idx %arg9[%shift_right_arithmetic3A_1216, %add3A_1223], %gather3A_1213 : memref<8x1024xf32, #tpu.memory_space<vmem>>[vector<16xi32>, vector<16xi32>], vector<16xf32>,
        %add3A_1224 = arith.constant 32 : i32
        %add3A_1225 = vector.broadcast %add3A_1224 : i32 to vector<16xi32>
        %add3A_1226 = arith.addi %select_n3A_170, %add3A_1225 : vector<16xi32>
        %gather3A_1227 = tpu.vector_load_idx %arg7[%add3A_694, %add3A_1226] : memref<128x64xf32, #tpu.memory_space<vmem>>[vector<16xi32>, vector<16xi32>], vector<16xf32>,
        %shift_right_arithmetic3A_1228 = arith.constant 3 : i32
        %shift_right_arithmetic3A_1229 = vector.broadcast %shift_right_arithmetic3A_1228 : i32 to vector<16xi32>
        %shift_right_arithmetic3A_1230 = arith.shrsi %add3A_1226, %shift_right_arithmetic3A_1229 : vector<16xi32>
        %and3A_1231 = arith.constant 7 : i32
        %and3A_1232 = vector.broadcast %and3A_1231 : i32 to vector<16xi32>
        %and3A_1233 = arith.andi %add3A_1226, %and3A_1232 : vector<16xi32>
        %shift_left3A_1234 = arith.constant 7 : i32
        %shift_left3A_1235 = vector.broadcast %shift_left3A_1234 : i32 to vector<16xi32>
        %shift_left3A_1236 = arith.shli %and3A_1233, %shift_left3A_1235 : vector<16xi32>
        %add3A_1237 = arith.addi %shift_left3A_1236, %add3A_694 : vector<16xi32>
        tpu.vector_store_idx %arg9[%shift_right_arithmetic3A_1230, %add3A_1237], %gather3A_1227 : memref<8x1024xf32, #tpu.memory_space<vmem>>[vector<16xi32>, vector<16xi32>], vector<16xf32>,
        %add3A_1238 = arith.constant 32 : i32
        %add3A_1239 = vector.broadcast %add3A_1238 : i32 to vector<16xi32>
        %add3A_1240 = arith.addi %select_n3A_195, %add3A_1239 : vector<16xi32>
        %gather3A_1241 = tpu.vector_load_idx %arg7[%add3A_694, %add3A_1240] : memref<128x64xf32, #tpu.memory_space<vmem>>[vector<16xi32>, vector<16xi32>], vector<16xf32>,
        %shift_right_arithmetic3A_1242 = arith.constant 3 : i32
        %shift_right_arithmetic3A_1243 = vector.broadcast %shift_right_arithmetic3A_1242 : i32 to vector<16xi32>
        %shift_right_arithmetic3A_1244 = arith.shrsi %add3A_1240, %shift_right_arithmetic3A_1243 : vector<16xi32>
        %and3A_1245 = arith.constant 7 : i32
        %and3A_1246 = vector.broadcast %and3A_1245 : i32 to vector<16xi32>
        %and3A_1247 = arith.andi %add3A_1240, %and3A_1246 : vector<16xi32>
        %shift_left3A_1248 = arith.constant 7 : i32
        %shift_left3A_1249 = vector.broadcast %shift_left3A_1248 : i32 to vector<16xi32>
        %shift_left3A_1250 = arith.shli %and3A_1247, %shift_left3A_1249 : vector<16xi32>
        %add3A_1251 = arith.addi %shift_left3A_1250, %add3A_694 : vector<16xi32>
        tpu.vector_store_idx %arg9[%shift_right_arithmetic3A_1244, %add3A_1251], %gather3A_1241 : memref<8x1024xf32, #tpu.memory_space<vmem>>[vector<16xi32>, vector<16xi32>], vector<16xf32>,
        %add3A_1252 = arith.constant 32 : i32
        %add3A_1253 = vector.broadcast %add3A_1252 : i32 to vector<16xi32>
        %add3A_1254 = arith.addi %select_n3A_220, %add3A_1253 : vector<16xi32>
        %gather3A_1255 = tpu.vector_load_idx %arg7[%add3A_694, %add3A_1254] : memref<128x64xf32, #tpu.memory_space<vmem>>[vector<16xi32>, vector<16xi32>], vector<16xf32>,
        %shift_right_arithmetic3A_1256 = arith.constant 3 : i32
        %shift_right_arithmetic3A_1257 = vector.broadcast %shift_right_arithmetic3A_1256 : i32 to vector<16xi32>
        %shift_right_arithmetic3A_1258 = arith.shrsi %add3A_1254, %shift_right_arithmetic3A_1257 : vector<16xi32>
        %and3A_1259 = arith.constant 7 : i32
        %and3A_1260 = vector.broadcast %and3A_1259 : i32 to vector<16xi32>
        %and3A_1261 = arith.andi %add3A_1254, %and3A_1260 : vector<16xi32>
        %shift_left3A_1262 = arith.constant 7 : i32
        %shift_left3A_1263 = vector.broadcast %shift_left3A_1262 : i32 to vector<16xi32>
        %shift_left3A_1264 = arith.shli %and3A_1261, %shift_left3A_1263 : vector<16xi32>
        %add3A_1265 = arith.addi %shift_left3A_1264, %add3A_694 : vector<16xi32>
        tpu.vector_store_idx %arg9[%shift_right_arithmetic3A_1258, %add3A_1265], %gather3A_1255 : memref<8x1024xf32, #tpu.memory_space<vmem>>[vector<16xi32>, vector<16xi32>], vector<16xf32>,
        %add3A_1266 = arith.constant 32 : i32
        %add3A_1267 = vector.broadcast %add3A_1266 : i32 to vector<16xi32>
        %add3A_1268 = arith.addi %select_n3A_245, %add3A_1267 : vector<16xi32>
        %gather3A_1269 = tpu.vector_load_idx %arg7[%add3A_694, %add3A_1268] : memref<128x64xf32, #tpu.memory_space<vmem>>[vector<16xi32>, vector<16xi32>], vector<16xf32>,
        %shift_right_arithmetic3A_1270 = arith.constant 3 : i32
        %shift_right_arithmetic3A_1271 = vector.broadcast %shift_right_arithmetic3A_1270 : i32 to vector<16xi32>
        %shift_right_arithmetic3A_1272 = arith.shrsi %add3A_1268, %shift_right_arithmetic3A_1271 : vector<16xi32>
        %and3A_1273 = arith.constant 7 : i32
        %and3A_1274 = vector.broadcast %and3A_1273 : i32 to vector<16xi32>
        %and3A_1275 = arith.andi %add3A_1268, %and3A_1274 : vector<16xi32>
        %shift_left3A_1276 = arith.constant 7 : i32
        %shift_left3A_1277 = vector.broadcast %shift_left3A_1276 : i32 to vector<16xi32>
        %shift_left3A_1278 = arith.shli %and3A_1275, %shift_left3A_1277 : vector<16xi32>
        %add3A_1279 = arith.addi %shift_left3A_1278, %add3A_694 : vector<16xi32>
        tpu.vector_store_idx %arg9[%shift_right_arithmetic3A_1272, %add3A_1279], %gather3A_1269 : memref<8x1024xf32, #tpu.memory_space<vmem>>[vector<16xi32>, vector<16xi32>], vector<16xf32>,
        %add3A_1280 = arith.constant 32 : i32
        %add3A_1281 = vector.broadcast %add3A_1280 : i32 to vector<16xi32>
        %add3A_1282 = arith.addi %select_n3A_270, %add3A_1281 : vector<16xi32>
        %gather3A_1283 = tpu.vector_load_idx %arg7[%add3A_694, %add3A_1282] : memref<128x64xf32, #tpu.memory_space<vmem>>[vector<16xi32>, vector<16xi32>], vector<16xf32>,
        %shift_right_arithmetic3A_1284 = arith.constant 3 : i32
        %shift_right_arithmetic3A_1285 = vector.broadcast %shift_right_arithmetic3A_1284 : i32 to vector<16xi32>
        %shift_right_arithmetic3A_1286 = arith.shrsi %add3A_1282, %shift_right_arithmetic3A_1285 : vector<16xi32>
        %and3A_1287 = arith.constant 7 : i32
        %and3A_1288 = vector.broadcast %and3A_1287 : i32 to vector<16xi32>
        %and3A_1289 = arith.andi %add3A_1282, %and3A_1288 : vector<16xi32>
        %shift_left3A_1290 = arith.constant 7 : i32
        %shift_left3A_1291 = vector.broadcast %shift_left3A_1290 : i32 to vector<16xi32>
        %shift_left3A_1292 = arith.shli %and3A_1289, %shift_left3A_1291 : vector<16xi32>
        %add3A_1293 = arith.addi %shift_left3A_1292, %add3A_694 : vector<16xi32>
        tpu.vector_store_idx %arg9[%shift_right_arithmetic3A_1286, %add3A_1293], %gather3A_1283 : memref<8x1024xf32, #tpu.memory_space<vmem>>[vector<16xi32>, vector<16xi32>], vector<16xf32>,
        %add3A_1294 = arith.constant 32 : i32
        %add3A_1295 = vector.broadcast %add3A_1294 : i32 to vector<16xi32>
        %add3A_1296 = arith.addi %select_n3A_295, %add3A_1295 : vector<16xi32>
        %gather3A_1297 = tpu.vector_load_idx %arg7[%add3A_694, %add3A_1296] : memref<128x64xf32, #tpu.memory_space<vmem>>[vector<16xi32>, vector<16xi32>], vector<16xf32>,
        %shift_right_arithmetic3A_1298 = arith.constant 3 : i32
        %shift_right_arithmetic3A_1299 = vector.broadcast %shift_right_arithmetic3A_1298 : i32 to vector<16xi32>
        %shift_right_arithmetic3A_1300 = arith.shrsi %add3A_1296, %shift_right_arithmetic3A_1299 : vector<16xi32>
        %and3A_1301 = arith.constant 7 : i32
        %and3A_1302 = vector.broadcast %and3A_1301 : i32 to vector<16xi32>
        %and3A_1303 = arith.andi %add3A_1296, %and3A_1302 : vector<16xi32>
        %shift_left3A_1304 = arith.constant 7 : i32
        %shift_left3A_1305 = vector.broadcast %shift_left3A_1304 : i32 to vector<16xi32>
        %shift_left3A_1306 = arith.shli %and3A_1303, %shift_left3A_1305 : vector<16xi32>
        %add3A_1307 = arith.addi %shift_left3A_1306, %add3A_694 : vector<16xi32>
        tpu.vector_store_idx %arg9[%shift_right_arithmetic3A_1300, %add3A_1307], %gather3A_1297 : memref<8x1024xf32, #tpu.memory_space<vmem>>[vector<16xi32>, vector<16xi32>], vector<16xf32>,
        %add3A_1308 = arith.constant 32 : i32
        %add3A_1309 = vector.broadcast %add3A_1308 : i32 to vector<16xi32>
        %add3A_1310 = arith.addi %select_n3A_320, %add3A_1309 : vector<16xi32>
        %gather3A_1311 = tpu.vector_load_idx %arg7[%add3A_694, %add3A_1310] : memref<128x64xf32, #tpu.memory_space<vmem>>[vector<16xi32>, vector<16xi32>], vector<16xf32>,
        %shift_right_arithmetic3A_1312 = arith.constant 3 : i32
        %shift_right_arithmetic3A_1313 = vector.broadcast %shift_right_arithmetic3A_1312 : i32 to vector<16xi32>
        %shift_right_arithmetic3A_1314 = arith.shrsi %add3A_1310, %shift_right_arithmetic3A_1313 : vector<16xi32>
        %and3A_1315 = arith.constant 7 : i32
        %and3A_1316 = vector.broadcast %and3A_1315 : i32 to vector<16xi32>
        %and3A_1317 = arith.andi %add3A_1310, %and3A_1316 : vector<16xi32>
        %shift_left3A_1318 = arith.constant 7 : i32
        %shift_left3A_1319 = vector.broadcast %shift_left3A_1318 : i32 to vector<16xi32>
        %shift_left3A_1320 = arith.shli %and3A_1317, %shift_left3A_1319 : vector<16xi32>
        %add3A_1321 = arith.addi %shift_left3A_1320, %add3A_694 : vector<16xi32>
        tpu.vector_store_idx %arg9[%shift_right_arithmetic3A_1314, %add3A_1321], %gather3A_1311 : memref<8x1024xf32, #tpu.memory_space<vmem>>[vector<16xi32>, vector<16xi32>], vector<16xf32>,
        %add3A_1322 = arith.constant 32 : i32
        %add3A_1323 = vector.broadcast %add3A_1322 : i32 to vector<16xi32>
        %add3A_1324 = arith.addi %select_n3A_345, %add3A_1323 : vector<16xi32>
        %gather3A_1325 = tpu.vector_load_idx %arg7[%add3A_694, %add3A_1324] : memref<128x64xf32, #tpu.memory_space<vmem>>[vector<16xi32>, vector<16xi32>], vector<16xf32>,
        %shift_right_arithmetic3A_1326 = arith.constant 3 : i32
        %shift_right_arithmetic3A_1327 = vector.broadcast %shift_right_arithmetic3A_1326 : i32 to vector<16xi32>
        %shift_right_arithmetic3A_1328 = arith.shrsi %add3A_1324, %shift_right_arithmetic3A_1327 : vector<16xi32>
        %and3A_1329 = arith.constant 7 : i32
        %and3A_1330 = vector.broadcast %and3A_1329 : i32 to vector<16xi32>
        %and3A_1331 = arith.andi %add3A_1324, %and3A_1330 : vector<16xi32>
        %shift_left3A_1332 = arith.constant 7 : i32
        %shift_left3A_1333 = vector.broadcast %shift_left3A_1332 : i32 to vector<16xi32>
        %shift_left3A_1334 = arith.shli %and3A_1331, %shift_left3A_1333 : vector<16xi32>
        %add3A_1335 = arith.addi %shift_left3A_1334, %add3A_694 : vector<16xi32>
        tpu.vector_store_idx %arg9[%shift_right_arithmetic3A_1328, %add3A_1335], %gather3A_1325 : memref<8x1024xf32, #tpu.memory_space<vmem>>[vector<16xi32>, vector<16xi32>], vector<16xf32>,
        %add3A_1336 = arith.constant 32 : i32
        %add3A_1337 = vector.broadcast %add3A_1336 : i32 to vector<16xi32>
        %add3A_1338 = arith.addi %select_n3A_370, %add3A_1337 : vector<16xi32>
        %gather3A_1339 = tpu.vector_load_idx %arg7[%add3A_694, %add3A_1338] : memref<128x64xf32, #tpu.memory_space<vmem>>[vector<16xi32>, vector<16xi32>], vector<16xf32>,
        %shift_right_arithmetic3A_1340 = arith.constant 3 : i32
        %shift_right_arithmetic3A_1341 = vector.broadcast %shift_right_arithmetic3A_1340 : i32 to vector<16xi32>
        %shift_right_arithmetic3A_1342 = arith.shrsi %add3A_1338, %shift_right_arithmetic3A_1341 : vector<16xi32>
        %and3A_1343 = arith.constant 7 : i32
        %and3A_1344 = vector.broadcast %and3A_1343 : i32 to vector<16xi32>
        %and3A_1345 = arith.andi %add3A_1338, %and3A_1344 : vector<16xi32>
        %shift_left3A_1346 = arith.constant 7 : i32
        %shift_left3A_1347 = vector.broadcast %shift_left3A_1346 : i32 to vector<16xi32>
        %shift_left3A_1348 = arith.shli %and3A_1345, %shift_left3A_1347 : vector<16xi32>
        %add3A_1349 = arith.addi %shift_left3A_1348, %add3A_694 : vector<16xi32>
        tpu.vector_store_idx %arg9[%shift_right_arithmetic3A_1342, %add3A_1349], %gather3A_1339 : memref<8x1024xf32, #tpu.memory_space<vmem>>[vector<16xi32>, vector<16xi32>], vector<16xf32>,
        %add3A_1350 = arith.constant 32 : i32
        %add3A_1351 = vector.broadcast %add3A_1350 : i32 to vector<16xi32>
        %add3A_1352 = arith.addi %select_n3A_395, %add3A_1351 : vector<16xi32>
        %gather3A_1353 = tpu.vector_load_idx %arg7[%add3A_694, %add3A_1352] : memref<128x64xf32, #tpu.memory_space<vmem>>[vector<16xi32>, vector<16xi32>], vector<16xf32>,
        %shift_right_arithmetic3A_1354 = arith.constant 3 : i32
        %shift_right_arithmetic3A_1355 = vector.broadcast %shift_right_arithmetic3A_1354 : i32 to vector<16xi32>
        %shift_right_arithmetic3A_1356 = arith.shrsi %add3A_1352, %shift_right_arithmetic3A_1355 : vector<16xi32>
        %and3A_1357 = arith.constant 7 : i32
        %and3A_1358 = vector.broadcast %and3A_1357 : i32 to vector<16xi32>
        %and3A_1359 = arith.andi %add3A_1352, %and3A_1358 : vector<16xi32>
        %shift_left3A_1360 = arith.constant 7 : i32
        %shift_left3A_1361 = vector.broadcast %shift_left3A_1360 : i32 to vector<16xi32>
        %shift_left3A_1362 = arith.shli %and3A_1359, %shift_left3A_1361 : vector<16xi32>
        %add3A_1363 = arith.addi %shift_left3A_1362, %add3A_694 : vector<16xi32>
        tpu.vector_store_idx %arg9[%shift_right_arithmetic3A_1356, %add3A_1363], %gather3A_1353 : memref<8x1024xf32, #tpu.memory_space<vmem>>[vector<16xi32>, vector<16xi32>], vector<16xf32>,
        %add3A_1364 = arith.constant 48 : i32
        %add3A_1365 = vector.broadcast %add3A_1364 : i32 to vector<16xi32>
        %add3A_1366 = arith.addi %select_n3A_20, %add3A_1365 : vector<16xi32>
        %gather3A_1367 = tpu.vector_load_idx %arg7[%add3A_694, %add3A_1366] : memref<128x64xf32, #tpu.memory_space<vmem>>[vector<16xi32>, vector<16xi32>], vector<16xf32>,
        %shift_right_arithmetic3A_1368 = arith.constant 3 : i32
        %shift_right_arithmetic3A_1369 = vector.broadcast %shift_right_arithmetic3A_1368 : i32 to vector<16xi32>
        %shift_right_arithmetic3A_1370 = arith.shrsi %add3A_1366, %shift_right_arithmetic3A_1369 : vector<16xi32>
        %and3A_1371 = arith.constant 7 : i32
        %and3A_1372 = vector.broadcast %and3A_1371 : i32 to vector<16xi32>
        %and3A_1373 = arith.andi %add3A_1366, %and3A_1372 : vector<16xi32>
        %shift_left3A_1374 = arith.constant 7 : i32
        %shift_left3A_1375 = vector.broadcast %shift_left3A_1374 : i32 to vector<16xi32>
        %shift_left3A_1376 = arith.shli %and3A_1373, %shift_left3A_1375 : vector<16xi32>
        %add3A_1377 = arith.addi %shift_left3A_1376, %add3A_694 : vector<16xi32>
        tpu.vector_store_idx %arg9[%shift_right_arithmetic3A_1370, %add3A_1377], %gather3A_1367 : memref<8x1024xf32, #tpu.memory_space<vmem>>[vector<16xi32>, vector<16xi32>], vector<16xf32>,
        %add3A_1378 = arith.constant 48 : i32
        %add3A_1379 = vector.broadcast %add3A_1378 : i32 to vector<16xi32>
        %add3A_1380 = arith.addi %select_n3A_45, %add3A_1379 : vector<16xi32>
        %gather3A_1381 = tpu.vector_load_idx %arg7[%add3A_694, %add3A_1380] : memref<128x64xf32, #tpu.memory_space<vmem>>[vector<16xi32>, vector<16xi32>], vector<16xf32>,
        %shift_right_arithmetic3A_1382 = arith.constant 3 : i32
        %shift_right_arithmetic3A_1383 = vector.broadcast %shift_right_arithmetic3A_1382 : i32 to vector<16xi32>
        %shift_right_arithmetic3A_1384 = arith.shrsi %add3A_1380, %shift_right_arithmetic3A_1383 : vector<16xi32>
        %and3A_1385 = arith.constant 7 : i32
        %and3A_1386 = vector.broadcast %and3A_1385 : i32 to vector<16xi32>
        %and3A_1387 = arith.andi %add3A_1380, %and3A_1386 : vector<16xi32>
        %shift_left3A_1388 = arith.constant 7 : i32
        %shift_left3A_1389 = vector.broadcast %shift_left3A_1388 : i32 to vector<16xi32>
        %shift_left3A_1390 = arith.shli %and3A_1387, %shift_left3A_1389 : vector<16xi32>
        %add3A_1391 = arith.addi %shift_left3A_1390, %add3A_694 : vector<16xi32>
        tpu.vector_store_idx %arg9[%shift_right_arithmetic3A_1384, %add3A_1391], %gather3A_1381 : memref<8x1024xf32, #tpu.memory_space<vmem>>[vector<16xi32>, vector<16xi32>], vector<16xf32>,
        %add3A_1392 = arith.constant 48 : i32
        %add3A_1393 = vector.broadcast %add3A_1392 : i32 to vector<16xi32>
        %add3A_1394 = arith.addi %select_n3A_70, %add3A_1393 : vector<16xi32>
        %gather3A_1395 = tpu.vector_load_idx %arg7[%add3A_694, %add3A_1394] : memref<128x64xf32, #tpu.memory_space<vmem>>[vector<16xi32>, vector<16xi32>], vector<16xf32>,
        %shift_right_arithmetic3A_1396 = arith.constant 3 : i32
        %shift_right_arithmetic3A_1397 = vector.broadcast %shift_right_arithmetic3A_1396 : i32 to vector<16xi32>
        %shift_right_arithmetic3A_1398 = arith.shrsi %add3A_1394, %shift_right_arithmetic3A_1397 : vector<16xi32>
        %and3A_1399 = arith.constant 7 : i32
        %and3A_1400 = vector.broadcast %and3A_1399 : i32 to vector<16xi32>
        %and3A_1401 = arith.andi %add3A_1394, %and3A_1400 : vector<16xi32>
        %shift_left3A_1402 = arith.constant 7 : i32
        %shift_left3A_1403 = vector.broadcast %shift_left3A_1402 : i32 to vector<16xi32>
        %shift_left3A_1404 = arith.shli %and3A_1401, %shift_left3A_1403 : vector<16xi32>
        %add3A_1405 = arith.addi %shift_left3A_1404, %add3A_694 : vector<16xi32>
        tpu.vector_store_idx %arg9[%shift_right_arithmetic3A_1398, %add3A_1405], %gather3A_1395 : memref<8x1024xf32, #tpu.memory_space<vmem>>[vector<16xi32>, vector<16xi32>], vector<16xf32>,
        %add3A_1406 = arith.constant 48 : i32
        %add3A_1407 = vector.broadcast %add3A_1406 : i32 to vector<16xi32>
        %add3A_1408 = arith.addi %select_n3A_95, %add3A_1407 : vector<16xi32>
        %gather3A_1409 = tpu.vector_load_idx %arg7[%add3A_694, %add3A_1408] : memref<128x64xf32, #tpu.memory_space<vmem>>[vector<16xi32>, vector<16xi32>], vector<16xf32>,
        %shift_right_arithmetic3A_1410 = arith.constant 3 : i32
        %shift_right_arithmetic3A_1411 = vector.broadcast %shift_right_arithmetic3A_1410 : i32 to vector<16xi32>
        %shift_right_arithmetic3A_1412 = arith.shrsi %add3A_1408, %shift_right_arithmetic3A_1411 : vector<16xi32>
        %and3A_1413 = arith.constant 7 : i32
        %and3A_1414 = vector.broadcast %and3A_1413 : i32 to vector<16xi32>
        %and3A_1415 = arith.andi %add3A_1408, %and3A_1414 : vector<16xi32>
        %shift_left3A_1416 = arith.constant 7 : i32
        %shift_left3A_1417 = vector.broadcast %shift_left3A_1416 : i32 to vector<16xi32>
        %shift_left3A_1418 = arith.shli %and3A_1415, %shift_left3A_1417 : vector<16xi32>
        %add3A_1419 = arith.addi %shift_left3A_1418, %add3A_694 : vector<16xi32>
        tpu.vector_store_idx %arg9[%shift_right_arithmetic3A_1412, %add3A_1419], %gather3A_1409 : memref<8x1024xf32, #tpu.memory_space<vmem>>[vector<16xi32>, vector<16xi32>], vector<16xf32>,
        %add3A_1420 = arith.constant 48 : i32
        %add3A_1421 = vector.broadcast %add3A_1420 : i32 to vector<16xi32>
        %add3A_1422 = arith.addi %select_n3A_120, %add3A_1421 : vector<16xi32>
        %gather3A_1423 = tpu.vector_load_idx %arg7[%add3A_694, %add3A_1422] : memref<128x64xf32, #tpu.memory_space<vmem>>[vector<16xi32>, vector<16xi32>], vector<16xf32>,
        %shift_right_arithmetic3A_1424 = arith.constant 3 : i32
        %shift_right_arithmetic3A_1425 = vector.broadcast %shift_right_arithmetic3A_1424 : i32 to vector<16xi32>
        %shift_right_arithmetic3A_1426 = arith.shrsi %add3A_1422, %shift_right_arithmetic3A_1425 : vector<16xi32>
        %and3A_1427 = arith.constant 7 : i32
        %and3A_1428 = vector.broadcast %and3A_1427 : i32 to vector<16xi32>
        %and3A_1429 = arith.andi %add3A_1422, %and3A_1428 : vector<16xi32>
        %shift_left3A_1430 = arith.constant 7 : i32
        %shift_left3A_1431 = vector.broadcast %shift_left3A_1430 : i32 to vector<16xi32>
        %shift_left3A_1432 = arith.shli %and3A_1429, %shift_left3A_1431 : vector<16xi32>
        %add3A_1433 = arith.addi %shift_left3A_1432, %add3A_694 : vector<16xi32>
        tpu.vector_store_idx %arg9[%shift_right_arithmetic3A_1426, %add3A_1433], %gather3A_1423 : memref<8x1024xf32, #tpu.memory_space<vmem>>[vector<16xi32>, vector<16xi32>], vector<16xf32>,
        %add3A_1434 = arith.constant 48 : i32
        %add3A_1435 = vector.broadcast %add3A_1434 : i32 to vector<16xi32>
        %add3A_1436 = arith.addi %select_n3A_145, %add3A_1435 : vector<16xi32>
        %gather3A_1437 = tpu.vector_load_idx %arg7[%add3A_694, %add3A_1436] : memref<128x64xf32, #tpu.memory_space<vmem>>[vector<16xi32>, vector<16xi32>], vector<16xf32>,
        %shift_right_arithmetic3A_1438 = arith.constant 3 : i32
        %shift_right_arithmetic3A_1439 = vector.broadcast %shift_right_arithmetic3A_1438 : i32 to vector<16xi32>
        %shift_right_arithmetic3A_1440 = arith.shrsi %add3A_1436, %shift_right_arithmetic3A_1439 : vector<16xi32>
        %and3A_1441 = arith.constant 7 : i32
        %and3A_1442 = vector.broadcast %and3A_1441 : i32 to vector<16xi32>
        %and3A_1443 = arith.andi %add3A_1436, %and3A_1442 : vector<16xi32>
        %shift_left3A_1444 = arith.constant 7 : i32
        %shift_left3A_1445 = vector.broadcast %shift_left3A_1444 : i32 to vector<16xi32>
        %shift_left3A_1446 = arith.shli %and3A_1443, %shift_left3A_1445 : vector<16xi32>
        %add3A_1447 = arith.addi %shift_left3A_1446, %add3A_694 : vector<16xi32>
        tpu.vector_store_idx %arg9[%shift_right_arithmetic3A_1440, %add3A_1447], %gather3A_1437 : memref<8x1024xf32, #tpu.memory_space<vmem>>[vector<16xi32>, vector<16xi32>], vector<16xf32>,
        %add3A_1448 = arith.constant 48 : i32
        %add3A_1449 = vector.broadcast %add3A_1448 : i32 to vector<16xi32>
        %add3A_1450 = arith.addi %select_n3A_170, %add3A_1449 : vector<16xi32>
        %gather3A_1451 = tpu.vector_load_idx %arg7[%add3A_694, %add3A_1450] : memref<128x64xf32, #tpu.memory_space<vmem>>[vector<16xi32>, vector<16xi32>], vector<16xf32>,
        %shift_right_arithmetic3A_1452 = arith.constant 3 : i32
        %shift_right_arithmetic3A_1453 = vector.broadcast %shift_right_arithmetic3A_1452 : i32 to vector<16xi32>
        %shift_right_arithmetic3A_1454 = arith.shrsi %add3A_1450, %shift_right_arithmetic3A_1453 : vector<16xi32>
        %and3A_1455 = arith.constant 7 : i32
        %and3A_1456 = vector.broadcast %and3A_1455 : i32 to vector<16xi32>
        %and3A_1457 = arith.andi %add3A_1450, %and3A_1456 : vector<16xi32>
        %shift_left3A_1458 = arith.constant 7 : i32
        %shift_left3A_1459 = vector.broadcast %shift_left3A_1458 : i32 to vector<16xi32>
        %shift_left3A_1460 = arith.shli %and3A_1457, %shift_left3A_1459 : vector<16xi32>
        %add3A_1461 = arith.addi %shift_left3A_1460, %add3A_694 : vector<16xi32>
        tpu.vector_store_idx %arg9[%shift_right_arithmetic3A_1454, %add3A_1461], %gather3A_1451 : memref<8x1024xf32, #tpu.memory_space<vmem>>[vector<16xi32>, vector<16xi32>], vector<16xf32>,
        %add3A_1462 = arith.constant 48 : i32
        %add3A_1463 = vector.broadcast %add3A_1462 : i32 to vector<16xi32>
        %add3A_1464 = arith.addi %select_n3A_195, %add3A_1463 : vector<16xi32>
        %gather3A_1465 = tpu.vector_load_idx %arg7[%add3A_694, %add3A_1464] : memref<128x64xf32, #tpu.memory_space<vmem>>[vector<16xi32>, vector<16xi32>], vector<16xf32>,
        %shift_right_arithmetic3A_1466 = arith.constant 3 : i32
        %shift_right_arithmetic3A_1467 = vector.broadcast %shift_right_arithmetic3A_1466 : i32 to vector<16xi32>
        %shift_right_arithmetic3A_1468 = arith.shrsi %add3A_1464, %shift_right_arithmetic3A_1467 : vector<16xi32>
        %and3A_1469 = arith.constant 7 : i32
        %and3A_1470 = vector.broadcast %and3A_1469 : i32 to vector<16xi32>
        %and3A_1471 = arith.andi %add3A_1464, %and3A_1470 : vector<16xi32>
        %shift_left3A_1472 = arith.constant 7 : i32
        %shift_left3A_1473 = vector.broadcast %shift_left3A_1472 : i32 to vector<16xi32>
        %shift_left3A_1474 = arith.shli %and3A_1471, %shift_left3A_1473 : vector<16xi32>
        %add3A_1475 = arith.addi %shift_left3A_1474, %add3A_694 : vector<16xi32>
        tpu.vector_store_idx %arg9[%shift_right_arithmetic3A_1468, %add3A_1475], %gather3A_1465 : memref<8x1024xf32, #tpu.memory_space<vmem>>[vector<16xi32>, vector<16xi32>], vector<16xf32>,
        %add3A_1476 = arith.constant 48 : i32
        %add3A_1477 = vector.broadcast %add3A_1476 : i32 to vector<16xi32>
        %add3A_1478 = arith.addi %select_n3A_220, %add3A_1477 : vector<16xi32>
        %gather3A_1479 = tpu.vector_load_idx %arg7[%add3A_694, %add3A_1478] : memref<128x64xf32, #tpu.memory_space<vmem>>[vector<16xi32>, vector<16xi32>], vector<16xf32>,
        %shift_right_arithmetic3A_1480 = arith.constant 3 : i32
        %shift_right_arithmetic3A_1481 = vector.broadcast %shift_right_arithmetic3A_1480 : i32 to vector<16xi32>
        %shift_right_arithmetic3A_1482 = arith.shrsi %add3A_1478, %shift_right_arithmetic3A_1481 : vector<16xi32>
        %and3A_1483 = arith.constant 7 : i32
        %and3A_1484 = vector.broadcast %and3A_1483 : i32 to vector<16xi32>
        %and3A_1485 = arith.andi %add3A_1478, %and3A_1484 : vector<16xi32>
        %shift_left3A_1486 = arith.constant 7 : i32
        %shift_left3A_1487 = vector.broadcast %shift_left3A_1486 : i32 to vector<16xi32>
        %shift_left3A_1488 = arith.shli %and3A_1485, %shift_left3A_1487 : vector<16xi32>
        %add3A_1489 = arith.addi %shift_left3A_1488, %add3A_694 : vector<16xi32>
        tpu.vector_store_idx %arg9[%shift_right_arithmetic3A_1482, %add3A_1489], %gather3A_1479 : memref<8x1024xf32, #tpu.memory_space<vmem>>[vector<16xi32>, vector<16xi32>], vector<16xf32>,
        %add3A_1490 = arith.constant 48 : i32
        %add3A_1491 = vector.broadcast %add3A_1490 : i32 to vector<16xi32>
        %add3A_1492 = arith.addi %select_n3A_245, %add3A_1491 : vector<16xi32>
        %gather3A_1493 = tpu.vector_load_idx %arg7[%add3A_694, %add3A_1492] : memref<128x64xf32, #tpu.memory_space<vmem>>[vector<16xi32>, vector<16xi32>], vector<16xf32>,
        %shift_right_arithmetic3A_1494 = arith.constant 3 : i32
        %shift_right_arithmetic3A_1495 = vector.broadcast %shift_right_arithmetic3A_1494 : i32 to vector<16xi32>
        %shift_right_arithmetic3A_1496 = arith.shrsi %add3A_1492, %shift_right_arithmetic3A_1495 : vector<16xi32>
        %and3A_1497 = arith.constant 7 : i32
        %and3A_1498 = vector.broadcast %and3A_1497 : i32 to vector<16xi32>
        %and3A_1499 = arith.andi %add3A_1492, %and3A_1498 : vector<16xi32>
        %shift_left3A_1500 = arith.constant 7 : i32
        %shift_left3A_1501 = vector.broadcast %shift_left3A_1500 : i32 to vector<16xi32>
        %shift_left3A_1502 = arith.shli %and3A_1499, %shift_left3A_1501 : vector<16xi32>
        %add3A_1503 = arith.addi %shift_left3A_1502, %add3A_694 : vector<16xi32>
        tpu.vector_store_idx %arg9[%shift_right_arithmetic3A_1496, %add3A_1503], %gather3A_1493 : memref<8x1024xf32, #tpu.memory_space<vmem>>[vector<16xi32>, vector<16xi32>], vector<16xf32>,
        %add3A_1504 = arith.constant 48 : i32
        %add3A_1505 = vector.broadcast %add3A_1504 : i32 to vector<16xi32>
        %add3A_1506 = arith.addi %select_n3A_270, %add3A_1505 : vector<16xi32>
        %gather3A_1507 = tpu.vector_load_idx %arg7[%add3A_694, %add3A_1506] : memref<128x64xf32, #tpu.memory_space<vmem>>[vector<16xi32>, vector<16xi32>], vector<16xf32>,
        %shift_right_arithmetic3A_1508 = arith.constant 3 : i32
        %shift_right_arithmetic3A_1509 = vector.broadcast %shift_right_arithmetic3A_1508 : i32 to vector<16xi32>
        %shift_right_arithmetic3A_1510 = arith.shrsi %add3A_1506, %shift_right_arithmetic3A_1509 : vector<16xi32>
        %and3A_1511 = arith.constant 7 : i32
        %and3A_1512 = vector.broadcast %and3A_1511 : i32 to vector<16xi32>
        %and3A_1513 = arith.andi %add3A_1506, %and3A_1512 : vector<16xi32>
        %shift_left3A_1514 = arith.constant 7 : i32
        %shift_left3A_1515 = vector.broadcast %shift_left3A_1514 : i32 to vector<16xi32>
        %shift_left3A_1516 = arith.shli %and3A_1513, %shift_left3A_1515 : vector<16xi32>
        %add3A_1517 = arith.addi %shift_left3A_1516, %add3A_694 : vector<16xi32>
        tpu.vector_store_idx %arg9[%shift_right_arithmetic3A_1510, %add3A_1517], %gather3A_1507 : memref<8x1024xf32, #tpu.memory_space<vmem>>[vector<16xi32>, vector<16xi32>], vector<16xf32>,
        %add3A_1518 = arith.constant 48 : i32
        %add3A_1519 = vector.broadcast %add3A_1518 : i32 to vector<16xi32>
        %add3A_1520 = arith.addi %select_n3A_295, %add3A_1519 : vector<16xi32>
        %gather3A_1521 = tpu.vector_load_idx %arg7[%add3A_694, %add3A_1520] : memref<128x64xf32, #tpu.memory_space<vmem>>[vector<16xi32>, vector<16xi32>], vector<16xf32>,
        %shift_right_arithmetic3A_1522 = arith.constant 3 : i32
        %shift_right_arithmetic3A_1523 = vector.broadcast %shift_right_arithmetic3A_1522 : i32 to vector<16xi32>
        %shift_right_arithmetic3A_1524 = arith.shrsi %add3A_1520, %shift_right_arithmetic3A_1523 : vector<16xi32>
        %and3A_1525 = arith.constant 7 : i32
        %and3A_1526 = vector.broadcast %and3A_1525 : i32 to vector<16xi32>
        %and3A_1527 = arith.andi %add3A_1520, %and3A_1526 : vector<16xi32>
        %shift_left3A_1528 = arith.constant 7 : i32
        %shift_left3A_1529 = vector.broadcast %shift_left3A_1528 : i32 to vector<16xi32>
        %shift_left3A_1530 = arith.shli %and3A_1527, %shift_left3A_1529 : vector<16xi32>
        %add3A_1531 = arith.addi %shift_left3A_1530, %add3A_694 : vector<16xi32>
        tpu.vector_store_idx %arg9[%shift_right_arithmetic3A_1524, %add3A_1531], %gather3A_1521 : memref<8x1024xf32, #tpu.memory_space<vmem>>[vector<16xi32>, vector<16xi32>], vector<16xf32>,
        %add3A_1532 = arith.constant 48 : i32
        %add3A_1533 = vector.broadcast %add3A_1532 : i32 to vector<16xi32>
        %add3A_1534 = arith.addi %select_n3A_320, %add3A_1533 : vector<16xi32>
        %gather3A_1535 = tpu.vector_load_idx %arg7[%add3A_694, %add3A_1534] : memref<128x64xf32, #tpu.memory_space<vmem>>[vector<16xi32>, vector<16xi32>], vector<16xf32>,
        %shift_right_arithmetic3A_1536 = arith.constant 3 : i32
        %shift_right_arithmetic3A_1537 = vector.broadcast %shift_right_arithmetic3A_1536 : i32 to vector<16xi32>
        %shift_right_arithmetic3A_1538 = arith.shrsi %add3A_1534, %shift_right_arithmetic3A_1537 : vector<16xi32>
        %and3A_1539 = arith.constant 7 : i32
        %and3A_1540 = vector.broadcast %and3A_1539 : i32 to vector<16xi32>
        %and3A_1541 = arith.andi %add3A_1534, %and3A_1540 : vector<16xi32>
        %shift_left3A_1542 = arith.constant 7 : i32
        %shift_left3A_1543 = vector.broadcast %shift_left3A_1542 : i32 to vector<16xi32>
        %shift_left3A_1544 = arith.shli %and3A_1541, %shift_left3A_1543 : vector<16xi32>
        %add3A_1545 = arith.addi %shift_left3A_1544, %add3A_694 : vector<16xi32>
        tpu.vector_store_idx %arg9[%shift_right_arithmetic3A_1538, %add3A_1545], %gather3A_1535 : memref<8x1024xf32, #tpu.memory_space<vmem>>[vector<16xi32>, vector<16xi32>], vector<16xf32>,
        %add3A_1546 = arith.constant 48 : i32
        %add3A_1547 = vector.broadcast %add3A_1546 : i32 to vector<16xi32>
        %add3A_1548 = arith.addi %select_n3A_345, %add3A_1547 : vector<16xi32>
        %gather3A_1549 = tpu.vector_load_idx %arg7[%add3A_694, %add3A_1548] : memref<128x64xf32, #tpu.memory_space<vmem>>[vector<16xi32>, vector<16xi32>], vector<16xf32>,
        %shift_right_arithmetic3A_1550 = arith.constant 3 : i32
        %shift_right_arithmetic3A_1551 = vector.broadcast %shift_right_arithmetic3A_1550 : i32 to vector<16xi32>
        %shift_right_arithmetic3A_1552 = arith.shrsi %add3A_1548, %shift_right_arithmetic3A_1551 : vector<16xi32>
        %and3A_1553 = arith.constant 7 : i32
        %and3A_1554 = vector.broadcast %and3A_1553 : i32 to vector<16xi32>
        %and3A_1555 = arith.andi %add3A_1548, %and3A_1554 : vector<16xi32>
        %shift_left3A_1556 = arith.constant 7 : i32
        %shift_left3A_1557 = vector.broadcast %shift_left3A_1556 : i32 to vector<16xi32>
        %shift_left3A_1558 = arith.shli %and3A_1555, %shift_left3A_1557 : vector<16xi32>
        %add3A_1559 = arith.addi %shift_left3A_1558, %add3A_694 : vector<16xi32>
        tpu.vector_store_idx %arg9[%shift_right_arithmetic3A_1552, %add3A_1559], %gather3A_1549 : memref<8x1024xf32, #tpu.memory_space<vmem>>[vector<16xi32>, vector<16xi32>], vector<16xf32>,
        %add3A_1560 = arith.constant 48 : i32
        %add3A_1561 = vector.broadcast %add3A_1560 : i32 to vector<16xi32>
        %add3A_1562 = arith.addi %select_n3A_370, %add3A_1561 : vector<16xi32>
        %gather3A_1563 = tpu.vector_load_idx %arg7[%add3A_694, %add3A_1562] : memref<128x64xf32, #tpu.memory_space<vmem>>[vector<16xi32>, vector<16xi32>], vector<16xf32>,
        %shift_right_arithmetic3A_1564 = arith.constant 3 : i32
        %shift_right_arithmetic3A_1565 = vector.broadcast %shift_right_arithmetic3A_1564 : i32 to vector<16xi32>
        %shift_right_arithmetic3A_1566 = arith.shrsi %add3A_1562, %shift_right_arithmetic3A_1565 : vector<16xi32>
        %and3A_1567 = arith.constant 7 : i32
        %and3A_1568 = vector.broadcast %and3A_1567 : i32 to vector<16xi32>
        %and3A_1569 = arith.andi %add3A_1562, %and3A_1568 : vector<16xi32>
        %shift_left3A_1570 = arith.constant 7 : i32
        %shift_left3A_1571 = vector.broadcast %shift_left3A_1570 : i32 to vector<16xi32>
        %shift_left3A_1572 = arith.shli %and3A_1569, %shift_left3A_1571 : vector<16xi32>
        %add3A_1573 = arith.addi %shift_left3A_1572, %add3A_694 : vector<16xi32>
        tpu.vector_store_idx %arg9[%shift_right_arithmetic3A_1566, %add3A_1573], %gather3A_1563 : memref<8x1024xf32, #tpu.memory_space<vmem>>[vector<16xi32>, vector<16xi32>], vector<16xf32>,
        %add3A_1574 = arith.constant 48 : i32
        %add3A_1575 = vector.broadcast %add3A_1574 : i32 to vector<16xi32>
        %add3A_1576 = arith.addi %select_n3A_395, %add3A_1575 : vector<16xi32>
        %gather3A_1577 = tpu.vector_load_idx %arg7[%add3A_694, %add3A_1576] : memref<128x64xf32, #tpu.memory_space<vmem>>[vector<16xi32>, vector<16xi32>], vector<16xf32>,
        %shift_right_arithmetic3A_1578 = arith.constant 3 : i32
        %shift_right_arithmetic3A_1579 = vector.broadcast %shift_right_arithmetic3A_1578 : i32 to vector<16xi32>
        %shift_right_arithmetic3A_1580 = arith.shrsi %add3A_1576, %shift_right_arithmetic3A_1579 : vector<16xi32>
        %and3A_1581 = arith.constant 7 : i32
        %and3A_1582 = vector.broadcast %and3A_1581 : i32 to vector<16xi32>
        %and3A_1583 = arith.andi %add3A_1576, %and3A_1582 : vector<16xi32>
        %shift_left3A_1584 = arith.constant 7 : i32
        %shift_left3A_1585 = vector.broadcast %shift_left3A_1584 : i32 to vector<16xi32>
        %shift_left3A_1586 = arith.shli %and3A_1583, %shift_left3A_1585 : vector<16xi32>
        %add3A_1587 = arith.addi %shift_left3A_1586, %add3A_694 : vector<16xi32>
        tpu.vector_store_idx %arg9[%shift_right_arithmetic3A_1580, %add3A_1587], %gather3A_1577 : memref<8x1024xf32, #tpu.memory_space<vmem>>[vector<16xi32>, vector<16xi32>], vector<16xf32>,
      }
      %scan3A_556 = arith.constant 8 : i32
      %jit3A_557 = arith.constant 32 : i32
      %div3A_558 = arith.divsi %add3A_537, %jit3A_557 : i32
      %sign3A_559 = arith.constant 0 : i32
      %sign3A_560 = arith.cmpi sgt, %add3A_537, %sign3A_559 : i32
      %sign3A_561 = arith.extui %sign3A_560 : i1 to i32
      %sign3A_562 = arith.constant 0 : i32
      %sign3A_563 = arith.cmpi slt, %add3A_537, %sign3A_562 : i32
      %sign3A_564 = arith.extui %sign3A_563 : i1 to i32
      %sign3A_565 = arith.subi %sign3A_561, %sign3A_564 : i32
      %sign3A_566 = arith.constant 0 : i32
      %sign3A_567 = arith.cmpi sgt, %jit3A_557, %sign3A_566 : i32
      %sign3A_568 = arith.extui %sign3A_567 : i1 to i32
      %sign3A_569 = arith.constant 0 : i32
      %sign3A_570 = arith.cmpi slt, %jit3A_557, %sign3A_569 : i32
      %sign3A_571 = arith.extui %sign3A_570 : i1 to i32
      %sign3A_572 = arith.subi %sign3A_568, %sign3A_571 : i32
      %ne3A_573 = arith.cmpi ne, %sign3A_565, %sign3A_572 : i32
      %rem3A_574 = arith.remsi %add3A_537, %jit3A_557 : i32
      %ne3A_575 = arith.constant 0 : i32
      %ne3A_576 = arith.cmpi ne, %rem3A_574, %ne3A_575 : i32
      %and3A_577 = arith.andi %ne3A_573, %ne3A_576 : i1
      %sub3A_578 = arith.constant 1 : i32
      %sub3A_579 = arith.subi %div3A_558, %sub3A_578 : i32
      %select_n3A_580 = arith.select %and3A_577, %sub3A_579, %div3A_558 : i32
      %jit3A_581 = arith.constant 32 : i32
      %eq3A_582 = arith.constant 0 : i32
      %eq3A_583 = arith.cmpi eq, %jit3A_581, %eq3A_582 : i32
      %jit3A_584 = arith.constant 1 : i32
      %select_n3A_585 = arith.select %eq3A_583, %jit3A_584, %jit3A_581 : i32
      %rem3A_586 = arith.remsi %add3A_537, %select_n3A_585 : i32
      %ne3A_587 = arith.constant 0 : i32
      %ne3A_588 = arith.cmpi ne, %rem3A_586, %ne3A_587 : i32
      %lt3A_589 = arith.constant 0 : i32
      %lt3A_590 = arith.cmpi slt, %rem3A_586, %lt3A_589 : i32
      %lt3A_591 = arith.constant 0 : i32
      %lt3A_592 = arith.cmpi slt, %select_n3A_585, %lt3A_591 : i32
      %ne3A_593 = arith.xori %lt3A_590, %lt3A_592 : i1
      %and3A_594 = arith.andi %ne3A_593, %ne3A_588 : i1
      %add3A_595 = arith.addi %rem3A_586, %select_n3A_585 : i32
      %select_n3A_596 = arith.select %and3A_594, %add3A_595, %rem3A_586 : i32
      %dma_start3A_597 = arith.constant 0 : i32
      %dma_start3A_598 = arith.constant 0 : i32
      %dma_start3A_599 = tpu.memref_slice %arg4[%select_n3A_580, %dma_start3A_597, %select_n3A_596, %dma_start3A_598] : memref<200x8x32x1024xf32, #tpu.memory_space<hbm>> -> memref<1x8x1x1024xf32, #tpu.memory_space<hbm>>
      %dma_start3A_600 = tpu.memref_squeeze %dma_start3A_599 : memref<1x8x1x1024xf32, #tpu.memory_space<hbm>> -> memref<8x1024xf32, #tpu.memory_space<hbm>>
      %dma_start3A_601 = arith.constant 0 : i32
      %dma_start3A_602 = arith.constant 0 : i32
      %dma_start3A_603 = tpu.memref_slice %arg4[%select_n3A_580, %dma_start3A_601, %select_n3A_596, %dma_start3A_602] : memref<200x8x32x1024xf32, #tpu.memory_space<hbm>> -> memref<1x8x1x1024xf32, #tpu.memory_space<hbm>>
      %dma_start3A_604 = tpu.memref_squeeze %dma_start3A_603 : memref<1x8x1x1024xf32, #tpu.memory_space<hbm>> -> memref<8x1024xf32, #tpu.memory_space<hbm>>
      tpu.enqueue_dma source(%arg9 : memref<8x1024xf32, #tpu.memory_space<vmem>>) target(%dma_start3A_604 : memref<8x1024xf32, #tpu.memory_space<hbm>>) target_semaphore(%arg15 : memref<!tpu.dma_semaphore, #tpu.memory_space<semaphore_mem>>)
      %lt3A_605 = arith.constant 99 : i32
      %lt3A_606 = arith.cmpi slt, %scan3A_532, %lt3A_605 : i32
      %convert_element_type3A_607 = arith.extui %lt3A_606 : i1 to i32
      %cond3A_608 = arith.constant 0 : i32
      %cond3A_609 = arith.cmpi ne, %convert_element_type3A_607, %cond3A_608 : i32
      scf.if %cond3A_609 {
        %dma_wait3A_690 = arith.constant 0 : i32
        %dma_wait3A_691 = arith.constant 0 : i32
        %dma_wait3A_692 = tpu.memref_slice %arg2[%dma_wait3A_690, %dma_wait3A_691] : memref<200x4096xi32, #tpu.memory_space<hbm>> -> memref<1x128xi32, #tpu.memory_space<hbm>>
        %dma_wait3A_693 = tpu.memref_squeeze %dma_wait3A_692 : memref<1x128xi32, #tpu.memory_space<hbm>> -> memref<128xi32, #tpu.memory_space<hbm>>
        %dma_wait3A_694 = arith.constant 0 : i32
        %dma_wait3A_695 = tpu.memref_slice %arg2[%dma_wait3A_690, %dma_wait3A_694] : memref<200x4096xi32, #tpu.memory_space<hbm>> -> memref<1x128xi32, #tpu.memory_space<hbm>>
        %dma_wait3A_696 = tpu.memref_squeeze %dma_wait3A_695 : memref<1x128xi32, #tpu.memory_space<hbm>> -> memref<128xi32, #tpu.memory_space<hbm>>
        tpu.wait_dma2 semaphore(%arg11 : memref<!tpu.dma_semaphore, #tpu.memory_space<semaphore_mem>>) src(%dma_wait3A_696 : memref<128xi32, #tpu.memory_space<hbm>>) dst(%arg5 : memref<128xi32, #tpu.memory_space<vmem>>)
        %dma_start3A_697 = arith.constant 0 : i32
        %dma_start3A_698 = arith.constant 0 : i32
        %dma_start3A_699 = tpu.memref_slice %arg3[%dma_start3A_697, %dma_start3A_698] : memref<1000000x64xf32, #tpu.memory_space<hbm>> -> memref<1000000x64xf32, #tpu.memory_space<hbm>>
        tpu.enqueue_indirect_dma source(%dma_start3A_699 : memref<1000000x64xf32, #tpu.memory_space<hbm>>) target(%arg7 : memref<128x64xf32, #tpu.memory_space<vmem>>) offsets(%arg5 : memref<128xi32, #tpu.memory_space<vmem>>) semaphore(%arg13 : memref<!tpu.dma_semaphore, #tpu.memory_space<semaphore_mem>>)
      } else {
      }
      %mul3A_610 = arith.constant 2 : i32
      %mul3A_611 = arith.muli %scan3A_532, %mul3A_610 : i32
      %add3A_612 = arith.addi %mul3A_2, %mul3A_611 : i32
      %add3A_613 = arith.constant 1 : i32
      %add3A_614 = arith.addi %add3A_612, %add3A_613 : i32
      %dma_wait3A_615 = arith.constant 0 : i32
      %dma_wait3A_616 = arith.constant 0 : i32
      %dma_wait3A_617 = tpu.memref_slice %arg3[%dma_wait3A_615, %dma_wait3A_616] : memref<1000000x64xf32, #tpu.memory_space<hbm>> -> memref<128x64xf32, #tpu.memory_space<hbm>>
      %dma_wait3A_618 = arith.constant 0 : i32
      %dma_wait3A_619 = arith.constant 0 : i32
      %dma_wait3A_620 = tpu.memref_slice %arg3[%dma_wait3A_618, %dma_wait3A_619] : memref<1000000x64xf32, #tpu.memory_space<hbm>> -> memref<128x64xf32, #tpu.memory_space<hbm>>
      tpu.wait_dma2 semaphore(%arg14 : memref<!tpu.dma_semaphore, #tpu.memory_space<semaphore_mem>>) src(%dma_wait3A_620 : memref<128x64xf32, #tpu.memory_space<hbm>>) dst(%arg8 : memref<128x64xf32, #tpu.memory_space<vmem>>)
      %lt3A_621 = arith.constant 99 : i32
      %lt3A_622 = arith.cmpi slt, %scan3A_532, %lt3A_621 : i32
      %convert_element_type3A_623 = arith.extui %lt3A_622 : i1 to i32
      %cond3A_624 = arith.constant 0 : i32
      %cond3A_625 = arith.cmpi ne, %convert_element_type3A_623, %cond3A_624 : i32
      scf.if %cond3A_625 {
        %add3A_690 = arith.constant 2 : i32
        %add3A_691 = arith.addi %add3A_614, %add3A_690 : i32
        %jit3A_692 = arith.constant 32 : i32
        %div3A_693 = arith.divsi %add3A_691, %jit3A_692 : i32
        %sign3A_694 = arith.constant 0 : i32
        %sign3A_695 = arith.cmpi sgt, %add3A_691, %sign3A_694 : i32
        %sign3A_696 = arith.extui %sign3A_695 : i1 to i32
        %sign3A_697 = arith.constant 0 : i32
        %sign3A_698 = arith.cmpi slt, %add3A_691, %sign3A_697 : i32
        %sign3A_699 = arith.extui %sign3A_698 : i1 to i32
        %sign3A_700 = arith.subi %sign3A_696, %sign3A_699 : i32
        %sign3A_701 = arith.constant 0 : i32
        %sign3A_702 = arith.cmpi sgt, %jit3A_692, %sign3A_701 : i32
        %sign3A_703 = arith.extui %sign3A_702 : i1 to i32
        %sign3A_704 = arith.constant 0 : i32
        %sign3A_705 = arith.cmpi slt, %jit3A_692, %sign3A_704 : i32
        %sign3A_706 = arith.extui %sign3A_705 : i1 to i32
        %sign3A_707 = arith.subi %sign3A_703, %sign3A_706 : i32
        %ne3A_708 = arith.cmpi ne, %sign3A_700, %sign3A_707 : i32
        %rem3A_709 = arith.remsi %add3A_691, %jit3A_692 : i32
        %ne3A_710 = arith.constant 0 : i32
        %ne3A_711 = arith.cmpi ne, %rem3A_709, %ne3A_710 : i32
        %and3A_712 = arith.andi %ne3A_708, %ne3A_711 : i1
        %sub3A_713 = arith.constant 1 : i32
        %sub3A_714 = arith.subi %div3A_693, %sub3A_713 : i32
        %select_n3A_715 = arith.select %and3A_712, %sub3A_714, %div3A_693 : i32
        %jit3A_716 = arith.constant 32 : i32
        %eq3A_717 = arith.constant 0 : i32
        %eq3A_718 = arith.cmpi eq, %jit3A_716, %eq3A_717 : i32
        %jit3A_719 = arith.constant 1 : i32
        %select_n3A_720 = arith.select %eq3A_718, %jit3A_719, %jit3A_716 : i32
        %rem3A_721 = arith.remsi %add3A_691, %select_n3A_720 : i32
        %ne3A_722 = arith.constant 0 : i32
        %ne3A_723 = arith.cmpi ne, %rem3A_721, %ne3A_722 : i32
        %lt3A_724 = arith.constant 0 : i32
        %lt3A_725 = arith.cmpi slt, %rem3A_721, %lt3A_724 : i32
        %lt3A_726 = arith.constant 0 : i32
        %lt3A_727 = arith.cmpi slt, %select_n3A_720, %lt3A_726 : i32
        %ne3A_728 = arith.xori %lt3A_725, %lt3A_727 : i1
        %and3A_729 = arith.andi %ne3A_728, %ne3A_723 : i1
        %add3A_730 = arith.addi %rem3A_721, %select_n3A_720 : i32
        %select_n3A_731 = arith.select %and3A_729, %add3A_730, %rem3A_721 : i32
        %mul3A_732 = arith.constant 128 : i32
        %mul3A_733 = arith.muli %select_n3A_731, %mul3A_732 : i32
        %dma_start3A_734 = tpu.memref_slice %arg2[%select_n3A_715, %mul3A_733] : memref<200x4096xi32, #tpu.memory_space<hbm>> -> memref<1x128xi32, #tpu.memory_space<hbm>>
        %dma_start3A_735 = tpu.memref_squeeze %dma_start3A_734 : memref<1x128xi32, #tpu.memory_space<hbm>> -> memref<128xi32, #tpu.memory_space<hbm>>
        %dma_start3A_736 = tpu.memref_slice %arg2[%select_n3A_715, %mul3A_733] : memref<200x4096xi32, #tpu.memory_space<hbm>> -> memref<1x128xi32, #tpu.memory_space<hbm>>
        %dma_start3A_737 = tpu.memref_squeeze %dma_start3A_736 : memref<1x128xi32, #tpu.memory_space<hbm>> -> memref<128xi32, #tpu.memory_space<hbm>>
        tpu.enqueue_dma source(%dma_start3A_737 : memref<128xi32, #tpu.memory_space<hbm>>) target(%arg6 : memref<128xi32, #tpu.memory_space<vmem>>) target_semaphore(%arg12 : memref<!tpu.dma_semaphore, #tpu.memory_space<semaphore_mem>>)
      } else {
      }
      %gt3A_626 = arith.constant 0 : i32
      %gt3A_627 = arith.cmpi sgt, %scan3A_532, %gt3A_626 : i32
      %convert_element_type3A_628 = arith.extui %gt3A_627 : i1 to i32
      %cond3A_629 = arith.constant 0 : i32
      %cond3A_630 = arith.cmpi ne, %convert_element_type3A_628, %cond3A_629 : i32
      scf.if %cond3A_630 {
        %dma_wait3A_690 = arith.constant 0 : i32
        %dma_wait3A_691 = arith.constant 0 : i32
        %dma_wait3A_692 = arith.constant 0 : i32
        %dma_wait3A_693 = arith.constant 0 : i32
        %dma_wait3A_694 = tpu.memref_slice %arg4[%dma_wait3A_690, %dma_wait3A_692, %dma_wait3A_691, %dma_wait3A_693] : memref<200x8x32x1024xf32, #tpu.memory_space<hbm>> -> memref<1x8x1x1024xf32, #tpu.memory_space<hbm>>
        %dma_wait3A_695 = tpu.memref_squeeze %dma_wait3A_694 : memref<1x8x1x1024xf32, #tpu.memory_space<hbm>> -> memref<8x1024xf32, #tpu.memory_space<hbm>>
        %dma_wait3A_696 = arith.constant 0 : i32
        %dma_wait3A_697 = arith.constant 0 : i32
        %dma_wait3A_698 = tpu.memref_slice %arg4[%dma_wait3A_690, %dma_wait3A_696, %dma_wait3A_691, %dma_wait3A_697] : memref<200x8x32x1024xf32, #tpu.memory_space<hbm>> -> memref<1x8x1x1024xf32, #tpu.memory_space<hbm>>
        %dma_wait3A_699 = tpu.memref_squeeze %dma_wait3A_698 : memref<1x8x1x1024xf32, #tpu.memory_space<hbm>> -> memref<8x1024xf32, #tpu.memory_space<hbm>>
        tpu.wait_dma2 semaphore(%arg16 : memref<!tpu.dma_semaphore, #tpu.memory_space<semaphore_mem>>) src(%arg10 : memref<8x1024xf32, #tpu.memory_space<vmem>>) dst(%dma_wait3A_699 : memref<8x1024xf32, #tpu.memory_space<hbm>>)
      } else {
      }
      %scan3A_631 = arith.constant 0 : i32
      %scan3A_632 = arith.constant 0 : i32
      %scan3A_633 = arith.constant 8 : i32
      %scan3A_634 = arith.addi %scan3A_632, %scan3A_633 : i32
      %scan3A_635 = arith.constant 1 : i32
      scf.for %scan3A_690 = %scan3A_632 to %scan3A_634 step %scan3A_635  : i32 {
        %mul3A_691 = arith.constant 16 : i32
        %mul3A_692 = arith.muli %scan3A_690, %mul3A_691 : i32
        %add3A_693 = vector.broadcast %mul3A_692 : i32 to vector<16xi32>
        %add3A_694 = arith.addi %iota3A, %add3A_693 : vector<16xi32>
        %add3A_695 = arith.constant 0 : i32
        %add3A_696 = vector.broadcast %add3A_695 : i32 to vector<16xi32>
        %add3A_697 = arith.addi %select_n3A_20, %add3A_696 : vector<16xi32>
        %gather3A = tpu.vector_load_idx %arg8[%add3A_694, %add3A_697] : memref<128x64xf32, #tpu.memory_space<vmem>>[vector<16xi32>, vector<16xi32>], vector<16xf32>,
        %shift_right_arithmetic3A = arith.constant 3 : i32
        %shift_right_arithmetic3A_698 = vector.broadcast %shift_right_arithmetic3A : i32 to vector<16xi32>
        %shift_right_arithmetic3A_699 = arith.shrsi %add3A_697, %shift_right_arithmetic3A_698 : vector<16xi32>
        %and3A_700 = arith.constant 7 : i32
        %and3A_701 = vector.broadcast %and3A_700 : i32 to vector<16xi32>
        %and3A_702 = arith.andi %add3A_697, %and3A_701 : vector<16xi32>
        %shift_left3A = arith.constant 7 : i32
        %shift_left3A_703 = vector.broadcast %shift_left3A : i32 to vector<16xi32>
        %shift_left3A_704 = arith.shli %and3A_702, %shift_left3A_703 : vector<16xi32>
        %add3A_705 = arith.addi %shift_left3A_704, %add3A_694 : vector<16xi32>
        tpu.vector_store_idx %arg10[%shift_right_arithmetic3A_699, %add3A_705], %gather3A : memref<8x1024xf32, #tpu.memory_space<vmem>>[vector<16xi32>, vector<16xi32>], vector<16xf32>,
        %add3A_706 = arith.constant 0 : i32
        %add3A_707 = vector.broadcast %add3A_706 : i32 to vector<16xi32>
        %add3A_708 = arith.addi %select_n3A_45, %add3A_707 : vector<16xi32>
        %gather3A_709 = tpu.vector_load_idx %arg8[%add3A_694, %add3A_708] : memref<128x64xf32, #tpu.memory_space<vmem>>[vector<16xi32>, vector<16xi32>], vector<16xf32>,
        %shift_right_arithmetic3A_710 = arith.constant 3 : i32
        %shift_right_arithmetic3A_711 = vector.broadcast %shift_right_arithmetic3A_710 : i32 to vector<16xi32>
        %shift_right_arithmetic3A_712 = arith.shrsi %add3A_708, %shift_right_arithmetic3A_711 : vector<16xi32>
        %and3A_713 = arith.constant 7 : i32
        %and3A_714 = vector.broadcast %and3A_713 : i32 to vector<16xi32>
        %and3A_715 = arith.andi %add3A_708, %and3A_714 : vector<16xi32>
        %shift_left3A_716 = arith.constant 7 : i32
        %shift_left3A_717 = vector.broadcast %shift_left3A_716 : i32 to vector<16xi32>
        %shift_left3A_718 = arith.shli %and3A_715, %shift_left3A_717 : vector<16xi32>
        %add3A_719 = arith.addi %shift_left3A_718, %add3A_694 : vector<16xi32>
        tpu.vector_store_idx %arg10[%shift_right_arithmetic3A_712, %add3A_719], %gather3A_709 : memref<8x1024xf32, #tpu.memory_space<vmem>>[vector<16xi32>, vector<16xi32>], vector<16xf32>,
        %add3A_720 = arith.constant 0 : i32
        %add3A_721 = vector.broadcast %add3A_720 : i32 to vector<16xi32>
        %add3A_722 = arith.addi %select_n3A_70, %add3A_721 : vector<16xi32>
        %gather3A_723 = tpu.vector_load_idx %arg8[%add3A_694, %add3A_722] : memref<128x64xf32, #tpu.memory_space<vmem>>[vector<16xi32>, vector<16xi32>], vector<16xf32>,
        %shift_right_arithmetic3A_724 = arith.constant 3 : i32
        %shift_right_arithmetic3A_725 = vector.broadcast %shift_right_arithmetic3A_724 : i32 to vector<16xi32>
        %shift_right_arithmetic3A_726 = arith.shrsi %add3A_722, %shift_right_arithmetic3A_725 : vector<16xi32>
        %and3A_727 = arith.constant 7 : i32
        %and3A_728 = vector.broadcast %and3A_727 : i32 to vector<16xi32>
        %and3A_729 = arith.andi %add3A_722, %and3A_728 : vector<16xi32>
        %shift_left3A_730 = arith.constant 7 : i32
        %shift_left3A_731 = vector.broadcast %shift_left3A_730 : i32 to vector<16xi32>
        %shift_left3A_732 = arith.shli %and3A_729, %shift_left3A_731 : vector<16xi32>
        %add3A_733 = arith.addi %shift_left3A_732, %add3A_694 : vector<16xi32>
        tpu.vector_store_idx %arg10[%shift_right_arithmetic3A_726, %add3A_733], %gather3A_723 : memref<8x1024xf32, #tpu.memory_space<vmem>>[vector<16xi32>, vector<16xi32>], vector<16xf32>,
        %add3A_734 = arith.constant 0 : i32
        %add3A_735 = vector.broadcast %add3A_734 : i32 to vector<16xi32>
        %add3A_736 = arith.addi %select_n3A_95, %add3A_735 : vector<16xi32>
        %gather3A_737 = tpu.vector_load_idx %arg8[%add3A_694, %add3A_736] : memref<128x64xf32, #tpu.memory_space<vmem>>[vector<16xi32>, vector<16xi32>], vector<16xf32>,
        %shift_right_arithmetic3A_738 = arith.constant 3 : i32
        %shift_right_arithmetic3A_739 = vector.broadcast %shift_right_arithmetic3A_738 : i32 to vector<16xi32>
        %shift_right_arithmetic3A_740 = arith.shrsi %add3A_736, %shift_right_arithmetic3A_739 : vector<16xi32>
        %and3A_741 = arith.constant 7 : i32
        %and3A_742 = vector.broadcast %and3A_741 : i32 to vector<16xi32>
        %and3A_743 = arith.andi %add3A_736, %and3A_742 : vector<16xi32>
        %shift_left3A_744 = arith.constant 7 : i32
        %shift_left3A_745 = vector.broadcast %shift_left3A_744 : i32 to vector<16xi32>
        %shift_left3A_746 = arith.shli %and3A_743, %shift_left3A_745 : vector<16xi32>
        %add3A_747 = arith.addi %shift_left3A_746, %add3A_694 : vector<16xi32>
        tpu.vector_store_idx %arg10[%shift_right_arithmetic3A_740, %add3A_747], %gather3A_737 : memref<8x1024xf32, #tpu.memory_space<vmem>>[vector<16xi32>, vector<16xi32>], vector<16xf32>,
        %add3A_748 = arith.constant 0 : i32
        %add3A_749 = vector.broadcast %add3A_748 : i32 to vector<16xi32>
        %add3A_750 = arith.addi %select_n3A_120, %add3A_749 : vector<16xi32>
        %gather3A_751 = tpu.vector_load_idx %arg8[%add3A_694, %add3A_750] : memref<128x64xf32, #tpu.memory_space<vmem>>[vector<16xi32>, vector<16xi32>], vector<16xf32>,
        %shift_right_arithmetic3A_752 = arith.constant 3 : i32
        %shift_right_arithmetic3A_753 = vector.broadcast %shift_right_arithmetic3A_752 : i32 to vector<16xi32>
        %shift_right_arithmetic3A_754 = arith.shrsi %add3A_750, %shift_right_arithmetic3A_753 : vector<16xi32>
        %and3A_755 = arith.constant 7 : i32
        %and3A_756 = vector.broadcast %and3A_755 : i32 to vector<16xi32>
        %and3A_757 = arith.andi %add3A_750, %and3A_756 : vector<16xi32>
        %shift_left3A_758 = arith.constant 7 : i32
        %shift_left3A_759 = vector.broadcast %shift_left3A_758 : i32 to vector<16xi32>
        %shift_left3A_760 = arith.shli %and3A_757, %shift_left3A_759 : vector<16xi32>
        %add3A_761 = arith.addi %shift_left3A_760, %add3A_694 : vector<16xi32>
        tpu.vector_store_idx %arg10[%shift_right_arithmetic3A_754, %add3A_761], %gather3A_751 : memref<8x1024xf32, #tpu.memory_space<vmem>>[vector<16xi32>, vector<16xi32>], vector<16xf32>,
        %add3A_762 = arith.constant 0 : i32
        %add3A_763 = vector.broadcast %add3A_762 : i32 to vector<16xi32>
        %add3A_764 = arith.addi %select_n3A_145, %add3A_763 : vector<16xi32>
        %gather3A_765 = tpu.vector_load_idx %arg8[%add3A_694, %add3A_764] : memref<128x64xf32, #tpu.memory_space<vmem>>[vector<16xi32>, vector<16xi32>], vector<16xf32>,
        %shift_right_arithmetic3A_766 = arith.constant 3 : i32
        %shift_right_arithmetic3A_767 = vector.broadcast %shift_right_arithmetic3A_766 : i32 to vector<16xi32>
        %shift_right_arithmetic3A_768 = arith.shrsi %add3A_764, %shift_right_arithmetic3A_767 : vector<16xi32>
        %and3A_769 = arith.constant 7 : i32
        %and3A_770 = vector.broadcast %and3A_769 : i32 to vector<16xi32>
        %and3A_771 = arith.andi %add3A_764, %and3A_770 : vector<16xi32>
        %shift_left3A_772 = arith.constant 7 : i32
        %shift_left3A_773 = vector.broadcast %shift_left3A_772 : i32 to vector<16xi32>
        %shift_left3A_774 = arith.shli %and3A_771, %shift_left3A_773 : vector<16xi32>
        %add3A_775 = arith.addi %shift_left3A_774, %add3A_694 : vector<16xi32>
        tpu.vector_store_idx %arg10[%shift_right_arithmetic3A_768, %add3A_775], %gather3A_765 : memref<8x1024xf32, #tpu.memory_space<vmem>>[vector<16xi32>, vector<16xi32>], vector<16xf32>,
        %add3A_776 = arith.constant 0 : i32
        %add3A_777 = vector.broadcast %add3A_776 : i32 to vector<16xi32>
        %add3A_778 = arith.addi %select_n3A_170, %add3A_777 : vector<16xi32>
        %gather3A_779 = tpu.vector_load_idx %arg8[%add3A_694, %add3A_778] : memref<128x64xf32, #tpu.memory_space<vmem>>[vector<16xi32>, vector<16xi32>], vector<16xf32>,
        %shift_right_arithmetic3A_780 = arith.constant 3 : i32
        %shift_right_arithmetic3A_781 = vector.broadcast %shift_right_arithmetic3A_780 : i32 to vector<16xi32>
        %shift_right_arithmetic3A_782 = arith.shrsi %add3A_778, %shift_right_arithmetic3A_781 : vector<16xi32>
        %and3A_783 = arith.constant 7 : i32
        %and3A_784 = vector.broadcast %and3A_783 : i32 to vector<16xi32>
        %and3A_785 = arith.andi %add3A_778, %and3A_784 : vector<16xi32>
        %shift_left3A_786 = arith.constant 7 : i32
        %shift_left3A_787 = vector.broadcast %shift_left3A_786 : i32 to vector<16xi32>
        %shift_left3A_788 = arith.shli %and3A_785, %shift_left3A_787 : vector<16xi32>
        %add3A_789 = arith.addi %shift_left3A_788, %add3A_694 : vector<16xi32>
        tpu.vector_store_idx %arg10[%shift_right_arithmetic3A_782, %add3A_789], %gather3A_779 : memref<8x1024xf32, #tpu.memory_space<vmem>>[vector<16xi32>, vector<16xi32>], vector<16xf32>,
        %add3A_790 = arith.constant 0 : i32
        %add3A_791 = vector.broadcast %add3A_790 : i32 to vector<16xi32>
        %add3A_792 = arith.addi %select_n3A_195, %add3A_791 : vector<16xi32>
        %gather3A_793 = tpu.vector_load_idx %arg8[%add3A_694, %add3A_792] : memref<128x64xf32, #tpu.memory_space<vmem>>[vector<16xi32>, vector<16xi32>], vector<16xf32>,
        %shift_right_arithmetic3A_794 = arith.constant 3 : i32
        %shift_right_arithmetic3A_795 = vector.broadcast %shift_right_arithmetic3A_794 : i32 to vector<16xi32>
        %shift_right_arithmetic3A_796 = arith.shrsi %add3A_792, %shift_right_arithmetic3A_795 : vector<16xi32>
        %and3A_797 = arith.constant 7 : i32
        %and3A_798 = vector.broadcast %and3A_797 : i32 to vector<16xi32>
        %and3A_799 = arith.andi %add3A_792, %and3A_798 : vector<16xi32>
        %shift_left3A_800 = arith.constant 7 : i32
        %shift_left3A_801 = vector.broadcast %shift_left3A_800 : i32 to vector<16xi32>
        %shift_left3A_802 = arith.shli %and3A_799, %shift_left3A_801 : vector<16xi32>
        %add3A_803 = arith.addi %shift_left3A_802, %add3A_694 : vector<16xi32>
        tpu.vector_store_idx %arg10[%shift_right_arithmetic3A_796, %add3A_803], %gather3A_793 : memref<8x1024xf32, #tpu.memory_space<vmem>>[vector<16xi32>, vector<16xi32>], vector<16xf32>,
        %add3A_804 = arith.constant 0 : i32
        %add3A_805 = vector.broadcast %add3A_804 : i32 to vector<16xi32>
        %add3A_806 = arith.addi %select_n3A_220, %add3A_805 : vector<16xi32>
        %gather3A_807 = tpu.vector_load_idx %arg8[%add3A_694, %add3A_806] : memref<128x64xf32, #tpu.memory_space<vmem>>[vector<16xi32>, vector<16xi32>], vector<16xf32>,
        %shift_right_arithmetic3A_808 = arith.constant 3 : i32
        %shift_right_arithmetic3A_809 = vector.broadcast %shift_right_arithmetic3A_808 : i32 to vector<16xi32>
        %shift_right_arithmetic3A_810 = arith.shrsi %add3A_806, %shift_right_arithmetic3A_809 : vector<16xi32>
        %and3A_811 = arith.constant 7 : i32
        %and3A_812 = vector.broadcast %and3A_811 : i32 to vector<16xi32>
        %and3A_813 = arith.andi %add3A_806, %and3A_812 : vector<16xi32>
        %shift_left3A_814 = arith.constant 7 : i32
        %shift_left3A_815 = vector.broadcast %shift_left3A_814 : i32 to vector<16xi32>
        %shift_left3A_816 = arith.shli %and3A_813, %shift_left3A_815 : vector<16xi32>
        %add3A_817 = arith.addi %shift_left3A_816, %add3A_694 : vector<16xi32>
        tpu.vector_store_idx %arg10[%shift_right_arithmetic3A_810, %add3A_817], %gather3A_807 : memref<8x1024xf32, #tpu.memory_space<vmem>>[vector<16xi32>, vector<16xi32>], vector<16xf32>,
        %add3A_818 = arith.constant 0 : i32
        %add3A_819 = vector.broadcast %add3A_818 : i32 to vector<16xi32>
        %add3A_820 = arith.addi %select_n3A_245, %add3A_819 : vector<16xi32>
        %gather3A_821 = tpu.vector_load_idx %arg8[%add3A_694, %add3A_820] : memref<128x64xf32, #tpu.memory_space<vmem>>[vector<16xi32>, vector<16xi32>], vector<16xf32>,
        %shift_right_arithmetic3A_822 = arith.constant 3 : i32
        %shift_right_arithmetic3A_823 = vector.broadcast %shift_right_arithmetic3A_822 : i32 to vector<16xi32>
        %shift_right_arithmetic3A_824 = arith.shrsi %add3A_820, %shift_right_arithmetic3A_823 : vector<16xi32>
        %and3A_825 = arith.constant 7 : i32
        %and3A_826 = vector.broadcast %and3A_825 : i32 to vector<16xi32>
        %and3A_827 = arith.andi %add3A_820, %and3A_826 : vector<16xi32>
        %shift_left3A_828 = arith.constant 7 : i32
        %shift_left3A_829 = vector.broadcast %shift_left3A_828 : i32 to vector<16xi32>
        %shift_left3A_830 = arith.shli %and3A_827, %shift_left3A_829 : vector<16xi32>
        %add3A_831 = arith.addi %shift_left3A_830, %add3A_694 : vector<16xi32>
        tpu.vector_store_idx %arg10[%shift_right_arithmetic3A_824, %add3A_831], %gather3A_821 : memref<8x1024xf32, #tpu.memory_space<vmem>>[vector<16xi32>, vector<16xi32>], vector<16xf32>,
        %add3A_832 = arith.constant 0 : i32
        %add3A_833 = vector.broadcast %add3A_832 : i32 to vector<16xi32>
        %add3A_834 = arith.addi %select_n3A_270, %add3A_833 : vector<16xi32>
        %gather3A_835 = tpu.vector_load_idx %arg8[%add3A_694, %add3A_834] : memref<128x64xf32, #tpu.memory_space<vmem>>[vector<16xi32>, vector<16xi32>], vector<16xf32>,
        %shift_right_arithmetic3A_836 = arith.constant 3 : i32
        %shift_right_arithmetic3A_837 = vector.broadcast %shift_right_arithmetic3A_836 : i32 to vector<16xi32>
        %shift_right_arithmetic3A_838 = arith.shrsi %add3A_834, %shift_right_arithmetic3A_837 : vector<16xi32>
        %and3A_839 = arith.constant 7 : i32
        %and3A_840 = vector.broadcast %and3A_839 : i32 to vector<16xi32>
        %and3A_841 = arith.andi %add3A_834, %and3A_840 : vector<16xi32>
        %shift_left3A_842 = arith.constant 7 : i32
        %shift_left3A_843 = vector.broadcast %shift_left3A_842 : i32 to vector<16xi32>
        %shift_left3A_844 = arith.shli %and3A_841, %shift_left3A_843 : vector<16xi32>
        %add3A_845 = arith.addi %shift_left3A_844, %add3A_694 : vector<16xi32>
        tpu.vector_store_idx %arg10[%shift_right_arithmetic3A_838, %add3A_845], %gather3A_835 : memref<8x1024xf32, #tpu.memory_space<vmem>>[vector<16xi32>, vector<16xi32>], vector<16xf32>,
        %add3A_846 = arith.constant 0 : i32
        %add3A_847 = vector.broadcast %add3A_846 : i32 to vector<16xi32>
        %add3A_848 = arith.addi %select_n3A_295, %add3A_847 : vector<16xi32>
        %gather3A_849 = tpu.vector_load_idx %arg8[%add3A_694, %add3A_848] : memref<128x64xf32, #tpu.memory_space<vmem>>[vector<16xi32>, vector<16xi32>], vector<16xf32>,
        %shift_right_arithmetic3A_850 = arith.constant 3 : i32
        %shift_right_arithmetic3A_851 = vector.broadcast %shift_right_arithmetic3A_850 : i32 to vector<16xi32>
        %shift_right_arithmetic3A_852 = arith.shrsi %add3A_848, %shift_right_arithmetic3A_851 : vector<16xi32>
        %and3A_853 = arith.constant 7 : i32
        %and3A_854 = vector.broadcast %and3A_853 : i32 to vector<16xi32>
        %and3A_855 = arith.andi %add3A_848, %and3A_854 : vector<16xi32>
        %shift_left3A_856 = arith.constant 7 : i32
        %shift_left3A_857 = vector.broadcast %shift_left3A_856 : i32 to vector<16xi32>
        %shift_left3A_858 = arith.shli %and3A_855, %shift_left3A_857 : vector<16xi32>
        %add3A_859 = arith.addi %shift_left3A_858, %add3A_694 : vector<16xi32>
        tpu.vector_store_idx %arg10[%shift_right_arithmetic3A_852, %add3A_859], %gather3A_849 : memref<8x1024xf32, #tpu.memory_space<vmem>>[vector<16xi32>, vector<16xi32>], vector<16xf32>,
        %add3A_860 = arith.constant 0 : i32
        %add3A_861 = vector.broadcast %add3A_860 : i32 to vector<16xi32>
        %add3A_862 = arith.addi %select_n3A_320, %add3A_861 : vector<16xi32>
        %gather3A_863 = tpu.vector_load_idx %arg8[%add3A_694, %add3A_862] : memref<128x64xf32, #tpu.memory_space<vmem>>[vector<16xi32>, vector<16xi32>], vector<16xf32>,
        %shift_right_arithmetic3A_864 = arith.constant 3 : i32
        %shift_right_arithmetic3A_865 = vector.broadcast %shift_right_arithmetic3A_864 : i32 to vector<16xi32>
        %shift_right_arithmetic3A_866 = arith.shrsi %add3A_862, %shift_right_arithmetic3A_865 : vector<16xi32>
        %and3A_867 = arith.constant 7 : i32
        %and3A_868 = vector.broadcast %and3A_867 : i32 to vector<16xi32>
        %and3A_869 = arith.andi %add3A_862, %and3A_868 : vector<16xi32>
        %shift_left3A_870 = arith.constant 7 : i32
        %shift_left3A_871 = vector.broadcast %shift_left3A_870 : i32 to vector<16xi32>
        %shift_left3A_872 = arith.shli %and3A_869, %shift_left3A_871 : vector<16xi32>
        %add3A_873 = arith.addi %shift_left3A_872, %add3A_694 : vector<16xi32>
        tpu.vector_store_idx %arg10[%shift_right_arithmetic3A_866, %add3A_873], %gather3A_863 : memref<8x1024xf32, #tpu.memory_space<vmem>>[vector<16xi32>, vector<16xi32>], vector<16xf32>,
        %add3A_874 = arith.constant 0 : i32
        %add3A_875 = vector.broadcast %add3A_874 : i32 to vector<16xi32>
        %add3A_876 = arith.addi %select_n3A_345, %add3A_875 : vector<16xi32>
        %gather3A_877 = tpu.vector_load_idx %arg8[%add3A_694, %add3A_876] : memref<128x64xf32, #tpu.memory_space<vmem>>[vector<16xi32>, vector<16xi32>], vector<16xf32>,
        %shift_right_arithmetic3A_878 = arith.constant 3 : i32
        %shift_right_arithmetic3A_879 = vector.broadcast %shift_right_arithmetic3A_878 : i32 to vector<16xi32>
        %shift_right_arithmetic3A_880 = arith.shrsi %add3A_876, %shift_right_arithmetic3A_879 : vector<16xi32>
        %and3A_881 = arith.constant 7 : i32
        %and3A_882 = vector.broadcast %and3A_881 : i32 to vector<16xi32>
        %and3A_883 = arith.andi %add3A_876, %and3A_882 : vector<16xi32>
        %shift_left3A_884 = arith.constant 7 : i32
        %shift_left3A_885 = vector.broadcast %shift_left3A_884 : i32 to vector<16xi32>
        %shift_left3A_886 = arith.shli %and3A_883, %shift_left3A_885 : vector<16xi32>
        %add3A_887 = arith.addi %shift_left3A_886, %add3A_694 : vector<16xi32>
        tpu.vector_store_idx %arg10[%shift_right_arithmetic3A_880, %add3A_887], %gather3A_877 : memref<8x1024xf32, #tpu.memory_space<vmem>>[vector<16xi32>, vector<16xi32>], vector<16xf32>,
        %add3A_888 = arith.constant 0 : i32
        %add3A_889 = vector.broadcast %add3A_888 : i32 to vector<16xi32>
        %add3A_890 = arith.addi %select_n3A_370, %add3A_889 : vector<16xi32>
        %gather3A_891 = tpu.vector_load_idx %arg8[%add3A_694, %add3A_890] : memref<128x64xf32, #tpu.memory_space<vmem>>[vector<16xi32>, vector<16xi32>], vector<16xf32>,
        %shift_right_arithmetic3A_892 = arith.constant 3 : i32
        %shift_right_arithmetic3A_893 = vector.broadcast %shift_right_arithmetic3A_892 : i32 to vector<16xi32>
        %shift_right_arithmetic3A_894 = arith.shrsi %add3A_890, %shift_right_arithmetic3A_893 : vector<16xi32>
        %and3A_895 = arith.constant 7 : i32
        %and3A_896 = vector.broadcast %and3A_895 : i32 to vector<16xi32>
        %and3A_897 = arith.andi %add3A_890, %and3A_896 : vector<16xi32>
        %shift_left3A_898 = arith.constant 7 : i32
        %shift_left3A_899 = vector.broadcast %shift_left3A_898 : i32 to vector<16xi32>
        %shift_left3A_900 = arith.shli %and3A_897, %shift_left3A_899 : vector<16xi32>
        %add3A_901 = arith.addi %shift_left3A_900, %add3A_694 : vector<16xi32>
        tpu.vector_store_idx %arg10[%shift_right_arithmetic3A_894, %add3A_901], %gather3A_891 : memref<8x1024xf32, #tpu.memory_space<vmem>>[vector<16xi32>, vector<16xi32>], vector<16xf32>,
        %add3A_902 = arith.constant 0 : i32
        %add3A_903 = vector.broadcast %add3A_902 : i32 to vector<16xi32>
        %add3A_904 = arith.addi %select_n3A_395, %add3A_903 : vector<16xi32>
        %gather3A_905 = tpu.vector_load_idx %arg8[%add3A_694, %add3A_904] : memref<128x64xf32, #tpu.memory_space<vmem>>[vector<16xi32>, vector<16xi32>], vector<16xf32>,
        %shift_right_arithmetic3A_906 = arith.constant 3 : i32
        %shift_right_arithmetic3A_907 = vector.broadcast %shift_right_arithmetic3A_906 : i32 to vector<16xi32>
        %shift_right_arithmetic3A_908 = arith.shrsi %add3A_904, %shift_right_arithmetic3A_907 : vector<16xi32>
        %and3A_909 = arith.constant 7 : i32
        %and3A_910 = vector.broadcast %and3A_909 : i32 to vector<16xi32>
        %and3A_911 = arith.andi %add3A_904, %and3A_910 : vector<16xi32>
        %shift_left3A_912 = arith.constant 7 : i32
        %shift_left3A_913 = vector.broadcast %shift_left3A_912 : i32 to vector<16xi32>
        %shift_left3A_914 = arith.shli %and3A_911, %shift_left3A_913 : vector<16xi32>
        %add3A_915 = arith.addi %shift_left3A_914, %add3A_694 : vector<16xi32>
        tpu.vector_store_idx %arg10[%shift_right_arithmetic3A_908, %add3A_915], %gather3A_905 : memref<8x1024xf32, #tpu.memory_space<vmem>>[vector<16xi32>, vector<16xi32>], vector<16xf32>,
        %add3A_916 = arith.constant 16 : i32
        %add3A_917 = vector.broadcast %add3A_916 : i32 to vector<16xi32>
        %add3A_918 = arith.addi %select_n3A_20, %add3A_917 : vector<16xi32>
        %gather3A_919 = tpu.vector_load_idx %arg8[%add3A_694, %add3A_918] : memref<128x64xf32, #tpu.memory_space<vmem>>[vector<16xi32>, vector<16xi32>], vector<16xf32>,
        %shift_right_arithmetic3A_920 = arith.constant 3 : i32
        %shift_right_arithmetic3A_921 = vector.broadcast %shift_right_arithmetic3A_920 : i32 to vector<16xi32>
        %shift_right_arithmetic3A_922 = arith.shrsi %add3A_918, %shift_right_arithmetic3A_921 : vector<16xi32>
        %and3A_923 = arith.constant 7 : i32
        %and3A_924 = vector.broadcast %and3A_923 : i32 to vector<16xi32>
        %and3A_925 = arith.andi %add3A_918, %and3A_924 : vector<16xi32>
        %shift_left3A_926 = arith.constant 7 : i32
        %shift_left3A_927 = vector.broadcast %shift_left3A_926 : i32 to vector<16xi32>
        %shift_left3A_928 = arith.shli %and3A_925, %shift_left3A_927 : vector<16xi32>
        %add3A_929 = arith.addi %shift_left3A_928, %add3A_694 : vector<16xi32>
        tpu.vector_store_idx %arg10[%shift_right_arithmetic3A_922, %add3A_929], %gather3A_919 : memref<8x1024xf32, #tpu.memory_space<vmem>>[vector<16xi32>, vector<16xi32>], vector<16xf32>,
        %add3A_930 = arith.constant 16 : i32
        %add3A_931 = vector.broadcast %add3A_930 : i32 to vector<16xi32>
        %add3A_932 = arith.addi %select_n3A_45, %add3A_931 : vector<16xi32>
        %gather3A_933 = tpu.vector_load_idx %arg8[%add3A_694, %add3A_932] : memref<128x64xf32, #tpu.memory_space<vmem>>[vector<16xi32>, vector<16xi32>], vector<16xf32>,
        %shift_right_arithmetic3A_934 = arith.constant 3 : i32
        %shift_right_arithmetic3A_935 = vector.broadcast %shift_right_arithmetic3A_934 : i32 to vector<16xi32>
        %shift_right_arithmetic3A_936 = arith.shrsi %add3A_932, %shift_right_arithmetic3A_935 : vector<16xi32>
        %and3A_937 = arith.constant 7 : i32
        %and3A_938 = vector.broadcast %and3A_937 : i32 to vector<16xi32>
        %and3A_939 = arith.andi %add3A_932, %and3A_938 : vector<16xi32>
        %shift_left3A_940 = arith.constant 7 : i32
        %shift_left3A_941 = vector.broadcast %shift_left3A_940 : i32 to vector<16xi32>
        %shift_left3A_942 = arith.shli %and3A_939, %shift_left3A_941 : vector<16xi32>
        %add3A_943 = arith.addi %shift_left3A_942, %add3A_694 : vector<16xi32>
        tpu.vector_store_idx %arg10[%shift_right_arithmetic3A_936, %add3A_943], %gather3A_933 : memref<8x1024xf32, #tpu.memory_space<vmem>>[vector<16xi32>, vector<16xi32>], vector<16xf32>,
        %add3A_944 = arith.constant 16 : i32
        %add3A_945 = vector.broadcast %add3A_944 : i32 to vector<16xi32>
        %add3A_946 = arith.addi %select_n3A_70, %add3A_945 : vector<16xi32>
        %gather3A_947 = tpu.vector_load_idx %arg8[%add3A_694, %add3A_946] : memref<128x64xf32, #tpu.memory_space<vmem>>[vector<16xi32>, vector<16xi32>], vector<16xf32>,
        %shift_right_arithmetic3A_948 = arith.constant 3 : i32
        %shift_right_arithmetic3A_949 = vector.broadcast %shift_right_arithmetic3A_948 : i32 to vector<16xi32>
        %shift_right_arithmetic3A_950 = arith.shrsi %add3A_946, %shift_right_arithmetic3A_949 : vector<16xi32>
        %and3A_951 = arith.constant 7 : i32
        %and3A_952 = vector.broadcast %and3A_951 : i32 to vector<16xi32>
        %and3A_953 = arith.andi %add3A_946, %and3A_952 : vector<16xi32>
        %shift_left3A_954 = arith.constant 7 : i32
        %shift_left3A_955 = vector.broadcast %shift_left3A_954 : i32 to vector<16xi32>
        %shift_left3A_956 = arith.shli %and3A_953, %shift_left3A_955 : vector<16xi32>
        %add3A_957 = arith.addi %shift_left3A_956, %add3A_694 : vector<16xi32>
        tpu.vector_store_idx %arg10[%shift_right_arithmetic3A_950, %add3A_957], %gather3A_947 : memref<8x1024xf32, #tpu.memory_space<vmem>>[vector<16xi32>, vector<16xi32>], vector<16xf32>,
        %add3A_958 = arith.constant 16 : i32
        %add3A_959 = vector.broadcast %add3A_958 : i32 to vector<16xi32>
        %add3A_960 = arith.addi %select_n3A_95, %add3A_959 : vector<16xi32>
        %gather3A_961 = tpu.vector_load_idx %arg8[%add3A_694, %add3A_960] : memref<128x64xf32, #tpu.memory_space<vmem>>[vector<16xi32>, vector<16xi32>], vector<16xf32>,
        %shift_right_arithmetic3A_962 = arith.constant 3 : i32
        %shift_right_arithmetic3A_963 = vector.broadcast %shift_right_arithmetic3A_962 : i32 to vector<16xi32>
        %shift_right_arithmetic3A_964 = arith.shrsi %add3A_960, %shift_right_arithmetic3A_963 : vector<16xi32>
        %and3A_965 = arith.constant 7 : i32
        %and3A_966 = vector.broadcast %and3A_965 : i32 to vector<16xi32>
        %and3A_967 = arith.andi %add3A_960, %and3A_966 : vector<16xi32>
        %shift_left3A_968 = arith.constant 7 : i32
        %shift_left3A_969 = vector.broadcast %shift_left3A_968 : i32 to vector<16xi32>
        %shift_left3A_970 = arith.shli %and3A_967, %shift_left3A_969 : vector<16xi32>
        %add3A_971 = arith.addi %shift_left3A_970, %add3A_694 : vector<16xi32>
        tpu.vector_store_idx %arg10[%shift_right_arithmetic3A_964, %add3A_971], %gather3A_961 : memref<8x1024xf32, #tpu.memory_space<vmem>>[vector<16xi32>, vector<16xi32>], vector<16xf32>,
        %add3A_972 = arith.constant 16 : i32
        %add3A_973 = vector.broadcast %add3A_972 : i32 to vector<16xi32>
        %add3A_974 = arith.addi %select_n3A_120, %add3A_973 : vector<16xi32>
        %gather3A_975 = tpu.vector_load_idx %arg8[%add3A_694, %add3A_974] : memref<128x64xf32, #tpu.memory_space<vmem>>[vector<16xi32>, vector<16xi32>], vector<16xf32>,
        %shift_right_arithmetic3A_976 = arith.constant 3 : i32
        %shift_right_arithmetic3A_977 = vector.broadcast %shift_right_arithmetic3A_976 : i32 to vector<16xi32>
        %shift_right_arithmetic3A_978 = arith.shrsi %add3A_974, %shift_right_arithmetic3A_977 : vector<16xi32>
        %and3A_979 = arith.constant 7 : i32
        %and3A_980 = vector.broadcast %and3A_979 : i32 to vector<16xi32>
        %and3A_981 = arith.andi %add3A_974, %and3A_980 : vector<16xi32>
        %shift_left3A_982 = arith.constant 7 : i32
        %shift_left3A_983 = vector.broadcast %shift_left3A_982 : i32 to vector<16xi32>
        %shift_left3A_984 = arith.shli %and3A_981, %shift_left3A_983 : vector<16xi32>
        %add3A_985 = arith.addi %shift_left3A_984, %add3A_694 : vector<16xi32>
        tpu.vector_store_idx %arg10[%shift_right_arithmetic3A_978, %add3A_985], %gather3A_975 : memref<8x1024xf32, #tpu.memory_space<vmem>>[vector<16xi32>, vector<16xi32>], vector<16xf32>,
        %add3A_986 = arith.constant 16 : i32
        %add3A_987 = vector.broadcast %add3A_986 : i32 to vector<16xi32>
        %add3A_988 = arith.addi %select_n3A_145, %add3A_987 : vector<16xi32>
        %gather3A_989 = tpu.vector_load_idx %arg8[%add3A_694, %add3A_988] : memref<128x64xf32, #tpu.memory_space<vmem>>[vector<16xi32>, vector<16xi32>], vector<16xf32>,
        %shift_right_arithmetic3A_990 = arith.constant 3 : i32
        %shift_right_arithmetic3A_991 = vector.broadcast %shift_right_arithmetic3A_990 : i32 to vector<16xi32>
        %shift_right_arithmetic3A_992 = arith.shrsi %add3A_988, %shift_right_arithmetic3A_991 : vector<16xi32>
        %and3A_993 = arith.constant 7 : i32
        %and3A_994 = vector.broadcast %and3A_993 : i32 to vector<16xi32>
        %and3A_995 = arith.andi %add3A_988, %and3A_994 : vector<16xi32>
        %shift_left3A_996 = arith.constant 7 : i32
        %shift_left3A_997 = vector.broadcast %shift_left3A_996 : i32 to vector<16xi32>
        %shift_left3A_998 = arith.shli %and3A_995, %shift_left3A_997 : vector<16xi32>
        %add3A_999 = arith.addi %shift_left3A_998, %add3A_694 : vector<16xi32>
        tpu.vector_store_idx %arg10[%shift_right_arithmetic3A_992, %add3A_999], %gather3A_989 : memref<8x1024xf32, #tpu.memory_space<vmem>>[vector<16xi32>, vector<16xi32>], vector<16xf32>,
        %add3A_1000 = arith.constant 16 : i32
        %add3A_1001 = vector.broadcast %add3A_1000 : i32 to vector<16xi32>
        %add3A_1002 = arith.addi %select_n3A_170, %add3A_1001 : vector<16xi32>
        %gather3A_1003 = tpu.vector_load_idx %arg8[%add3A_694, %add3A_1002] : memref<128x64xf32, #tpu.memory_space<vmem>>[vector<16xi32>, vector<16xi32>], vector<16xf32>,
        %shift_right_arithmetic3A_1004 = arith.constant 3 : i32
        %shift_right_arithmetic3A_1005 = vector.broadcast %shift_right_arithmetic3A_1004 : i32 to vector<16xi32>
        %shift_right_arithmetic3A_1006 = arith.shrsi %add3A_1002, %shift_right_arithmetic3A_1005 : vector<16xi32>
        %and3A_1007 = arith.constant 7 : i32
        %and3A_1008 = vector.broadcast %and3A_1007 : i32 to vector<16xi32>
        %and3A_1009 = arith.andi %add3A_1002, %and3A_1008 : vector<16xi32>
        %shift_left3A_1010 = arith.constant 7 : i32
        %shift_left3A_1011 = vector.broadcast %shift_left3A_1010 : i32 to vector<16xi32>
        %shift_left3A_1012 = arith.shli %and3A_1009, %shift_left3A_1011 : vector<16xi32>
        %add3A_1013 = arith.addi %shift_left3A_1012, %add3A_694 : vector<16xi32>
        tpu.vector_store_idx %arg10[%shift_right_arithmetic3A_1006, %add3A_1013], %gather3A_1003 : memref<8x1024xf32, #tpu.memory_space<vmem>>[vector<16xi32>, vector<16xi32>], vector<16xf32>,
        %add3A_1014 = arith.constant 16 : i32
        %add3A_1015 = vector.broadcast %add3A_1014 : i32 to vector<16xi32>
        %add3A_1016 = arith.addi %select_n3A_195, %add3A_1015 : vector<16xi32>
        %gather3A_1017 = tpu.vector_load_idx %arg8[%add3A_694, %add3A_1016] : memref<128x64xf32, #tpu.memory_space<vmem>>[vector<16xi32>, vector<16xi32>], vector<16xf32>,
        %shift_right_arithmetic3A_1018 = arith.constant 3 : i32
        %shift_right_arithmetic3A_1019 = vector.broadcast %shift_right_arithmetic3A_1018 : i32 to vector<16xi32>
        %shift_right_arithmetic3A_1020 = arith.shrsi %add3A_1016, %shift_right_arithmetic3A_1019 : vector<16xi32>
        %and3A_1021 = arith.constant 7 : i32
        %and3A_1022 = vector.broadcast %and3A_1021 : i32 to vector<16xi32>
        %and3A_1023 = arith.andi %add3A_1016, %and3A_1022 : vector<16xi32>
        %shift_left3A_1024 = arith.constant 7 : i32
        %shift_left3A_1025 = vector.broadcast %shift_left3A_1024 : i32 to vector<16xi32>
        %shift_left3A_1026 = arith.shli %and3A_1023, %shift_left3A_1025 : vector<16xi32>
        %add3A_1027 = arith.addi %shift_left3A_1026, %add3A_694 : vector<16xi32>
        tpu.vector_store_idx %arg10[%shift_right_arithmetic3A_1020, %add3A_1027], %gather3A_1017 : memref<8x1024xf32, #tpu.memory_space<vmem>>[vector<16xi32>, vector<16xi32>], vector<16xf32>,
        %add3A_1028 = arith.constant 16 : i32
        %add3A_1029 = vector.broadcast %add3A_1028 : i32 to vector<16xi32>
        %add3A_1030 = arith.addi %select_n3A_220, %add3A_1029 : vector<16xi32>
        %gather3A_1031 = tpu.vector_load_idx %arg8[%add3A_694, %add3A_1030] : memref<128x64xf32, #tpu.memory_space<vmem>>[vector<16xi32>, vector<16xi32>], vector<16xf32>,
        %shift_right_arithmetic3A_1032 = arith.constant 3 : i32
        %shift_right_arithmetic3A_1033 = vector.broadcast %shift_right_arithmetic3A_1032 : i32 to vector<16xi32>
        %shift_right_arithmetic3A_1034 = arith.shrsi %add3A_1030, %shift_right_arithmetic3A_1033 : vector<16xi32>
        %and3A_1035 = arith.constant 7 : i32
        %and3A_1036 = vector.broadcast %and3A_1035 : i32 to vector<16xi32>
        %and3A_1037 = arith.andi %add3A_1030, %and3A_1036 : vector<16xi32>
        %shift_left3A_1038 = arith.constant 7 : i32
        %shift_left3A_1039 = vector.broadcast %shift_left3A_1038 : i32 to vector<16xi32>
        %shift_left3A_1040 = arith.shli %and3A_1037, %shift_left3A_1039 : vector<16xi32>
        %add3A_1041 = arith.addi %shift_left3A_1040, %add3A_694 : vector<16xi32>
        tpu.vector_store_idx %arg10[%shift_right_arithmetic3A_1034, %add3A_1041], %gather3A_1031 : memref<8x1024xf32, #tpu.memory_space<vmem>>[vector<16xi32>, vector<16xi32>], vector<16xf32>,
        %add3A_1042 = arith.constant 16 : i32
        %add3A_1043 = vector.broadcast %add3A_1042 : i32 to vector<16xi32>
        %add3A_1044 = arith.addi %select_n3A_245, %add3A_1043 : vector<16xi32>
        %gather3A_1045 = tpu.vector_load_idx %arg8[%add3A_694, %add3A_1044] : memref<128x64xf32, #tpu.memory_space<vmem>>[vector<16xi32>, vector<16xi32>], vector<16xf32>,
        %shift_right_arithmetic3A_1046 = arith.constant 3 : i32
        %shift_right_arithmetic3A_1047 = vector.broadcast %shift_right_arithmetic3A_1046 : i32 to vector<16xi32>
        %shift_right_arithmetic3A_1048 = arith.shrsi %add3A_1044, %shift_right_arithmetic3A_1047 : vector<16xi32>
        %and3A_1049 = arith.constant 7 : i32
        %and3A_1050 = vector.broadcast %and3A_1049 : i32 to vector<16xi32>
        %and3A_1051 = arith.andi %add3A_1044, %and3A_1050 : vector<16xi32>
        %shift_left3A_1052 = arith.constant 7 : i32
        %shift_left3A_1053 = vector.broadcast %shift_left3A_1052 : i32 to vector<16xi32>
        %shift_left3A_1054 = arith.shli %and3A_1051, %shift_left3A_1053 : vector<16xi32>
        %add3A_1055 = arith.addi %shift_left3A_1054, %add3A_694 : vector<16xi32>
        tpu.vector_store_idx %arg10[%shift_right_arithmetic3A_1048, %add3A_1055], %gather3A_1045 : memref<8x1024xf32, #tpu.memory_space<vmem>>[vector<16xi32>, vector<16xi32>], vector<16xf32>,
        %add3A_1056 = arith.constant 16 : i32
        %add3A_1057 = vector.broadcast %add3A_1056 : i32 to vector<16xi32>
        %add3A_1058 = arith.addi %select_n3A_270, %add3A_1057 : vector<16xi32>
        %gather3A_1059 = tpu.vector_load_idx %arg8[%add3A_694, %add3A_1058] : memref<128x64xf32, #tpu.memory_space<vmem>>[vector<16xi32>, vector<16xi32>], vector<16xf32>,
        %shift_right_arithmetic3A_1060 = arith.constant 3 : i32
        %shift_right_arithmetic3A_1061 = vector.broadcast %shift_right_arithmetic3A_1060 : i32 to vector<16xi32>
        %shift_right_arithmetic3A_1062 = arith.shrsi %add3A_1058, %shift_right_arithmetic3A_1061 : vector<16xi32>
        %and3A_1063 = arith.constant 7 : i32
        %and3A_1064 = vector.broadcast %and3A_1063 : i32 to vector<16xi32>
        %and3A_1065 = arith.andi %add3A_1058, %and3A_1064 : vector<16xi32>
        %shift_left3A_1066 = arith.constant 7 : i32
        %shift_left3A_1067 = vector.broadcast %shift_left3A_1066 : i32 to vector<16xi32>
        %shift_left3A_1068 = arith.shli %and3A_1065, %shift_left3A_1067 : vector<16xi32>
        %add3A_1069 = arith.addi %shift_left3A_1068, %add3A_694 : vector<16xi32>
        tpu.vector_store_idx %arg10[%shift_right_arithmetic3A_1062, %add3A_1069], %gather3A_1059 : memref<8x1024xf32, #tpu.memory_space<vmem>>[vector<16xi32>, vector<16xi32>], vector<16xf32>,
        %add3A_1070 = arith.constant 16 : i32
        %add3A_1071 = vector.broadcast %add3A_1070 : i32 to vector<16xi32>
        %add3A_1072 = arith.addi %select_n3A_295, %add3A_1071 : vector<16xi32>
        %gather3A_1073 = tpu.vector_load_idx %arg8[%add3A_694, %add3A_1072] : memref<128x64xf32, #tpu.memory_space<vmem>>[vector<16xi32>, vector<16xi32>], vector<16xf32>,
        %shift_right_arithmetic3A_1074 = arith.constant 3 : i32
        %shift_right_arithmetic3A_1075 = vector.broadcast %shift_right_arithmetic3A_1074 : i32 to vector<16xi32>
        %shift_right_arithmetic3A_1076 = arith.shrsi %add3A_1072, %shift_right_arithmetic3A_1075 : vector<16xi32>
        %and3A_1077 = arith.constant 7 : i32
        %and3A_1078 = vector.broadcast %and3A_1077 : i32 to vector<16xi32>
        %and3A_1079 = arith.andi %add3A_1072, %and3A_1078 : vector<16xi32>
        %shift_left3A_1080 = arith.constant 7 : i32
        %shift_left3A_1081 = vector.broadcast %shift_left3A_1080 : i32 to vector<16xi32>
        %shift_left3A_1082 = arith.shli %and3A_1079, %shift_left3A_1081 : vector<16xi32>
        %add3A_1083 = arith.addi %shift_left3A_1082, %add3A_694 : vector<16xi32>
        tpu.vector_store_idx %arg10[%shift_right_arithmetic3A_1076, %add3A_1083], %gather3A_1073 : memref<8x1024xf32, #tpu.memory_space<vmem>>[vector<16xi32>, vector<16xi32>], vector<16xf32>,
        %add3A_1084 = arith.constant 16 : i32
        %add3A_1085 = vector.broadcast %add3A_1084 : i32 to vector<16xi32>
        %add3A_1086 = arith.addi %select_n3A_320, %add3A_1085 : vector<16xi32>
        %gather3A_1087 = tpu.vector_load_idx %arg8[%add3A_694, %add3A_1086] : memref<128x64xf32, #tpu.memory_space<vmem>>[vector<16xi32>, vector<16xi32>], vector<16xf32>,
        %shift_right_arithmetic3A_1088 = arith.constant 3 : i32
        %shift_right_arithmetic3A_1089 = vector.broadcast %shift_right_arithmetic3A_1088 : i32 to vector<16xi32>
        %shift_right_arithmetic3A_1090 = arith.shrsi %add3A_1086, %shift_right_arithmetic3A_1089 : vector<16xi32>
        %and3A_1091 = arith.constant 7 : i32
        %and3A_1092 = vector.broadcast %and3A_1091 : i32 to vector<16xi32>
        %and3A_1093 = arith.andi %add3A_1086, %and3A_1092 : vector<16xi32>
        %shift_left3A_1094 = arith.constant 7 : i32
        %shift_left3A_1095 = vector.broadcast %shift_left3A_1094 : i32 to vector<16xi32>
        %shift_left3A_1096 = arith.shli %and3A_1093, %shift_left3A_1095 : vector<16xi32>
        %add3A_1097 = arith.addi %shift_left3A_1096, %add3A_694 : vector<16xi32>
        tpu.vector_store_idx %arg10[%shift_right_arithmetic3A_1090, %add3A_1097], %gather3A_1087 : memref<8x1024xf32, #tpu.memory_space<vmem>>[vector<16xi32>, vector<16xi32>], vector<16xf32>,
        %add3A_1098 = arith.constant 16 : i32
        %add3A_1099 = vector.broadcast %add3A_1098 : i32 to vector<16xi32>
        %add3A_1100 = arith.addi %select_n3A_345, %add3A_1099 : vector<16xi32>
        %gather3A_1101 = tpu.vector_load_idx %arg8[%add3A_694, %add3A_1100] : memref<128x64xf32, #tpu.memory_space<vmem>>[vector<16xi32>, vector<16xi32>], vector<16xf32>,
        %shift_right_arithmetic3A_1102 = arith.constant 3 : i32
        %shift_right_arithmetic3A_1103 = vector.broadcast %shift_right_arithmetic3A_1102 : i32 to vector<16xi32>
        %shift_right_arithmetic3A_1104 = arith.shrsi %add3A_1100, %shift_right_arithmetic3A_1103 : vector<16xi32>
        %and3A_1105 = arith.constant 7 : i32
        %and3A_1106 = vector.broadcast %and3A_1105 : i32 to vector<16xi32>
        %and3A_1107 = arith.andi %add3A_1100, %and3A_1106 : vector<16xi32>
        %shift_left3A_1108 = arith.constant 7 : i32
        %shift_left3A_1109 = vector.broadcast %shift_left3A_1108 : i32 to vector<16xi32>
        %shift_left3A_1110 = arith.shli %and3A_1107, %shift_left3A_1109 : vector<16xi32>
        %add3A_1111 = arith.addi %shift_left3A_1110, %add3A_694 : vector<16xi32>
        tpu.vector_store_idx %arg10[%shift_right_arithmetic3A_1104, %add3A_1111], %gather3A_1101 : memref<8x1024xf32, #tpu.memory_space<vmem>>[vector<16xi32>, vector<16xi32>], vector<16xf32>,
        %add3A_1112 = arith.constant 16 : i32
        %add3A_1113 = vector.broadcast %add3A_1112 : i32 to vector<16xi32>
        %add3A_1114 = arith.addi %select_n3A_370, %add3A_1113 : vector<16xi32>
        %gather3A_1115 = tpu.vector_load_idx %arg8[%add3A_694, %add3A_1114] : memref<128x64xf32, #tpu.memory_space<vmem>>[vector<16xi32>, vector<16xi32>], vector<16xf32>,
        %shift_right_arithmetic3A_1116 = arith.constant 3 : i32
        %shift_right_arithmetic3A_1117 = vector.broadcast %shift_right_arithmetic3A_1116 : i32 to vector<16xi32>
        %shift_right_arithmetic3A_1118 = arith.shrsi %add3A_1114, %shift_right_arithmetic3A_1117 : vector<16xi32>
        %and3A_1119 = arith.constant 7 : i32
        %and3A_1120 = vector.broadcast %and3A_1119 : i32 to vector<16xi32>
        %and3A_1121 = arith.andi %add3A_1114, %and3A_1120 : vector<16xi32>
        %shift_left3A_1122 = arith.constant 7 : i32
        %shift_left3A_1123 = vector.broadcast %shift_left3A_1122 : i32 to vector<16xi32>
        %shift_left3A_1124 = arith.shli %and3A_1121, %shift_left3A_1123 : vector<16xi32>
        %add3A_1125 = arith.addi %shift_left3A_1124, %add3A_694 : vector<16xi32>
        tpu.vector_store_idx %arg10[%shift_right_arithmetic3A_1118, %add3A_1125], %gather3A_1115 : memref<8x1024xf32, #tpu.memory_space<vmem>>[vector<16xi32>, vector<16xi32>], vector<16xf32>,
        %add3A_1126 = arith.constant 16 : i32
        %add3A_1127 = vector.broadcast %add3A_1126 : i32 to vector<16xi32>
        %add3A_1128 = arith.addi %select_n3A_395, %add3A_1127 : vector<16xi32>
        %gather3A_1129 = tpu.vector_load_idx %arg8[%add3A_694, %add3A_1128] : memref<128x64xf32, #tpu.memory_space<vmem>>[vector<16xi32>, vector<16xi32>], vector<16xf32>,
        %shift_right_arithmetic3A_1130 = arith.constant 3 : i32
        %shift_right_arithmetic3A_1131 = vector.broadcast %shift_right_arithmetic3A_1130 : i32 to vector<16xi32>
        %shift_right_arithmetic3A_1132 = arith.shrsi %add3A_1128, %shift_right_arithmetic3A_1131 : vector<16xi32>
        %and3A_1133 = arith.constant 7 : i32
        %and3A_1134 = vector.broadcast %and3A_1133 : i32 to vector<16xi32>
        %and3A_1135 = arith.andi %add3A_1128, %and3A_1134 : vector<16xi32>
        %shift_left3A_1136 = arith.constant 7 : i32
        %shift_left3A_1137 = vector.broadcast %shift_left3A_1136 : i32 to vector<16xi32>
        %shift_left3A_1138 = arith.shli %and3A_1135, %shift_left3A_1137 : vector<16xi32>
        %add3A_1139 = arith.addi %shift_left3A_1138, %add3A_694 : vector<16xi32>
        tpu.vector_store_idx %arg10[%shift_right_arithmetic3A_1132, %add3A_1139], %gather3A_1129 : memref<8x1024xf32, #tpu.memory_space<vmem>>[vector<16xi32>, vector<16xi32>], vector<16xf32>,
        %add3A_1140 = arith.constant 32 : i32
        %add3A_1141 = vector.broadcast %add3A_1140 : i32 to vector<16xi32>
        %add3A_1142 = arith.addi %select_n3A_20, %add3A_1141 : vector<16xi32>
        %gather3A_1143 = tpu.vector_load_idx %arg8[%add3A_694, %add3A_1142] : memref<128x64xf32, #tpu.memory_space<vmem>>[vector<16xi32>, vector<16xi32>], vector<16xf32>,
        %shift_right_arithmetic3A_1144 = arith.constant 3 : i32
        %shift_right_arithmetic3A_1145 = vector.broadcast %shift_right_arithmetic3A_1144 : i32 to vector<16xi32>
        %shift_right_arithmetic3A_1146 = arith.shrsi %add3A_1142, %shift_right_arithmetic3A_1145 : vector<16xi32>
        %and3A_1147 = arith.constant 7 : i32
        %and3A_1148 = vector.broadcast %and3A_1147 : i32 to vector<16xi32>
        %and3A_1149 = arith.andi %add3A_1142, %and3A_1148 : vector<16xi32>
        %shift_left3A_1150 = arith.constant 7 : i32
        %shift_left3A_1151 = vector.broadcast %shift_left3A_1150 : i32 to vector<16xi32>
        %shift_left3A_1152 = arith.shli %and3A_1149, %shift_left3A_1151 : vector<16xi32>
        %add3A_1153 = arith.addi %shift_left3A_1152, %add3A_694 : vector<16xi32>
        tpu.vector_store_idx %arg10[%shift_right_arithmetic3A_1146, %add3A_1153], %gather3A_1143 : memref<8x1024xf32, #tpu.memory_space<vmem>>[vector<16xi32>, vector<16xi32>], vector<16xf32>,
        %add3A_1154 = arith.constant 32 : i32
        %add3A_1155 = vector.broadcast %add3A_1154 : i32 to vector<16xi32>
        %add3A_1156 = arith.addi %select_n3A_45, %add3A_1155 : vector<16xi32>
        %gather3A_1157 = tpu.vector_load_idx %arg8[%add3A_694, %add3A_1156] : memref<128x64xf32, #tpu.memory_space<vmem>>[vector<16xi32>, vector<16xi32>], vector<16xf32>,
        %shift_right_arithmetic3A_1158 = arith.constant 3 : i32
        %shift_right_arithmetic3A_1159 = vector.broadcast %shift_right_arithmetic3A_1158 : i32 to vector<16xi32>
        %shift_right_arithmetic3A_1160 = arith.shrsi %add3A_1156, %shift_right_arithmetic3A_1159 : vector<16xi32>
        %and3A_1161 = arith.constant 7 : i32
        %and3A_1162 = vector.broadcast %and3A_1161 : i32 to vector<16xi32>
        %and3A_1163 = arith.andi %add3A_1156, %and3A_1162 : vector<16xi32>
        %shift_left3A_1164 = arith.constant 7 : i32
        %shift_left3A_1165 = vector.broadcast %shift_left3A_1164 : i32 to vector<16xi32>
        %shift_left3A_1166 = arith.shli %and3A_1163, %shift_left3A_1165 : vector<16xi32>
        %add3A_1167 = arith.addi %shift_left3A_1166, %add3A_694 : vector<16xi32>
        tpu.vector_store_idx %arg10[%shift_right_arithmetic3A_1160, %add3A_1167], %gather3A_1157 : memref<8x1024xf32, #tpu.memory_space<vmem>>[vector<16xi32>, vector<16xi32>], vector<16xf32>,
        %add3A_1168 = arith.constant 32 : i32
        %add3A_1169 = vector.broadcast %add3A_1168 : i32 to vector<16xi32>
        %add3A_1170 = arith.addi %select_n3A_70, %add3A_1169 : vector<16xi32>
        %gather3A_1171 = tpu.vector_load_idx %arg8[%add3A_694, %add3A_1170] : memref<128x64xf32, #tpu.memory_space<vmem>>[vector<16xi32>, vector<16xi32>], vector<16xf32>,
        %shift_right_arithmetic3A_1172 = arith.constant 3 : i32
        %shift_right_arithmetic3A_1173 = vector.broadcast %shift_right_arithmetic3A_1172 : i32 to vector<16xi32>
        %shift_right_arithmetic3A_1174 = arith.shrsi %add3A_1170, %shift_right_arithmetic3A_1173 : vector<16xi32>
        %and3A_1175 = arith.constant 7 : i32
        %and3A_1176 = vector.broadcast %and3A_1175 : i32 to vector<16xi32>
        %and3A_1177 = arith.andi %add3A_1170, %and3A_1176 : vector<16xi32>
        %shift_left3A_1178 = arith.constant 7 : i32
        %shift_left3A_1179 = vector.broadcast %shift_left3A_1178 : i32 to vector<16xi32>
        %shift_left3A_1180 = arith.shli %and3A_1177, %shift_left3A_1179 : vector<16xi32>
        %add3A_1181 = arith.addi %shift_left3A_1180, %add3A_694 : vector<16xi32>
        tpu.vector_store_idx %arg10[%shift_right_arithmetic3A_1174, %add3A_1181], %gather3A_1171 : memref<8x1024xf32, #tpu.memory_space<vmem>>[vector<16xi32>, vector<16xi32>], vector<16xf32>,
        %add3A_1182 = arith.constant 32 : i32
        %add3A_1183 = vector.broadcast %add3A_1182 : i32 to vector<16xi32>
        %add3A_1184 = arith.addi %select_n3A_95, %add3A_1183 : vector<16xi32>
        %gather3A_1185 = tpu.vector_load_idx %arg8[%add3A_694, %add3A_1184] : memref<128x64xf32, #tpu.memory_space<vmem>>[vector<16xi32>, vector<16xi32>], vector<16xf32>,
        %shift_right_arithmetic3A_1186 = arith.constant 3 : i32
        %shift_right_arithmetic3A_1187 = vector.broadcast %shift_right_arithmetic3A_1186 : i32 to vector<16xi32>
        %shift_right_arithmetic3A_1188 = arith.shrsi %add3A_1184, %shift_right_arithmetic3A_1187 : vector<16xi32>
        %and3A_1189 = arith.constant 7 : i32
        %and3A_1190 = vector.broadcast %and3A_1189 : i32 to vector<16xi32>
        %and3A_1191 = arith.andi %add3A_1184, %and3A_1190 : vector<16xi32>
        %shift_left3A_1192 = arith.constant 7 : i32
        %shift_left3A_1193 = vector.broadcast %shift_left3A_1192 : i32 to vector<16xi32>
        %shift_left3A_1194 = arith.shli %and3A_1191, %shift_left3A_1193 : vector<16xi32>
        %add3A_1195 = arith.addi %shift_left3A_1194, %add3A_694 : vector<16xi32>
        tpu.vector_store_idx %arg10[%shift_right_arithmetic3A_1188, %add3A_1195], %gather3A_1185 : memref<8x1024xf32, #tpu.memory_space<vmem>>[vector<16xi32>, vector<16xi32>], vector<16xf32>,
        %add3A_1196 = arith.constant 32 : i32
        %add3A_1197 = vector.broadcast %add3A_1196 : i32 to vector<16xi32>
        %add3A_1198 = arith.addi %select_n3A_120, %add3A_1197 : vector<16xi32>
        %gather3A_1199 = tpu.vector_load_idx %arg8[%add3A_694, %add3A_1198] : memref<128x64xf32, #tpu.memory_space<vmem>>[vector<16xi32>, vector<16xi32>], vector<16xf32>,
        %shift_right_arithmetic3A_1200 = arith.constant 3 : i32
        %shift_right_arithmetic3A_1201 = vector.broadcast %shift_right_arithmetic3A_1200 : i32 to vector<16xi32>
        %shift_right_arithmetic3A_1202 = arith.shrsi %add3A_1198, %shift_right_arithmetic3A_1201 : vector<16xi32>
        %and3A_1203 = arith.constant 7 : i32
        %and3A_1204 = vector.broadcast %and3A_1203 : i32 to vector<16xi32>
        %and3A_1205 = arith.andi %add3A_1198, %and3A_1204 : vector<16xi32>
        %shift_left3A_1206 = arith.constant 7 : i32
        %shift_left3A_1207 = vector.broadcast %shift_left3A_1206 : i32 to vector<16xi32>
        %shift_left3A_1208 = arith.shli %and3A_1205, %shift_left3A_1207 : vector<16xi32>
        %add3A_1209 = arith.addi %shift_left3A_1208, %add3A_694 : vector<16xi32>
        tpu.vector_store_idx %arg10[%shift_right_arithmetic3A_1202, %add3A_1209], %gather3A_1199 : memref<8x1024xf32, #tpu.memory_space<vmem>>[vector<16xi32>, vector<16xi32>], vector<16xf32>,
        %add3A_1210 = arith.constant 32 : i32
        %add3A_1211 = vector.broadcast %add3A_1210 : i32 to vector<16xi32>
        %add3A_1212 = arith.addi %select_n3A_145, %add3A_1211 : vector<16xi32>
        %gather3A_1213 = tpu.vector_load_idx %arg8[%add3A_694, %add3A_1212] : memref<128x64xf32, #tpu.memory_space<vmem>>[vector<16xi32>, vector<16xi32>], vector<16xf32>,
        %shift_right_arithmetic3A_1214 = arith.constant 3 : i32
        %shift_right_arithmetic3A_1215 = vector.broadcast %shift_right_arithmetic3A_1214 : i32 to vector<16xi32>
        %shift_right_arithmetic3A_1216 = arith.shrsi %add3A_1212, %shift_right_arithmetic3A_1215 : vector<16xi32>
        %and3A_1217 = arith.constant 7 : i32
        %and3A_1218 = vector.broadcast %and3A_1217 : i32 to vector<16xi32>
        %and3A_1219 = arith.andi %add3A_1212, %and3A_1218 : vector<16xi32>
        %shift_left3A_1220 = arith.constant 7 : i32
        %shift_left3A_1221 = vector.broadcast %shift_left3A_1220 : i32 to vector<16xi32>
        %shift_left3A_1222 = arith.shli %and3A_1219, %shift_left3A_1221 : vector<16xi32>
        %add3A_1223 = arith.addi %shift_left3A_1222, %add3A_694 : vector<16xi32>
        tpu.vector_store_idx %arg10[%shift_right_arithmetic3A_1216, %add3A_1223], %gather3A_1213 : memref<8x1024xf32, #tpu.memory_space<vmem>>[vector<16xi32>, vector<16xi32>], vector<16xf32>,
        %add3A_1224 = arith.constant 32 : i32
        %add3A_1225 = vector.broadcast %add3A_1224 : i32 to vector<16xi32>
        %add3A_1226 = arith.addi %select_n3A_170, %add3A_1225 : vector<16xi32>
        %gather3A_1227 = tpu.vector_load_idx %arg8[%add3A_694, %add3A_1226] : memref<128x64xf32, #tpu.memory_space<vmem>>[vector<16xi32>, vector<16xi32>], vector<16xf32>,
        %shift_right_arithmetic3A_1228 = arith.constant 3 : i32
        %shift_right_arithmetic3A_1229 = vector.broadcast %shift_right_arithmetic3A_1228 : i32 to vector<16xi32>
        %shift_right_arithmetic3A_1230 = arith.shrsi %add3A_1226, %shift_right_arithmetic3A_1229 : vector<16xi32>
        %and3A_1231 = arith.constant 7 : i32
        %and3A_1232 = vector.broadcast %and3A_1231 : i32 to vector<16xi32>
        %and3A_1233 = arith.andi %add3A_1226, %and3A_1232 : vector<16xi32>
        %shift_left3A_1234 = arith.constant 7 : i32
        %shift_left3A_1235 = vector.broadcast %shift_left3A_1234 : i32 to vector<16xi32>
        %shift_left3A_1236 = arith.shli %and3A_1233, %shift_left3A_1235 : vector<16xi32>
        %add3A_1237 = arith.addi %shift_left3A_1236, %add3A_694 : vector<16xi32>
        tpu.vector_store_idx %arg10[%shift_right_arithmetic3A_1230, %add3A_1237], %gather3A_1227 : memref<8x1024xf32, #tpu.memory_space<vmem>>[vector<16xi32>, vector<16xi32>], vector<16xf32>,
        %add3A_1238 = arith.constant 32 : i32
        %add3A_1239 = vector.broadcast %add3A_1238 : i32 to vector<16xi32>
        %add3A_1240 = arith.addi %select_n3A_195, %add3A_1239 : vector<16xi32>
        %gather3A_1241 = tpu.vector_load_idx %arg8[%add3A_694, %add3A_1240] : memref<128x64xf32, #tpu.memory_space<vmem>>[vector<16xi32>, vector<16xi32>], vector<16xf32>,
        %shift_right_arithmetic3A_1242 = arith.constant 3 : i32
        %shift_right_arithmetic3A_1243 = vector.broadcast %shift_right_arithmetic3A_1242 : i32 to vector<16xi32>
        %shift_right_arithmetic3A_1244 = arith.shrsi %add3A_1240, %shift_right_arithmetic3A_1243 : vector<16xi32>
        %and3A_1245 = arith.constant 7 : i32
        %and3A_1246 = vector.broadcast %and3A_1245 : i32 to vector<16xi32>
        %and3A_1247 = arith.andi %add3A_1240, %and3A_1246 : vector<16xi32>
        %shift_left3A_1248 = arith.constant 7 : i32
        %shift_left3A_1249 = vector.broadcast %shift_left3A_1248 : i32 to vector<16xi32>
        %shift_left3A_1250 = arith.shli %and3A_1247, %shift_left3A_1249 : vector<16xi32>
        %add3A_1251 = arith.addi %shift_left3A_1250, %add3A_694 : vector<16xi32>
        tpu.vector_store_idx %arg10[%shift_right_arithmetic3A_1244, %add3A_1251], %gather3A_1241 : memref<8x1024xf32, #tpu.memory_space<vmem>>[vector<16xi32>, vector<16xi32>], vector<16xf32>,
        %add3A_1252 = arith.constant 32 : i32
        %add3A_1253 = vector.broadcast %add3A_1252 : i32 to vector<16xi32>
        %add3A_1254 = arith.addi %select_n3A_220, %add3A_1253 : vector<16xi32>
        %gather3A_1255 = tpu.vector_load_idx %arg8[%add3A_694, %add3A_1254] : memref<128x64xf32, #tpu.memory_space<vmem>>[vector<16xi32>, vector<16xi32>], vector<16xf32>,
        %shift_right_arithmetic3A_1256 = arith.constant 3 : i32
        %shift_right_arithmetic3A_1257 = vector.broadcast %shift_right_arithmetic3A_1256 : i32 to vector<16xi32>
        %shift_right_arithmetic3A_1258 = arith.shrsi %add3A_1254, %shift_right_arithmetic3A_1257 : vector<16xi32>
        %and3A_1259 = arith.constant 7 : i32
        %and3A_1260 = vector.broadcast %and3A_1259 : i32 to vector<16xi32>
        %and3A_1261 = arith.andi %add3A_1254, %and3A_1260 : vector<16xi32>
        %shift_left3A_1262 = arith.constant 7 : i32
        %shift_left3A_1263 = vector.broadcast %shift_left3A_1262 : i32 to vector<16xi32>
        %shift_left3A_1264 = arith.shli %and3A_1261, %shift_left3A_1263 : vector<16xi32>
        %add3A_1265 = arith.addi %shift_left3A_1264, %add3A_694 : vector<16xi32>
        tpu.vector_store_idx %arg10[%shift_right_arithmetic3A_1258, %add3A_1265], %gather3A_1255 : memref<8x1024xf32, #tpu.memory_space<vmem>>[vector<16xi32>, vector<16xi32>], vector<16xf32>,
        %add3A_1266 = arith.constant 32 : i32
        %add3A_1267 = vector.broadcast %add3A_1266 : i32 to vector<16xi32>
        %add3A_1268 = arith.addi %select_n3A_245, %add3A_1267 : vector<16xi32>
        %gather3A_1269 = tpu.vector_load_idx %arg8[%add3A_694, %add3A_1268] : memref<128x64xf32, #tpu.memory_space<vmem>>[vector<16xi32>, vector<16xi32>], vector<16xf32>,
        %shift_right_arithmetic3A_1270 = arith.constant 3 : i32
        %shift_right_arithmetic3A_1271 = vector.broadcast %shift_right_arithmetic3A_1270 : i32 to vector<16xi32>
        %shift_right_arithmetic3A_1272 = arith.shrsi %add3A_1268, %shift_right_arithmetic3A_1271 : vector<16xi32>
        %and3A_1273 = arith.constant 7 : i32
        %and3A_1274 = vector.broadcast %and3A_1273 : i32 to vector<16xi32>
        %and3A_1275 = arith.andi %add3A_1268, %and3A_1274 : vector<16xi32>
        %shift_left3A_1276 = arith.constant 7 : i32
        %shift_left3A_1277 = vector.broadcast %shift_left3A_1276 : i32 to vector<16xi32>
        %shift_left3A_1278 = arith.shli %and3A_1275, %shift_left3A_1277 : vector<16xi32>
        %add3A_1279 = arith.addi %shift_left3A_1278, %add3A_694 : vector<16xi32>
        tpu.vector_store_idx %arg10[%shift_right_arithmetic3A_1272, %add3A_1279], %gather3A_1269 : memref<8x1024xf32, #tpu.memory_space<vmem>>[vector<16xi32>, vector<16xi32>], vector<16xf32>,
        %add3A_1280 = arith.constant 32 : i32
        %add3A_1281 = vector.broadcast %add3A_1280 : i32 to vector<16xi32>
        %add3A_1282 = arith.addi %select_n3A_270, %add3A_1281 : vector<16xi32>
        %gather3A_1283 = tpu.vector_load_idx %arg8[%add3A_694, %add3A_1282] : memref<128x64xf32, #tpu.memory_space<vmem>>[vector<16xi32>, vector<16xi32>], vector<16xf32>,
        %shift_right_arithmetic3A_1284 = arith.constant 3 : i32
        %shift_right_arithmetic3A_1285 = vector.broadcast %shift_right_arithmetic3A_1284 : i32 to vector<16xi32>
        %shift_right_arithmetic3A_1286 = arith.shrsi %add3A_1282, %shift_right_arithmetic3A_1285 : vector<16xi32>
        %and3A_1287 = arith.constant 7 : i32
        %and3A_1288 = vector.broadcast %and3A_1287 : i32 to vector<16xi32>
        %and3A_1289 = arith.andi %add3A_1282, %and3A_1288 : vector<16xi32>
        %shift_left3A_1290 = arith.constant 7 : i32
        %shift_left3A_1291 = vector.broadcast %shift_left3A_1290 : i32 to vector<16xi32>
        %shift_left3A_1292 = arith.shli %and3A_1289, %shift_left3A_1291 : vector<16xi32>
        %add3A_1293 = arith.addi %shift_left3A_1292, %add3A_694 : vector<16xi32>
        tpu.vector_store_idx %arg10[%shift_right_arithmetic3A_1286, %add3A_1293], %gather3A_1283 : memref<8x1024xf32, #tpu.memory_space<vmem>>[vector<16xi32>, vector<16xi32>], vector<16xf32>,
        %add3A_1294 = arith.constant 32 : i32
        %add3A_1295 = vector.broadcast %add3A_1294 : i32 to vector<16xi32>
        %add3A_1296 = arith.addi %select_n3A_295, %add3A_1295 : vector<16xi32>
        %gather3A_1297 = tpu.vector_load_idx %arg8[%add3A_694, %add3A_1296] : memref<128x64xf32, #tpu.memory_space<vmem>>[vector<16xi32>, vector<16xi32>], vector<16xf32>,
        %shift_right_arithmetic3A_1298 = arith.constant 3 : i32
        %shift_right_arithmetic3A_1299 = vector.broadcast %shift_right_arithmetic3A_1298 : i32 to vector<16xi32>
        %shift_right_arithmetic3A_1300 = arith.shrsi %add3A_1296, %shift_right_arithmetic3A_1299 : vector<16xi32>
        %and3A_1301 = arith.constant 7 : i32
        %and3A_1302 = vector.broadcast %and3A_1301 : i32 to vector<16xi32>
        %and3A_1303 = arith.andi %add3A_1296, %and3A_1302 : vector<16xi32>
        %shift_left3A_1304 = arith.constant 7 : i32
        %shift_left3A_1305 = vector.broadcast %shift_left3A_1304 : i32 to vector<16xi32>
        %shift_left3A_1306 = arith.shli %and3A_1303, %shift_left3A_1305 : vector<16xi32>
        %add3A_1307 = arith.addi %shift_left3A_1306, %add3A_694 : vector<16xi32>
        tpu.vector_store_idx %arg10[%shift_right_arithmetic3A_1300, %add3A_1307], %gather3A_1297 : memref<8x1024xf32, #tpu.memory_space<vmem>>[vector<16xi32>, vector<16xi32>], vector<16xf32>,
        %add3A_1308 = arith.constant 32 : i32
        %add3A_1309 = vector.broadcast %add3A_1308 : i32 to vector<16xi32>
        %add3A_1310 = arith.addi %select_n3A_320, %add3A_1309 : vector<16xi32>
        %gather3A_1311 = tpu.vector_load_idx %arg8[%add3A_694, %add3A_1310] : memref<128x64xf32, #tpu.memory_space<vmem>>[vector<16xi32>, vector<16xi32>], vector<16xf32>,
        %shift_right_arithmetic3A_1312 = arith.constant 3 : i32
        %shift_right_arithmetic3A_1313 = vector.broadcast %shift_right_arithmetic3A_1312 : i32 to vector<16xi32>
        %shift_right_arithmetic3A_1314 = arith.shrsi %add3A_1310, %shift_right_arithmetic3A_1313 : vector<16xi32>
        %and3A_1315 = arith.constant 7 : i32
        %and3A_1316 = vector.broadcast %and3A_1315 : i32 to vector<16xi32>
        %and3A_1317 = arith.andi %add3A_1310, %and3A_1316 : vector<16xi32>
        %shift_left3A_1318 = arith.constant 7 : i32
        %shift_left3A_1319 = vector.broadcast %shift_left3A_1318 : i32 to vector<16xi32>
        %shift_left3A_1320 = arith.shli %and3A_1317, %shift_left3A_1319 : vector<16xi32>
        %add3A_1321 = arith.addi %shift_left3A_1320, %add3A_694 : vector<16xi32>
        tpu.vector_store_idx %arg10[%shift_right_arithmetic3A_1314, %add3A_1321], %gather3A_1311 : memref<8x1024xf32, #tpu.memory_space<vmem>>[vector<16xi32>, vector<16xi32>], vector<16xf32>,
        %add3A_1322 = arith.constant 32 : i32
        %add3A_1323 = vector.broadcast %add3A_1322 : i32 to vector<16xi32>
        %add3A_1324 = arith.addi %select_n3A_345, %add3A_1323 : vector<16xi32>
        %gather3A_1325 = tpu.vector_load_idx %arg8[%add3A_694, %add3A_1324] : memref<128x64xf32, #tpu.memory_space<vmem>>[vector<16xi32>, vector<16xi32>], vector<16xf32>,
        %shift_right_arithmetic3A_1326 = arith.constant 3 : i32
        %shift_right_arithmetic3A_1327 = vector.broadcast %shift_right_arithmetic3A_1326 : i32 to vector<16xi32>
        %shift_right_arithmetic3A_1328 = arith.shrsi %add3A_1324, %shift_right_arithmetic3A_1327 : vector<16xi32>
        %and3A_1329 = arith.constant 7 : i32
        %and3A_1330 = vector.broadcast %and3A_1329 : i32 to vector<16xi32>
        %and3A_1331 = arith.andi %add3A_1324, %and3A_1330 : vector<16xi32>
        %shift_left3A_1332 = arith.constant 7 : i32
        %shift_left3A_1333 = vector.broadcast %shift_left3A_1332 : i32 to vector<16xi32>
        %shift_left3A_1334 = arith.shli %and3A_1331, %shift_left3A_1333 : vector<16xi32>
        %add3A_1335 = arith.addi %shift_left3A_1334, %add3A_694 : vector<16xi32>
        tpu.vector_store_idx %arg10[%shift_right_arithmetic3A_1328, %add3A_1335], %gather3A_1325 : memref<8x1024xf32, #tpu.memory_space<vmem>>[vector<16xi32>, vector<16xi32>], vector<16xf32>,
        %add3A_1336 = arith.constant 32 : i32
        %add3A_1337 = vector.broadcast %add3A_1336 : i32 to vector<16xi32>
        %add3A_1338 = arith.addi %select_n3A_370, %add3A_1337 : vector<16xi32>
        %gather3A_1339 = tpu.vector_load_idx %arg8[%add3A_694, %add3A_1338] : memref<128x64xf32, #tpu.memory_space<vmem>>[vector<16xi32>, vector<16xi32>], vector<16xf32>,
        %shift_right_arithmetic3A_1340 = arith.constant 3 : i32
        %shift_right_arithmetic3A_1341 = vector.broadcast %shift_right_arithmetic3A_1340 : i32 to vector<16xi32>
        %shift_right_arithmetic3A_1342 = arith.shrsi %add3A_1338, %shift_right_arithmetic3A_1341 : vector<16xi32>
        %and3A_1343 = arith.constant 7 : i32
        %and3A_1344 = vector.broadcast %and3A_1343 : i32 to vector<16xi32>
        %and3A_1345 = arith.andi %add3A_1338, %and3A_1344 : vector<16xi32>
        %shift_left3A_1346 = arith.constant 7 : i32
        %shift_left3A_1347 = vector.broadcast %shift_left3A_1346 : i32 to vector<16xi32>
        %shift_left3A_1348 = arith.shli %and3A_1345, %shift_left3A_1347 : vector<16xi32>
        %add3A_1349 = arith.addi %shift_left3A_1348, %add3A_694 : vector<16xi32>
        tpu.vector_store_idx %arg10[%shift_right_arithmetic3A_1342, %add3A_1349], %gather3A_1339 : memref<8x1024xf32, #tpu.memory_space<vmem>>[vector<16xi32>, vector<16xi32>], vector<16xf32>,
        %add3A_1350 = arith.constant 32 : i32
        %add3A_1351 = vector.broadcast %add3A_1350 : i32 to vector<16xi32>
        %add3A_1352 = arith.addi %select_n3A_395, %add3A_1351 : vector<16xi32>
        %gather3A_1353 = tpu.vector_load_idx %arg8[%add3A_694, %add3A_1352] : memref<128x64xf32, #tpu.memory_space<vmem>>[vector<16xi32>, vector<16xi32>], vector<16xf32>,
        %shift_right_arithmetic3A_1354 = arith.constant 3 : i32
        %shift_right_arithmetic3A_1355 = vector.broadcast %shift_right_arithmetic3A_1354 : i32 to vector<16xi32>
        %shift_right_arithmetic3A_1356 = arith.shrsi %add3A_1352, %shift_right_arithmetic3A_1355 : vector<16xi32>
        %and3A_1357 = arith.constant 7 : i32
        %and3A_1358 = vector.broadcast %and3A_1357 : i32 to vector<16xi32>
        %and3A_1359 = arith.andi %add3A_1352, %and3A_1358 : vector<16xi32>
        %shift_left3A_1360 = arith.constant 7 : i32
        %shift_left3A_1361 = vector.broadcast %shift_left3A_1360 : i32 to vector<16xi32>
        %shift_left3A_1362 = arith.shli %and3A_1359, %shift_left3A_1361 : vector<16xi32>
        %add3A_1363 = arith.addi %shift_left3A_1362, %add3A_694 : vector<16xi32>
        tpu.vector_store_idx %arg10[%shift_right_arithmetic3A_1356, %add3A_1363], %gather3A_1353 : memref<8x1024xf32, #tpu.memory_space<vmem>>[vector<16xi32>, vector<16xi32>], vector<16xf32>,
        %add3A_1364 = arith.constant 48 : i32
        %add3A_1365 = vector.broadcast %add3A_1364 : i32 to vector<16xi32>
        %add3A_1366 = arith.addi %select_n3A_20, %add3A_1365 : vector<16xi32>
        %gather3A_1367 = tpu.vector_load_idx %arg8[%add3A_694, %add3A_1366] : memref<128x64xf32, #tpu.memory_space<vmem>>[vector<16xi32>, vector<16xi32>], vector<16xf32>,
        %shift_right_arithmetic3A_1368 = arith.constant 3 : i32
        %shift_right_arithmetic3A_1369 = vector.broadcast %shift_right_arithmetic3A_1368 : i32 to vector<16xi32>
        %shift_right_arithmetic3A_1370 = arith.shrsi %add3A_1366, %shift_right_arithmetic3A_1369 : vector<16xi32>
        %and3A_1371 = arith.constant 7 : i32
        %and3A_1372 = vector.broadcast %and3A_1371 : i32 to vector<16xi32>
        %and3A_1373 = arith.andi %add3A_1366, %and3A_1372 : vector<16xi32>
        %shift_left3A_1374 = arith.constant 7 : i32
        %shift_left3A_1375 = vector.broadcast %shift_left3A_1374 : i32 to vector<16xi32>
        %shift_left3A_1376 = arith.shli %and3A_1373, %shift_left3A_1375 : vector<16xi32>
        %add3A_1377 = arith.addi %shift_left3A_1376, %add3A_694 : vector<16xi32>
        tpu.vector_store_idx %arg10[%shift_right_arithmetic3A_1370, %add3A_1377], %gather3A_1367 : memref<8x1024xf32, #tpu.memory_space<vmem>>[vector<16xi32>, vector<16xi32>], vector<16xf32>,
        %add3A_1378 = arith.constant 48 : i32
        %add3A_1379 = vector.broadcast %add3A_1378 : i32 to vector<16xi32>
        %add3A_1380 = arith.addi %select_n3A_45, %add3A_1379 : vector<16xi32>
        %gather3A_1381 = tpu.vector_load_idx %arg8[%add3A_694, %add3A_1380] : memref<128x64xf32, #tpu.memory_space<vmem>>[vector<16xi32>, vector<16xi32>], vector<16xf32>,
        %shift_right_arithmetic3A_1382 = arith.constant 3 : i32
        %shift_right_arithmetic3A_1383 = vector.broadcast %shift_right_arithmetic3A_1382 : i32 to vector<16xi32>
        %shift_right_arithmetic3A_1384 = arith.shrsi %add3A_1380, %shift_right_arithmetic3A_1383 : vector<16xi32>
        %and3A_1385 = arith.constant 7 : i32
        %and3A_1386 = vector.broadcast %and3A_1385 : i32 to vector<16xi32>
        %and3A_1387 = arith.andi %add3A_1380, %and3A_1386 : vector<16xi32>
        %shift_left3A_1388 = arith.constant 7 : i32
        %shift_left3A_1389 = vector.broadcast %shift_left3A_1388 : i32 to vector<16xi32>
        %shift_left3A_1390 = arith.shli %and3A_1387, %shift_left3A_1389 : vector<16xi32>
        %add3A_1391 = arith.addi %shift_left3A_1390, %add3A_694 : vector<16xi32>
        tpu.vector_store_idx %arg10[%shift_right_arithmetic3A_1384, %add3A_1391], %gather3A_1381 : memref<8x1024xf32, #tpu.memory_space<vmem>>[vector<16xi32>, vector<16xi32>], vector<16xf32>,
        %add3A_1392 = arith.constant 48 : i32
        %add3A_1393 = vector.broadcast %add3A_1392 : i32 to vector<16xi32>
        %add3A_1394 = arith.addi %select_n3A_70, %add3A_1393 : vector<16xi32>
        %gather3A_1395 = tpu.vector_load_idx %arg8[%add3A_694, %add3A_1394] : memref<128x64xf32, #tpu.memory_space<vmem>>[vector<16xi32>, vector<16xi32>], vector<16xf32>,
        %shift_right_arithmetic3A_1396 = arith.constant 3 : i32
        %shift_right_arithmetic3A_1397 = vector.broadcast %shift_right_arithmetic3A_1396 : i32 to vector<16xi32>
        %shift_right_arithmetic3A_1398 = arith.shrsi %add3A_1394, %shift_right_arithmetic3A_1397 : vector<16xi32>
        %and3A_1399 = arith.constant 7 : i32
        %and3A_1400 = vector.broadcast %and3A_1399 : i32 to vector<16xi32>
        %and3A_1401 = arith.andi %add3A_1394, %and3A_1400 : vector<16xi32>
        %shift_left3A_1402 = arith.constant 7 : i32
        %shift_left3A_1403 = vector.broadcast %shift_left3A_1402 : i32 to vector<16xi32>
        %shift_left3A_1404 = arith.shli %and3A_1401, %shift_left3A_1403 : vector<16xi32>
        %add3A_1405 = arith.addi %shift_left3A_1404, %add3A_694 : vector<16xi32>
        tpu.vector_store_idx %arg10[%shift_right_arithmetic3A_1398, %add3A_1405], %gather3A_1395 : memref<8x1024xf32, #tpu.memory_space<vmem>>[vector<16xi32>, vector<16xi32>], vector<16xf32>,
        %add3A_1406 = arith.constant 48 : i32
        %add3A_1407 = vector.broadcast %add3A_1406 : i32 to vector<16xi32>
        %add3A_1408 = arith.addi %select_n3A_95, %add3A_1407 : vector<16xi32>
        %gather3A_1409 = tpu.vector_load_idx %arg8[%add3A_694, %add3A_1408] : memref<128x64xf32, #tpu.memory_space<vmem>>[vector<16xi32>, vector<16xi32>], vector<16xf32>,
        %shift_right_arithmetic3A_1410 = arith.constant 3 : i32
        %shift_right_arithmetic3A_1411 = vector.broadcast %shift_right_arithmetic3A_1410 : i32 to vector<16xi32>
        %shift_right_arithmetic3A_1412 = arith.shrsi %add3A_1408, %shift_right_arithmetic3A_1411 : vector<16xi32>
        %and3A_1413 = arith.constant 7 : i32
        %and3A_1414 = vector.broadcast %and3A_1413 : i32 to vector<16xi32>
        %and3A_1415 = arith.andi %add3A_1408, %and3A_1414 : vector<16xi32>
        %shift_left3A_1416 = arith.constant 7 : i32
        %shift_left3A_1417 = vector.broadcast %shift_left3A_1416 : i32 to vector<16xi32>
        %shift_left3A_1418 = arith.shli %and3A_1415, %shift_left3A_1417 : vector<16xi32>
        %add3A_1419 = arith.addi %shift_left3A_1418, %add3A_694 : vector<16xi32>
        tpu.vector_store_idx %arg10[%shift_right_arithmetic3A_1412, %add3A_1419], %gather3A_1409 : memref<8x1024xf32, #tpu.memory_space<vmem>>[vector<16xi32>, vector<16xi32>], vector<16xf32>,
        %add3A_1420 = arith.constant 48 : i32
        %add3A_1421 = vector.broadcast %add3A_1420 : i32 to vector<16xi32>
        %add3A_1422 = arith.addi %select_n3A_120, %add3A_1421 : vector<16xi32>
        %gather3A_1423 = tpu.vector_load_idx %arg8[%add3A_694, %add3A_1422] : memref<128x64xf32, #tpu.memory_space<vmem>>[vector<16xi32>, vector<16xi32>], vector<16xf32>,
        %shift_right_arithmetic3A_1424 = arith.constant 3 : i32
        %shift_right_arithmetic3A_1425 = vector.broadcast %shift_right_arithmetic3A_1424 : i32 to vector<16xi32>
        %shift_right_arithmetic3A_1426 = arith.shrsi %add3A_1422, %shift_right_arithmetic3A_1425 : vector<16xi32>
        %and3A_1427 = arith.constant 7 : i32
        %and3A_1428 = vector.broadcast %and3A_1427 : i32 to vector<16xi32>
        %and3A_1429 = arith.andi %add3A_1422, %and3A_1428 : vector<16xi32>
        %shift_left3A_1430 = arith.constant 7 : i32
        %shift_left3A_1431 = vector.broadcast %shift_left3A_1430 : i32 to vector<16xi32>
        %shift_left3A_1432 = arith.shli %and3A_1429, %shift_left3A_1431 : vector<16xi32>
        %add3A_1433 = arith.addi %shift_left3A_1432, %add3A_694 : vector<16xi32>
        tpu.vector_store_idx %arg10[%shift_right_arithmetic3A_1426, %add3A_1433], %gather3A_1423 : memref<8x1024xf32, #tpu.memory_space<vmem>>[vector<16xi32>, vector<16xi32>], vector<16xf32>,
        %add3A_1434 = arith.constant 48 : i32
        %add3A_1435 = vector.broadcast %add3A_1434 : i32 to vector<16xi32>
        %add3A_1436 = arith.addi %select_n3A_145, %add3A_1435 : vector<16xi32>
        %gather3A_1437 = tpu.vector_load_idx %arg8[%add3A_694, %add3A_1436] : memref<128x64xf32, #tpu.memory_space<vmem>>[vector<16xi32>, vector<16xi32>], vector<16xf32>,
        %shift_right_arithmetic3A_1438 = arith.constant 3 : i32
        %shift_right_arithmetic3A_1439 = vector.broadcast %shift_right_arithmetic3A_1438 : i32 to vector<16xi32>
        %shift_right_arithmetic3A_1440 = arith.shrsi %add3A_1436, %shift_right_arithmetic3A_1439 : vector<16xi32>
        %and3A_1441 = arith.constant 7 : i32
        %and3A_1442 = vector.broadcast %and3A_1441 : i32 to vector<16xi32>
        %and3A_1443 = arith.andi %add3A_1436, %and3A_1442 : vector<16xi32>
        %shift_left3A_1444 = arith.constant 7 : i32
        %shift_left3A_1445 = vector.broadcast %shift_left3A_1444 : i32 to vector<16xi32>
        %shift_left3A_1446 = arith.shli %and3A_1443, %shift_left3A_1445 : vector<16xi32>
        %add3A_1447 = arith.addi %shift_left3A_1446, %add3A_694 : vector<16xi32>
        tpu.vector_store_idx %arg10[%shift_right_arithmetic3A_1440, %add3A_1447], %gather3A_1437 : memref<8x1024xf32, #tpu.memory_space<vmem>>[vector<16xi32>, vector<16xi32>], vector<16xf32>,
        %add3A_1448 = arith.constant 48 : i32
        %add3A_1449 = vector.broadcast %add3A_1448 : i32 to vector<16xi32>
        %add3A_1450 = arith.addi %select_n3A_170, %add3A_1449 : vector<16xi32>
        %gather3A_1451 = tpu.vector_load_idx %arg8[%add3A_694, %add3A_1450] : memref<128x64xf32, #tpu.memory_space<vmem>>[vector<16xi32>, vector<16xi32>], vector<16xf32>,
        %shift_right_arithmetic3A_1452 = arith.constant 3 : i32
        %shift_right_arithmetic3A_1453 = vector.broadcast %shift_right_arithmetic3A_1452 : i32 to vector<16xi32>
        %shift_right_arithmetic3A_1454 = arith.shrsi %add3A_1450, %shift_right_arithmetic3A_1453 : vector<16xi32>
        %and3A_1455 = arith.constant 7 : i32
        %and3A_1456 = vector.broadcast %and3A_1455 : i32 to vector<16xi32>
        %and3A_1457 = arith.andi %add3A_1450, %and3A_1456 : vector<16xi32>
        %shift_left3A_1458 = arith.constant 7 : i32
        %shift_left3A_1459 = vector.broadcast %shift_left3A_1458 : i32 to vector<16xi32>
        %shift_left3A_1460 = arith.shli %and3A_1457, %shift_left3A_1459 : vector<16xi32>
        %add3A_1461 = arith.addi %shift_left3A_1460, %add3A_694 : vector<16xi32>
        tpu.vector_store_idx %arg10[%shift_right_arithmetic3A_1454, %add3A_1461], %gather3A_1451 : memref<8x1024xf32, #tpu.memory_space<vmem>>[vector<16xi32>, vector<16xi32>], vector<16xf32>,
        %add3A_1462 = arith.constant 48 : i32
        %add3A_1463 = vector.broadcast %add3A_1462 : i32 to vector<16xi32>
        %add3A_1464 = arith.addi %select_n3A_195, %add3A_1463 : vector<16xi32>
        %gather3A_1465 = tpu.vector_load_idx %arg8[%add3A_694, %add3A_1464] : memref<128x64xf32, #tpu.memory_space<vmem>>[vector<16xi32>, vector<16xi32>], vector<16xf32>,
        %shift_right_arithmetic3A_1466 = arith.constant 3 : i32
        %shift_right_arithmetic3A_1467 = vector.broadcast %shift_right_arithmetic3A_1466 : i32 to vector<16xi32>
        %shift_right_arithmetic3A_1468 = arith.shrsi %add3A_1464, %shift_right_arithmetic3A_1467 : vector<16xi32>
        %and3A_1469 = arith.constant 7 : i32
        %and3A_1470 = vector.broadcast %and3A_1469 : i32 to vector<16xi32>
        %and3A_1471 = arith.andi %add3A_1464, %and3A_1470 : vector<16xi32>
        %shift_left3A_1472 = arith.constant 7 : i32
        %shift_left3A_1473 = vector.broadcast %shift_left3A_1472 : i32 to vector<16xi32>
        %shift_left3A_1474 = arith.shli %and3A_1471, %shift_left3A_1473 : vector<16xi32>
        %add3A_1475 = arith.addi %shift_left3A_1474, %add3A_694 : vector<16xi32>
        tpu.vector_store_idx %arg10[%shift_right_arithmetic3A_1468, %add3A_1475], %gather3A_1465 : memref<8x1024xf32, #tpu.memory_space<vmem>>[vector<16xi32>, vector<16xi32>], vector<16xf32>,
        %add3A_1476 = arith.constant 48 : i32
        %add3A_1477 = vector.broadcast %add3A_1476 : i32 to vector<16xi32>
        %add3A_1478 = arith.addi %select_n3A_220, %add3A_1477 : vector<16xi32>
        %gather3A_1479 = tpu.vector_load_idx %arg8[%add3A_694, %add3A_1478] : memref<128x64xf32, #tpu.memory_space<vmem>>[vector<16xi32>, vector<16xi32>], vector<16xf32>,
        %shift_right_arithmetic3A_1480 = arith.constant 3 : i32
        %shift_right_arithmetic3A_1481 = vector.broadcast %shift_right_arithmetic3A_1480 : i32 to vector<16xi32>
        %shift_right_arithmetic3A_1482 = arith.shrsi %add3A_1478, %shift_right_arithmetic3A_1481 : vector<16xi32>
        %and3A_1483 = arith.constant 7 : i32
        %and3A_1484 = vector.broadcast %and3A_1483 : i32 to vector<16xi32>
        %and3A_1485 = arith.andi %add3A_1478, %and3A_1484 : vector<16xi32>
        %shift_left3A_1486 = arith.constant 7 : i32
        %shift_left3A_1487 = vector.broadcast %shift_left3A_1486 : i32 to vector<16xi32>
        %shift_left3A_1488 = arith.shli %and3A_1485, %shift_left3A_1487 : vector<16xi32>
        %add3A_1489 = arith.addi %shift_left3A_1488, %add3A_694 : vector<16xi32>
        tpu.vector_store_idx %arg10[%shift_right_arithmetic3A_1482, %add3A_1489], %gather3A_1479 : memref<8x1024xf32, #tpu.memory_space<vmem>>[vector<16xi32>, vector<16xi32>], vector<16xf32>,
        %add3A_1490 = arith.constant 48 : i32
        %add3A_1491 = vector.broadcast %add3A_1490 : i32 to vector<16xi32>
        %add3A_1492 = arith.addi %select_n3A_245, %add3A_1491 : vector<16xi32>
        %gather3A_1493 = tpu.vector_load_idx %arg8[%add3A_694, %add3A_1492] : memref<128x64xf32, #tpu.memory_space<vmem>>[vector<16xi32>, vector<16xi32>], vector<16xf32>,
        %shift_right_arithmetic3A_1494 = arith.constant 3 : i32
        %shift_right_arithmetic3A_1495 = vector.broadcast %shift_right_arithmetic3A_1494 : i32 to vector<16xi32>
        %shift_right_arithmetic3A_1496 = arith.shrsi %add3A_1492, %shift_right_arithmetic3A_1495 : vector<16xi32>
        %and3A_1497 = arith.constant 7 : i32
        %and3A_1498 = vector.broadcast %and3A_1497 : i32 to vector<16xi32>
        %and3A_1499 = arith.andi %add3A_1492, %and3A_1498 : vector<16xi32>
        %shift_left3A_1500 = arith.constant 7 : i32
        %shift_left3A_1501 = vector.broadcast %shift_left3A_1500 : i32 to vector<16xi32>
        %shift_left3A_1502 = arith.shli %and3A_1499, %shift_left3A_1501 : vector<16xi32>
        %add3A_1503 = arith.addi %shift_left3A_1502, %add3A_694 : vector<16xi32>
        tpu.vector_store_idx %arg10[%shift_right_arithmetic3A_1496, %add3A_1503], %gather3A_1493 : memref<8x1024xf32, #tpu.memory_space<vmem>>[vector<16xi32>, vector<16xi32>], vector<16xf32>,
        %add3A_1504 = arith.constant 48 : i32
        %add3A_1505 = vector.broadcast %add3A_1504 : i32 to vector<16xi32>
        %add3A_1506 = arith.addi %select_n3A_270, %add3A_1505 : vector<16xi32>
        %gather3A_1507 = tpu.vector_load_idx %arg8[%add3A_694, %add3A_1506] : memref<128x64xf32, #tpu.memory_space<vmem>>[vector<16xi32>, vector<16xi32>], vector<16xf32>,
        %shift_right_arithmetic3A_1508 = arith.constant 3 : i32
        %shift_right_arithmetic3A_1509 = vector.broadcast %shift_right_arithmetic3A_1508 : i32 to vector<16xi32>
        %shift_right_arithmetic3A_1510 = arith.shrsi %add3A_1506, %shift_right_arithmetic3A_1509 : vector<16xi32>
        %and3A_1511 = arith.constant 7 : i32
        %and3A_1512 = vector.broadcast %and3A_1511 : i32 to vector<16xi32>
        %and3A_1513 = arith.andi %add3A_1506, %and3A_1512 : vector<16xi32>
        %shift_left3A_1514 = arith.constant 7 : i32
        %shift_left3A_1515 = vector.broadcast %shift_left3A_1514 : i32 to vector<16xi32>
        %shift_left3A_1516 = arith.shli %and3A_1513, %shift_left3A_1515 : vector<16xi32>
        %add3A_1517 = arith.addi %shift_left3A_1516, %add3A_694 : vector<16xi32>
        tpu.vector_store_idx %arg10[%shift_right_arithmetic3A_1510, %add3A_1517], %gather3A_1507 : memref<8x1024xf32, #tpu.memory_space<vmem>>[vector<16xi32>, vector<16xi32>], vector<16xf32>,
        %add3A_1518 = arith.constant 48 : i32
        %add3A_1519 = vector.broadcast %add3A_1518 : i32 to vector<16xi32>
        %add3A_1520 = arith.addi %select_n3A_295, %add3A_1519 : vector<16xi32>
        %gather3A_1521 = tpu.vector_load_idx %arg8[%add3A_694, %add3A_1520] : memref<128x64xf32, #tpu.memory_space<vmem>>[vector<16xi32>, vector<16xi32>], vector<16xf32>,
        %shift_right_arithmetic3A_1522 = arith.constant 3 : i32
        %shift_right_arithmetic3A_1523 = vector.broadcast %shift_right_arithmetic3A_1522 : i32 to vector<16xi32>
        %shift_right_arithmetic3A_1524 = arith.shrsi %add3A_1520, %shift_right_arithmetic3A_1523 : vector<16xi32>
        %and3A_1525 = arith.constant 7 : i32
        %and3A_1526 = vector.broadcast %and3A_1525 : i32 to vector<16xi32>
        %and3A_1527 = arith.andi %add3A_1520, %and3A_1526 : vector<16xi32>
        %shift_left3A_1528 = arith.constant 7 : i32
        %shift_left3A_1529 = vector.broadcast %shift_left3A_1528 : i32 to vector<16xi32>
        %shift_left3A_1530 = arith.shli %and3A_1527, %shift_left3A_1529 : vector<16xi32>
        %add3A_1531 = arith.addi %shift_left3A_1530, %add3A_694 : vector<16xi32>
        tpu.vector_store_idx %arg10[%shift_right_arithmetic3A_1524, %add3A_1531], %gather3A_1521 : memref<8x1024xf32, #tpu.memory_space<vmem>>[vector<16xi32>, vector<16xi32>], vector<16xf32>,
        %add3A_1532 = arith.constant 48 : i32
        %add3A_1533 = vector.broadcast %add3A_1532 : i32 to vector<16xi32>
        %add3A_1534 = arith.addi %select_n3A_320, %add3A_1533 : vector<16xi32>
        %gather3A_1535 = tpu.vector_load_idx %arg8[%add3A_694, %add3A_1534] : memref<128x64xf32, #tpu.memory_space<vmem>>[vector<16xi32>, vector<16xi32>], vector<16xf32>,
        %shift_right_arithmetic3A_1536 = arith.constant 3 : i32
        %shift_right_arithmetic3A_1537 = vector.broadcast %shift_right_arithmetic3A_1536 : i32 to vector<16xi32>
        %shift_right_arithmetic3A_1538 = arith.shrsi %add3A_1534, %shift_right_arithmetic3A_1537 : vector<16xi32>
        %and3A_1539 = arith.constant 7 : i32
        %and3A_1540 = vector.broadcast %and3A_1539 : i32 to vector<16xi32>
        %and3A_1541 = arith.andi %add3A_1534, %and3A_1540 : vector<16xi32>
        %shift_left3A_1542 = arith.constant 7 : i32
        %shift_left3A_1543 = vector.broadcast %shift_left3A_1542 : i32 to vector<16xi32>
        %shift_left3A_1544 = arith.shli %and3A_1541, %shift_left3A_1543 : vector<16xi32>
        %add3A_1545 = arith.addi %shift_left3A_1544, %add3A_694 : vector<16xi32>
        tpu.vector_store_idx %arg10[%shift_right_arithmetic3A_1538, %add3A_1545], %gather3A_1535 : memref<8x1024xf32, #tpu.memory_space<vmem>>[vector<16xi32>, vector<16xi32>], vector<16xf32>,
        %add3A_1546 = arith.constant 48 : i32
        %add3A_1547 = vector.broadcast %add3A_1546 : i32 to vector<16xi32>
        %add3A_1548 = arith.addi %select_n3A_345, %add3A_1547 : vector<16xi32>
        %gather3A_1549 = tpu.vector_load_idx %arg8[%add3A_694, %add3A_1548] : memref<128x64xf32, #tpu.memory_space<vmem>>[vector<16xi32>, vector<16xi32>], vector<16xf32>,
        %shift_right_arithmetic3A_1550 = arith.constant 3 : i32
        %shift_right_arithmetic3A_1551 = vector.broadcast %shift_right_arithmetic3A_1550 : i32 to vector<16xi32>
        %shift_right_arithmetic3A_1552 = arith.shrsi %add3A_1548, %shift_right_arithmetic3A_1551 : vector<16xi32>
        %and3A_1553 = arith.constant 7 : i32
        %and3A_1554 = vector.broadcast %and3A_1553 : i32 to vector<16xi32>
        %and3A_1555 = arith.andi %add3A_1548, %and3A_1554 : vector<16xi32>
        %shift_left3A_1556 = arith.constant 7 : i32
        %shift_left3A_1557 = vector.broadcast %shift_left3A_1556 : i32 to vector<16xi32>
        %shift_left3A_1558 = arith.shli %and3A_1555, %shift_left3A_1557 : vector<16xi32>
        %add3A_1559 = arith.addi %shift_left3A_1558, %add3A_694 : vector<16xi32>
        tpu.vector_store_idx %arg10[%shift_right_arithmetic3A_1552, %add3A_1559], %gather3A_1549 : memref<8x1024xf32, #tpu.memory_space<vmem>>[vector<16xi32>, vector<16xi32>], vector<16xf32>,
        %add3A_1560 = arith.constant 48 : i32
        %add3A_1561 = vector.broadcast %add3A_1560 : i32 to vector<16xi32>
        %add3A_1562 = arith.addi %select_n3A_370, %add3A_1561 : vector<16xi32>
        %gather3A_1563 = tpu.vector_load_idx %arg8[%add3A_694, %add3A_1562] : memref<128x64xf32, #tpu.memory_space<vmem>>[vector<16xi32>, vector<16xi32>], vector<16xf32>,
        %shift_right_arithmetic3A_1564 = arith.constant 3 : i32
        %shift_right_arithmetic3A_1565 = vector.broadcast %shift_right_arithmetic3A_1564 : i32 to vector<16xi32>
        %shift_right_arithmetic3A_1566 = arith.shrsi %add3A_1562, %shift_right_arithmetic3A_1565 : vector<16xi32>
        %and3A_1567 = arith.constant 7 : i32
        %and3A_1568 = vector.broadcast %and3A_1567 : i32 to vector<16xi32>
        %and3A_1569 = arith.andi %add3A_1562, %and3A_1568 : vector<16xi32>
        %shift_left3A_1570 = arith.constant 7 : i32
        %shift_left3A_1571 = vector.broadcast %shift_left3A_1570 : i32 to vector<16xi32>
        %shift_left3A_1572 = arith.shli %and3A_1569, %shift_left3A_1571 : vector<16xi32>
        %add3A_1573 = arith.addi %shift_left3A_1572, %add3A_694 : vector<16xi32>
        tpu.vector_store_idx %arg10[%shift_right_arithmetic3A_1566, %add3A_1573], %gather3A_1563 : memref<8x1024xf32, #tpu.memory_space<vmem>>[vector<16xi32>, vector<16xi32>], vector<16xf32>,
        %add3A_1574 = arith.constant 48 : i32
        %add3A_1575 = vector.broadcast %add3A_1574 : i32 to vector<16xi32>
        %add3A_1576 = arith.addi %select_n3A_395, %add3A_1575 : vector<16xi32>
        %gather3A_1577 = tpu.vector_load_idx %arg8[%add3A_694, %add3A_1576] : memref<128x64xf32, #tpu.memory_space<vmem>>[vector<16xi32>, vector<16xi32>], vector<16xf32>,
        %shift_right_arithmetic3A_1578 = arith.constant 3 : i32
        %shift_right_arithmetic3A_1579 = vector.broadcast %shift_right_arithmetic3A_1578 : i32 to vector<16xi32>
        %shift_right_arithmetic3A_1580 = arith.shrsi %add3A_1576, %shift_right_arithmetic3A_1579 : vector<16xi32>
        %and3A_1581 = arith.constant 7 : i32
        %and3A_1582 = vector.broadcast %and3A_1581 : i32 to vector<16xi32>
        %and3A_1583 = arith.andi %add3A_1576, %and3A_1582 : vector<16xi32>
        %shift_left3A_1584 = arith.constant 7 : i32
        %shift_left3A_1585 = vector.broadcast %shift_left3A_1584 : i32 to vector<16xi32>
        %shift_left3A_1586 = arith.shli %and3A_1583, %shift_left3A_1585 : vector<16xi32>
        %add3A_1587 = arith.addi %shift_left3A_1586, %add3A_694 : vector<16xi32>
        tpu.vector_store_idx %arg10[%shift_right_arithmetic3A_1580, %add3A_1587], %gather3A_1577 : memref<8x1024xf32, #tpu.memory_space<vmem>>[vector<16xi32>, vector<16xi32>], vector<16xf32>,
      }
      %scan3A_636 = arith.constant 8 : i32
      %jit3A_637 = arith.constant 32 : i32
      %div3A_638 = arith.divsi %add3A_614, %jit3A_637 : i32
      %sign3A_639 = arith.constant 0 : i32
      %sign3A_640 = arith.cmpi sgt, %add3A_614, %sign3A_639 : i32
      %sign3A_641 = arith.extui %sign3A_640 : i1 to i32
      %sign3A_642 = arith.constant 0 : i32
      %sign3A_643 = arith.cmpi slt, %add3A_614, %sign3A_642 : i32
      %sign3A_644 = arith.extui %sign3A_643 : i1 to i32
      %sign3A_645 = arith.subi %sign3A_641, %sign3A_644 : i32
      %sign3A_646 = arith.constant 0 : i32
      %sign3A_647 = arith.cmpi sgt, %jit3A_637, %sign3A_646 : i32
      %sign3A_648 = arith.extui %sign3A_647 : i1 to i32
      %sign3A_649 = arith.constant 0 : i32
      %sign3A_650 = arith.cmpi slt, %jit3A_637, %sign3A_649 : i32
      %sign3A_651 = arith.extui %sign3A_650 : i1 to i32
      %sign3A_652 = arith.subi %sign3A_648, %sign3A_651 : i32
      %ne3A_653 = arith.cmpi ne, %sign3A_645, %sign3A_652 : i32
      %rem3A_654 = arith.remsi %add3A_614, %jit3A_637 : i32
      %ne3A_655 = arith.constant 0 : i32
      %ne3A_656 = arith.cmpi ne, %rem3A_654, %ne3A_655 : i32
      %and3A_657 = arith.andi %ne3A_653, %ne3A_656 : i1
      %sub3A_658 = arith.constant 1 : i32
      %sub3A_659 = arith.subi %div3A_638, %sub3A_658 : i32
      %select_n3A_660 = arith.select %and3A_657, %sub3A_659, %div3A_638 : i32
      %jit3A_661 = arith.constant 32 : i32
      %eq3A_662 = arith.constant 0 : i32
      %eq3A_663 = arith.cmpi eq, %jit3A_661, %eq3A_662 : i32
      %jit3A_664 = arith.constant 1 : i32
      %select_n3A_665 = arith.select %eq3A_663, %jit3A_664, %jit3A_661 : i32
      %rem3A_666 = arith.remsi %add3A_614, %select_n3A_665 : i32
      %ne3A_667 = arith.constant 0 : i32
      %ne3A_668 = arith.cmpi ne, %rem3A_666, %ne3A_667 : i32
      %lt3A_669 = arith.constant 0 : i32
      %lt3A_670 = arith.cmpi slt, %rem3A_666, %lt3A_669 : i32
      %lt3A_671 = arith.constant 0 : i32
      %lt3A_672 = arith.cmpi slt, %select_n3A_665, %lt3A_671 : i32
      %ne3A_673 = arith.xori %lt3A_670, %lt3A_672 : i1
      %and3A_674 = arith.andi %ne3A_673, %ne3A_668 : i1
      %add3A_675 = arith.addi %rem3A_666, %select_n3A_665 : i32
      %select_n3A_676 = arith.select %and3A_674, %add3A_675, %rem3A_666 : i32
      %dma_start3A_677 = arith.constant 0 : i32
      %dma_start3A_678 = arith.constant 0 : i32
      %dma_start3A_679 = tpu.memref_slice %arg4[%select_n3A_660, %dma_start3A_677, %select_n3A_676, %dma_start3A_678] : memref<200x8x32x1024xf32, #tpu.memory_space<hbm>> -> memref<1x8x1x1024xf32, #tpu.memory_space<hbm>>
      %dma_start3A_680 = tpu.memref_squeeze %dma_start3A_679 : memref<1x8x1x1024xf32, #tpu.memory_space<hbm>> -> memref<8x1024xf32, #tpu.memory_space<hbm>>
      %dma_start3A_681 = arith.constant 0 : i32
      %dma_start3A_682 = arith.constant 0 : i32
      %dma_start3A_683 = tpu.memref_slice %arg4[%select_n3A_660, %dma_start3A_681, %select_n3A_676, %dma_start3A_682] : memref<200x8x32x1024xf32, #tpu.memory_space<hbm>> -> memref<1x8x1x1024xf32, #tpu.memory_space<hbm>>
      %dma_start3A_684 = tpu.memref_squeeze %dma_start3A_683 : memref<1x8x1x1024xf32, #tpu.memory_space<hbm>> -> memref<8x1024xf32, #tpu.memory_space<hbm>>
      tpu.enqueue_dma source(%arg10 : memref<8x1024xf32, #tpu.memory_space<vmem>>) target(%dma_start3A_684 : memref<8x1024xf32, #tpu.memory_space<hbm>>) target_semaphore(%arg16 : memref<!tpu.dma_semaphore, #tpu.memory_space<semaphore_mem>>)
      %lt3A_685 = arith.constant 99 : i32
      %lt3A_686 = arith.cmpi slt, %scan3A_532, %lt3A_685 : i32
      %convert_element_type3A_687 = arith.extui %lt3A_686 : i1 to i32
      %cond3A_688 = arith.constant 0 : i32
      %cond3A_689 = arith.cmpi ne, %convert_element_type3A_687, %cond3A_688 : i32
      scf.if %cond3A_689 {
        %dma_wait3A_690 = arith.constant 0 : i32
        %dma_wait3A_691 = arith.constant 0 : i32
        %dma_wait3A_692 = tpu.memref_slice %arg2[%dma_wait3A_690, %dma_wait3A_691] : memref<200x4096xi32, #tpu.memory_space<hbm>> -> memref<1x128xi32, #tpu.memory_space<hbm>>
        %dma_wait3A_693 = tpu.memref_squeeze %dma_wait3A_692 : memref<1x128xi32, #tpu.memory_space<hbm>> -> memref<128xi32, #tpu.memory_space<hbm>>
        %dma_wait3A_694 = arith.constant 0 : i32
        %dma_wait3A_695 = tpu.memref_slice %arg2[%dma_wait3A_690, %dma_wait3A_694] : memref<200x4096xi32, #tpu.memory_space<hbm>> -> memref<1x128xi32, #tpu.memory_space<hbm>>
        %dma_wait3A_696 = tpu.memref_squeeze %dma_wait3A_695 : memref<1x128xi32, #tpu.memory_space<hbm>> -> memref<128xi32, #tpu.memory_space<hbm>>
        tpu.wait_dma2 semaphore(%arg12 : memref<!tpu.dma_semaphore, #tpu.memory_space<semaphore_mem>>) src(%dma_wait3A_696 : memref<128xi32, #tpu.memory_space<hbm>>) dst(%arg6 : memref<128xi32, #tpu.memory_space<vmem>>)
        %dma_start3A_697 = arith.constant 0 : i32
        %dma_start3A_698 = arith.constant 0 : i32
        %dma_start3A_699 = tpu.memref_slice %arg3[%dma_start3A_697, %dma_start3A_698] : memref<1000000x64xf32, #tpu.memory_space<hbm>> -> memref<1000000x64xf32, #tpu.memory_space<hbm>>
        tpu.enqueue_indirect_dma source(%dma_start3A_699 : memref<1000000x64xf32, #tpu.memory_space<hbm>>) target(%arg8 : memref<128x64xf32, #tpu.memory_space<vmem>>) offsets(%arg6 : memref<128xi32, #tpu.memory_space<vmem>>) semaphore(%arg14 : memref<!tpu.dma_semaphore, #tpu.memory_space<semaphore_mem>>)
      } else {
      }
    }
    %scan3A_511 = arith.constant 100 : i32
    %dma_wait3A_512 = arith.constant 0 : i32
    %dma_wait3A_513 = arith.constant 0 : i32
    %dma_wait3A_514 = arith.constant 0 : i32
    %dma_wait3A_515 = arith.constant 0 : i32
    %dma_wait3A_516 = tpu.memref_slice %arg4[%dma_wait3A_512, %dma_wait3A_514, %dma_wait3A_513, %dma_wait3A_515] : memref<200x8x32x1024xf32, #tpu.memory_space<hbm>> -> memref<1x8x1x1024xf32, #tpu.memory_space<hbm>>
    %dma_wait3A_517 = tpu.memref_squeeze %dma_wait3A_516 : memref<1x8x1x1024xf32, #tpu.memory_space<hbm>> -> memref<8x1024xf32, #tpu.memory_space<hbm>>
    %dma_wait3A_518 = arith.constant 0 : i32
    %dma_wait3A_519 = arith.constant 0 : i32
    %dma_wait3A_520 = tpu.memref_slice %arg4[%dma_wait3A_512, %dma_wait3A_518, %dma_wait3A_513, %dma_wait3A_519] : memref<200x8x32x1024xf32, #tpu.memory_space<hbm>> -> memref<1x8x1x1024xf32, #tpu.memory_space<hbm>>
    %dma_wait3A_521 = tpu.memref_squeeze %dma_wait3A_520 : memref<1x8x1x1024xf32, #tpu.memory_space<hbm>> -> memref<8x1024xf32, #tpu.memory_space<hbm>>
    tpu.wait_dma2 semaphore(%arg15 : memref<!tpu.dma_semaphore, #tpu.memory_space<semaphore_mem>>) src(%arg9 : memref<8x1024xf32, #tpu.memory_space<vmem>>) dst(%dma_wait3A_521 : memref<8x1024xf32, #tpu.memory_space<hbm>>)
    %dma_wait3A_522 = arith.constant 0 : i32
    %dma_wait3A_523 = arith.constant 0 : i32
    %dma_wait3A_524 = arith.constant 0 : i32
    %dma_wait3A_525 = arith.constant 0 : i32
    %dma_wait3A_526 = tpu.memref_slice %arg4[%dma_wait3A_522, %dma_wait3A_524, %dma_wait3A_523, %dma_wait3A_525] : memref<200x8x32x1024xf32, #tpu.memory_space<hbm>> -> memref<1x8x1x1024xf32, #tpu.memory_space<hbm>>
    %dma_wait3A_527 = tpu.memref_squeeze %dma_wait3A_526 : memref<1x8x1x1024xf32, #tpu.memory_space<hbm>> -> memref<8x1024xf32, #tpu.memory_space<hbm>>
    %dma_wait3A_528 = arith.constant 0 : i32
    %dma_wait3A_529 = arith.constant 0 : i32
    %dma_wait3A_530 = tpu.memref_slice %arg4[%dma_wait3A_522, %dma_wait3A_528, %dma_wait3A_523, %dma_wait3A_529] : memref<200x8x32x1024xf32, #tpu.memory_space<hbm>> -> memref<1x8x1x1024xf32, #tpu.memory_space<hbm>>
    %dma_wait3A_531 = tpu.memref_squeeze %dma_wait3A_530 : memref<1x8x1x1024xf32, #tpu.memory_space<hbm>> -> memref<8x1024xf32, #tpu.memory_space<hbm>>
    tpu.wait_dma2 semaphore(%arg16 : memref<!tpu.dma_semaphore, #tpu.memory_space<semaphore_mem>>) src(%arg10 : memref<8x1024xf32, #tpu.memory_space<vmem>>) dst(%dma_wait3A_531 : memref<8x1024xf32, #tpu.memory_space<hbm>>)
    return
  }
}

</mosaic_0001>

<sc_bundles>
// kernel: kernel.3.cloned.1.call-start
scs
__scs_entry_jumppad:
0x0: {  	(pc) =	sbr.rel $0x88, $3  }
0x1: {  	(tag) =	ssettag $0x0;
	lr =	simm.s32 $0x1  }
0x2: {  	[smem:$0x3F9F] =	sst lr;
	_ =	strace $0xD0000000  }
0x3: {  	_ = 	snop  }
0x4: {  	_ = 	snop  }
0x5: {  	_ = 	snop  }
0x6: {  	_ = 	snop  }
0x7: {  	_ = 	snop  }
__scs_overlays_trampoline_lowered:
0x8: {  	[smem:$0x3FAE] =	sst s0  }
0x9: {  	[smem:$0x3FAF] =	sst s1  }
0xa: {  	[smem:$0x3FB0] =	sst s2  }
0xb: {  	[smem:$0x3FB1] =	sst s3  }
0xc: {  	[smem:$0x3FB2] =	sst s4  }
0xd: {  	[smem:$0x3FB3] =	sst s5  }
0xe: {  	[smem:$0x3FB4] =	sst s6  }
0xf: {  	[smem:$0x3FB5] =	sst s7  }
0x10: {  	[smem:$0x3FB6] =	sst s8  }
0x11: {  	[smem:$0x3FB7] =	sst s9;
	s0 =	simm.s32 @!p0 $0x0  }
0x12: {  	s1 =	sld [smem:$0x3F9D];
	s0 =	simm.s32 @p0 $0x1  }
0x13: {  	[smem:$0x3FB8] =	sst s0;
	s0 =	simm.s32 @!p1 $0x0  }
0x14: {  	s2 =	sld [smem:$0x3F9C];
	s0 =	simm.s32 @p1 $0x1  }
0x15: {  	[smem:$0x3FB9] =	sst s0;
	s0 =	simm.s32 @!p2 $0x0  }
0x16: {  	s3 =	sld [smem:$0x3FDB];
	s0 =	simm.s32 @p2 $0x1  }
0x17: {  	s4 =	simm.s32 $0x1BF5;
	[smem:$0x3FBB] =	sst s0  }
0x18: {  	s0 =	sld [smem:$0x3F9E];
	_ =	swait.ge [sflag:s4], $0x0  }
0x19: {  	s7 =	sld [smem:$0x3F9F]  }
0x1a: {  	s8 =	sadd.s32 $0xFFFFE003, lr  }
0x1b: {  	s9 =	sadd.s32 $0xFFFFFEF7, lr;
	s5 =	simm.s32 $0xFFFFFFFF;
	p2 =	slt.u32 s8, $0xFFFFF086  }
0x1c: {  	p1 =	slt.u32 s9, $0xF7A;
	s5 =	simm.s32 @!p2 $0x0  }
0x1d: {  	s5 =	simm.s32 @p1 $0x1;
	p0 =	seq.s32 s7, s2  }
0x1e: {  	s7 =	smul.u32 @!p0 $0xF7A, s2;
	p2 =	seq.s32 @!p0 s5, $0x0  }
0x1f: {  	s9 =	smul.u32 $0xF7A, s1;
	s8 =	simm.s32 @!p0 $0x1BF5;
	p2 =	por !p2, p0  }
0x20: {  	[sflag:s8] =	ssyncset.s32 @!p0 $0xFFFFF086;
	s6 =	sadd.s32 @!p0 s3, s7;
	s7 =	simm.s32 @!p0 $0x108  }
0x21: {  	s3 =	sadd.s32 s3, s9;
	s6 =	sadd.s32 @!p0 $0x88, s6;
	s7 =	simm.s32 @p2 $0x1082  }
0x22: {  	[simem:s7], [sflag:s8] =	dma.local @!p0 [hbm:s6], $0xF7A  }
0x23: {  	s9 =	sor.u32 $0xD0000000, s2;
	s6 =	simm.s32 $0x108;
	_ =	swait.ge @!p0 [sflag:s8], $0x0  }
0x24: {  	s3 =	sadd.s32 $0x88, s3;
	s6 =	simm.s32 @!p1 $0x1082;
	[sflag:s4] =	ssyncset.s32 $0xFFFFF086  }
0x25: {  	[simem:s6], [sflag:s4] =	dma.local [hbm:s3], $0xF7A  }
0x26: {  	[smem:$0x3F9F] =	sst s1;
	(tag) =	ssettag s2;
	_ =	strace s9  }
0x27: {  	s1 =	sld [smem:$0x3FAF]  }
0x28: {  	s2 =	sld [smem:$0x3FB0]  }
0x29: {  	s4 =	sld [smem:$0x3FB2]  }
0x2a: {  	p0 =	seq.s32 s5, $0x0;
	s5 =	sld [smem:$0x3FB3]  }
0x2b: {  	s6 =	sld [smem:$0x3FB4]  }
0x2c: {  	s7 =	sld [smem:$0x3FB5]  }
0x2d: {  	s3 =	simm.s32 $0x108;
	s8 =	sld [smem:$0x3FB6]  }
0x2e: {  	s3 =	simm.s32 @!p0 $0x1082;
	s9 =	sld [smem:$0x3FB7]  }
0x2f: {  	lr =	sadd.s32 s0, s3;
	s0 =	sld [smem:$0x3FAE]  }
0x30: {  	s3 =	sld [smem:$0x3FB1]  }
0x31: {  	[smem:$0x3FBA] =	sst s10  }
0x32: {  	s10 =	sld [smem:$0x3FB8];
	_ =	sdelay $0x3  }
0x33: {  	p0 =	seq.s32 s10, $0x1;
	s10 =	sld [smem:$0x3FBA];
	_ =	sdelay $0x3  }
0x34: {  	[smem:$0x3FBA] =	sst s10  }
0x35: {  	s10 =	sld [smem:$0x3FB9];
	_ =	sdelay $0x3  }
0x36: {  	p1 =	seq.s32 s10, $0x1;
	s10 =	sld [smem:$0x3FBA];
	_ =	sdelay $0x3  }
0x37: {  	[smem:$0x3FBA] =	sst s10  }
0x38: {  	s10 =	sld [smem:$0x3FBB]  }
0x39: {  	_ = 	snop;
	(pc) =	sbr.ind lr, $3  }
0x3a: {  	_ = 	snop  }
0x3b: {  	_ = 	snop  }
0x3c: {  	p2 =	seq.s32 s10, $0x1;
	s10 =	sld [smem:$0x3FBA]  }
0x3d: {  	_ =	shalt  }
0x3e: {  	_ =	shalt  }
0x3f: {  	_ =	shalt  }
0x40: {  	_ =	shalt  }
0x41: {  	_ =	shalt  }
0x42: {  	_ =	shalt  }
0x43: {  	_ =	shalt  }
0x44: {  	_ =	shalt  }
0x45: {  	_ =	shalt  }
0x46: {  	_ =	shalt  }
0x47: {  	_ =	shalt  }
0x48: {  	_ =	shalt  }
0x49: {  	_ =	shalt  }
0x4a: {  	_ =	shalt  }
0x4b: {  	_ =	shalt  }
0x4c: {  	_ =	shalt  }
0x4d: {  	_ =	shalt  }
0x4e: {  	_ =	shalt  }
0x4f: {  	_ =	shalt  }
0x50: {  	_ =	shalt  }
0x51: {  	_ =	shalt  }
0x52: {  	_ =	shalt  }
0x53: {  	_ =	shalt  }
0x54: {  	_ =	shalt  }
0x55: {  	_ =	shalt  }
0x56: {  	_ =	shalt  }
0x57: {  	_ =	shalt  }
0x58: {  	_ =	shalt  }
0x59: {  	_ =	shalt  }
0x5a: {  	_ =	shalt  }
0x5b: {  	_ =	shalt  }
0x5c: {  	_ =	shalt  }
0x5d: {  	_ =	shalt  }
0x5e: {  	_ =	shalt  }
0x5f: {  	_ =	shalt  }
0x60: {  	_ =	shalt  }
0x61: {  	_ =	shalt  }
0x62: {  	_ =	shalt  }
0x63: {  	_ =	shalt  }
0x64: {  	_ =	shalt  }
0x65: {  	_ =	shalt  }
0x66: {  	_ =	shalt  }
0x67: {  	_ =	shalt  }
0x68: {  	_ =	shalt  }
0x69: {  	_ =	shalt  }
0x6a: {  	_ =	shalt  }
0x6b: {  	_ =	shalt  }
0x6c: {  	_ =	shalt  }
0x6d: {  	_ =	shalt  }
0x6e: {  	_ =	shalt  }
0x6f: {  	_ =	shalt  }
0x70: {  	_ =	shalt  }
0x71: {  	_ =	shalt  }
0x72: {  	_ =	shalt  }
0x73: {  	_ =	shalt  }
0x74: {  	_ =	shalt  }
0x75: {  	_ =	shalt  }
0x76: {  	_ =	shalt  }
0x77: {  	_ =	shalt  }
0x78: {  	_ =	shalt  }
0x79: {  	_ =	shalt  }
0x7a: {  	_ =	shalt  }
0x7b: {  	_ =	shalt  }
0x7c: {  	_ =	shalt  }
0x7d: {  	_ =	shalt  }
0x7e: {  	_ =	shalt  }
0x7f: {  	_ =	shalt  }
0x80: {  	_ =	shalt  }
0x81: {  	_ =	shalt  }
0x82: {  	_ =	shalt  }
0x83: {  	_ =	shalt  }
0x84: {  	_ =	shalt  }
0x85: {  	_ =	shalt  }
0x86: {  	_ =	shalt  }
0x87: {  	_ =	shalt  }
.Lfunc_end0:
.L_simem_size_0:
called_computation_lowered:
.L_overlay_start_0:
0x88: {  	s2 =	sld [smem:$0x3FD9]  }
0x89: {  	s3 =	sld [smem:$0x3FFE];
	_ =	sdelay $0x1  }
0x8a: {  	s1 =	srdreg.scid  }
0x8b: {  	s0 =	sand.u32 $0x1, s1  }
0x8c: {  	s17 =	sshll.u32 s0, $0xA;
	s2 =	sadd.s32 s3, s2  }
0x8d: {  	s2 =	sadd.s32 s2, s17  }
0x8e: {  	[smem:$0x3FC6] =	sst s2  }
0x8f: {  	_ = 	snop  }
0x90: {  	s2 =	sld [smem:$0x3FD0];
	(tm) =	ssettm $0x1  }
0x91: {  	s18 =	sld [smem:$0x3FFB];
	_ =	sdelay $0x3  }
0x92: {  	_ =	strace s18  }
0x93: {  	s3 =	sld [smem:$0x3FFC];
	_ =	sdelay $0x3  }
0x94: {  	_ =	strace s3  }
0x95: {  	s3 =	sld [smem:$0x3FFD];
	_ =	sdelay $0x3  }
0x96: {  	_ =	strace s3  }
0x97: {  	_ =	strace $0x8FFFFFFF  }
0x98: {  	s19 =	sld [smem:$0x3FDB];
	_ =	sdelay $0x1  }
0x99: {  	s4 =	simm.s32 $_scs_section_size  }
0x9a: {  	s5 =	simm.s32 $_size__tile_overlayer_lowered;
	s6 =	simm.s32 $_tile_overlayer_lowered  }
0x9b: {  	s22 =	simm.s32 $0x1BFF;
	s21 =	sshll.u32 s6, $0x1;
	s3 =	sadd.s32 s4, s19  }
0x9c: {  	s7 =	simm.s32 $0x0;
	s20 =	sshll.u32 s5, $0x1;
	s5 =	sadd.s32 s21, s3  }
0x9d: {  	[timem:s7], [sflag:s22] =	dma.local [hbm:s5], s20  }
0x9e: {  	_ =	swait.ge [sflag:s22], s20  }
0x9f: {  	s4 =	ssub.s32 $0x0, s20;
	[sflag:s22] =	ssyncset.done $0x0  }
0xa0: {  	[sflag:s22] =	ssyncadd.s32 s4;
	_ =	sdelay $0x1  }
0xa1: {  	s23 =	simm.s32 $0x1B8B  }
0xa2: {  	_ =	swait.ge [sflag:s23], $0x1  }
0xa3: {  	[sflag:s23] =	ssyncset.done $0x0  }
0xa4: {  	s25 =	simm.s32 $0x1B8E;
	s24 =	sld [smem:$0x3FFE];
	[sflag:s23] =	ssyncadd.s32 $0xFFFFFFFF  }
0xa5: {  	s26 =	simm.s32 $execute0_lowered;
	[smem:$0x3FD2] =	sst s25  }
0xa6: {  	s5 =	sshll.u32 s26, $0x1;
	_ =	strace $0x80000046;
	[dreg:$0x1] =	wrdreg $0xFFFFFFFF  }
0xa7: {  	s28 =	simm.s32 $_size_execute0_lowered;
	s3 =	sadd.s32 s3, s5;
	[dreg:$0x0] =	wrdreg $0x0  }
0xa8: {  	s5 =	sshll.u32 s28, $0x1;
	[dreg:$0x2] =	wrdreg s3  }
0xa9: {  	[dreg:$0x3] =	wrdreg s5  }
0xaa: {  	[dreg:$0x4] =	wrdreg $0xC0  }
0xab: {  	_ =	task [dreg:s7], $0x5FFFF  }
0xac: {  	[dreg:$0x1] =	wrdreg $0xFFFFFFFF  }
0xad: {  	[dreg:$0x0] =	wrdreg $0x60  }
0xae: {  	[dreg:$0x2] =	wrdreg s24  }
0xaf: {  	[dreg:$0x3] =	wrdreg s2  }
0xb0: {  	[dreg:$0x4] =	wrdreg $0x9  }
0xb1: {  	_ =	task.clear_ibuf [dreg:s7], $0x5FFFF;
	_ =	strace $0x90000046  }
0xb2: {  	s29 =	simm.s32 $0x9;
	_ =	strace $0x80000048  }
0xb3: {  	_ =	swait.ge [sflag:s29], $0x1  }
0xb4: {  	[sflag:s29] =	ssyncadd.s32 $0xFFFFFFFF  }
0xb5: {  	_ =	strace $0x90000048  }
0xb6: {  	_ =	sfence  }
0xb7: {  	s30 =	sld [smem:$0x0];
	_ =	sdelay $0x2  }
0xb8: {  	s31 =	sshll.u32 s1, $0xD;
	s1 =	sshrl.u32 s1, $0x2  }
0xb9: {  	s3 =	sand.u32 $0x4000, s31;
	s1 =	sadd.s32 s1, s30  }
0xba: {  	s0 =	sor.u32 s3, s0;
	s1 =	sshll.u32 s1, $0x11  }
0xbb: {  	s0 =	sor.u32 s1, s0  }
0xbc: {  	s0 =	sadd.s32 $0x8F2B, s0  }
0xbd: {  	[sflag:s0] =	ssyncadd.remote.s32 $0x1  }
0xbe: {  	_ =	sfence.sel $0xFFFF  }
0xbf: {  	[dreg:$0x0] =	wrdreg $0xFFFFFFFF;
	(pc) =	sbr.abs _section_cstart, $3  }
0xc0: {  	[dreg:$0x1] =	wrdreg $0xFFFFFFFF  }
0xc1: {  	_ =	task.clear_ibuf [dreg:s7], $0x2FFFF;
	_ =	strace $0x9FFFFFFF  }
0xc2: {  	(tm) =	ssettm $0x7FFFFFFF  }
0xc3: {  	_ =	shalt  }
tec
execute0_lowered:
.L_overlay_start_1:
0x0: {  	(tag) =	ssettag $0x1  }
0x1: {  	v0 =	vimm.s32 $0xFEDCBA9;
	v1 =	vimm.s32 $0x87654321;
	vm14 =	vcmask $0x300  }
0x2: {  	v2 =	vimm.s32 $0xF;
	vm13 =	vcmask $0x704;
	vm12 =	vcmask $0xB08  }
0x3: {  	vm11 =	vcmask $0xF0C;
	vm10 =	vcmask $0x1310;
	vm9 =	vcmask $0x1714  }
0x4: {  	vm8 =	vcmask $0x1B18;
	vm7 =	vcmask $0x1F1C;
	vm5 =	vcmask $0x2320  }
0x5: {  	vm6 =	vcmask $0x2724;
	vm4 =	vcmask $0x2B28;
	vm2 =	vcmask $0x2F2C  }
0x6: {  	vm3 =	vcmask $0x3330;
	vm1 =	vcmask $0x3734;
	vm0 =	vcmask $0x3B38  }
0x7: {  	v4 =	vimm.s32 $0x98765432;
	v5 =	vimm.s32 $0x10F;
	v34 =	vimm.s32 $0xBA987654  }
0x8: {  	v36 =	vimm.s32 $0x20F;
	v37 =	vimm.s32 $0x43210FED;
	v38 =	vimm.s32 $0xCBA98765  }
0x9: {  	v41 =	vimm.s32 $0x28F;
	v43 =	vimm.s32 $0x30F;
	v47 =	vimm.s32 $0x543210FE  }
0xa: {  	v49 =	vimm.s32 $0xDCBA9876;
	v14 =	vimm.s32 $0x6543210F;
	v15 =	vimm.s32 $0xEDCBA987  }
0xb: {  	v19 =	vimm.s32 $0x128F;
	v20 =	vimm.s32 $0x130F;
	v21 =	vimm.s32 $0x138F  }
0xc: {  	v22 =	vimm.s32 $0x140F;
	v23 =	vimm.s32 $0x148F;
	v24 =	vimm.s32 $0x150F  }
0xd: {  	v25 =	vimm.s32 $0x158F;
	v26 =	vimm.s32 $0x160F;
	v27 =	vimm.s32 $0x168F  }
0xe: {  	v28 =	vimm.s32 $0x170F;
	v29 =	vimm.s32 $0x180F;
	v30 =	vimm.s32 $0x188F  }
0xf: {  	v31 =	vimm.s32 $0x190F;
	v0 =	vunpack.c.l.s4.s8 v0;
	v1 =	vunpack.c.l.s4.s8 v1  }
0x10: {  	v2 =	vsel vm14, $0x80, v2;
	v4 =	vunpack.c.l.s4.s8 v4;
	v46 =	vsel vm14, $0x380, v43  }
0x11: {  	v14 =	vunpack.c.l.s4.s8 v14;
	v15 =	vunpack.c.l.s4.s8 v15;
	v43 =	vimm.s32 $0x100F  }
0x12: {  	v19 =	vsel vm14, $0x1300, v19;
	v20 =	vsel vm14, $0x1380, v20;
	v21 =	vsel vm14, $0x1400, v21  }
0x13: {  	v22 =	vsel vm14, $0x1480, v22;
	v23 =	vsel vm14, $0x1500, v23;
	v24 =	vsel vm14, $0x1580, v24  }
0x14: {  	v25 =	vsel vm14, $0x1600, v25;
	v26 =	vsel vm14, $0x1680, v26;
	v27 =	vsel vm14, $0x1700, v27  }
0x15: {  	v28 =	vsel vm14, $0x1780, v28;
	v29 =	vsel vm14, $0x1880, v29;
	v2 =	vsel vm13, $0x101, v2  }
0x16: {  	v30 =	vsel vm14, $0x1900, v30;
	v31 =	vsel vm14, $0x1980, v31;
	v2 =	vsel vm12, $0x182, v2  }
0x17: {  	v19 =	vsel vm13, $0x1381, v19;
	v20 =	vsel vm13, $0x1401, v20;
	v2 =	vsel vm11, $0x203, v2  }
0x18: {  	v0 =	vunpack.c.0.s8.s32 v0;
	v1 =	vunpack.c.0.s8.s32 v1;
	v2 =	vsel vm10, $0x284, v2  }
0x19: {  	v21 =	vsel vm13, $0x1481, v21;
	v22 =	vsel vm13, $0x1501, v22;
	v2 =	vsel vm9, $0x305, v2  }
0x1a: {  	v23 =	vsel vm13, $0x1581, v23;
	v3 =	vcombine.low v1, v0;
	v2 =	vsel vm8, $0x386, v2  }
0x1b: {  	v24 =	vsel vm13, $0x1601, v24;
	v25 =	vsel vm13, $0x1681, v25;
	v2 =	vsel vm7, $0x407, v2  }
0x1c: {  	v26 =	vsel vm13, $0x1701, v26;
	v3 =	vand.u32 $0xF, v3;
	v2 =	vsel vm5, $0x488, v2  }
0x1d: {  	v27 =	vsel vm13, $0x1781, v27;
	[tilespmem:$0x1F9C0] =	vst v3;
	v3 =	vimm.s32 $0x8F;
	v2 =	vsel vm6, $0x509, v2  }
0x1e: {  	v28 =	vsel vm13, $0x1001, v28;
	v3 =	vsel vm14, $0x100, v3;
	v2 =	vsel vm4, $0x58A, v2  }
0x1f: {  	v29 =	vsel vm13, $0x1901, v29;
	v3 =	vsel vm13, $0x181, v3;
	v2 =	vsel vm2, $0x60B, v2  }
0x20: {  	v30 =	vsel vm13, $0x1981, v30;
	v3 =	vsel vm12, $0x202, v3;
	v2 =	vsel vm3, $0x68C, v2  }
0x21: {  	v31 =	vsel vm13, $0x1A01, v31;
	v3 =	vsel vm11, $0x283, v3;
	v2 =	vsel vm1, $0x70D, v2  }
0x22: {  	v7 =	vunpack.c.0.s8.s32 v4;
	v3 =	vsel vm10, $0x304, v3;
	v2 =	vsel vm0, $0x78E, v2  }
0x23: {  	v4 =	vimm.s32 $0x210FEDCB;
	v3 =	vsel vm9, $0x385, v3;
	[tilespmem:$0x1FA20] =	vst v2;
	v2 =	vimm.s32 $0x10FEDCBA  }
0x24: {  	v50 =	vunpack.c.0.s8.s32 v14;
	v3 =	vsel vm8, $0x406, v3;
	v2 =	vunpack.c.l.s4.s8 v2  }
0x25: {  	v51 =	vunpack.c.0.s8.s32 v15;
	v4 =	vunpack.c.l.s4.s8 v4;
	v3 =	vsel vm7, $0x487, v3  }
0x26: {  	v0 =	vcombine.low v0, v1;
	v3 =	vsel vm5, $0x508, v3;
	v6 =	vunpack.c.0.s8.s32 v2  }
0x27: {  	v2 =	vsel vm6, $0x589, v3;
	v3 =	vsel vm14, $0x180, v5;
	v5 =	vimm.s32 $0xA9876543  }
0x28: {  	v2 =	vsel vm4, $0x60A, v2;
	v3 =	vsel vm13, $0x201, v3;
	v5 =	vunpack.c.l.s4.s8 v5  }
0x29: {  	v3 =	vsel vm12, $0x282, v3;
	v8 =	vcombine.low v7, v6;
	v9 =	vsel vm2, $0x68B, v2  }
0x2a: {  	v2 =	vunpack.c.0.s8.s32 v4;
	v6 =	vcombine.low v6, v7;
	v3 =	vsel vm11, $0x303, v3  }
0x2b: {  	v7 =	vimm.s32 $0x50F;
	v10 =	vsel vm10, $0x384, v3;
	v3 =	vunpack.c.0.s8.s32 v5  }
0x2c: {  	v5 =	vand.u32 $0xF, v8;
	v60 =	vand.u32 $0xF, v6;
	v6 =	vimm.s32 $0x58F  }
0x2d: {  	v4 =	vsel vm9, $0x405, v10;
	[tilespmem:$0x1FA10] =	vst v5;
	v5 =	vsel vm3, $0x70C, v9;
	v9 =	vunpack.c.l.s4.s8 v34  }
0x2e: {  	v34 =	vimm.s32 $0x76543210;
	v6 =	vsel vm14, $0x600, v6;
	v4 =	vsel vm8, $0x486, v4  }
0x2f: {  	v5 =	vsel vm1, $0x78D, v5;
	v8 =	vcombine.low v3, v2;
	v6 =	vsel vm13, $0x681, v6  }
0x30: {  	v2 =	vcombine.low v2, v3;
	v4 =	vsel vm7, $0x507, v4;
	v5 =	vsel vm0, $0xE, v5  }
0x31: {  	v6 =	vsel vm12, $0x702, v6;
	[tilespmem:$0x1FA00] =	vst v5;
	v4 =	vsel vm5, $0x588, v4;
	v5 =	vimm.s32 $0x18F  }
0x32: {  	v48 =	vand.u32 $0xF, v8;
	v8 =	vimm.s32 $0x3210FEDC;
	v6 =	vsel vm11, $0x783, v6  }
0x33: {  	v58 =	vand.u32 $0xF, v2;
	v2 =	vimm.s32 $0x60F;
	v4 =	vsel vm6, $0x609, v4  }
0x34: {  	v5 =	vsel vm14, $0x200, v5;
	v8 =	vunpack.c.l.s4.s8 v8;
	v3 =	vsel vm10, $0x4, v6  }
0x35: {  	v2 =	vsel vm14, $0x680, v2;
	v6 =	vimm.s32 $0xB8F;
	v4 =	vsel vm4, $0x68A, v4  }
0x36: {  	v5 =	vsel vm13, $0x281, v5;
	v2 =	vsel vm13, $0x701, v2;
	v6 =	vsel vm14, $0xC00, v6  }
0x37: {  	v5 =	vsel vm12, $0x302, v5;
	v4 =	vsel vm2, $0x70B, v4;
	v2 =	vsel vm12, $0x782, v2  }
0x38: {  	v6 =	vsel vm13, $0xC81, v6;
	v5 =	vsel vm11, $0x383, v5;
	v35 =	vsel vm3, $0x78C, v4  }
0x39: {  	v4 =	vunpack.c.0.s8.s32 v8;
	v2 =	vsel vm11, $0x3, v2;
	v8 =	vsel vm10, $0x404, v5  }
0x3a: {  	v5 =	vunpack.c.0.s8.s32 v9;
	v10 =	vsel vm1, $0xD, v35;
	v9 =	vsel vm14, $0x280, v36  }
0x3b: {  	v8 =	vsel vm9, $0x485, v8;
	v9 =	vsel vm13, $0x301, v9;
	v52 =	vsel vm0, $0x8E, v10  }
0x3c: {  	v8 =	vsel vm8, $0x506, v8;
	v11 =	vcombine.low v5, v4;
	v9 =	vsel vm12, $0x382, v9  }
0x3d: {  	v10 =	vunpack.c.l.s4.s8 v37;
	v8 =	vsel vm7, $0x587, v8;
	v9 =	vsel vm11, $0x403, v9  }
0x3e: {  	v8 =	vsel vm5, $0x608, v8;
	v45 =	vand.u32 $0xF, v11;
	v9 =	vsel vm10, $0x484, v9  }
0x3f: {  	v11 =	vunpack.c.l.s4.s8 v38;
	v8 =	vsel vm6, $0x689, v8;
	v9 =	vsel vm9, $0x505, v9  }
0x40: {  	v38 =	vimm.s32 $0xD0F;
	v8 =	vsel vm4, $0x70A, v8;
	v9 =	vsel vm8, $0x586, v9  }
0x41: {  	v40 =	vunpack.c.0.s8.s32 v11;
	v11 =	vsel vm14, $0x300, v41;
	v41 =	vimm.s32 $0xE8F  }
0x42: {  	v8 =	vsel vm2, $0x78B, v8;
	v39 =	vsel vm7, $0x607, v9;
	v11 =	vsel vm13, $0x381, v11  }
0x43: {  	v9 =	vsel vm14, $0xD80, v38;
	v38 =	vimm.s32 $0x1C8F;
	v12 =	vsel vm3, $0xC, v8  }
0x44: {  	v8 =	vunpack.c.0.s8.s32 v10;
	v10 =	vsel vm5, $0x688, v39;
	v11 =	vsel vm12, $0x402, v11  }
0x45: {  	v39 =	vimm.s32 $0xD8F;
	v38 =	vsel vm14, $0x1D00, v38;
	v9 =	vsel vm13, $0xE01, v9  }
0x46: {  	v12 =	vsel vm1, $0x8D, v12;
	v10 =	vsel vm6, $0x709, v10;
	v11 =	vsel vm11, $0x483, v11  }
0x47: {  	v38 =	vsel vm13, $0x1D81, v38;
	v13 =	vcombine.low v40, v8;
	v10 =	vsel vm4, $0x78A, v10  }
0x48: {  	v12 =	vsel vm0, $0x10E, v12;
	v11 =	vsel vm10, $0x504, v11;
	v10 =	vsel vm2, $0xB, v10  }
0x49: {  	[tilespmem:$0x1FB10] =	vst v12;
	v44 =	vsel vm9, $0x585, v11;
	v11 =	vsel vm13, $0x401, v46;
	v12 =	vunpack.c.l.s4.s8 v47  }
0x4a: {  	v47 =	vimm.s32 $0x1E1D1C1B;
	v42 =	vand.u32 $0xF, v13;
	v10 =	vsel vm3, $0x8C, v10  }
0x4b: {  	v11 =	vsel vm12, $0x482, v11;
	v13 =	vunpack.c.l.s4.s8 v49;
	v10 =	vsel vm1, $0x10D, v10  }
0x4c: {  	v11 =	vsel vm11, $0x503, v11;
	v12 =	vunpack.c.0.s8.s32 v12;
	v10 =	vsel vm0, $0x18E, v10  }
0x4d: {  	v11 =	vsel vm10, $0x584, v11;
	v13 =	vunpack.c.0.s8.s32 v13;
	[tilespmem:$0x1FAC0] =	vst v10;
	v10 =	vsel vm8, $0x606, v44  }
0x4e: {  	[tilespmem:$0x1FAD0] =	vst v42;
	v42 =	vimm.s32 $0xF0F;
	v11 =	vsel vm9, $0x605, v11;
	v10 =	vsel vm7, $0x687, v10  }
0x4f: {  	v11 =	vsel vm8, $0x686, v11;
	v16 =	vcombine.low v13, v12;
	v10 =	vsel vm5, $0x708, v10  }
0x50: {  	v44 =	vimm.s32 $0x108F;
	v11 =	vsel vm7, $0x707, v11;
	v10 =	vsel vm6, $0x789, v10  }
0x51: {  	v11 =	vsel vm5, $0x788, v11;
	v62 =	vand.u32 $0xF, v16;
	v16 =	vcombine.low v51, v50  }
0x52: {  	v10 =	vsel vm4, $0xA, v10;
	v18 =	vsel vm6, $0x9, v11;
	[tilespmem:$0x1FAB0] =	vst v62;
	v62 =	vand.u32 $0xF, v0  }
0x53: {  	v10 =	vsel vm2, $0x8B, v10;
	v61 =	vsel vm4, $0x8A, v18;
	v16 =	vand.u32 $0xF, v16  }
0x54: {  	v18 =	vimm.s32 $0x120F;
	v17 =	vsel vm3, $0x10C, v10;
	v14 =	vsel vm2, $0x10B, v61  }
0x55: {  	[tilespmem:$0x1FA90] =	vst v16;
	v16 =	vimm.s32 $0x40F;
	v10 =	vsel vm14, $0xE00, v39;
	v18 =	vsel vm14, $0x1280, v18  }
0x56: {  	v39 =	vimm.s32 $0x1D0F;
	v63 =	vsel vm1, $0x18D, v17;
	v14 =	vsel vm3, $0x18C, v14  }
0x57: {  	v17 =	vimm.s32 $0x38F;
	v16 =	vsel vm14, $0x480, v16;
	v39 =	vsel vm14, $0x1D80, v39  }
0x58: {  	v10 =	vsel vm13, $0xE81, v10;
	v18 =	vsel vm13, $0x1301, v18;
	v15 =	vsel vm0, $0x20E, v63  }
0x59: {  	v14 =	vsel vm1, $0x20D, v14;
	v32 =	vsel vm14, $0x400, v17;
	v17 =	vimm.s32 $0xFEDCBA98  }
0x5a: {  	v16 =	vsel vm13, $0x501, v16;
	v39 =	vsel vm13, $0x1E01, v39;
	v14 =	vsel vm0, $0x28E, v14  }
0x5b: {  	[tilespmem:$0x1FAA0] =	vst v15;
	v33 =	vsel vm13, $0x481, v32;
	v17 =	vunpack.c.l.s4.s8 v17;
	v15 =	vunpack.c.l.s4.s8 v34  }
0x5c: {  	v16 =	vsel vm12, $0x582, v16;
	v32 =	vimm.s32 $0x198F;
	v34 =	vimm.s32 $0x1A8F  }
0x5d: {  	[tilespmem:$0x1FA80] =	vst v14;
	v14 =	vsel vm12, $0x502, v33;
	v16 =	vsel vm11, $0x603, v16;
	v32 =	vsel vm14, $0x1A00, v32  }
0x5e: {  	v33 =	vimm.s32 $0x1A0F;
	v34 =	vsel vm14, $0x1B00, v34;
	v14 =	vsel vm11, $0x583, v14  }
0x5f: {  	v17 =	vunpack.c.0.s8.s32 v17;
	v15 =	vunpack.c.0.s8.s32 v15;
	v16 =	vsel vm10, $0x684, v16  }
0x60: {  	v33 =	vsel vm14, $0x1A80, v33;
	v32 =	vsel vm13, $0x1A81, v32;
	v34 =	vsel vm13, $0x1B81, v34  }
0x61: {  	v14 =	vsel vm10, $0x604, v14;
	v16 =	vsel vm9, $0x705, v16;
	v33 =	vsel vm13, $0x1B01, v33  }
0x62: {  	v14 =	vsel vm9, $0x685, v14;
	v17 =	vand.u32 $0xF, v17;
	v35 =	vsel vm8, $0x786, v16  }
0x63: {  	v16 =	vimm.s32 $0x48F;
	v14 =	vsel vm8, $0x706, v14;
	v15 =	vcombine.low v17, v15  }
0x64: {  	v16 =	vsel vm14, $0x500, v16;
	v17 =	vimm.s32 $0x118F;
	v14 =	vsel vm7, $0x787, v14  }
0x65: {  	v16 =	vsel vm13, $0x581, v16;
	v17 =	vsel vm14, $0x1200, v17;
	v14 =	vsel vm5, $0x8, v14  }
0x66: {  	[tilespmem:$0x1FA70] =	vst v15;
	v15 =	vsel vm7, $0x7, v35;
	v16 =	vsel vm12, $0x602, v16;
	v35 =	vimm.s32 $0x1B0F  }
0x67: {  	v17 =	vsel vm13, $0x1281, v17;
	v14 =	vsel vm6, $0x89, v14;
	v15 =	vsel vm5, $0x88, v15  }
0x68: {  	v36 =	vsel vm11, $0x683, v16;
	v16 =	vimm.s32 $0x110F;
	v35 =	vsel vm14, $0x1B80, v35  }
0x69: {  	v14 =	vsel vm4, $0x10A, v14;
	v15 =	vsel vm6, $0x109, v15;
	v37 =	vsel vm10, $0x704, v36  }
0x6a: {  	v16 =	vsel vm14, $0x1180, v16;
	v36 =	vimm.s32 $0x1B8F;
	v35 =	vsel vm13, $0x1C01, v35  }
0x6b: {  	v14 =	vsel vm2, $0x18B, v14;
	v15 =	vsel vm4, $0x18A, v15;
	v36 =	vsel vm14, $0x1C00, v36  }
0x6c: {  	v16 =	vsel vm13, $0x1201, v16;
	v14 =	vsel vm3, $0x20C, v14;
	v1 =	vsel vm2, $0x20B, v15  }
0x6d: {  	v15 =	vsel vm14, $0x1100, v44;
	v36 =	vsel vm13, $0x1C81, v36;
	v14 =	vsel vm1, $0x28D, v14  }
0x6e: {  	v1 =	vsel vm3, $0x28C, v1;
	v15 =	vsel vm13, $0x1181, v15;
	v14 =	vsel vm0, $0x30E, v14  }
0x6f: {  	v0 =	vsel vm1, $0x30D, v1;
	v1 =	vsel vm9, $0x785, v37;
	v37 =	vimm.s32 $0x1C0F  }
0x70: {  	[tilespmem:$0x1FA60] =	vst v14;
	v1 =	vsel vm8, $0x6, v1;
	v63 =	vsel vm0, $0x38E, v0;
	v14 =	vsel vm14, $0x1080, v43  }
0x71: {  	v37 =	vsel vm14, $0x1C80, v37;
	v0 =	vsel vm7, $0x87, v1;
	v1 =	vsel vm14, $0x580, v7  }
0x72: {  	v43 =	vimm.s32 $0x1F0F;
	v7 =	vimm.s32 $0xC0F;
	v1 =	vsel vm13, $0x601, v1  }
0x73: {  	v43 =	vsel vm14, $0x1F80, v43;
	v0 =	vsel vm5, $0x108, v0;
	v1 =	vsel vm12, $0x682, v1  }
0x74: {  	v14 =	vsel vm13, $0x1101, v14;
	v0 =	vsel vm6, $0x189, v0;
	v1 =	vsel vm11, $0x703, v1  }
0x75: {  	v37 =	vsel vm13, $0x1D01, v37;
	v0 =	vsel vm4, $0x20A, v0;
	v1 =	vsel vm10, $0x784, v1  }
0x76: {  	v7 =	vsel vm14, $0xC80, v7;
	v0 =	vsel vm2, $0x28B, v0;
	v1 =	vsel vm9, $0x5, v1  }
0x77: {  	v43 =	vsel vm13, $0x1801, v43;
	v0 =	vsel vm3, $0x30C, v0;
	v1 =	vsel vm8, $0x86, v1  }
0x78: {  	v7 =	vsel vm13, $0xD01, v7;
	v0 =	vsel vm1, $0x38D, v0;
	v1 =	vsel vm7, $0x107, v1  }
0x79: {  	v59 =	vsel vm0, $0x40E, v0;
	v0 =	vsel vm5, $0x188, v1;
	v1 =	vsel vm9, $0x85, v3  }
0x7a: {  	v3 =	vcombine.low v4, v5;
	v4 =	vimm.s32 $0xA8F;
	v5 =	vimm.s32 $0xB0F  }
0x7b: {  	v0 =	vsel vm6, $0x209, v0;
	v1 =	vsel vm8, $0x106, v1;
	v4 =	vsel vm14, $0xB00, v4  }
0x7c: {  	v5 =	vsel vm14, $0xB80, v5;
	v0 =	vsel vm4, $0x28A, v0;
	v1 =	vsel vm7, $0x187, v1  }
0x7d: {  	v56 =	vand.u32 $0xF, v3;
	v0 =	vsel vm2, $0x30B, v0;
	v1 =	vsel vm5, $0x208, v1  }
0x7e: {  	v3 =	vimm.s32 $0x68F;
	v0 =	vsel vm3, $0x38C, v0;
	v1 =	vsel vm6, $0x289, v1  }
0x7f: {  	v4 =	vsel vm13, $0xB81, v4;
	v0 =	vsel vm1, $0x40D, v0;
	v1 =	vsel vm4, $0x30A, v1  }
0x80: {  	v5 =	vsel vm13, $0xC01, v5;
	v1 =	vsel vm2, $0x38B, v1;
	v57 =	vsel vm0, $0x48E, v0  }
0x81: {  	v0 =	vsel vm3, $0x40C, v1;
	v1 =	vsel vm10, $0x84, v2;
	v2 =	vcombine.low v8, v40  }
0x82: {  	v8 =	vimm.s32 $0xC8F;
	v40 =	vimm.s32 $0xE0F;
	v0 =	vsel vm1, $0x48D, v0  }
0x83: {  	v1 =	vsel vm9, $0x105, v1;
	v8 =	vsel vm14, $0xD00, v8;
	v11 =	vsel vm14, $0xE80, v40  }
0x84: {  	v40 =	vimm.s32 $0x1D8F;
	v1 =	vsel vm8, $0x186, v1;
	v55 =	vsel vm0, $0x50E, v0  }
0x85: {  	v54 =	vand.u32 $0xF, v2;
	v2 =	vimm.s32 $0x70F;
	v40 =	vsel vm14, $0x1E00, v40  }
0x86: {  	v8 =	vsel vm13, $0xD81, v8;
	v11 =	vsel vm13, $0xF01, v11;
	v0 =	vsel vm7, $0x207, v1  }
0x87: {  	v1 =	vsel vm14, $0x700, v3;
	v2 =	vsel vm14, $0x780, v2;
	v3 =	vcombine.low v12, v13  }
0x88: {  	v12 =	vsel vm14, $0xF00, v41;
	v0 =	vsel vm5, $0x288, v0;
	v1 =	vsel vm13, $0x781, v1  }
0x89: {  	v13 =	vsel vm14, $0xF80, v42;
	v0 =	vsel vm6, $0x309, v0;
	v1 =	vsel vm12, $0x2, v1  }
0x8a: {  	v41 =	vimm.s32 $0x1E0F;
	v0 =	vsel vm4, $0x38A, v0;
	v1 =	vsel vm11, $0x83, v1  }
0x8b: {  	v2 =	vsel vm13, $0x1, v2;
	v0 =	vsel vm2, $0x40B, v0;
	v1 =	vsel vm10, $0x104, v1  }
0x8c: {  	v2 =	vsel vm12, $0x82, v2;
	v0 =	vsel vm3, $0x48C, v0;
	v1 =	vsel vm9, $0x185, v1  }
0x8d: {  	v2 =	vsel vm11, $0x103, v2;
	v0 =	vsel vm1, $0x50D, v0;
	v1 =	vsel vm8, $0x206, v1  }
0x8e: {  	v2 =	vsel vm10, $0x184, v2;
	v1 =	vsel vm7, $0x287, v1;
	v0 =	vsel vm0, $0x58E, v0  }
0x8f: {  	v42 =	vimm.s32 $0x1E8F;
	[tilespmem:$0x1F7C0] =	vst v0;
	v0 =	vsel vm5, $0x308, v1;
	v1 =	vsel vm9, $0x205, v2  }
0x90: {  	v40 =	vsel vm13, $0x1E81, v40;
	v0 =	vsel vm6, $0x389, v0;
	v1 =	vsel vm8, $0x286, v1  }
0x91: {  	v2 =	vand.u32 $0xF, v3;
	v0 =	vsel vm4, $0x40A, v0;
	v1 =	vsel vm7, $0x307, v1  }
0x92: {  	[tilespmem:$0x1F7D0] =	vst v2;
	v2 =	vimm.s32 $0x80F;
	v0 =	vsel vm2, $0x48B, v0;
	v1 =	vsel vm5, $0x388, v1  }
0x93: {  	v2 =	vsel vm14, $0x880, v2;
	v0 =	vsel vm3, $0x50C, v0;
	v1 =	vsel vm6, $0x409, v1  }
0x94: {  	v2 =	vsel vm13, $0x901, v2;
	v0 =	vsel vm1, $0x58D, v0;
	v1 =	vsel vm4, $0x48A, v1  }
0x95: {  	v2 =	vsel vm12, $0x982, v2;
	v1 =	vsel vm2, $0x50B, v1;
	v0 =	vsel vm0, $0x60E, v0  }
0x96: {  	v41 =	vsel vm14, $0x1E80, v41;
	v2 =	vsel vm11, $0xA03, v2;
	[tilespmem:$0x1F7E0] =	vst v0;
	v0 =	vsel vm3, $0x58C, v1  }
0x97: {  	v42 =	vsel vm14, $0x1F00, v42;
	v1 =	vsel vm10, $0xA84, v2;
	v0 =	vsel vm1, $0x60D, v0  }
0x98: {  	v12 =	vsel vm13, $0xF81, v12;
	v1 =	vsel vm9, $0xB05, v1;
	v0 =	vsel vm0, $0x68E, v0  }
0x99: {  	v3 =	vcombine.low v50, v51;
	v1 =	vsel vm8, $0xB86, v1;
	[tilespmem:$0x1F800] =	vst v0;
	v0 =	vimm.s32 $0x1C1B1A19  }
0x9a: {  	v1 =	vsel vm7, $0xC07, v1;
	v46 =	vunpack.c.0.s8.s32 v0;
	v0 =	vimm.s32 $0x101F1E1D  }
0x9b: {  	v2 =	vand.u32 $0xF, v3;
	v53 =	vunpack.c.0.s8.s32 v0;
	v0 =	vsel vm5, $0xC88, v1  }
0x9c: {  	[tilespmem:$0x1F7F0] =	vst v2;
	v2 =	vimm.s32 $0x14131211;
	v1 =	vimm.s32 $0x88F;
	v0 =	vsel vm6, $0xD09, v0  }
0x9d: {  	v61 =	vunpack.c.0.s8.s32 v2;
	v1 =	vsel vm14, $0x900, v1;
	v0 =	vsel vm4, $0xD8A, v0  }
0x9e: {  	v2 =	vimm.s32 $0x18171615;
	v1 =	vsel vm13, $0x981, v1;
	v0 =	vsel vm2, $0xE0B, v0  }
0x9f: {  	v2 =	vunpack.c.0.s8.s32 v2;
	v1 =	vsel vm12, $0xA02, v1;
	v0 =	vsel vm3, $0xE8C, v0  }
0xa0: {  	v13 =	vsel vm13, $0x801, v13;
	v1 =	vsel vm11, $0xA83, v1;
	v0 =	vsel vm1, $0xF0D, v0  }
0xa1: {  	v41 =	vsel vm13, $0x1F01, v41;
	[tilespmem:$0x1FDA0] =	vst v2;
	v1 =	vsel vm10, $0xB04, v1;
	v0 =	vsel vm0, $0xF8E, v0  }
0xa2: {  	v42 =	vsel vm13, $0x1F81, v42;
	v2 =	vimm.s32 $0x90F;
	[tilespmem:$0x1F810] =	vst v0;
	v0 =	vsel vm9, $0xB85, v1  }
0xa3: {  	v3 =	vimm.s32 $0xA0F;
	v1 =	vsel vm14, $0x980, v2;
	v0 =	vsel vm8, $0xC06, v0  }
0xa4: {  	v3 =	vsel vm14, $0xA80, v3;
	v1 =	vsel vm13, $0xA01, v1;
	v0 =	vsel vm7, $0xC87, v0  }
0xa5: {  	v2 =	vimm.s32 $0x1D1C1B1A;
	v1 =	vsel vm12, $0xA82, v1;
	v0 =	vsel vm5, $0xD08, v0  }
0xa6: {  	v51 =	vunpack.c.0.s8.s32 v2;
	v1 =	vsel vm11, $0xB03, v1;
	v0 =	vsel vm6, $0xD89, v0  }
0xa7: {  	v2 =	vimm.s32 $0x11101F1E;
	v1 =	vsel vm10, $0xB84, v1;
	v0 =	vsel vm4, $0xE0A, v0  }
0xa8: {  	v50 =	vunpack.c.0.s8.s32 v2;
	v1 =	vsel vm9, $0xC05, v1;
	v0 =	vsel vm2, $0xE8B, v0  }
0xa9: {  	v2 =	vimm.s32 $0x98F;
	v1 =	vsel vm8, $0xC86, v1;
	v0 =	vsel vm3, $0xF0C, v0  }
0xaa: {  	v2 =	vsel vm14, $0xA00, v2;
	v1 =	vsel vm7, $0xD07, v1;
	v0 =	vsel vm1, $0xF8D, v0  }
0xab: {  	v2 =	vsel vm13, $0xA81, v2;
	v1 =	vsel vm5, $0xD88, v1;
	v0 =	vsel vm0, $0x80E, v0  }
0xac: {  	v3 =	vsel vm13, $0xB01, v3;
	[tilespmem:$0x1F820] =	vst v0;
	v0 =	vsel vm6, $0xE09, v1;
	v1 =	vsel vm12, $0xB02, v2  }
0xad: {  	v2 =	vsel vm12, $0xB82, v3;
	v3 =	vsel vm12, $0xC02, v4;
	v4 =	vsel vm12, $0xC82, v5  }
0xae: {  	v5 =	vsel vm12, $0xD02, v6;
	v6 =	vsel vm12, $0xD82, v7;
	v7 =	vsel vm12, $0xE02, v8  }
0xaf: {  	v8 =	vsel vm12, $0xE82, v9;
	v9 =	vsel vm12, $0xF02, v10;
	v10 =	vsel vm12, $0xF82, v11  }
0xb0: {  	v11 =	vsel vm12, $0x802, v12;
	v12 =	vsel vm12, $0x882, v13;
	v13 =	vsel vm12, $0x1182, v14  }
0xb1: {  	v14 =	vsel vm12, $0x1202, v15;
	v15 =	vsel vm12, $0x1282, v16;
	v16 =	vsel vm12, $0x1302, v17  }
0xb2: {  	v17 =	vsel vm12, $0x1382, v18;
	v18 =	vsel vm12, $0x1402, v19;
	v19 =	vsel vm12, $0x1482, v20  }
0xb3: {  	v20 =	vsel vm12, $0x1502, v21;
	v21 =	vsel vm12, $0x1582, v22;
	v22 =	vsel vm12, $0x1602, v23  }
0xb4: {  	v23 =	vsel vm12, $0x1682, v24;
	v24 =	vsel vm12, $0x1702, v25;
	v25 =	vsel vm12, $0x1782, v26  }
0xb5: {  	v26 =	vsel vm12, $0x1002, v27;
	v27 =	vsel vm12, $0x1082, v28;
	v28 =	vsel vm12, $0x1982, v29  }
0xb6: {  	v29 =	vsel vm12, $0x1A02, v30;
	v30 =	vsel vm12, $0x1A82, v31;
	v31 =	vsel vm12, $0x1B02, v32  }
0xb7: {  	v32 =	vsel vm12, $0x1B82, v33;
	v33 =	vsel vm12, $0x1C02, v34;
	v34 =	vsel vm12, $0x1C82, v35  }
0xb8: {  	v35 =	vsel vm12, $0x1D02, v36;
	v36 =	vsel vm12, $0x1D82, v37;
	v37 =	vsel vm12, $0x1E02, v38  }
0xb9: {  	v38 =	vsel vm12, $0x1E82, v39;
	v39 =	vsel vm12, $0x1F02, v40;
	v40 =	vsel vm12, $0x1F82, v41  }
0xba: {  	v41 =	vsel vm12, $0x1802, v42;
	v42 =	vsel vm12, $0x1882, v43;
	v43 =	vunpack.c.0.s8.s32 v47  }
0xbb: {  	v47 =	vimm.s32 $0x1211101F;
	v0 =	vsel vm4, $0xE8A, v0;
	v1 =	vsel vm11, $0xB83, v1  }
0xbc: {  	v2 =	vsel vm11, $0xC03, v2;
	v3 =	vsel vm11, $0xC83, v3;
	v4 =	vsel vm11, $0xD03, v4  }
0xbd: {  	v5 =	vsel vm11, $0xD83, v5;
	v6 =	vsel vm11, $0xE03, v6;
	v7 =	vsel vm11, $0xE83, v7  }
0xbe: {  	v8 =	vsel vm11, $0xF03, v8;
	v9 =	vsel vm11, $0xF83, v9;
	v10 =	vsel vm11, $0x803, v10  }
0xbf: {  	v11 =	vsel vm11, $0x883, v11;
	v12 =	vsel vm11, $0x903, v12;
	v13 =	vsel vm11, $0x1203, v13  }
0xc0: {  	v14 =	vsel vm11, $0x1283, v14;
	v15 =	vsel vm11, $0x1303, v15;
	v16 =	vsel vm11, $0x1383, v16  }
0xc1: {  	v17 =	vsel vm11, $0x1403, v17;
	v18 =	vsel vm11, $0x1483, v18;
	v19 =	vsel vm11, $0x1503, v19  }
0xc2: {  	v20 =	vsel vm11, $0x1583, v20;
	v21 =	vsel vm11, $0x1603, v21;
	v22 =	vsel vm11, $0x1683, v22  }
0xc3: {  	v23 =	vsel vm11, $0x1703, v23;
	v24 =	vsel vm11, $0x1783, v24;
	v25 =	vsel vm11, $0x1003, v25  }
0xc4: {  	v26 =	vsel vm11, $0x1083, v26;
	v27 =	vsel vm11, $0x1103, v27;
	v28 =	vsel vm11, $0x1A03, v28  }
0xc5: {  	v29 =	vsel vm11, $0x1A83, v29;
	v30 =	vsel vm11, $0x1B03, v30;
	v31 =	vsel vm11, $0x1B83, v31  }
0xc6: {  	v32 =	vsel vm11, $0x1C03, v32;
	v33 =	vsel vm11, $0x1C83, v33;
	v34 =	vsel vm11, $0x1D03, v34  }
0xc7: {  	v35 =	vsel vm11, $0x1D83, v35;
	v36 =	vsel vm11, $0x1E03, v36;
	v37 =	vsel vm11, $0x1E83, v37  }
0xc8: {  	v38 =	vsel vm11, $0x1F03, v38;
	v39 =	vsel vm11, $0x1F83, v39;
	v40 =	vsel vm11, $0x1803, v40  }
0xc9: {  	v41 =	vsel vm11, $0x1883, v41;
	v42 =	vsel vm11, $0x1903, v42;
	[tilespmem:$0x1F830] =	vst v43;
	v43 =	vunpack.c.0.s8.s32 v47  }
0xca: {  	v0 =	vsel vm2, $0xF0B, v0;
	v1 =	vsel vm10, $0xC04, v1;
	v2 =	vsel vm10, $0xC84, v2  }
0xcb: {  	v3 =	vsel vm10, $0xD04, v3;
	v4 =	vsel vm10, $0xD84, v4;
	v5 =	vsel vm10, $0xE04, v5  }
0xcc: {  	v6 =	vsel vm10, $0xE84, v6;
	v7 =	vsel vm10, $0xF04, v7;
	v8 =	vsel vm10, $0xF84, v8  }
0xcd: {  	v9 =	vsel vm10, $0x804, v9;
	v10 =	vsel vm10, $0x884, v10;
	v11 =	vsel vm10, $0x904, v11  }
0xce: {  	v12 =	vsel vm10, $0x984, v12;
	v13 =	vsel vm10, $0x1284, v13;
	v14 =	vsel vm10, $0x1304, v14  }
0xcf: {  	v15 =	vsel vm10, $0x1384, v15;
	v16 =	vsel vm10, $0x1404, v16;
	v17 =	vsel vm10, $0x1484, v17  }
0xd0: {  	v18 =	vsel vm10, $0x1504, v18;
	v19 =	vsel vm10, $0x1584, v19;
	v20 =	vsel vm10, $0x1604, v20  }
0xd1: {  	v21 =	vsel vm10, $0x1684, v21;
	v22 =	vsel vm10, $0x1704, v22;
	v23 =	vsel vm10, $0x1784, v23  }
0xd2: {  	v24 =	vsel vm10, $0x1004, v24;
	v25 =	vsel vm10, $0x1084, v25;
	v26 =	vsel vm10, $0x1104, v26  }
0xd3: {  	v27 =	vsel vm10, $0x1184, v27;
	v28 =	vsel vm10, $0x1A84, v28;
	v29 =	vsel vm10, $0x1B04, v29  }
0xd4: {  	v30 =	vsel vm10, $0x1B84, v30;
	v31 =	vsel vm10, $0x1C04, v31;
	v32 =	vsel vm10, $0x1C84, v32  }
0xd5: {  	v33 =	vsel vm10, $0x1D04, v33;
	v34 =	vsel vm10, $0x1D84, v34;
	v35 =	vsel vm10, $0x1E04, v35  }
0xd6: {  	v36 =	vsel vm10, $0x1E84, v36;
	v37 =	vsel vm10, $0x1F04, v37;
	v38 =	vsel vm10, $0x1F84, v38  }
0xd7: {  	v39 =	vsel vm10, $0x1804, v39;
	v40 =	vsel vm10, $0x1884, v40;
	v41 =	vsel vm10, $0x1904, v41  }
0xd8: {  	v42 =	vsel vm10, $0x1984, v42;
	v47 =	vimm.s32 $0x16151413;
	v0 =	vsel vm3, $0xF8C, v0  }
0xd9: {  	v1 =	vsel vm9, $0xC85, v1;
	v2 =	vsel vm9, $0xD05, v2;
	v3 =	vsel vm9, $0xD85, v3  }
0xda: {  	v4 =	vsel vm9, $0xE05, v4;
	v5 =	vsel vm9, $0xE85, v5;
	v6 =	vsel vm9, $0xF05, v6  }
0xdb: {  	v7 =	vsel vm9, $0xF85, v7;
	v8 =	vsel vm9, $0x805, v8;
	v9 =	vsel vm9, $0x885, v9  }
0xdc: {  	v10 =	vsel vm9, $0x905, v10;
	v11 =	vsel vm9, $0x985, v11;
	v12 =	vsel vm9, $0xA05, v12  }
0xdd: {  	v13 =	vsel vm9, $0x1305, v13;
	v14 =	vsel vm9, $0x1385, v14;
	v15 =	vsel vm9, $0x1405, v15  }
0xde: {  	v16 =	vsel vm9, $0x1485, v16;
	v17 =	vsel vm9, $0x1505, v17;
	v18 =	vsel vm9, $0x1585, v18  }
0xdf: {  	v19 =	vsel vm9, $0x1605, v19;
	v20 =	vsel vm9, $0x1685, v20;
	v21 =	vsel vm9, $0x1705, v21  }
0xe0: {  	v22 =	vsel vm9, $0x1785, v22;
	v23 =	vsel vm9, $0x1005, v23;
	v24 =	vsel vm9, $0x1085, v24  }
0xe1: {  	v25 =	vsel vm9, $0x1105, v25;
	v26 =	vsel vm9, $0x1185, v26;
	v27 =	vsel vm9, $0x1205, v27  }
0xe2: {  	v28 =	vsel vm9, $0x1B05, v28;
	v29 =	vsel vm9, $0x1B85, v29;
	v30 =	vsel vm9, $0x1C05, v30  }
0xe3: {  	v31 =	vsel vm9, $0x1C85, v31;
	v32 =	vsel vm9, $0x1D05, v32;
	v33 =	vsel vm9, $0x1D85, v33  }
0xe4: {  	v34 =	vsel vm9, $0x1E05, v34;
	v35 =	vsel vm9, $0x1E85, v35;
	v36 =	vsel vm9, $0x1F05, v36  }
0xe5: {  	v37 =	vsel vm9, $0x1F85, v37;
	v38 =	vsel vm9, $0x1805, v38;
	v39 =	vsel vm9, $0x1885, v39  }
0xe6: {  	v40 =	vsel vm9, $0x1905, v40;
	v41 =	vsel vm9, $0x1985, v41;
	v42 =	vsel vm9, $0x1A05, v42  }
0xe7: {  	[tilespmem:$0x1F840] =	vst v43;
	v43 =	vunpack.c.0.s8.s32 v47;
	v47 =	vimm.s32 $0x1A191817;
	v0 =	vsel vm1, $0x80D, v0  }
0xe8: {  	v1 =	vsel vm8, $0xD06, v1;
	v2 =	vsel vm8, $0xD86, v2;
	v3 =	vsel vm8, $0xE06, v3  }
0xe9: {  	v4 =	vsel vm8, $0xE86, v4;
	v5 =	vsel vm8, $0xF06, v5;
	v6 =	vsel vm8, $0xF86, v6  }
0xea: {  	v7 =	vsel vm8, $0x806, v7;
	v8 =	vsel vm8, $0x886, v8;
	v9 =	vsel vm8, $0x906, v9  }
0xeb: {  	v10 =	vsel vm8, $0x986, v10;
	v11 =	vsel vm8, $0xA06, v11;
	v12 =	vsel vm8, $0xA86, v12  }
0xec: {  	v13 =	vsel vm8, $0x1386, v13;
	v14 =	vsel vm8, $0x1406, v14;
	v15 =	vsel vm8, $0x1486, v15  }
0xed: {  	v16 =	vsel vm8, $0x1506, v16;
	v17 =	vsel vm8, $0x1586, v17;
	v18 =	vsel vm8, $0x1606, v18  }
0xee: {  	v19 =	vsel vm8, $0x1686, v19;
	v20 =	vsel vm8, $0x1706, v20;
	v21 =	vsel vm8, $0x1786, v21  }
0xef: {  	v22 =	vsel vm8, $0x1006, v22;
	v23 =	vsel vm8, $0x1086, v23;
	v24 =	vsel vm8, $0x1106, v24  }
0xf0: {  	v25 =	vsel vm8, $0x1186, v25;
	v26 =	vsel vm8, $0x1206, v26;
	v27 =	vsel vm8, $0x1286, v27  }
0xf1: {  	v28 =	vsel vm8, $0x1B86, v28;
	v29 =	vsel vm8, $0x1C06, v29;
	v30 =	vsel vm8, $0x1C86, v30  }
0xf2: {  	v31 =	vsel vm8, $0x1D06, v31;
	v32 =	vsel vm8, $0x1D86, v32;
	v33 =	vsel vm8, $0x1E06, v33  }
0xf3: {  	v34 =	vsel vm8, $0x1E86, v34;
	v35 =	vsel vm8, $0x1F06, v35;
	v36 =	vsel vm8, $0x1F86, v36  }
0xf4: {  	v0 =	vsel vm0, $0x88E, v0;
	[tilespmem:$0x1F850] =	vst v43;
	v43 =	vunpack.c.0.s8.s32 v47;
	v47 =	vimm.s32 $0x1F1E1D1C  }
0xf5: {  	v37 =	vsel vm8, $0x1806, v37;
	v38 =	vsel vm8, $0x1886, v38;
	[tilespmem:$0x1F870] =	vst v0;
	v0 =	vunpack.c.0.s8.s32 v47  }
0xf6: {  	v39 =	vsel vm8, $0x1906, v39;
	v40 =	vsel vm8, $0x1986, v40;
	v41 =	vsel vm8, $0x1A06, v41  }
0xf7: {  	v42 =	vsel vm8, $0x1A86, v42;
	v47 =	vimm.s32 $0x13121110;
	[tilespmem:$0x1F880] =	vst v0;
	v0 =	vsel vm7, $0xD87, v1  }
0xf8: {  	v1 =	vsel vm7, $0xE07, v2;
	v2 =	vsel vm7, $0xE87, v3;
	v3 =	vsel vm7, $0xF07, v4  }
0xf9: {  	v4 =	vsel vm7, $0xF87, v5;
	v5 =	vsel vm7, $0x807, v6;
	v6 =	vsel vm7, $0x887, v7  }
0xfa: {  	v7 =	vsel vm7, $0x907, v8;
	v8 =	vsel vm7, $0x987, v9;
	v9 =	vsel vm7, $0xA07, v10  }
0xfb: {  	v10 =	vsel vm7, $0xA87, v11;
	v11 =	vsel vm7, $0xB07, v12;
	v12 =	vsel vm7, $0x1407, v13  }
0xfc: {  	v13 =	vsel vm7, $0x1487, v14;
	v14 =	vsel vm7, $0x1507, v15;
	v15 =	vsel vm7, $0x1587, v16  }
0xfd: {  	v16 =	vsel vm7, $0x1607, v17;
	v17 =	vsel vm7, $0x1687, v18;
	v18 =	vsel vm7, $0x1707, v19  }
0xfe: {  	v19 =	vsel vm7, $0x1787, v20;
	v20 =	vsel vm7, $0x1007, v21;
	v21 =	vsel vm7, $0x1087, v22  }
0xff: {  	v22 =	vsel vm7, $0x1107, v23;
	v23 =	vsel vm7, $0x1187, v24;
	v24 =	vsel vm7, $0x1207, v25  }
0x100: {  	v25 =	vsel vm7, $0x1287, v26;
	v26 =	vsel vm7, $0x1307, v27;
	v27 =	vsel vm7, $0x1C07, v28  }
0x101: {  	v28 =	vsel vm7, $0x1C87, v29;
	v29 =	vsel vm7, $0x1D07, v30;
	v30 =	vsel vm7, $0x1D87, v31  }
0x102: {  	v31 =	vsel vm7, $0x1E07, v32;
	v32 =	vsel vm7, $0x1E87, v33;
	v33 =	vsel vm7, $0x1F07, v34  }
0x103: {  	v34 =	vsel vm7, $0x1F87, v35;
	v35 =	vsel vm7, $0x1807, v36;
	v36 =	vsel vm7, $0x1887, v37  }
0x104: {  	v37 =	vsel vm7, $0x1907, v38;
	v38 =	vsel vm7, $0x1987, v39;
	v39 =	vsel vm7, $0x1A07, v40  }
0x105: {  	v40 =	vsel vm7, $0x1A87, v41;
	v41 =	vsel vm7, $0x1B07, v42;
	v42 =	vunpack.c.0.s8.s32 v47  }
0x106: {  	v47 =	vimm.s32 $0x1B1A1918;
	v0 =	vsel vm5, $0xE08, v0;
	v1 =	vsel vm5, $0xE88, v1  }
0x107: {  	v2 =	vsel vm5, $0xF08, v2;
	v3 =	vsel vm5, $0xF88, v3;
	v4 =	vsel vm5, $0x808, v4  }
0x108: {  	v5 =	vsel vm5, $0x888, v5;
	v6 =	vsel vm5, $0x908, v6;
	v7 =	vsel vm5, $0x988, v7  }
0x109: {  	v8 =	vsel vm5, $0xA08, v8;
	v9 =	vsel vm5, $0xA88, v9;
	v10 =	vsel vm5, $0xB08, v10  }
0x10a: {  	v11 =	vsel vm5, $0xB88, v11;
	v12 =	vsel vm5, $0x1488, v12;
	v13 =	vsel vm5, $0x1508, v13  }
0x10b: {  	v14 =	vsel vm5, $0x1588, v14;
	v15 =	vsel vm5, $0x1608, v15;
	v16 =	vsel vm5, $0x1688, v16  }
0x10c: {  	v17 =	vsel vm5, $0x1708, v17;
	v18 =	vsel vm5, $0x1788, v18;
	v19 =	vsel vm5, $0x1008, v19  }
0x10d: {  	v20 =	vsel vm5, $0x1088, v20;
	v21 =	vsel vm5, $0x1108, v21;
	v22 =	vsel vm5, $0x1188, v22  }
0x10e: {  	v23 =	vsel vm5, $0x1208, v23;
	v24 =	vsel vm5, $0x1288, v24;
	v25 =	vsel vm5, $0x1308, v25  }
0x10f: {  	v26 =	vsel vm5, $0x1388, v26;
	v27 =	vsel vm5, $0x1C88, v27;
	v28 =	vsel vm5, $0x1D08, v28  }
0x110: {  	v29 =	vsel vm5, $0x1D88, v29;
	v30 =	vsel vm5, $0x1E08, v30;
	v31 =	vsel vm5, $0x1E88, v31  }
0x111: {  	v32 =	vsel vm5, $0x1F08, v32;
	v33 =	vsel vm5, $0x1F88, v33;
	v34 =	vsel vm5, $0x1808, v34  }
0x112: {  	v36 =	vsel vm5, $0x1908, v36;
	v37 =	vsel vm5, $0x1988, v37;
	v38 =	vsel vm5, $0x1A08, v38  }
0x113: {  	v39 =	vsel vm5, $0x1A88, v39;
	v40 =	vsel vm5, $0x1B08, v40;
	v41 =	vsel vm5, $0x1B88, v41  }
0x114: {  	v47 =	vunpack.c.0.s8.s32 v47;
	v0 =	vsel vm6, $0xE89, v0;
	v1 =	vsel vm6, $0xF09, v1  }
0x115: {  	v2 =	vsel vm6, $0xF89, v2;
	v3 =	vsel vm6, $0x809, v3;
	v4 =	vsel vm6, $0x889, v4  }
0x116: {  	v5 =	vsel vm6, $0x909, v5;
	v6 =	vsel vm6, $0x989, v6;
	v7 =	vsel vm6, $0xA09, v7  }
0x117: {  	v8 =	vsel vm6, $0xA89, v8;
	v9 =	vsel vm6, $0xB09, v9;
	v10 =	vsel vm6, $0xB89, v10  }
0x118: {  	v11 =	vsel vm6, $0xC09, v11;
	v12 =	vsel vm6, $0x1509, v12;
	v13 =	vsel vm6, $0x1589, v13  }
0x119: {  	v14 =	vsel vm6, $0x1609, v14;
	v15 =	vsel vm6, $0x1689, v15;
	v16 =	vsel vm6, $0x1709, v16  }
0x11a: {  	v17 =	vsel vm6, $0x1789, v17;
	v18 =	vsel vm6, $0x1009, v18;
	v19 =	vsel vm6, $0x1089, v19  }
0x11b: {  	v20 =	vsel vm6, $0x1109, v20;
	v21 =	vsel vm6, $0x1189, v21;
	v22 =	vsel vm6, $0x1209, v22  }
0x11c: {  	v23 =	vsel vm6, $0x1289, v23;
	v24 =	vsel vm6, $0x1309, v24;
	v25 =	vsel vm6, $0x1389, v25  }
0x11d: {  	v26 =	vsel vm6, $0x1409, v26;
	v27 =	vsel vm6, $0x1D09, v27;
	v28 =	vsel vm6, $0x1D89, v28  }
0x11e: {  	v29 =	vsel vm6, $0x1E09, v29;
	v30 =	vsel vm6, $0x1E89, v30;
	v31 =	vsel vm6, $0x1F09, v31  }
0x11f: {  	v32 =	vsel vm6, $0x1F89, v32;
	v33 =	vsel vm6, $0x1809, v33;
	v34 =	vsel vm6, $0x1889, v34  }
0x120: {  	v36 =	vsel vm6, $0x1989, v36;
	v37 =	vsel vm6, $0x1A09, v37;
	v38 =	vsel vm6, $0x1A89, v38  }
0x121: {  	[tilespmem:$0x1F890] =	vst v42;
	v39 =	vsel vm6, $0x1B09, v39;
	v40 =	vsel vm6, $0x1B89, v40;
	v42 =	vimm.s32 $0x17161514  }
0x122: {  	v41 =	vsel vm6, $0x1C09, v41;
	v42 =	vunpack.c.0.s8.s32 v42;
	v0 =	vsel vm4, $0xF0A, v0  }
0x123: {  	v1 =	vsel vm4, $0xF8A, v1;
	v2 =	vsel vm4, $0x80A, v2;
	v0 =	vsel vm2, $0xF8B, v0  }
0x124: {  	v1 =	vsel vm2, $0x80B, v1;
	v2 =	vsel vm2, $0x88B, v2;
	v0 =	vsel vm3, $0x80C, v0  }
0x125: {  	[tilespmem:$0x1F8A0] =	vst v42;
	v1 =	vsel vm3, $0x88C, v1;
	v42 =	vsel vm4, $0x1D8A, v27;
	v27 =	vsel vm4, $0x1B8A, v39  }
0x126: {  	v2 =	vsel vm3, $0x90C, v2;
	v0 =	vsel vm1, $0x88D, v0;
	v27 =	vsel vm2, $0x1C0B, v27  }
0x127: {  	[tilespmem:$0x1F8B0] =	vst v47;
	v47 =	vsel vm0, $0x90E, v0;
	v0 =	vsel vm1, $0x90D, v1;
	v1 =	vsel vm1, $0x98D, v2  }
0x128: {  	v2 =	vsel vm4, $0x98A, v5;
	v5 =	vsel vm4, $0x100A, v17;
	v17 =	vsel vm4, $0x1E8A, v29  }
0x129: {  	[tilespmem:$0x1F860] =	vst v43;
	v29 =	vsel vm4, $0x1C8A, v41;
	v27 =	vsel vm3, $0x1C8C, v27;
	v43 =	vsel vm0, $0x98E, v0  }
0x12a: {  	v0 =	vsel vm0, $0xA0E, v1;
	v1 =	vsel vm4, $0x90A, v4;
	v2 =	vsel vm2, $0xA0B, v2  }
0x12b: {  	v4 =	vsel vm4, $0x178A, v16;
	v16 =	vsel vm4, $0x1E0A, v28;
	v28 =	vsel vm4, $0x1C0A, v40  }
0x12c: {  	v5 =	vsel vm2, $0x108B, v5;
	v17 =	vsel vm2, $0x1F0B, v17;
	[tilespmem:$0x1F8C0] =	vst v0;
	v0 =	vsel vm4, $0x88A, v3  }
0x12d: {  	v29 =	vsel vm2, $0x1D0B, v29;
	v1 =	vsel vm2, $0x98B, v1;
	v0 =	vsel vm2, $0x90B, v0  }
0x12e: {  	v2 =	vsel vm3, $0xA8C, v2;
	v3 =	vsel vm4, $0x170A, v15;
	v0 =	vsel vm3, $0x98C, v0  }
0x12f: {  	v4 =	vsel vm2, $0x100B, v4;
	v5 =	vsel vm3, $0x110C, v5;
	v0 =	vsel vm1, $0xA0D, v0  }
0x130: {  	v17 =	vsel vm3, $0x1F8C, v17;
	v1 =	vsel vm3, $0xA0C, v1;
	v0 =	vsel vm0, $0xA8E, v0  }
0x131: {  	v3 =	vsel vm2, $0x178B, v3;
	v4 =	vsel vm3, $0x108C, v4;
	[tilespmem:$0x1F8D0] =	vst v0;
	v0 =	vsel vm1, $0xA8D, v1  }
0x132: {  	v5 =	vsel vm1, $0x118D, v5;
	v1 =	vsel vm1, $0xB0D, v2;
	v0 =	vsel vm0, $0xB0E, v0  }
0x133: {  	v17 =	vsel vm1, $0x180D, v17;
	v3 =	vsel vm3, $0x100C, v3;
	[tilespmem:$0x1F8E0] =	vst v0;
	v0 =	vsel vm0, $0xB8E, v1  }
0x134: {  	v4 =	vsel vm1, $0x110D, v4;
	v3 =	vsel vm1, $0x108D, v3;
	[tilespmem:$0x1F8F0] =	vst v0;
	v0 =	vsel vm4, $0xA0A, v6  }
0x135: {  	v2 =	vsel vm4, $0xB0A, v8;
	v8 =	vsel vm4, $0x118A, v20;
	v0 =	vsel vm2, $0xA8B, v0  }
0x136: {  	v20 =	vsel vm4, $0x180A, v32;
	v1 =	vsel vm4, $0xA8A, v7;
	v0 =	vsel vm3, $0xB0C, v0  }
0x137: {  	v2 =	vsel vm2, $0xB8B, v2;
	v1 =	vsel vm2, $0xB0B, v1;
	v0 =	vsel vm1, $0xB8D, v0  }
0x138: {  	v20 =	vsel vm2, $0x188B, v20;
	v1 =	vsel vm3, $0xB8C, v1;
	v0 =	vsel vm0, $0xC0E, v0  }
0x139: {  	v2 =	vsel vm3, $0xC0C, v2;
	v7 =	vsel vm4, $0x110A, v19;
	[tilespmem:$0x1F900] =	vst v0;
	v0 =	vsel vm1, $0xC0D, v1  }
0x13a: {  	v19 =	vsel vm4, $0x1F8A, v31;
	v1 =	vsel vm1, $0xC8D, v2;
	v0 =	vsel vm0, $0xC8E, v0  }
0x13b: {  	v20 =	vsel vm3, $0x190C, v20;
	v6 =	vsel vm4, $0x108A, v18;
	[tilespmem:$0x1F910] =	vst v0;
	v0 =	vsel vm0, $0xD0E, v1  }
0x13c: {  	v18 =	vsel vm4, $0x1F0A, v30;
	v19 =	vsel vm2, $0x180B, v19;
	[tilespmem:$0x1F920] =	vst v0;
	v0 =	vsel vm4, $0xB8A, v9  }
0x13d: {  	v20 =	vsel vm1, $0x198D, v20;
	v6 =	vsel vm2, $0x110B, v6;
	v0 =	vsel vm2, $0xC0B, v0  }
0x13e: {  	v18 =	vsel vm2, $0x1F8B, v18;
	v1 =	vsel vm4, $0xC0A, v10;
	v0 =	vsel vm3, $0xC8C, v0  }
0x13f: {  	v2 =	vsel vm4, $0xC8A, v11;
	v1 =	vsel vm2, $0xC8B, v1;
	v0 =	vsel vm1, $0xD0D, v0  }
0x140: {  	v2 =	vsel vm2, $0xD0B, v2;
	v1 =	vsel vm3, $0xD0C, v1;
	v0 =	vsel vm0, $0xD8E, v0  }
0x141: {  	v19 =	vsel vm3, $0x188C, v19;
	v2 =	vsel vm3, $0xD8C, v2;
	[tilespmem:$0x1F930] =	vst v0;
	v0 =	vsel vm1, $0xD8D, v1  }
0x142: {  	v6 =	vsel vm3, $0x118C, v6;
	v1 =	vsel vm1, $0xE0D, v2;
	v0 =	vsel vm0, $0xE0E, v0  }
0x143: {  	v18 =	vsel vm3, $0x180C, v18;
	v19 =	vsel vm1, $0x190D, v19;
	[tilespmem:$0x1F940] =	vst v0;
	v0 =	vsel vm0, $0xE8E, v1  }
0x144: {  	v6 =	vsel vm1, $0x120D, v6;
	v18 =	vsel vm1, $0x188D, v18;
	[tilespmem:$0x1F950] =	vst v0;
	v0 =	vsel vm4, $0x158A, v12  }
0x145: {  	v11 =	vsel vm4, $0x130A, v23;
	v1 =	vsel vm4, $0x160A, v13;
	v0 =	vsel vm2, $0x160B, v0  }
0x146: {  	v2 =	vsel vm4, $0x168A, v14;
	v1 =	vsel vm2, $0x168B, v1;
	v0 =	vsel vm3, $0x168C, v0  }
0x147: {  	v2 =	vsel vm2, $0x170B, v2;
	v1 =	vsel vm3, $0x170C, v1;
	v0 =	vsel vm1, $0x170D, v0  }
0x148: {  	v2 =	vsel vm3, $0x178C, v2;
	v1 =	vsel vm1, $0x178D, v1;
	v0 =	vsel vm0, $0x178E, v0  }
0x149: {  	v11 =	vsel vm2, $0x138B, v11;
	v2 =	vsel vm1, $0x100D, v2;
	[tilespmem:$0x1F9A0] =	vst v0;
	v0 =	vsel vm0, $0x100E, v1  }
0x14a: {  	v10 =	vsel vm4, $0x128A, v22;
	v22 =	vsel vm4, $0x190A, v34;
	[tilespmem:$0x1F9B0] =	vst v0;
	v0 =	vsel vm0, $0x108E, v2  }
0x14b: {  	v11 =	vsel vm3, $0x140C, v11;
	v9 =	vsel vm4, $0x120A, v21;
	[tilespmem:$0x1F9D0] =	vst v0;
	v0 =	vsel vm0, $0x110E, v3  }
0x14c: {  	v21 =	vsel vm4, $0x188A, v33;
	v22 =	vsel vm2, $0x198B, v22;
	[tilespmem:$0x1F9E0] =	vst v0;
	v0 =	vsel vm0, $0x118E, v4  }
0x14d: {  	v11 =	vsel vm1, $0x148D, v11;
	v21 =	vsel vm2, $0x190B, v21;
	[tilespmem:$0x1F9F0] =	vst v0;
	v0 =	vsel vm0, $0x120E, v5  }
0x14e: {  	v22 =	vsel vm3, $0x1A0C, v22;
	v21 =	vsel vm3, $0x198C, v21;
	[tilespmem:$0x1FA30] =	vst v0;
	v0 =	vsel vm0, $0x128E, v6  }
0x14f: {  	v22 =	vsel vm1, $0x1A8D, v22;
	v21 =	vsel vm1, $0x1A0D, v21;
	[tilespmem:$0x1FA40] =	vst v0;
	v0 =	vsel vm0, $0x150E, v11  }
0x150: {  	v14 =	vsel vm4, $0x148A, v26;
	v26 =	vsel vm4, $0x1B0A, v38;
	[tilespmem:$0x1FA50] =	vst v0;
	v0 =	vsel vm0, $0x188E, v17  }
0x151: {  	v26 =	vsel vm2, $0x1B8B, v26;
	v13 =	vsel vm4, $0x140A, v25;
	[tilespmem:$0x1FAE0] =	vst v0;
	v0 =	vsel vm0, $0x190E, v18  }
0x152: {  	v12 =	vsel vm4, $0x138A, v24;
	v24 =	vsel vm4, $0x1A0A, v36;
	[tilespmem:$0x1FAF0] =	vst v0;
	v0 =	vsel vm0, $0x198E, v19  }
0x153: {  	v25 =	vsel vm4, $0x1A8A, v37;
	v24 =	vsel vm2, $0x1A8B, v24;
	[tilespmem:$0x1FB00] =	vst v0;
	v0 =	vsel vm0, $0x1A0E, v20  }
0x154: {  	v25 =	vsel vm2, $0x1B0B, v25;
	v24 =	vsel vm3, $0x1B0C, v24;
	[tilespmem:$0x1FB20] =	vst v0;
	v0 =	vsel vm0, $0x1A8E, v21  }
0x155: {  	v25 =	vsel vm3, $0x1B8C, v25;
	v24 =	vsel vm1, $0x1B8D, v24;
	[tilespmem:$0x1FB30] =	vst v0;
	v0 =	vsel vm0, $0x1B0E, v22  }
0x156: {  	v26 =	vsel vm3, $0x1C0C, v26;
	v25 =	vsel vm1, $0x1C0D, v25;
	[tilespmem:$0x1FB40] =	vst v0;
	v0 =	vsel vm0, $0x1C0E, v24  }
0x157: {  	v28 =	vsel vm2, $0x1C8B, v28;
	v26 =	vsel vm1, $0x1C8D, v26;
	[tilespmem:$0x1FB50] =	vst v0;
	v0 =	vsel vm0, $0x1C8E, v25  }
0x158: {  	v27 =	vsel vm1, $0x1D0D, v27;
	v28 =	vsel vm3, $0x1D0C, v28;
	[tilespmem:$0x1FB60] =	vst v0;
	v0 =	vsel vm0, $0x1D0E, v26  }
0x159: {  	v29 =	vsel vm3, $0x1D8C, v29;
	v28 =	vsel vm1, $0x1D8D, v28;
	[tilespmem:$0x1FB70] =	vst v0;
	v0 =	vsel vm0, $0x1D8E, v27  }
0x15a: {  	v29 =	vsel vm1, $0x1E0D, v29;
	[tilespmem:$0x1FB80] =	vst v0;
	v0 =	vsel vm0, $0x1E0E, v28  }
0x15b: {  	[tilespmem:$0x1FB90] =	vst v0;
	v0 =	vsel vm0, $0x1E8E, v29  }
0x15c: {  	[tilespmem:$0x1FBA0] =	vst v0;
	v0 =	vimm.s32 $0x2D2C2B2A  }
0x15d: {  	v0 =	vunpack.c.0.s8.s32 v0  }
0x15e: {  	v1 =	vimm.s32 $0x21202F2E  }
0x15f: {  	[tilespmem:$0x1FBB0] =	vst v0;
	v0 =	vunpack.c.0.s8.s32 v1;
	_ =	sdelay $0x1  }
0x160: {  	[tilespmem:$0x1FBC0] =	vst v0;
	v0 =	vimm.s32 $0x25242322  }
0x161: {  	v0 =	vunpack.c.0.s8.s32 v0;
	_ =	sdelay $0x1  }
0x162: {  	[tilespmem:$0x1FBD0] =	vst v0;
	v0 =	vimm.s32 $0x29282726  }
0x163: {  	v0 =	vunpack.c.0.s8.s32 v0  }
0x164: {  	v1 =	vimm.s32 $0x2E2D2C2B  }
0x165: {  	[tilespmem:$0x1FBE0] =	vst v0;
	v0 =	vunpack.c.0.s8.s32 v1;
	_ =	sdelay $0x1  }
0x166: {  	[tilespmem:$0x1FBF0] =	vst v0;
	v0 =	vimm.s32 $0x2221202F  }
0x167: {  	v0 =	vunpack.c.0.s8.s32 v0;
	_ =	sdelay $0x1  }
0x168: {  	[tilespmem:$0x1FC00] =	vst v0;
	v0 =	vimm.s32 $0x26252423  }
0x169: {  	v0 =	vunpack.c.0.s8.s32 v0  }
0x16a: {  	v1 =	vimm.s32 $0x2A292827  }
0x16b: {  	[tilespmem:$0x1FC10] =	vst v0;
	v0 =	vunpack.c.0.s8.s32 v1;
	_ =	sdelay $0x1  }
0x16c: {  	[tilespmem:$0x1FC20] =	vst v0;
	v0 =	vimm.s32 $0x2F2E2D2C  }
0x16d: {  	v0 =	vunpack.c.0.s8.s32 v0;
	_ =	sdelay $0x1  }
0x16e: {  	[tilespmem:$0x1FC30] =	vst v0;
	v0 =	vimm.s32 $0x23222120  }
0x16f: {  	v0 =	vunpack.c.0.s8.s32 v0  }
0x170: {  	v1 =	vimm.s32 $0x27262524  }
0x171: {  	[tilespmem:$0x1FC40] =	vst v0;
	v0 =	vunpack.c.0.s8.s32 v1;
	_ =	sdelay $0x1  }
0x172: {  	[tilespmem:$0x1FC50] =	vst v0;
	v0 =	vimm.s32 $0x2B2A2928  }
0x173: {  	v0 =	vunpack.c.0.s8.s32 v0;
	_ =	sdelay $0x1  }
0x174: {  	[tilespmem:$0x1FC60] =	vst v0;
	v0 =	vimm.s32 $0x3C3B3A39  }
0x175: {  	v30 =	vimm.s32 $0x2C2B2A29;
	v0 =	vunpack.c.0.s8.s32 v0  }
0x176: {  	v30 =	vunpack.c.0.s8.s32 v30;
	v1 =	vimm.s32 $0x303F3E3D  }
0x177: {  	[tilespmem:$0x1FC70] =	vst v0;
	v0 =	vunpack.c.0.s8.s32 v1  }
0x178: {  	[tilespmem:$0x1F960] =	vst v30;
	v30 =	vimm.s32 $0x202F2E2D  }
0x179: {  	v30 =	vunpack.c.0.s8.s32 v30;
	[tilespmem:$0x1FC80] =	vst v0;
	v0 =	vimm.s32 $0x34333231  }
0x17a: {  	v0 =	vunpack.c.0.s8.s32 v0  }
0x17b: {  	v35 =	vsel vm5, $0x1888, v35;
	v31 =	vimm.s32 $0x24232221;
	[tilespmem:$0x1F970] =	vst v30  }
0x17c: {  	v35 =	vsel vm6, $0x1909, v35;
	v30 =	vunpack.c.0.s8.s32 v31;
	[tilespmem:$0x1FC90] =	vst v0;
	v0 =	vimm.s32 $0x38373635  }
0x17d: {  	v0 =	vunpack.c.0.s8.s32 v0  }
0x17e: {  	v32 =	vld [tilespmem:$0x1FA10];
	[tilespmem:$0x1F980] =	vst v30;
	v1 =	vimm.s32 $0x3D3C3B3A  }
0x17f: {  	v23 =	vsel vm4, $0x198A, v35;
	v35 =	vmovc v58;
	v58 =	vld [tilespmem:$0x1FA90];
	v30 =	vimm.s32 $0x28272625;
	[tilespmem:$0x1FCA0] =	vst v0;
	v0 =	vunpack.c.0.s8.s32 v1  }
0x180: {  	v34 =	vmov v60;
	v60 =	vld [tilespmem:$0x1FA80];
	v30 =	vunpack.c.0.s8.s32 v30  }
0x181: {  	v33 =	vld [tilespmem:$0x1FA60];
	[tilespmem:$0x1FCB0] =	vst v0;
	v0 =	vimm.s32 $0x31303F3E  }
0x182: {  	[tilespmem:$0x1F990] =	vst v30;
	v30 =	vld [tilespmem:$0x1FA00];
	v0 =	vunpack.c.0.s8.s32 v0  }
0x183: {  	v38 =	vld [tilespmem:$0x1FA20]  }
0x184: {  	v37 =	vld [tilespmem:$0x1FAA0];
	[tilespmem:$0x1FCC0] =	vst v0;
	v0 =	vimm.s32 $0x35343332  }
0x185: {  	v36 =	vmov v55;
	v55 =	vld [tilespmem:$0x1FA70];
	v0 =	vunpack.c.0.s8.s32 v0  }
0x186: {  	v2 =	vld [tilespmem:$0x1F9C0];
	v1 =	vimm.s32 $0x39383736  }
0x187: {  	v3 =	vld [tilespmem:$0x1FAD0];
	[tilespmem:$0x1FCD0] =	vst v0;
	v0 =	vunpack.c.0.s8.s32 v1  }
0x188: {  	s10 =	rddreg [dreg:$0x0];
	s3 =	simm.s32 $0x0;
	v4 =	vmov v48;
	v48 =	vmov v54;
	v54 =	vld [tilespmem:$0x1FAB0]  }
0x189: {  	[smem:$0x7FF] =	sst s3;
	v44 =	vimm.s32 $0x15141312;
	v6 =	vmov v43;
	v43 =	vld [tilespmem:$0x1FAC0];
	[tilespmem:$0x1FCE0] =	vst v0  }
0x18a: {  	s2 =	rddreg [dreg:$0x1];
	v49 =	vunpack.c.0.s8.s32 v44;
	v44 =	vimm.s32 $0x19181716;
	v20 =	vld [tilespmem:$0x1FB10];
	_ =	strace $0x80000047;
	[tilespmem:$0x1FD70] =	vst v46  }
0x18b: {  	v44 =	vunpack.c.0.s8.s32 v44;
	v8 =	vsel vm2, $0x120B, v8;
	[tilespmem:$0x1FD80] =	vst v53  }
0x18c: {  	v15 =	vsel vm2, $0x1E0B, v42;
	v16 =	vsel vm2, $0x1E8B, v16;
	v8 =	vsel vm3, $0x128C, v8;
	[tilespmem:$0x1FD90] =	vst v61  }
0x18d: {  	v15 =	vsel vm3, $0x1E8C, v15;
	v7 =	vsel vm2, $0x118B, v7;
	v8 =	vsel vm1, $0x130D, v8;
	[tilespmem:$0x1FDB0] =	vst v51  }
0x18e: {  	v7 =	vsel vm3, $0x120C, v7;
	v8 =	vsel vm0, $0x138E, v8;
	v10 =	vsel vm2, $0x130B, v10;
	[tilespmem:$0x1FDC0] =	vst v50  }
0x18f: {  	v7 =	vsel vm1, $0x128D, v7;
	v9 =	vsel vm2, $0x128B, v9;
	v10 =	vsel vm3, $0x138C, v10;
	[tilespmem:$0x1FDD0] =	vst v49  }
0x190: {  	v7 =	vsel vm0, $0x130E, v7;
	v9 =	vsel vm3, $0x130C, v9;
	v10 =	vsel vm1, $0x140D, v10;
	[tilespmem:$0x1FDE0] =	vst v44  }
0x191: {  	v9 =	vsel vm1, $0x138D, v9;
	v10 =	vsel vm0, $0x148E, v10;
	v12 =	vsel vm2, $0x140B, v12;
	[tilespmem:$0x1FE30] =	vst v7  }
0x192: {  	v9 =	vsel vm0, $0x140E, v9;
	v13 =	vsel vm2, $0x148B, v13;
	v12 =	vsel vm3, $0x148C, v12;
	[tilespmem:$0x1FE40] =	vst v8  }
0x193: {  	v14 =	vsel vm2, $0x150B, v14;
	v13 =	vsel vm3, $0x150C, v13;
	v12 =	vsel vm1, $0x150D, v12;
	[tilespmem:$0x1FE50] =	vst v9  }
0x194: {  	v14 =	vsel vm3, $0x158C, v14;
	v13 =	vsel vm1, $0x158D, v13;
	v12 =	vsel vm0, $0x158E, v12;
	[tilespmem:$0x1FE60] =	vst v10  }
0x195: {  	v16 =	vsel vm3, $0x1F0C, v16;
	v14 =	vsel vm1, $0x160D, v14;
	v13 =	vsel vm0, $0x160E, v13;
	[tilespmem:$0x1FE70] =	vst v12  }
0x196: {  	v15 =	vsel vm1, $0x1F0D, v15;
	v23 =	vsel vm2, $0x1A0B, v23;
	v14 =	vsel vm0, $0x168E, v14;
	[tilespmem:$0x1FE80] =	vst v13  }
0x197: {  	v16 =	vsel vm1, $0x1F8D, v16;
	v15 =	vsel vm0, $0x1F8E, v15;
	v23 =	vsel vm3, $0x1A8C, v23;
	[tilespmem:$0x1FE90] =	vst v14  }
0x198: {  	v16 =	vsel vm0, $0x180E, v16;
	v23 =	vsel vm1, $0x1B0D, v23;
	[tilespmem:$0x1FEA0] =	vst v15  }
0x199: {  	v5 =	vsel vm0, $0x1B8E, v23;
	[tilespmem:$0x1FEB0] =	vst v16  }
0x19a: {  	[tilespmem:$0x1FEC0] =	vst v5  }
0x19b: {  	[tilespmem:$0x1FF30] =	vst v6  }
0x19c: {  	v40 =	vmov v59;
	v0 =	vimm.s32 $0x3E3D3C3B;
	[tilespmem:$0x1FF40] =	vst v63  }
0x19d: {  	v22 =	vmov v57;
	v0 =	vunpack.c.0.s8.s32 v0;
	[tilespmem:$0x1FF50] =	vst v40  }
0x19e: {  	[tilespmem:$0x1FF60] =	vst v22  }
0x19f: {  	[tilespmem:$0x1FCF0] =	vst v0;
	v0 =	vimm.s32 $0x3231303F  }
0x1a0: {  	[tilespmem:$0x1FF70] =	vst v36;
	v0 =	vunpack.c.0.s8.s32 v0  }
0x1a1: {  	v1 =	vimm.s32 $0x36353433;
	[tilespmem:$0x1FF80] =	vst v52  }
0x1a2: {  	[tilespmem:$0x1FD00] =	vst v0;
	v0 =	vunpack.c.0.s8.s32 v1  }
0x1a3: {  	[tilespmem:$0x1FF90] =	vst v62  }
0x1a4: {  	[tilespmem:$0x1FD10] =	vst v0;
	v0 =	vimm.s32 $0x3A393837  }
0x1a5: {  	[tilespmem:$0x1FFA0] =	vst v34;
	v0 =	vunpack.c.0.s8.s32 v0  }
0x1a6: {  	[tilespmem:$0x1FFB0] =	vst v35  }
0x1a7: {  	[tilespmem:$0x1FD20] =	vst v0;
	v0 =	vimm.s32 $0x3F3E3D3C  }
0x1a8: {  	[tilespmem:$0x1FFC0] =	vst v56;
	v0 =	vunpack.c.0.s8.s32 v0  }
0x1a9: {  	[tilespmem:$0x1FFD0] =	vst v48;
	v1 =	vimm.s32 $0x33323130  }
0x1aa: {  	[tilespmem:$0x1FD30] =	vst v0;
	v0 =	vunpack.c.0.s8.s32 v1;
	v1 =	vlaneseq.u32  }
0x1ab: {  	v29 =	vmovc v60;
	[tilespmem:$0x1FFF0] =	vst v45;
	v59 =	vmul.u32 $0x40, v1;
	v60 =	vmul.u32 $0x81, v1;
	v57 =	vor.u32 $0x10, v1;
	v1 =	vld [tilespmem:$0x1FDA0]  }
0x1ac: {  	[tilespmem:$0x1FD40] =	vst v0;
	v0 =	vimm.s32 $0x37363534  }
0x1ad: {  	[tilespmem:$0x1FEF0] =	vst v57;
	v0 =	vunpack.c.0.s8.s32 v0  }
0x1ae: {  	s1 =	srdreg.scid;
	s0 =	stileid.u32;
	s11 =	simm.s32 $0x80;
	[tilespmem:$0x1FED0] =	vst v59  }
0x1af: {  	s12 =	simm.s32 $0x1;
	s13 =	simm.s32 $0x100;
	s14 =	simm.s32 $0x2;
	vm0 =	vcmask $0x1F10;
	[tilespmem:$0x1FD50] =	vst v0;
	v0 =	vimm.s32 $0x3B3A3938  }
0x1b0: {  	s15 =	simm.s32 $0x2100;
	s4 =	sand.u32 $0x1, s1;
	s30 =	sshll.u32 s0, $0x1;
	[tilespmem:$0x1FEE0] =	vst v60;
	v0 =	vunpack.c.0.s8.s32 v0;
	v1 =	vsel vm0, v1, v61  }
0x1b1: {  	s16 =	simm.s32 $0x3;
	s17 =	simm.s32 $0x4100;
	s5 =	sor.u32 s4, s30;
	[tilespmem:$0x1FE00] =	vst v1  }
0x1b2: {  	s18 =	simm.s32 $0x400;
	s19 =	simm.s32 $0x8000;
	s6 =	smul.u32 $0x6400, s5;
	[tilespmem:$0x1FD60] =	vst v0;
	v0 =	vsel vm0, v53, v46  }
0x1b3: {  	s20 =	simm.s32 $0x6100;
	s21 =	simm.s32 $0x5;
	s7 =	sshll.u32 s5, $0xA;
	v46 =	vmov v4;
	v4 =	vsel vm0, v50, v51;
	[tilespmem:$0x1FDF0] =	vst v0  }
0x1b4: {  	s22 =	simm.s32 $0x6;
	s7 =	sand.u32 $0xC00, s7;
	s6 =	sand.u32 $0xFF000, s6;
	v51 =	vsel vm0, v44, v49;
	[tilespmem:$0x1FE10] =	vst v4  }
.Ltmp0:
0x1b5: {  	s31 =	ssub.s32 $0x2, s4;
	s6 =	sor.u32 s7, s6;
	v53 =	vmov v32;
	v32 =	vor.u32 $0x800, v60;
	[tilespmem:$0x1FE20] =	vst v51;
	(pc) =	sbr.rel .LBB2_1-.Ltmp0, $4  }
0x1b6: {  	s23 =	simm.s32 $0x0;
	s8 =	sshrl.u32 s31, $0x1;
	s6 =	sshrl.u32 s6, $0x3;
	v19 =	vcombine.low v1, v0;
	[tilespmem:$0x1FF10] =	vst v32  }
0x1b7: {  	s4 =	sadd.s32 $0xF42A00, s10;
	s8 =	ssub.s32 s31, s8;
	s9 =	sadd.s32 s6, s10;
	v4 =	vcombine.low v51, v4;
	[tilespmem:$0x1FFE0] =	vst v46  }
0x1b8: {  	s5 =	smul.u32 $0xC8, s5;
	s8 =	smax.u32 s8, $0x1;
	s6 =	sadd.s32 $0x600, s9;
	[tilespmem:$0x1FF00] =	vst v19  }
0x1b9: {  	s7 =	sadd.s32 $0x610, s9;
	s9 =	sadd.s32 $0x620, s10;
	s10 =	sadd.s32 $0x630, s10;
	v31 =	vmovc v56;
	v21 =	vmovc v45;
	v26 =	vmov v52;
	v27 =	vmov v3;
	v61 =	vmov v37;
	[tilespmem:$0x1FF20] =	vst v4  }
.LBB2_11:
0x1ba: {  	_ =	swait.ge [sflag:s21], $0x2000  }
0x1bb: {  	[sflag:s21] =	ssyncset.done $0x0  }
0x1bc: {  	s23 =	sadd.s32 $0x1, s23;
	[sflag:s21] =	ssyncadd.s32 $0xFFFFE000  }
0x1bd: {  	p0 =	sne.s32 s23, s8;
	_ =	swait.ge [sflag:s22], $0x2000  }
.Ltmp1:
0x1be: {  	v2 =	vld [tilespmem:$0x1F9C0];
	(pc) =	sbr.rel @!p0 .LBB2_12-.Ltmp1, $4  }
0x1bf: {  	v20 =	vmov v59;
	v59 =	vld [tilespmem:$0x1FED0]  }
0x1c0: {  	v60 =	vld [tilespmem:$0x1FEE0]  }
0x1c1: {  	[sflag:s22] =	ssyncset.done $0x0;
	v57 =	vld [tilespmem:$0x1FEF0]  }
0x1c2: {  	v47 =	vmov v11;
	v19 =	vld [tilespmem:$0x1FF00];
	[sflag:s22] =	ssyncadd.s32 $0xFFFFE000  }
.LBB2_1:
0x1c3: {  	[tilespmem:s3], [sflag:$0x1] =	stream.linear.gather [hbm4b:s6+s3], $0x80, $0x38;
	[tilespmem:$0x8100] =	vst v63  }
0x1c4: {  	_ = 	snop  }
0x1c5: {  	[tilespmem:s11], [sflag:$0x2] =	stream.linear.gather [hbm4b:s7+s3], $0x80, $0x38;
	[tilespmem:$0x8100] =	vst v63  }
0x1c6: {  	_ =	swait.ge [sflag:s12], $0x80  }
0x1c7: {  	[sflag:s12] =	ssyncset.done $0x0  }
0x1c8: {  	[sflag:s12] =	ssyncadd.s32 $0xFFFFFF80  }
0x1c9: {  	[tilespmem:s13], [sflag:$0x3] =	stream.indirect.gather [hbm4b:s4+s11], $0x40, s3, s11, $0xb8;
	[tilespmem:$0x8100] =	vst v63  }
0x1ca: {  	_ =	swait.ge [sflag:s14], $0x80  }
0x1cb: {  	[sflag:s14] =	ssyncset.done $0x0  }
0x1cc: {  	s24 =	simm.s32 $0x0;
	[sflag:s14] =	ssyncadd.s32 $0xFFFFFF80  }
0x1cd: {  	[tilespmem:s15], [sflag:$0x4] =	stream.indirect.gather [hbm4b:s4+s11], $0x40, s11, s11, $0xb8;
	[tilespmem:$0x8100] =	vst v63  }
.LBB2_2:
0x1ce: {  	_ =	swait.ge [sflag:s16], $0x2000  }
0x1cf: {  	v14 =	vld [tilespmem:$0x1F7C0]  }
0x1d0: {  	v10 =	vld [tilespmem:$0x1F7D0]  }
0x1d1: {  	v12 =	vld [tilespmem:$0x1F7E0]  }
0x1d2: {  	v16 =	vld [tilespmem:$0x1F7F0]  }
0x1d3: {  	v13 =	vld [tilespmem:$0x1F800]  }
0x1d4: {  	v5 =	vld [tilespmem:$0x1F810]  }
0x1d5: {  	v7 =	vld [tilespmem:$0x1F820]  }
0x1d6: {  	v9 =	vld [tilespmem:$0x1F870]  }
0x1d7: {  	v8 =	vld [tilespmem:$0x1F8C0]  }
0x1d8: {  	v11 =	vld [tilespmem:$0x1F8D0]  }
0x1d9: {  	p0 =	seq.s32 s24, $0x63;
	v39 =	vld [tilespmem:$0x1F8E0]  }
0x1da: {  	p1 =	seq.s32 @!p0 s24, $0x0;
	v3 =	vld [tilespmem:$0x1F8F0]  }
0x1db: {  	v41 =	vld [tilespmem:$0x1F900];
	p1 =	por p0, !p1  }
.Ltmp2:
0x1dc: {  	s25 =	sshll.u32 s24, $0x1;
	v42 =	vld [tilespmem:$0x1F910];
	(pc) =	sbr.rel @!p1 .LBB2_3-.Ltmp2, $4  }
0x1dd: {  	s26 =	sadd.s32 s5, s25;
	v44 =	vld [tilespmem:$0x1F920]  }
0x1de: {  	[sflag:s16] =	ssyncset.done $0x0;
	v49 =	vld [tilespmem:$0x1F930];
	s25 =	sshll.u32 @!p0 s26, $0x4  }
0x1df: {  	s29 =	simm.s32 @!p0 $0x0;
	v50 =	vld [tilespmem:$0x1F940];
	[sflag:s16] =	ssyncadd.s32 $0xFFFFE000;
	s28 =	sadd.s32 @!p0 s9, s25  }
0x1e0: {  	v51 =	vld [tilespmem:$0x1F950];
	[tilespmem:s29], [sflag:$0x1] =	stream.linear.gather @!p0 [hbm4b:s28+s29], $0x80, $0x38  }
.Ltmp3:
0x1e1: {  	(pc) =	sbr.rel .LBB2_5-.Ltmp3, $4  }
0x1e2: {  	_ = 	snop  }
0x1e3: {  	_ =	swait.ge [sflag:s21], $0x2000  }
0x1e4: {  	[sflag:s21] =	ssyncset.done $0x0  }
0x1e5: {  	p1 =	por $0x0, $0x0;
	[sflag:s21] =	ssyncadd.s32 $0xFFFFE000  }
.LBB2_3:
0x1e6: {  	p1 =	por @!p0 $0x1, $0x1  }
.LBB2_5:
0x1e7: {  	s28 =	simm.s32 $0x0  }
0x1e8: {  	v0 =	vmov s28  }
0x1e9: {  	v0 =	vshll.u32 v0, $0x6  }
0x1ea: {  	v1 =	vlaneseq.u32;
	v0 =	vor.u32 v59, v0  }
0x1eb: {  	v1 =	vor.u32 v1, v0;
	_ =	sdelay $0x4  }
0x1ec: {  	v17 =	vor.u32 s28, v60;
	v1 =	vld.idx.msk [tilespmem:v1+s13+$0x0], $0xffff  }
0x1ed: {  	v18 =	vor.u32 v2, v0;
	_ =	sdelay $0x3  }
0x1ee: {  	[tilespmem:v17+s17+$0x0] =	vst.idx.msk $0xffff, v1  }
0x1ef: {  	v17 =	vor.u32 s28, v38;
	v1 =	vld.idx.msk [tilespmem:v18+s13+$0x0], $0xffff  }
0x1f0: {  	v18 =	vor.u32 v53, v0;
	_ =	sdelay $0x3  }
0x1f1: {  	[tilespmem:v17+s17+$0x0] =	vst.idx.msk $0xffff, v1  }
0x1f2: {  	v17 =	vor.u32 s28, v30;
	v1 =	vld.idx.msk [tilespmem:v18+s13+$0x0], $0xffff  }
0x1f3: {  	v18 =	vor.u32 v46, v0;
	_ =	sdelay $0x3  }
0x1f4: {  	[tilespmem:v17+s17+$0x0] =	vst.idx.msk $0xffff, v1  }
0x1f5: {  	v17 =	vor.u32 s28, v26;
	v1 =	vld.idx.msk [tilespmem:v18+s13+$0x0], $0xffff  }
0x1f6: {  	v18 =	vor.u32 v21, v0;
	_ =	sdelay $0x3  }
0x1f7: {  	[tilespmem:v17+s17+$0x0] =	vst.idx.msk $0xffff, v1  }
0x1f8: {  	v17 =	vor.u32 s28, v20;
	v1 =	vld.idx.msk [tilespmem:v18+s13+$0x0], $0xffff  }
0x1f9: {  	v18 =	vor.u32 v27, v0;
	_ =	sdelay $0x3  }
0x1fa: {  	[tilespmem:v17+s17+$0x0] =	vst.idx.msk $0xffff, v1  }
0x1fb: {  	v17 =	vor.u32 s28, v43;
	v1 =	vld.idx.msk [tilespmem:v18+s13+$0x0], $0xffff  }
0x1fc: {  	v18 =	vor.u32 v54, v0;
	_ =	sdelay $0x3  }
0x1fd: {  	[tilespmem:v17+s17+$0x0] =	vst.idx.msk $0xffff, v1  }
0x1fe: {  	v17 =	vor.u32 s28, v61;
	v1 =	vld.idx.msk [tilespmem:v18+s13+$0x0], $0xffff  }
0x1ff: {  	v18 =	vor.u32 v58, v0;
	_ =	sdelay $0x3  }
0x200: {  	[tilespmem:v17+s17+$0x0] =	vst.idx.msk $0xffff, v1  }
0x201: {  	v17 =	vor.u32 s28, v29;
	v1 =	vld.idx.msk [tilespmem:v18+s13+$0x0], $0xffff  }
0x202: {  	v18 =	vor.u32 v55, v0;
	_ =	sdelay $0x3  }
0x203: {  	[tilespmem:v17+s17+$0x0] =	vst.idx.msk $0xffff, v1  }
0x204: {  	v17 =	vor.u32 s28, v33;
	v1 =	vld.idx.msk [tilespmem:v18+s13+$0x0], $0xffff  }
0x205: {  	v18 =	vor.u32 v62, v0;
	_ =	sdelay $0x3  }
0x206: {  	[tilespmem:v17+s17+$0x0] =	vst.idx.msk $0xffff, v1  }
0x207: {  	v17 =	vor.u32 s28, v63;
	v1 =	vld.idx.msk [tilespmem:v18+s13+$0x0], $0xffff  }
0x208: {  	v18 =	vor.u32 v34, v0;
	_ =	sdelay $0x3  }
0x209: {  	[tilespmem:v17+s17+$0x0] =	vst.idx.msk $0xffff, v1  }
0x20a: {  	v17 =	vor.u32 s28, v40;
	v1 =	vld.idx.msk [tilespmem:v18+s13+$0x0], $0xffff  }
0x20b: {  	v18 =	vor.u32 v35, v0;
	_ =	sdelay $0x3  }
0x20c: {  	[tilespmem:v17+s17+$0x0] =	vst.idx.msk $0xffff, v1  }
0x20d: {  	v17 =	vor.u32 s28, v22;
	v1 =	vld.idx.msk [tilespmem:v18+s13+$0x0], $0xffff  }
0x20e: {  	v18 =	vor.u32 v31, v0;
	_ =	sdelay $0x3  }
0x20f: {  	[tilespmem:v17+s17+$0x0] =	vst.idx.msk $0xffff, v1  }
0x210: {  	v17 =	vor.u32 s28, v36;
	v1 =	vld.idx.msk [tilespmem:v18+s13+$0x0], $0xffff  }
0x211: {  	v18 =	vor.u32 v48, v0;
	_ =	sdelay $0x3  }
0x212: {  	[tilespmem:v17+s17+$0x0] =	vst.idx.msk $0xffff, v1  }
0x213: {  	v17 =	vor.u32 s28, v14;
	v1 =	vld.idx.msk [tilespmem:v18+s13+$0x0], $0xffff  }
0x214: {  	v18 =	vor.u32 v10, v0;
	_ =	sdelay $0x3  }
0x215: {  	[tilespmem:v17+s17+$0x0] =	vst.idx.msk $0xffff, v1  }
0x216: {  	v17 =	vor.u32 s28, v12;
	v1 =	vld.idx.msk [tilespmem:v18+s13+$0x0], $0xffff  }
0x217: {  	v18 =	vor.u32 v16, v0;
	_ =	sdelay $0x3  }
0x218: {  	[tilespmem:v17+s17+$0x0] =	vst.idx.msk $0xffff, v1  }
0x219: {  	v17 =	vor.u32 s28, v13;
	v1 =	vld.idx.msk [tilespmem:v18+s13+$0x0], $0xffff  }
0x21a: {  	v18 =	vor.u32 v57, v0;
	_ =	sdelay $0x3  }
0x21b: {  	[tilespmem:v17+s17+$0x0] =	vst.idx.msk $0xffff, v1  }
0x21c: {  	v17 =	vor.u32 s28, v32;
	v1 =	vld.idx.msk [tilespmem:v18+s13+$0x0], $0xffff  }
0x21d: {  	v23 =	vld [tilespmem:$0x1F830];
	v18 =	vor.u32 v19, v0  }
0x21e: {  	v24 =	vld [tilespmem:$0x1F840]  }
0x21f: {  	v37 =	vld [tilespmem:$0x1F8A0]  }
0x220: {  	v63 =	vmov v33;
	v33 =	vld [tilespmem:$0x1F850]  }
0x221: {  	v45 =	vmov v34;
	v34 =	vld [tilespmem:$0x1F860];
	[tilespmem:v17+s17+$0x0] =	vst.idx.msk $0xffff, v1  }
0x222: {  	v17 =	vor.u32 s28, v5;
	v1 =	vld.idx.msk [tilespmem:v18+s13+$0x0], $0xffff  }
0x223: {  	v38 =	vld [tilespmem:$0x1F8B0];
	v18 =	vor.u32 v4, v0  }
0x224: {  	v52 =	vmov v35;
	v35 =	vld [tilespmem:$0x1F880]  }
0x225: {  	v36 =	vld [tilespmem:$0x1F890]  }
0x226: {  	v25 =	vsel vm0, v24, v23;
	v26 =	vsel vm0, v34, v33;
	v12 =	vmov v21;
	v21 =	vld [tilespmem:$0x1FD90]  }
0x227: {  	v2 =	vcombine.low v26, v25;
	v4 =	vld [tilespmem:$0x1FD80];
	[tilespmem:v17+s17+$0x0] =	vst.idx.msk $0xffff, v1  }
0x228: {  	v1 =	vld.idx.msk [tilespmem:v18+s13+$0x0], $0xffff;
	v18 =	vor.u32 s28, v7  }
0x229: {  	v19 =	vor.u32 v2, v0;
	_ =	sdelay $0x1  }
0x22a: {  	v56 =	vmov v54;
	v28 =	vsel vm0, v38, v37  }
0x22b: {  	v54 =	vmovc v27;
	[tilespmem:$0x1F4B0] =	vst v2;
	v27 =	vsel vm0, v36, v35;
	v10 =	vmov v29;
	v29 =	vsel vm0, v21, v4;
	v4 =	vld [tilespmem:$0x1FD70]  }
0x22c: {  	v2 =	vcombine.low v28, v27;
	v21 =	vld [tilespmem:$0x1FDA0];
	[tilespmem:v18+s17+$0x0] =	vst.idx.msk $0xffff, v1  }
0x22d: {  	v1 =	vld.idx.msk [tilespmem:v19+s13+$0x0], $0xffff;
	v19 =	vor.u32 s28, v9  }
0x22e: {  	v13 =	vmov v20;
	v20 =	vor.u32 v2, v0;
	_ =	sdelay $0x3  }
0x22f: {  	v15 =	vmov v30;
	v30 =	vsel vm0, v4, v21;
	v4 =	vld [tilespmem:$0x1FDC0];
	[tilespmem:v19+s17+$0x0] =	vst.idx.msk $0xffff, v1  }
0x230: {  	v1 =	vld.idx.msk [tilespmem:v20+s13+$0x0], $0xffff  }
0x231: {  	v19 =	vmovc v47;
	v20 =	vor.u32 s28, v47;
	v47 =	vmovc v55;
	v55 =	vmov v43;
	v43 =	vmov v22;
	v22 =	vld [tilespmem:$0x1FDD0];
	_ =	sdelay $0x4  }
0x232: {  	v48 =	vmov v31;
	[tilespmem:$0x1F4C0] =	vst v2;
	v2 =	vcombine.low v30, v29;
	v31 =	vsel vm0, v22, v4;
	v4 =	vld [tilespmem:$0x1FDB0]  }
0x233: {  	v22 =	vld [tilespmem:$0x1FDE0]  }
0x234: {  	v21 =	vor.u32 v2, v0;
	_ =	sdelay $0x3  }
0x235: {  	[tilespmem:v20+s17+$0x0] =	vst.idx.msk $0xffff, v1;
	v32 =	vsel vm0, v4, v22  }
0x236: {  	[tilespmem:$0x1F4D0] =	vst v2;
	v1 =	vld.idx.msk [tilespmem:v21+s13+$0x0], $0xffff;
	v21 =	vor.u32 s28, v6;
	v2 =	vcombine.low v32, v31;
	_ =	sdelay $0x1  }
0x237: {  	v22 =	vor.u32 v2, v0;
	_ =	sdelay $0x2  }
0x238: {  	v33 =	vsel vm0, v33, v24;
	v34 =	vsel vm0, v23, v34;
	[tilespmem:v21+s17+$0x0] =	vst.idx.msk $0xffff, v1  }
0x239: {  	[tilespmem:$0x1F4E0] =	vst v2;
	v2 =	vcombine.low v34, v33  }
0x23a: {  	v1 =	vld.idx.msk [tilespmem:v22+s13+$0x0], $0xffff;
	v22 =	vor.u32 s28, v8  }
0x23b: {  	v23 =	vor.u32 v2, v0;
	_ =	sdelay $0x3  }
0x23c: {  	[tilespmem:v22+s17+$0x0] =	vst.idx.msk $0xffff, v1  }
0x23d: {  	v1 =	vld.idx.msk [tilespmem:v23+s13+$0x0], $0xffff;
	v23 =	vor.u32 s28, v11;
	_ =	sdelay $0x1  }
0x23e: {  	v24 =	vsel vm0, v37, v36;
	v35 =	vsel vm0, v35, v38  }
0x23f: {  	[tilespmem:$0x1F4F0] =	vst v2;
	v2 =	vcombine.low v35, v24  }
0x240: {  	v4 =	vld [tilespmem:$0x1FE00]  }
0x241: {  	v24 =	vor.u32 v2, v0;
	[tilespmem:v23+s17+$0x0] =	vst.idx.msk $0xffff, v1;
	v1 =	vld [tilespmem:$0x1FDF0];
	_ =	sdelay $0x4  }
0x242: {  	[tilespmem:$0x1F500] =	vst v2;
	v2 =	vcombine.low v1, v4;
	v1 =	vld.idx.msk [tilespmem:v24+s13+$0x0], $0xffff;
	v24 =	vor.u32 s28, v39;
	_ =	sdelay $0x3  }
0x243: {  	v4 =	vld [tilespmem:$0x1FE20]  }
0x244: {  	[tilespmem:v24+s17+$0x0] =	vst.idx.msk $0xffff, v1;
	v1 =	vld [tilespmem:$0x1FE10]  }
0x245: {  	v39 =	vor.u32 v2, v0;
	_ =	sdelay $0x3  }
0x246: {  	[tilespmem:$0x1F510] =	vst v2;
	v2 =	vcombine.low v1, v4  }
0x247: {  	v35 =	vor.u32 s28, v3;
	v1 =	vld.idx.msk [tilespmem:v39+s13+$0x0], $0xffff  }
0x248: {  	v36 =	vor.u32 v2, v0;
	_ =	sdelay $0x2  }
0x249: {  	[tilespmem:$0x1F520] =	vst v2  }
0x24a: {  	v2 =	vcombine.low v25, v26;
	[tilespmem:v35+s17+$0x0] =	vst.idx.msk $0xffff, v1  }
0x24b: {  	v26 =	vor.u32 s28, v41;
	v1 =	vld.idx.msk [tilespmem:v36+s13+$0x0], $0xffff  }
0x24c: {  	v41 =	vor.u32 v2, v0;
	_ =	sdelay $0x2  }
0x24d: {  	[tilespmem:$0x1F530] =	vst v2  }
0x24e: {  	v2 =	vcombine.low v27, v28;
	[tilespmem:v26+s17+$0x0] =	vst.idx.msk $0xffff, v1  }
0x24f: {  	v27 =	vor.u32 s28, v42;
	v1 =	vld.idx.msk [tilespmem:v41+s13+$0x0], $0xffff  }
0x250: {  	v28 =	vor.u32 v2, v0;
	_ =	sdelay $0x2  }
0x251: {  	[tilespmem:$0x1F540] =	vst v2  }
0x252: {  	v2 =	vcombine.low v29, v30;
	[tilespmem:v27+s17+$0x0] =	vst.idx.msk $0xffff, v1  }
0x253: {  	v1 =	vld.idx.msk [tilespmem:v28+s13+$0x0], $0xffff;
	v28 =	vor.u32 s28, v44  }
0x254: {  	v29 =	vor.u32 v2, v0;
	_ =	sdelay $0x2  }
0x255: {  	[tilespmem:$0x1F550] =	vst v2  }
0x256: {  	v2 =	vcombine.low v31, v32;
	[tilespmem:v28+s17+$0x0] =	vst.idx.msk $0xffff, v1  }
0x257: {  	v1 =	vld.idx.msk [tilespmem:v29+s13+$0x0], $0xffff;
	v29 =	vor.u32 s28, v49  }
0x258: {  	v30 =	vor.u32 v2, v0;
	_ =	sdelay $0x2  }
0x259: {  	[tilespmem:$0x1F560] =	vst v2  }
0x25a: {  	v2 =	vcombine.low v33, v34;
	[tilespmem:v29+s17+$0x0] =	vst.idx.msk $0xffff, v1  }
0x25b: {  	v1 =	vld.idx.msk [tilespmem:v30+s13+$0x0], $0xffff;
	v30 =	vor.u32 s28, v50  }
0x25c: {  	v9 =	vld [tilespmem:$0x1FBC0];
	v31 =	vor.u32 v2, v0  }
0x25d: {  	v20 =	vld [tilespmem:$0x1F970]  }
0x25e: {  	v4 =	vld [tilespmem:$0x1F960]  }
0x25f: {  	v23 =	vmov v42;
	v42 =	vld [tilespmem:$0x1F980];
	[tilespmem:$0x1F570] =	vst v2  }
0x260: {  	v2 =	vlaneseq.u32;
	v29 =	vmov v46;
	v46 =	vld [tilespmem:$0x1F990];
	[tilespmem:v30+s17+$0x0] =	vst.idx.msk $0xffff, v1  }
0x261: {  	v2 =	vor.u32 $0x20, v2;
	v30 =	vor.u32 s28, v51;
	v1 =	vld.idx.msk [tilespmem:v31+s13+$0x0], $0xffff  }
0x262: {  	v21 =	vld [tilespmem:$0x1FBD0];
	v31 =	vor.u32 v2, v0  }
0x263: {  	v5 =	vsel vm0, v20, v4;
	v26 =	vld [tilespmem:$0x1FBB0]  }
0x264: {  	[tilespmem:$0x1F620] =	vst v5;
	v27 =	vld [tilespmem:$0x1FBE0]  }
0x265: {  	[tilespmem:$0x1F580] =	vst v2;
	v7 =	vsel vm0, v46, v42  }
0x266: {  	v5 =	vcombine.low v7, v5;
	v2 =	vor.u32 $0x1000, v60;
	[tilespmem:v30+s17+$0x0] =	vst.idx.msk $0xffff, v1  }
0x267: {  	[tilespmem:$0x1F590] =	vst v2;
	v30 =	vor.u32 s28, v2;
	v1 =	vld.idx.msk [tilespmem:v31+s13+$0x0], $0xffff  }
0x268: {  	[tilespmem:$0x1F5A0] =	vst v5;
	v2 =	vsel vm0, v9, v26;
	v31 =	vor.u32 v5, v0  }
0x269: {  	[tilespmem:$0x1F650] =	vst v2;
	v5 =	vsel vm0, v27, v21  }
0x26a: {  	[tilespmem:$0x1F660] =	vst v5;
	v2 =	vcombine.low v5, v2;
	v5 =	vld [tilespmem:$0x1F9A0]  }
0x26b: {  	v49 =	vld [tilespmem:$0x1FC20];
	[tilespmem:$0x1F630] =	vst v7  }
0x26c: {  	v7 =	vld [tilespmem:$0x1FBF0];
	[tilespmem:v30+s17+$0x0] =	vst.idx.msk $0xffff, v1  }
0x26d: {  	v1 =	vld.idx.msk [tilespmem:v31+s13+$0x0], $0xffff  }
0x26e: {  	[tilespmem:$0x1F5B0] =	vst v2;
	v31 =	vor.u32 v2, v0;
	v2 =	vld [tilespmem:$0x1FC00]  }
0x26f: {  	v30 =	vor.u32 s28, v5;
	v5 =	vld [tilespmem:$0x1FC10];
	_ =	sdelay $0x1  }
0x270: {  	v17 =	vld [tilespmem:$0x1F9B0]  }
0x271: {  	v18 =	vmov v3;
	v3 =	vld [tilespmem:$0x1FC40]  }
0x272: {  	v8 =	vmov v53;
	v53 =	vld [tilespmem:$0x1FC50]  }
0x273: {  	v22 =	vmovc v61;
	v32 =	vmov v57;
	v57 =	vld [tilespmem:$0x1FC60];
	v61 =	vsel vm0, v2, v7;
	v38 =	vsel vm0, v49, v5  }
0x274: {  	v50 =	vld [tilespmem:$0x1FC30];
	[tilespmem:v30+s17+$0x0] =	vst.idx.msk $0xffff, v1;
	v11 =	vcombine.low v38, v61  }
0x275: {  	v30 =	vor.u32 s28, v17;
	v1 =	vld.idx.msk [tilespmem:v31+s13+$0x0], $0xffff  }
0x276: {  	v17 =	vld [tilespmem:$0x1F9D0];
	v31 =	vor.u32 v11, v0;
	_ =	sdelay $0x2  }
0x277: {  	v41 =	vsel vm0, v57, v53;
	v35 =	vsel vm0, v3, v50;
	[tilespmem:$0x1F5C0] =	vst v11  }
0x278: {  	v11 =	vcombine.low v41, v35;
	[tilespmem:v30+s17+$0x0] =	vst.idx.msk $0xffff, v1  }
0x279: {  	v30 =	vor.u32 s28, v17;
	v1 =	vld.idx.msk [tilespmem:v31+s13+$0x0], $0xffff  }
0x27a: {  	v17 =	vld [tilespmem:$0x1F9E0];
	v31 =	vor.u32 v11, v0;
	_ =	sdelay $0x2  }
0x27b: {  	v36 =	vsel vm0, v42, v20;
	v51 =	vsel vm0, v4, v46  }
0x27c: {  	v4 =	vcombine.low v51, v36;
	[tilespmem:v30+s17+$0x0] =	vst.idx.msk $0xffff, v1  }
0x27d: {  	v30 =	vor.u32 s28, v17;
	v1 =	vld.idx.msk [tilespmem:v31+s13+$0x0], $0xffff  }
0x27e: {  	v28 =	vmov v40;
	v40 =	vmov v10;
	v10 =	vld [tilespmem:$0x1F9F0];
	v31 =	vor.u32 v4, v0;
	_ =	sdelay $0x2  }
0x27f: {  	v46 =	vsel vm0, v21, v9;
	v26 =	vsel vm0, v26, v27  }
0x280: {  	v9 =	vcombine.low v26, v46;
	[tilespmem:v30+s17+$0x0] =	vst.idx.msk $0xffff, v1  }
0x281: {  	v30 =	vor.u32 s28, v10;
	v1 =	vld.idx.msk [tilespmem:v31+s13+$0x0], $0xffff  }
0x282: {  	v21 =	vsel vm0, v5, v2;
	v5 =	vld [tilespmem:$0x1FA30];
	v31 =	vor.u32 v9, v0;
	_ =	sdelay $0x1  }
0x283: {  	[tilespmem:$0x1F5F0] =	vst v9;
	v9 =	vsel vm0, v7, v49  }
0x284: {  	v2 =	vcombine.low v9, v21  }
0x285: {  	v3 =	vsel vm0, v53, v3;
	[tilespmem:v30+s17+$0x0] =	vst.idx.msk $0xffff, v1  }
0x286: {  	[tilespmem:$0x1F600] =	vst v2;
	v30 =	vor.u32 s28, v5;
	v1 =	vld.idx.msk [tilespmem:v31+s13+$0x0], $0xffff;
	v31 =	vor.u32 v2, v0;
	v2 =	vsel vm0, v50, v57  }
0x287: {  	v2 =	vcombine.low v2, v3;
	v3 =	vld [tilespmem:$0x1FA40];
	_ =	sdelay $0x3  }
0x288: {  	[tilespmem:v30+s17+$0x0] =	vst.idx.msk $0xffff, v1  }
0x289: {  	v1 =	vld.idx.msk [tilespmem:v31+s13+$0x0], $0xffff;
	v30 =	vor.u32 s28, v3;
	_ =	sdelay $0x3  }
0x28a: {  	[tilespmem:$0x1F610] =	vst v2;
	v31 =	vor.u32 v2, v0;
	v2 =	vld [tilespmem:$0x1F630]  }
0x28b: {  	[tilespmem:v30+s17+$0x0] =	vst.idx.msk $0xffff, v1;
	v1 =	vld [tilespmem:$0x1F620];
	_ =	sdelay $0x4  }
0x28c: {  	v3 =	vcombine.low v1, v2;
	v2 =	vld [tilespmem:$0x1FE30];
	_ =	sdelay $0x4  }
0x28d: {  	v1 =	vld.idx.msk [tilespmem:v31+s13+$0x0], $0xffff;
	v30 =	vor.u32 s28, v2;
	_ =	sdelay $0x3  }
0x28e: {  	v2 =	vld [tilespmem:$0x1F660]  }
0x28f: {  	[tilespmem:v30+s17+$0x0] =	vst.idx.msk $0xffff, v1;
	v1 =	vld [tilespmem:$0x1F650];
	_ =	sdelay $0x4  }
0x290: {  	[tilespmem:$0x1F640] =	vst v3;
	v31 =	vor.u32 v3, v0;
	v3 =	vcombine.low v1, v2;
	v2 =	vld [tilespmem:$0x1FE40];
	_ =	sdelay $0x4  }
0x291: {  	v1 =	vld.idx.msk [tilespmem:v31+s13+$0x0], $0xffff;
	v30 =	vor.u32 s28, v2  }
0x292: {  	v31 =	vor.u32 v3, v0;
	v2 =	vld [tilespmem:$0x1FE50];
	_ =	sdelay $0x2  }
0x293: {  	[tilespmem:$0x1F670] =	vst v3  }
0x294: {  	v3 =	vcombine.low v61, v38;
	[tilespmem:v30+s17+$0x0] =	vst.idx.msk $0xffff, v1  }
0x295: {  	v30 =	vor.u32 s28, v2;
	v1 =	vld.idx.msk [tilespmem:v31+s13+$0x0], $0xffff  }
0x296: {  	v2 =	vld [tilespmem:$0x1FE60];
	v31 =	vor.u32 v3, v0;
	_ =	sdelay $0x2  }
0x297: {  	[tilespmem:$0x1F680] =	vst v3  }
0x298: {  	v3 =	vcombine.low v35, v41;
	[tilespmem:v30+s17+$0x0] =	vst.idx.msk $0xffff, v1  }
0x299: {  	v30 =	vor.u32 s28, v2;
	v1 =	vld.idx.msk [tilespmem:v31+s13+$0x0], $0xffff  }
0x29a: {  	[tilespmem:$0x1F690] =	vst v3;
	v31 =	vor.u32 v3, v0;
	v3 =	vld [tilespmem:$0x1FA50];
	_ =	sdelay $0x3  }
0x29b: {  	v2 =	vcombine.low v36, v51;
	[tilespmem:v30+s17+$0x0] =	vst.idx.msk $0xffff, v1  }
0x29c: {  	v30 =	vor.u32 s28, v3;
	v1 =	vld.idx.msk [tilespmem:v31+s13+$0x0], $0xffff  }
0x29d: {  	[tilespmem:$0x1F6A0] =	vst v2;
	v2 =	vor.u32 v2, v0;
	_ =	sdelay $0x3  }
0x29e: {  	[tilespmem:v30+s17+$0x0] =	vst.idx.msk $0xffff, v1  }
0x29f: {  	v1 =	vld.idx.msk [tilespmem:v2+s13+$0x0], $0xffff  }
0x2a0: {  	v2 =	vld [tilespmem:$0x1FE70];
	_ =	sdelay $0x3  }
0x2a1: {  	v3 =	vcombine.low v46, v26  }
0x2a2: {  	v30 =	vor.u32 s28, v2;
	v2 =	vld [tilespmem:$0x1FE80]  }
0x2a3: {  	v33 =	vor.u32 v3, v0;
	_ =	sdelay $0x2  }
0x2a4: {  	[tilespmem:$0x1F6B0] =	vst v3  }
0x2a5: {  	v3 =	vcombine.low v21, v9;
	[tilespmem:v30+s17+$0x0] =	vst.idx.msk $0xffff, v1;
	v30 =	vor.u32 s28, v2;
	v2 =	vld [tilespmem:$0x1FE90]  }
0x2a6: {  	v1 =	vld.idx.msk [tilespmem:v33+s13+$0x0], $0xffff  }
0x2a7: {  	v51 =	vor.u32 v3, v0;
	_ =	sdelay $0x1  }
0x2a8: {  	v50 =	vld [tilespmem:$0x1FC80]  }
0x2a9: {  	v35 =	vld [tilespmem:$0x1FC70]  }
0x2aa: {  	v31 =	vld [tilespmem:$0x1FCA0];
	[tilespmem:v30+s17+$0x0] =	vst.idx.msk $0xffff, v1;
	v30 =	vor.u32 s28, v2;
	v2 =	vlaneseq.u32  }
0x2ab: {  	v1 =	vld.idx.msk [tilespmem:v51+s13+$0x0], $0xffff;
	v2 =	vor.u32 $0x30, v2  }
0x2ac: {  	[tilespmem:$0x1F6D0] =	vst v2;
	v9 =	vor.u32 v2, v0;
	v2 =	vld [tilespmem:$0x1FC90];
	_ =	sdelay $0x1  }
0x2ad: {  	v7 =	vld [tilespmem:$0x1FCC0];
	[tilespmem:$0x1F6C0] =	vst v3;
	v3 =	vor.u32 $0x1800, v60  }
0x2ae: {  	v26 =	vld [tilespmem:$0x1FCE0];
	[tilespmem:$0x1F6E0] =	vst v3  }
0x2af: {  	[tilespmem:v30+s17+$0x0] =	vst.idx.msk $0xffff, v1;
	v30 =	vor.u32 s28, v3;
	v3 =	vld [tilespmem:$0x1FCD0]  }
0x2b0: {  	v25 =	vmovc v6;
	v6 =	vmov v19;
	v19 =	vsel vm0, v50, v35;
	v27 =	vsel vm0, v31, v2;
	v1 =	vld.idx.msk [tilespmem:v9+s13+$0x0], $0xffff  }
0x2b1: {  	v9 =	vld [tilespmem:$0x1FCB0];
	v5 =	vcombine.low v27, v19;
	_ =	sdelay $0x1  }
0x2b2: {  	v21 =	vld [tilespmem:$0x1FEA0];
	v53 =	vor.u32 v5, v0;
	_ =	sdelay $0x2  }
0x2b3: {  	[tilespmem:$0x1F6F0] =	vst v5;
	v49 =	vsel vm0, v26, v3;
	v46 =	vsel vm0, v7, v9  }
0x2b4: {  	v61 =	vld [tilespmem:$0x1FCF0];
	[tilespmem:v30+s17+$0x0] =	vst.idx.msk $0xffff, v1;
	v5 =	vcombine.low v49, v46  }
0x2b5: {  	v30 =	vor.u32 s28, v21;
	v1 =	vld.idx.msk [tilespmem:v53+s13+$0x0], $0xffff  }
0x2b6: {  	v51 =	vld [tilespmem:$0x1FD00];
	v21 =	vor.u32 v5, v0  }
0x2b7: {  	[tilespmem:$0x1F700] =	vst v5;
	v5 =	vld [tilespmem:$0x1FD10]  }
0x2b8: {  	v53 =	vld [tilespmem:$0x1FD20];
	_ =	sdelay $0x1  }
0x2b9: {  	[tilespmem:v30+s17+$0x0] =	vst.idx.msk $0xffff, v1  }
0x2ba: {  	v1 =	vld.idx.msk [tilespmem:v21+s13+$0x0], $0xffff  }
0x2bb: {  	v21 =	vld [tilespmem:$0x1FEB0]  }
0x2bc: {  	v24 =	vmovc v43;
	v43 =	vmov v8;
	v8 =	vsel vm0, v51, v61;
	v10 =	vsel vm0, v53, v5  }
0x2bd: {  	v33 =	vld [tilespmem:$0x1FD50];
	v57 =	vcombine.low v10, v8  }
0x2be: {  	[tilespmem:$0x1F740] =	vst v8;
	v8 =	vld [tilespmem:$0x1FD30]  }
0x2bf: {  	[tilespmem:$0x1F710] =	vst v57;
	v41 =	vor.u32 v57, v0;
	v57 =	vld [tilespmem:$0x1FD60]  }
0x2c0: {  	v30 =	vor.u32 s28, v21;
	v21 =	vld [tilespmem:$0x1FD40];
	_ =	sdelay $0x4  }
0x2c1: {  	[tilespmem:$0x1F730] =	vst v10;
	v10 =	vsel vm0, v57, v33;
	v8 =	vsel vm0, v21, v8  }
0x2c2: {  	[tilespmem:$0x1F760] =	vst v8;
	v38 =	vcombine.low v10, v8;
	v8 =	vld [tilespmem:$0x1FAE0];
	_ =	sdelay $0x3  }
0x2c3: {  	[tilespmem:v30+s17+$0x0] =	vst.idx.msk $0xffff, v1  }
0x2c4: {  	v1 =	vld.idx.msk [tilespmem:v41+s13+$0x0], $0xffff;
	v30 =	vor.u32 s28, v8  }
0x2c5: {  	[tilespmem:$0x1F720] =	vst v38;
	v38 =	vor.u32 v38, v0;
	v8 =	vsel vm0, v2, v50;
	v50 =	vld [tilespmem:$0x1FAF0];
	_ =	sdelay $0x1  }
0x2c6: {  	v2 =	vsel vm0, v35, v31  }
0x2c7: {  	[tilespmem:$0x1F770] =	vst v2  }
0x2c8: {  	v2 =	vcombine.low v2, v8;
	[tilespmem:v30+s17+$0x0] =	vst.idx.msk $0xffff, v1  }
0x2c9: {  	v7 =	vsel vm0, v3, v7;
	v30 =	vor.u32 s28, v50;
	v1 =	vld.idx.msk [tilespmem:v38+s13+$0x0], $0xffff  }
0x2ca: {  	v3 =	vsel vm0, v9, v26;
	v9 =	vld [tilespmem:$0x1FB00];
	[tilespmem:$0x1F750] =	vst v10;
	v10 =	vmov v2;
	v2 =	vor.u32 v2, v0;
	_ =	sdelay $0x3  }
0x2cb: {  	[tilespmem:v30+s17+$0x0] =	vst.idx.msk $0xffff, v1  }
0x2cc: {  	v30 =	vor.u32 s28, v9;
	v1 =	vld.idx.msk [tilespmem:v2+s13+$0x0], $0xffff  }
0x2cd: {  	[tilespmem:$0x1F790] =	vst v3;
	v3 =	vcombine.low v3, v7;
	_ =	sdelay $0x1  }
0x2ce: {  	v26 =	vsel vm0, v5, v51;
	v51 =	vld [tilespmem:$0x1FB20];
	v2 =	vor.u32 v3, v0  }
0x2cf: {  	v5 =	vsel vm0, v61, v53  }
0x2d0: {  	[tilespmem:v30+s17+$0x0] =	vst.idx.msk $0xffff, v1;
	v1 =	vcombine.low v5, v26;
	_ =	sdelay $0x1  }
0x2d1: {  	[tilespmem:$0x1F7B0] =	vst v5;
	v35 =	vmov v1;
	v5 =	vor.u32 v1, v0;
	v1 =	vld [tilespmem:$0x1FD30]  }
0x2d2: {  	v30 =	vor.u32 s28, v51;
	v2 =	vld.idx.msk [tilespmem:v2+s13+$0x0], $0xffff  }
0x2d3: {  	[tilespmem:$0x1F7A0] =	vst v7;
	v7 =	vld [tilespmem:$0x1FB30];
	_ =	sdelay $0x2  }
0x2d4: {  	v36 =	vmov v3;
	v3 =	vsel vm0, v33, v21;
	v1 =	vsel vm0, v1, v57  }
0x2d5: {  	[tilespmem:v30+s17+$0x0] =	vst.idx.msk $0xffff, v2;
	v2 =	vcombine.low v1, v3  }
0x2d6: {  	v30 =	vor.u32 s28, v7;
	v1 =	vld.idx.msk [tilespmem:v5+s13+$0x0], $0xffff  }
0x2d7: {  	v5 =	vld [tilespmem:$0x1FB40];
	v41 =	vmov v2;
	v2 =	vor.u32 v2, v0;
	_ =	sdelay $0x3  }
0x2d8: {  	v3 =	vcombine.low v19, v27;
	[tilespmem:v30+s17+$0x0] =	vst.idx.msk $0xffff, v1  }
0x2d9: {  	v30 =	vor.u32 s28, v5;
	v1 =	vld.idx.msk [tilespmem:v2+s13+$0x0], $0xffff  }
0x2da: {  	v2 =	vor.u32 v3, v0;
	_ =	sdelay $0x3  }
0x2db: {  	[tilespmem:v30+s17+$0x0] =	vst.idx.msk $0xffff, v1  }
0x2dc: {  	v1 =	vld.idx.msk [tilespmem:v2+s13+$0x0], $0xffff  }
0x2dd: {  	v2 =	vld [tilespmem:$0x1FEC0];
	_ =	sdelay $0x4  }
0x2de: {  	v30 =	vor.u32 s28, v2;
	_ =	sdelay $0x1  }
0x2df: {  	v61 =	vmov v3;
	v3 =	vcombine.low v46, v49  }
0x2e0: {  	v53 =	vld [tilespmem:$0x1FB50]  }
0x2e1: {  	[tilespmem:$0x1F780] =	vst v8;
	v8 =	vmov v3;
	v38 =	vmov v2;
	v2 =	vor.u32 v3, v0;
	v3 =	vld [tilespmem:$0x1F740]  }
0x2e2: {  	[tilespmem:v30+s17+$0x0] =	vst.idx.msk $0xffff, v1;
	v1 =	vld [tilespmem:$0x1F730];
	_ =	sdelay $0x4  }
0x2e3: {  	v30 =	vor.u32 s28, v53;
	v3 =	vcombine.low v3, v1;
	v1 =	vld.idx.msk [tilespmem:v2+s13+$0x0], $0xffff;
	_ =	sdelay $0x2  }
0x2e4: {  	v31 =	vld [tilespmem:$0x1FB60]  }
0x2e5: {  	v46 =	vmov v3;
	v2 =	vor.u32 v3, v0;
	v3 =	vld [tilespmem:$0x1F760]  }
0x2e6: {  	[tilespmem:v30+s17+$0x0] =	vst.idx.msk $0xffff, v1;
	v1 =	vld [tilespmem:$0x1F750];
	_ =	sdelay $0x4  }
0x2e7: {  	v21 =	vor.u32 s28, v31;
	v3 =	vcombine.low v3, v1;
	v1 =	vld.idx.msk [tilespmem:v2+s13+$0x0], $0xffff;
	_ =	sdelay $0x3  }
0x2e8: {  	v30 =	vmov v3;
	v2 =	vor.u32 v3, v0;
	v3 =	vld [tilespmem:$0x1F780]  }
0x2e9: {  	[tilespmem:v21+s17+$0x0] =	vst.idx.msk $0xffff, v1;
	v1 =	vld [tilespmem:$0x1F770]  }
0x2ea: {  	v21 =	vld [tilespmem:$0x1FB70];
	_ =	sdelay $0x4  }
0x2eb: {  	v3 =	vcombine.low v3, v1;
	v1 =	vld.idx.msk [tilespmem:v2+s13+$0x0], $0xffff;
	v2 =	vor.u32 s28, v21;
	_ =	sdelay $0x3  }
0x2ec: {  	v33 =	vld [tilespmem:$0x1FB80]  }
0x2ed: {  	[tilespmem:v2+s17+$0x0] =	vst.idx.msk $0xffff, v1;
	v1 =	vld [tilespmem:$0x1F790]  }
0x2ee: {  	v27 =	vmov v3;
	v3 =	vor.u32 v3, v0;
	v2 =	vld [tilespmem:$0x1F7A0];
	_ =	sdelay $0x3  }
0x2ef: {  	v37 =	vmov v48;
	v48 =	vld [tilespmem:$0x1FFD0]  }
0x2f0: {  	v3 =	vld.idx.msk [tilespmem:v3+s13+$0x0], $0xffff;
	v1 =	vcombine.low v2, v1;
	v2 =	vor.u32 s28, v33  }
0x2f1: {  	v39 =	vld [tilespmem:$0x1FA20]  }
0x2f2: {  	v57 =	vld [tilespmem:$0x1FB90];
	v19 =	vmov v1;
	v1 =	vor.u32 v1, v0  }
0x2f3: {  	v20 =	vmov v23;
	v23 =	vmov v63;
	v63 =	vld [tilespmem:$0x1FF40]  }
0x2f4: {  	v34 =	vmov v15;
	v15 =	vmov v16;
	v16 =	vld [tilespmem:$0x1F800]  }
0x2f5: {  	[tilespmem:v2+s17+$0x0] =	vst.idx.msk $0xffff, v3;
	v2 =	vld [tilespmem:$0x1F7B0]  }
0x2f6: {  	v44 =	vmov v29;
	v29 =	vld [tilespmem:$0x1FF80]  }
0x2f7: {  	v3 =	vld.idx.msk [tilespmem:v1+s13+$0x0], $0xffff;
	v1 =	vor.u32 s28, v57  }
0x2f8: {  	v42 =	vld [tilespmem:$0x1FF70]  }
0x2f9: {  	[tilespmem:$0x1F5D0] =	vst v11;
	v11 =	vmov v13;
	v13 =	vld [tilespmem:$0x1F7D0]  }
0x2fa: {  	v17 =	vmov v12;
	v12 =	vmov v14;
	v14 =	vld [tilespmem:$0x1F7E0];
	v2 =	vcombine.low v26, v2  }
0x2fb: {  	s29 =	simm.s32 $0x10;
	[tilespmem:$0x1F5E0] =	vst v4;
	v4 =	vld [tilespmem:$0x1F9C0]  }
0x2fc: {  	s30 =	simm.s32 $0x20;
	v26 =	vld [tilespmem:$0x1FBA0];
	[tilespmem:v1+s17+$0x0] =	vst.idx.msk $0xffff, v3;
	v49 =	vmov v2;
	v0 =	vor.u32 v2, v0;
	v1 =	vmov s29  }
.LBB2_6:
0x2fd: {  	_ =	sdelay $0x2  }
0x2fe: {  	v1 =	vshll.u32 v1, $0x6  }
0x2ff: {  	v2 =	vld.idx.msk [tilespmem:v0+s13+$0x0], $0xffff;
	v3 =	vlaneseq.u32;
	v0 =	vor.u32 v59, v1;
	v1 =	vor.u32 s28, v26  }
0x300: {  	v3 =	vor.u32 v3, v0;
	_ =	sdelay $0x3  }
0x301: {  	s28 =	smov.u32 s29;
	[tilespmem:v1+s17+$0x0] =	vst.idx.msk $0xffff, v2  }
0x302: {  	v2 =	vor.u32 s28, v60;
	v1 =	vld.idx.msk [tilespmem:v3+s13+$0x0], $0xffff  }
0x303: {  	v3 =	vor.u32 v4, v0;
	_ =	sdelay $0x3  }
0x304: {  	[tilespmem:v2+s17+$0x0] =	vst.idx.msk $0xffff, v1  }
0x305: {  	v2 =	vor.u32 s28, v39;
	v1 =	vld.idx.msk [tilespmem:v3+s13+$0x0], $0xffff  }
0x306: {  	v3 =	vor.u32 v43, v0;
	_ =	sdelay $0x3  }
0x307: {  	[tilespmem:v2+s17+$0x0] =	vst.idx.msk $0xffff, v1  }
0x308: {  	v2 =	vor.u32 s28, v34;
	v1 =	vld.idx.msk [tilespmem:v3+s13+$0x0], $0xffff  }
0x309: {  	v3 =	vor.u32 v44, v0;
	_ =	sdelay $0x3  }
0x30a: {  	[tilespmem:v2+s17+$0x0] =	vst.idx.msk $0xffff, v1  }
0x30b: {  	v2 =	vor.u32 s28, v29;
	v1 =	vld.idx.msk [tilespmem:v3+s13+$0x0], $0xffff  }
0x30c: {  	v3 =	vor.u32 v17, v0;
	_ =	sdelay $0x3  }
0x30d: {  	[tilespmem:v2+s17+$0x0] =	vst.idx.msk $0xffff, v1  }
0x30e: {  	v2 =	vor.u32 s28, v11;
	v1 =	vld.idx.msk [tilespmem:v3+s13+$0x0], $0xffff  }
0x30f: {  	v3 =	vor.u32 v54, v0;
	_ =	sdelay $0x3  }
0x310: {  	[tilespmem:v2+s17+$0x0] =	vst.idx.msk $0xffff, v1  }
0x311: {  	v2 =	vor.u32 s28, v55;
	v1 =	vld.idx.msk [tilespmem:v3+s13+$0x0], $0xffff  }
0x312: {  	v3 =	vor.u32 v56, v0;
	_ =	sdelay $0x3  }
0x313: {  	[tilespmem:v2+s17+$0x0] =	vst.idx.msk $0xffff, v1  }
0x314: {  	v2 =	vor.u32 s28, v22;
	v1 =	vld.idx.msk [tilespmem:v3+s13+$0x0], $0xffff  }
0x315: {  	v3 =	vor.u32 v58, v0;
	_ =	sdelay $0x3  }
0x316: {  	[tilespmem:v2+s17+$0x0] =	vst.idx.msk $0xffff, v1  }
0x317: {  	v2 =	vor.u32 s28, v40;
	v1 =	vld.idx.msk [tilespmem:v3+s13+$0x0], $0xffff  }
0x318: {  	v3 =	vor.u32 v47, v0;
	_ =	sdelay $0x3  }
0x319: {  	[tilespmem:v2+s17+$0x0] =	vst.idx.msk $0xffff, v1  }
0x31a: {  	v2 =	vor.u32 s28, v23;
	v1 =	vld.idx.msk [tilespmem:v3+s13+$0x0], $0xffff  }
0x31b: {  	v3 =	vor.u32 v62, v0;
	_ =	sdelay $0x3  }
0x31c: {  	[tilespmem:v2+s17+$0x0] =	vst.idx.msk $0xffff, v1  }
0x31d: {  	v2 =	vor.u32 s28, v63;
	v1 =	vld.idx.msk [tilespmem:v3+s13+$0x0], $0xffff  }
0x31e: {  	v3 =	vor.u32 v45, v0;
	_ =	sdelay $0x3  }
0x31f: {  	[tilespmem:v2+s17+$0x0] =	vst.idx.msk $0xffff, v1  }
0x320: {  	v2 =	vor.u32 s28, v28;
	v1 =	vld.idx.msk [tilespmem:v3+s13+$0x0], $0xffff  }
0x321: {  	v3 =	vor.u32 v52, v0;
	_ =	sdelay $0x3  }
0x322: {  	[tilespmem:v2+s17+$0x0] =	vst.idx.msk $0xffff, v1  }
0x323: {  	v2 =	vor.u32 s28, v24;
	v1 =	vld.idx.msk [tilespmem:v3+s13+$0x0], $0xffff  }
0x324: {  	v3 =	vor.u32 v37, v0;
	_ =	sdelay $0x3  }
0x325: {  	[tilespmem:v2+s17+$0x0] =	vst.idx.msk $0xffff, v1  }
0x326: {  	v2 =	vor.u32 s28, v42;
	v1 =	vld.idx.msk [tilespmem:v3+s13+$0x0], $0xffff  }
0x327: {  	v3 =	vor.u32 v48, v0;
	_ =	sdelay $0x3  }
0x328: {  	[tilespmem:v2+s17+$0x0] =	vst.idx.msk $0xffff, v1  }
0x329: {  	v2 =	vor.u32 s28, v12;
	v1 =	vld.idx.msk [tilespmem:v3+s13+$0x0], $0xffff  }
0x32a: {  	v3 =	vor.u32 v13, v0;
	_ =	sdelay $0x3  }
0x32b: {  	[tilespmem:v2+s17+$0x0] =	vst.idx.msk $0xffff, v1  }
0x32c: {  	v2 =	vor.u32 s28, v14;
	v1 =	vld.idx.msk [tilespmem:v3+s13+$0x0], $0xffff  }
0x32d: {  	v3 =	vor.u32 v15, v0;
	_ =	sdelay $0x3  }
0x32e: {  	[tilespmem:v2+s17+$0x0] =	vst.idx.msk $0xffff, v1  }
0x32f: {  	v2 =	vor.u32 s28, v16;
	v1 =	vld.idx.msk [tilespmem:v3+s13+$0x0], $0xffff  }
0x330: {  	v3 =	vor.u32 v32, v0;
	_ =	sdelay $0x3  }
0x331: {  	[tilespmem:v2+s17+$0x0] =	vst.idx.msk $0xffff, v1;
	v2 =	vld [tilespmem:$0x1FF10]  }
0x332: {  	v1 =	vld.idx.msk [tilespmem:v3+s13+$0x0], $0xffff  }
0x333: {  	v3 =	vld [tilespmem:$0x1FF00];
	_ =	sdelay $0x3  }
0x334: {  	v2 =	vor.u32 s28, v2  }
0x335: {  	v3 =	vor.u32 v3, v0;
	_ =	sdelay $0x3  }
0x336: {  	[tilespmem:v2+s17+$0x0] =	vst.idx.msk $0xffff, v1;
	v2 =	vld [tilespmem:$0x1F810]  }
0x337: {  	v1 =	vld.idx.msk [tilespmem:v3+s13+$0x0], $0xffff  }
0x338: {  	v3 =	vld [tilespmem:$0x1FF20];
	_ =	sdelay $0x3  }
0x339: {  	v2 =	vor.u32 s28, v2  }
0x33a: {  	v3 =	vor.u32 v3, v0;
	_ =	sdelay $0x3  }
0x33b: {  	[tilespmem:v2+s17+$0x0] =	vst.idx.msk $0xffff, v1;
	v2 =	vld [tilespmem:$0x1F820]  }
0x33c: {  	v1 =	vld.idx.msk [tilespmem:v3+s13+$0x0], $0xffff  }
0x33d: {  	v3 =	vld [tilespmem:$0x1F4B0];
	_ =	sdelay $0x3  }
0x33e: {  	v2 =	vor.u32 s28, v2  }
0x33f: {  	v3 =	vor.u32 v3, v0;
	_ =	sdelay $0x3  }
0x340: {  	[tilespmem:v2+s17+$0x0] =	vst.idx.msk $0xffff, v1;
	v2 =	vld [tilespmem:$0x1F870]  }
0x341: {  	v1 =	vld.idx.msk [tilespmem:v3+s13+$0x0], $0xffff  }
0x342: {  	v3 =	vld [tilespmem:$0x1F4C0];
	_ =	sdelay $0x3  }
0x343: {  	v2 =	vor.u32 s28, v2  }
0x344: {  	v3 =	vor.u32 v3, v0;
	_ =	sdelay $0x3  }
0x345: {  	[tilespmem:v2+s17+$0x0] =	vst.idx.msk $0xffff, v1  }
0x346: {  	v1 =	vld.idx.msk [tilespmem:v3+s13+$0x0], $0xffff  }
0x347: {  	v3 =	vld [tilespmem:$0x1F4D0];
	_ =	sdelay $0x3  }
0x348: {  	v2 =	vor.u32 s28, v6  }
0x349: {  	v3 =	vor.u32 v3, v0;
	_ =	sdelay $0x3  }
0x34a: {  	[tilespmem:v2+s17+$0x0] =	vst.idx.msk $0xffff, v1  }
0x34b: {  	v1 =	vld.idx.msk [tilespmem:v3+s13+$0x0], $0xffff  }
0x34c: {  	v3 =	vld [tilespmem:$0x1F4E0];
	_ =	sdelay $0x3  }
0x34d: {  	v2 =	vor.u32 s28, v25  }
0x34e: {  	v3 =	vor.u32 v3, v0;
	_ =	sdelay $0x3  }
0x34f: {  	[tilespmem:v2+s17+$0x0] =	vst.idx.msk $0xffff, v1;
	v2 =	vld [tilespmem:$0x1F8C0]  }
0x350: {  	v1 =	vld.idx.msk [tilespmem:v3+s13+$0x0], $0xffff  }
0x351: {  	v3 =	vld [tilespmem:$0x1F4F0];
	_ =	sdelay $0x3  }
0x352: {  	v2 =	vor.u32 s28, v2  }
0x353: {  	v3 =	vor.u32 v3, v0;
	_ =	sdelay $0x3  }
0x354: {  	[tilespmem:v2+s17+$0x0] =	vst.idx.msk $0xffff, v1;
	v2 =	vld [tilespmem:$0x1F8D0]  }
0x355: {  	v1 =	vld.idx.msk [tilespmem:v3+s13+$0x0], $0xffff  }
0x356: {  	v3 =	vld [tilespmem:$0x1F500];
	_ =	sdelay $0x3  }
0x357: {  	v2 =	vor.u32 s28, v2  }
0x358: {  	v3 =	vor.u32 v3, v0;
	_ =	sdelay $0x3  }
0x359: {  	[tilespmem:v2+s17+$0x0] =	vst.idx.msk $0xffff, v1;
	v2 =	vld [tilespmem:$0x1F8E0]  }
0x35a: {  	v1 =	vld.idx.msk [tilespmem:v3+s13+$0x0], $0xffff  }
0x35b: {  	v3 =	vld [tilespmem:$0x1F510];
	_ =	sdelay $0x3  }
0x35c: {  	v2 =	vor.u32 s28, v2  }
0x35d: {  	v3 =	vor.u32 v3, v0;
	_ =	sdelay $0x3  }
0x35e: {  	[tilespmem:v2+s17+$0x0] =	vst.idx.msk $0xffff, v1  }
0x35f: {  	v1 =	vld.idx.msk [tilespmem:v3+s13+$0x0], $0xffff  }
0x360: {  	v3 =	vld [tilespmem:$0x1F520];
	_ =	sdelay $0x3  }
0x361: {  	v2 =	vor.u32 s28, v18  }
0x362: {  	v3 =	vor.u32 v3, v0;
	_ =	sdelay $0x3  }
0x363: {  	[tilespmem:v2+s17+$0x0] =	vst.idx.msk $0xffff, v1;
	v2 =	vld [tilespmem:$0x1F900]  }
0x364: {  	v1 =	vld.idx.msk [tilespmem:v3+s13+$0x0], $0xffff  }
0x365: {  	v3 =	vld [tilespmem:$0x1F530];
	_ =	sdelay $0x3  }
0x366: {  	v2 =	vor.u32 s28, v2  }
0x367: {  	v3 =	vor.u32 v3, v0;
	_ =	sdelay $0x3  }
0x368: {  	[tilespmem:v2+s17+$0x0] =	vst.idx.msk $0xffff, v1  }
0x369: {  	v1 =	vld.idx.msk [tilespmem:v3+s13+$0x0], $0xffff  }
0x36a: {  	v3 =	vld [tilespmem:$0x1F540];
	_ =	sdelay $0x3  }
0x36b: {  	v2 =	vor.u32 s28, v20  }
0x36c: {  	v3 =	vor.u32 v3, v0;
	_ =	sdelay $0x3  }
0x36d: {  	[tilespmem:v2+s17+$0x0] =	vst.idx.msk $0xffff, v1;
	v2 =	vld [tilespmem:$0x1F920]  }
0x36e: {  	v1 =	vld.idx.msk [tilespmem:v3+s13+$0x0], $0xffff  }
0x36f: {  	v3 =	vld [tilespmem:$0x1F550];
	_ =	sdelay $0x3  }
0x370: {  	v2 =	vor.u32 s28, v2  }
0x371: {  	v3 =	vor.u32 v3, v0;
	_ =	sdelay $0x3  }
0x372: {  	[tilespmem:v2+s17+$0x0] =	vst.idx.msk $0xffff, v1;
	v2 =	vld [tilespmem:$0x1F930]  }
0x373: {  	v1 =	vld.idx.msk [tilespmem:v3+s13+$0x0], $0xffff  }
0x374: {  	v3 =	vld [tilespmem:$0x1F560];
	_ =	sdelay $0x3  }
0x375: {  	v2 =	vor.u32 s28, v2  }
0x376: {  	v3 =	vor.u32 v3, v0;
	_ =	sdelay $0x3  }
0x377: {  	[tilespmem:v2+s17+$0x0] =	vst.idx.msk $0xffff, v1;
	v2 =	vld [tilespmem:$0x1F940]  }
0x378: {  	v1 =	vld.idx.msk [tilespmem:v3+s13+$0x0], $0xffff  }
0x379: {  	v3 =	vld [tilespmem:$0x1F570];
	_ =	sdelay $0x3  }
0x37a: {  	v2 =	vor.u32 s28, v2  }
0x37b: {  	v3 =	vor.u32 v3, v0;
	_ =	sdelay $0x3  }
0x37c: {  	[tilespmem:v2+s17+$0x0] =	vst.idx.msk $0xffff, v1;
	v2 =	vld [tilespmem:$0x1F950]  }
0x37d: {  	v1 =	vld.idx.msk [tilespmem:v3+s13+$0x0], $0xffff  }
0x37e: {  	v3 =	vld [tilespmem:$0x1F580];
	_ =	sdelay $0x3  }
0x37f: {  	v2 =	vor.u32 s28, v2  }
0x380: {  	v3 =	vor.u32 v3, v0;
	_ =	sdelay $0x3  }
0x381: {  	[tilespmem:v2+s17+$0x0] =	vst.idx.msk $0xffff, v1;
	v2 =	vld [tilespmem:$0x1F590]  }
0x382: {  	v1 =	vld.idx.msk [tilespmem:v3+s13+$0x0], $0xffff  }
0x383: {  	v3 =	vld [tilespmem:$0x1F5A0];
	_ =	sdelay $0x3  }
0x384: {  	v2 =	vor.u32 s28, v2  }
0x385: {  	v3 =	vor.u32 v3, v0;
	_ =	sdelay $0x3  }
0x386: {  	[tilespmem:v2+s17+$0x0] =	vst.idx.msk $0xffff, v1;
	v2 =	vld [tilespmem:$0x1F9A0]  }
0x387: {  	v1 =	vld.idx.msk [tilespmem:v3+s13+$0x0], $0xffff  }
0x388: {  	v3 =	vld [tilespmem:$0x1F5B0];
	_ =	sdelay $0x3  }
0x389: {  	v2 =	vor.u32 s28, v2  }
0x38a: {  	v3 =	vor.u32 v3, v0;
	_ =	sdelay $0x3  }
0x38b: {  	[tilespmem:v2+s17+$0x0] =	vst.idx.msk $0xffff, v1;
	v2 =	vld [tilespmem:$0x1F9B0]  }
0x38c: {  	v1 =	vld.idx.msk [tilespmem:v3+s13+$0x0], $0xffff  }
0x38d: {  	v3 =	vld [tilespmem:$0x1F5C0];
	_ =	sdelay $0x3  }
0x38e: {  	v2 =	vor.u32 s28, v2  }
0x38f: {  	v3 =	vor.u32 v3, v0;
	_ =	sdelay $0x3  }
0x390: {  	[tilespmem:v2+s17+$0x0] =	vst.idx.msk $0xffff, v1;
	v2 =	vld [tilespmem:$0x1F9D0]  }
0x391: {  	v1 =	vld.idx.msk [tilespmem:v3+s13+$0x0], $0xffff  }
0x392: {  	v3 =	vld [tilespmem:$0x1F5D0];
	_ =	sdelay $0x3  }
0x393: {  	v2 =	vor.u32 s28, v2  }
0x394: {  	v3 =	vor.u32 v3, v0;
	_ =	sdelay $0x3  }
0x395: {  	[tilespmem:v2+s17+$0x0] =	vst.idx.msk $0xffff, v1;
	v2 =	vld [tilespmem:$0x1F9E0]  }
0x396: {  	v1 =	vld.idx.msk [tilespmem:v3+s13+$0x0], $0xffff  }
0x397: {  	v3 =	vld [tilespmem:$0x1F5E0];
	_ =	sdelay $0x3  }
0x398: {  	v2 =	vor.u32 s28, v2  }
0x399: {  	v3 =	vor.u32 v3, v0;
	_ =	sdelay $0x3  }
0x39a: {  	[tilespmem:v2+s17+$0x0] =	vst.idx.msk $0xffff, v1;
	v2 =	vld [tilespmem:$0x1F9F0]  }
0x39b: {  	v1 =	vld.idx.msk [tilespmem:v3+s13+$0x0], $0xffff  }
0x39c: {  	v3 =	vld [tilespmem:$0x1F5F0];
	_ =	sdelay $0x3  }
0x39d: {  	v2 =	vor.u32 s28, v2  }
0x39e: {  	v3 =	vor.u32 v3, v0;
	_ =	sdelay $0x3  }
0x39f: {  	[tilespmem:v2+s17+$0x0] =	vst.idx.msk $0xffff, v1;
	v2 =	vld [tilespmem:$0x1FA30]  }
0x3a0: {  	v1 =	vld.idx.msk [tilespmem:v3+s13+$0x0], $0xffff  }
0x3a1: {  	v3 =	vld [tilespmem:$0x1F600];
	_ =	sdelay $0x3  }
0x3a2: {  	v2 =	vor.u32 s28, v2  }
0x3a3: {  	v3 =	vor.u32 v3, v0;
	_ =	sdelay $0x3  }
0x3a4: {  	[tilespmem:v2+s17+$0x0] =	vst.idx.msk $0xffff, v1;
	v2 =	vld [tilespmem:$0x1FA40]  }
0x3a5: {  	v1 =	vld.idx.msk [tilespmem:v3+s13+$0x0], $0xffff  }
0x3a6: {  	v3 =	vld [tilespmem:$0x1F610];
	_ =	sdelay $0x3  }
0x3a7: {  	v2 =	vor.u32 s28, v2  }
0x3a8: {  	v3 =	vor.u32 v3, v0;
	_ =	sdelay $0x3  }
0x3a9: {  	[tilespmem:v2+s17+$0x0] =	vst.idx.msk $0xffff, v1;
	v2 =	vld [tilespmem:$0x1FE30]  }
0x3aa: {  	v1 =	vld.idx.msk [tilespmem:v3+s13+$0x0], $0xffff  }
0x3ab: {  	v3 =	vld [tilespmem:$0x1F640];
	_ =	sdelay $0x3  }
0x3ac: {  	v2 =	vor.u32 s28, v2  }
0x3ad: {  	v3 =	vor.u32 v3, v0;
	_ =	sdelay $0x3  }
0x3ae: {  	[tilespmem:v2+s17+$0x0] =	vst.idx.msk $0xffff, v1;
	v2 =	vld [tilespmem:$0x1FE40]  }
0x3af: {  	v1 =	vld.idx.msk [tilespmem:v3+s13+$0x0], $0xffff  }
0x3b0: {  	v3 =	vld [tilespmem:$0x1F670];
	_ =	sdelay $0x3  }
0x3b1: {  	v2 =	vor.u32 s28, v2  }
0x3b2: {  	v3 =	vor.u32 v3, v0;
	_ =	sdelay $0x3  }
0x3b3: {  	[tilespmem:v2+s17+$0x0] =	vst.idx.msk $0xffff, v1;
	v2 =	vld [tilespmem:$0x1FE50]  }
0x3b4: {  	v1 =	vld.idx.msk [tilespmem:v3+s13+$0x0], $0xffff  }
0x3b5: {  	v3 =	vld [tilespmem:$0x1F680];
	_ =	sdelay $0x3  }
0x3b6: {  	v2 =	vor.u32 s28, v2  }
0x3b7: {  	v3 =	vor.u32 v3, v0;
	_ =	sdelay $0x3  }
0x3b8: {  	[tilespmem:v2+s17+$0x0] =	vst.idx.msk $0xffff, v1;
	v2 =	vld [tilespmem:$0x1FE60]  }
0x3b9: {  	v1 =	vld.idx.msk [tilespmem:v3+s13+$0x0], $0xffff  }
0x3ba: {  	v3 =	vld [tilespmem:$0x1F690];
	_ =	sdelay $0x3  }
0x3bb: {  	v2 =	vor.u32 s28, v2  }
0x3bc: {  	v3 =	vor.u32 v3, v0;
	_ =	sdelay $0x3  }
0x3bd: {  	[tilespmem:v2+s17+$0x0] =	vst.idx.msk $0xffff, v1;
	v2 =	vld [tilespmem:$0x1FA50]  }
0x3be: {  	v1 =	vld.idx.msk [tilespmem:v3+s13+$0x0], $0xffff  }
0x3bf: {  	v3 =	vld [tilespmem:$0x1F6A0];
	_ =	sdelay $0x3  }
0x3c0: {  	v2 =	vor.u32 s28, v2  }
0x3c1: {  	v3 =	vor.u32 v3, v0;
	_ =	sdelay $0x3  }
0x3c2: {  	[tilespmem:v2+s17+$0x0] =	vst.idx.msk $0xffff, v1;
	v2 =	vld [tilespmem:$0x1FE70]  }
0x3c3: {  	v1 =	vld.idx.msk [tilespmem:v3+s13+$0x0], $0xffff  }
0x3c4: {  	v3 =	vld [tilespmem:$0x1F6B0];
	_ =	sdelay $0x3  }
0x3c5: {  	v2 =	vor.u32 s28, v2  }
0x3c6: {  	v3 =	vor.u32 v3, v0;
	_ =	sdelay $0x3  }
0x3c7: {  	[tilespmem:v2+s17+$0x0] =	vst.idx.msk $0xffff, v1;
	v2 =	vld [tilespmem:$0x1FE80]  }
0x3c8: {  	v1 =	vld.idx.msk [tilespmem:v3+s13+$0x0], $0xffff  }
0x3c9: {  	v3 =	vld [tilespmem:$0x1F6C0];
	_ =	sdelay $0x3  }
0x3ca: {  	v2 =	vor.u32 s28, v2  }
0x3cb: {  	v3 =	vor.u32 v3, v0;
	_ =	sdelay $0x3  }
0x3cc: {  	[tilespmem:v2+s17+$0x0] =	vst.idx.msk $0xffff, v1;
	v2 =	vld [tilespmem:$0x1FE90]  }
0x3cd: {  	v1 =	vld.idx.msk [tilespmem:v3+s13+$0x0], $0xffff  }
0x3ce: {  	v3 =	vld [tilespmem:$0x1F6D0];
	_ =	sdelay $0x3  }
0x3cf: {  	v2 =	vor.u32 s28, v2  }
0x3d0: {  	v3 =	vor.u32 v3, v0;
	_ =	sdelay $0x3  }
0x3d1: {  	[tilespmem:v2+s17+$0x0] =	vst.idx.msk $0xffff, v1;
	v2 =	vld [tilespmem:$0x1F6E0]  }
0x3d2: {  	v1 =	vld.idx.msk [tilespmem:v3+s13+$0x0], $0xffff  }
0x3d3: {  	v3 =	vld [tilespmem:$0x1F6F0];
	_ =	sdelay $0x3  }
0x3d4: {  	v2 =	vor.u32 s28, v2  }
0x3d5: {  	v3 =	vor.u32 v3, v0;
	_ =	sdelay $0x3  }
0x3d6: {  	[tilespmem:v2+s17+$0x0] =	vst.idx.msk $0xffff, v1;
	v2 =	vld [tilespmem:$0x1FEA0]  }
0x3d7: {  	v1 =	vld.idx.msk [tilespmem:v3+s13+$0x0], $0xffff  }
0x3d8: {  	v3 =	vld [tilespmem:$0x1F700];
	_ =	sdelay $0x3  }
0x3d9: {  	v2 =	vor.u32 s28, v2  }
0x3da: {  	v3 =	vor.u32 v3, v0;
	_ =	sdelay $0x3  }
0x3db: {  	[tilespmem:v2+s17+$0x0] =	vst.idx.msk $0xffff, v1;
	v2 =	vld [tilespmem:$0x1FEB0]  }
0x3dc: {  	v1 =	vld.idx.msk [tilespmem:v3+s13+$0x0], $0xffff  }
0x3dd: {  	v3 =	vld [tilespmem:$0x1F710];
	_ =	sdelay $0x3  }
0x3de: {  	v2 =	vor.u32 s28, v2  }
0x3df: {  	v3 =	vor.u32 v3, v0;
	_ =	sdelay $0x3  }
0x3e0: {  	[tilespmem:v2+s17+$0x0] =	vst.idx.msk $0xffff, v1;
	v2 =	vld [tilespmem:$0x1FAE0]  }
0x3e1: {  	v1 =	vld.idx.msk [tilespmem:v3+s13+$0x0], $0xffff  }
0x3e2: {  	v3 =	vld [tilespmem:$0x1F720];
	_ =	sdelay $0x3  }
0x3e3: {  	v2 =	vor.u32 s28, v2  }
0x3e4: {  	v3 =	vor.u32 v3, v0;
	_ =	sdelay $0x3  }
0x3e5: {  	[tilespmem:v2+s17+$0x0] =	vst.idx.msk $0xffff, v1  }
0x3e6: {  	v2 =	vor.u32 s28, v50;
	v1 =	vld.idx.msk [tilespmem:v3+s13+$0x0], $0xffff  }
0x3e7: {  	v3 =	vor.u32 v10, v0;
	_ =	sdelay $0x3  }
0x3e8: {  	[tilespmem:v2+s17+$0x0] =	vst.idx.msk $0xffff, v1  }
0x3e9: {  	v2 =	vor.u32 s28, v9;
	v1 =	vld.idx.msk [tilespmem:v3+s13+$0x0], $0xffff  }
0x3ea: {  	v3 =	vor.u32 v36, v0;
	_ =	sdelay $0x3  }
0x3eb: {  	[tilespmem:v2+s17+$0x0] =	vst.idx.msk $0xffff, v1  }
0x3ec: {  	v2 =	vor.u32 s28, v51;
	v1 =	vld.idx.msk [tilespmem:v3+s13+$0x0], $0xffff  }
0x3ed: {  	v3 =	vor.u32 v35, v0;
	_ =	sdelay $0x3  }
0x3ee: {  	[tilespmem:v2+s17+$0x0] =	vst.idx.msk $0xffff, v1  }
0x3ef: {  	v2 =	vor.u32 s28, v7;
	v1 =	vld.idx.msk [tilespmem:v3+s13+$0x0], $0xffff  }
0x3f0: {  	v3 =	vor.u32 v41, v0;
	_ =	sdelay $0x3  }
0x3f1: {  	[tilespmem:v2+s17+$0x0] =	vst.idx.msk $0xffff, v1  }
0x3f2: {  	v2 =	vor.u32 s28, v5;
	v1 =	vld.idx.msk [tilespmem:v3+s13+$0x0], $0xffff  }
0x3f3: {  	v3 =	vor.u32 v61, v0;
	_ =	sdelay $0x3  }
0x3f4: {  	[tilespmem:v2+s17+$0x0] =	vst.idx.msk $0xffff, v1  }
0x3f5: {  	v2 =	vor.u32 s28, v38;
	v1 =	vld.idx.msk [tilespmem:v3+s13+$0x0], $0xffff  }
0x3f6: {  	v3 =	vor.u32 v8, v0;
	_ =	sdelay $0x3  }
0x3f7: {  	[tilespmem:v2+s17+$0x0] =	vst.idx.msk $0xffff, v1  }
0x3f8: {  	v2 =	vor.u32 s28, v53;
	v1 =	vld.idx.msk [tilespmem:v3+s13+$0x0], $0xffff  }
0x3f9: {  	v3 =	vor.u32 v46, v0;
	_ =	sdelay $0x3  }
0x3fa: {  	[tilespmem:v2+s17+$0x0] =	vst.idx.msk $0xffff, v1  }
0x3fb: {  	v2 =	vor.u32 s28, v31;
	v1 =	vld.idx.msk [tilespmem:v3+s13+$0x0], $0xffff  }
0x3fc: {  	v3 =	vor.u32 v30, v0;
	_ =	sdelay $0x3  }
0x3fd: {  	[tilespmem:v2+s17+$0x0] =	vst.idx.msk $0xffff, v1  }
0x3fe: {  	v2 =	vor.u32 s28, v21;
	v1 =	vld.idx.msk [tilespmem:v3+s13+$0x0], $0xffff  }
0x3ff: {  	v3 =	vor.u32 v27, v0;
	_ =	sdelay $0x3  }
0x400: {  	[tilespmem:v2+s17+$0x0] =	vst.idx.msk $0xffff, v1  }
0x401: {  	v2 =	vor.u32 s28, v33;
	v1 =	vld.idx.msk [tilespmem:v3+s13+$0x0], $0xffff  }
0x402: {  	v3 =	vor.u32 v19, v0;
	_ =	sdelay $0x3  }
0x403: {  	[tilespmem:v2+s17+$0x0] =	vst.idx.msk $0xffff, v1  }
0x404: {  	p2 =	sne.s32 s30, $0x70;
	v2 =	vld.idx.msk [tilespmem:v3+s13+$0x0], $0xffff;
	v3 =	vor.u32 s28, v57  }
.Ltmp4:
0x405: {  	_ = 	snop;
	(pc) =	sbr.rel @p2 .LBB2_6-.Ltmp4, $3  }
0x406: {  	_ =	sdelay $0x1  }
0x407: {  	s29 =	smov.u32 s30  }
0x408: {  	s30 =	sadd.s32 $0x10, s30;
	v0 =	vor.u32 v49, v0;
	v1 =	vmov s29;
	[tilespmem:v3+s17+$0x0] =	vst.idx.msk $0xffff, v2  }
0x409: {  	_ =	sdelay $0x2  }
0x40a: {  	v1 =	vshll.u32 v1, $0x6  }
0x40b: {  	v2 =	vld.idx.msk [tilespmem:v0+s13+$0x0], $0xffff;
	v3 =	vlaneseq.u32;
	v0 =	vor.u32 v59, v1;
	v1 =	vor.u32 s28, v26  }
0x40c: {  	v3 =	vor.u32 v3, v0;
	_ =	sdelay $0x3  }
0x40d: {  	[tilespmem:v1+s17+$0x0] =	vst.idx.msk $0xffff, v2  }
0x40e: {  	v2 =	vor.u32 s29, v60;
	v1 =	vld.idx.msk [tilespmem:v3+s13+$0x0], $0xffff  }
0x40f: {  	v3 =	vor.u32 v4, v0;
	_ =	sdelay $0x3  }
0x410: {  	[tilespmem:v2+s17+$0x0] =	vst.idx.msk $0xffff, v1  }
0x411: {  	v1 =	vld.idx.msk [tilespmem:v3+s13+$0x0], $0xffff;
	_ =	sdelay $0x4  }
0x412: {  	[tilespmem:$0x1F060] =	vst v1  }
0x413: {  	v2 =	vor.u32 s29, v39;
	v1 =	vld [tilespmem:$0x1F060]  }
0x414: {  	v3 =	vor.u32 v43, v0;
	_ =	sdelay $0x3  }
0x415: {  	[tilespmem:v2+s17+$0x0] =	vst.idx.msk $0xffff, v1  }
0x416: {  	v1 =	vld.idx.msk [tilespmem:v3+s13+$0x0], $0xffff;
	_ =	sdelay $0x4  }
0x417: {  	[tilespmem:$0x1F070] =	vst v1  }
0x418: {  	v2 =	vor.u32 s29, v34;
	v1 =	vld [tilespmem:$0x1F070]  }
0x419: {  	v3 =	vor.u32 v44, v0;
	_ =	sdelay $0x3  }
0x41a: {  	[tilespmem:v2+s17+$0x0] =	vst.idx.msk $0xffff, v1  }
0x41b: {  	v1 =	vld.idx.msk [tilespmem:v3+s13+$0x0], $0xffff;
	_ =	sdelay $0x4  }
0x41c: {  	[tilespmem:$0x1F080] =	vst v1  }
0x41d: {  	v2 =	vor.u32 s29, v29;
	v1 =	vld [tilespmem:$0x1F080]  }
0x41e: {  	v3 =	vor.u32 v17, v0;
	_ =	sdelay $0x3  }
0x41f: {  	[tilespmem:v2+s17+$0x0] =	vst.idx.msk $0xffff, v1  }
0x420: {  	v1 =	vld.idx.msk [tilespmem:v3+s13+$0x0], $0xffff;
	_ =	sdelay $0x4  }
0x421: {  	[tilespmem:$0x1F090] =	vst v1  }
0x422: {  	v2 =	vor.u32 s29, v11;
	v1 =	vld [tilespmem:$0x1F090]  }
0x423: {  	v3 =	vor.u32 v54, v0;
	_ =	sdelay $0x3  }
0x424: {  	[tilespmem:v2+s17+$0x0] =	vst.idx.msk $0xffff, v1  }
0x425: {  	v1 =	vld.idx.msk [tilespmem:v3+s13+$0x0], $0xffff;
	_ =	sdelay $0x4  }
0x426: {  	[tilespmem:$0x1F0A0] =	vst v1  }
0x427: {  	v2 =	vor.u32 s29, v55;
	v1 =	vld [tilespmem:$0x1F0A0]  }
0x428: {  	v3 =	vor.u32 v56, v0;
	_ =	sdelay $0x3  }
0x429: {  	[tilespmem:v2+s17+$0x0] =	vst.idx.msk $0xffff, v1  }
0x42a: {  	v1 =	vld.idx.msk [tilespmem:v3+s13+$0x0], $0xffff;
	_ =	sdelay $0x4  }
0x42b: {  	[tilespmem:$0x1F0B0] =	vst v1  }
0x42c: {  	v2 =	vor.u32 s29, v22;
	v1 =	vld [tilespmem:$0x1F0B0]  }
0x42d: {  	v3 =	vor.u32 v58, v0;
	_ =	sdelay $0x3  }
0x42e: {  	[tilespmem:v2+s17+$0x0] =	vst.idx.msk $0xffff, v1  }
0x42f: {  	v1 =	vld.idx.msk [tilespmem:v3+s13+$0x0], $0xffff;
	_ =	sdelay $0x4  }
0x430: {  	[tilespmem:$0x1F0C0] =	vst v1  }
0x431: {  	v2 =	vor.u32 s29, v40;
	v1 =	vld [tilespmem:$0x1F0C0]  }
0x432: {  	v3 =	vor.u32 v47, v0;
	_ =	sdelay $0x3  }
0x433: {  	[tilespmem:v2+s17+$0x0] =	vst.idx.msk $0xffff, v1  }
0x434: {  	v1 =	vld.idx.msk [tilespmem:v3+s13+$0x0], $0xffff;
	_ =	sdelay $0x4  }
0x435: {  	[tilespmem:$0x1F0D0] =	vst v1  }
0x436: {  	v2 =	vor.u32 s29, v23;
	v1 =	vld [tilespmem:$0x1F0D0]  }
0x437: {  	v3 =	vor.u32 v62, v0;
	_ =	sdelay $0x3  }
0x438: {  	[tilespmem:v2+s17+$0x0] =	vst.idx.msk $0xffff, v1  }
0x439: {  	v1 =	vld.idx.msk [tilespmem:v3+s13+$0x0], $0xffff;
	_ =	sdelay $0x4  }
0x43a: {  	[tilespmem:$0x1F0E0] =	vst v1  }
0x43b: {  	v2 =	vor.u32 s29, v63;
	v1 =	vld [tilespmem:$0x1F0E0]  }
0x43c: {  	v3 =	vor.u32 v45, v0;
	_ =	sdelay $0x3  }
0x43d: {  	[tilespmem:v2+s17+$0x0] =	vst.idx.msk $0xffff, v1  }
0x43e: {  	v1 =	vld.idx.msk [tilespmem:v3+s13+$0x0], $0xffff;
	_ =	sdelay $0x4  }
0x43f: {  	[tilespmem:$0x1F0F0] =	vst v1  }
0x440: {  	v2 =	vor.u32 s29, v28;
	v1 =	vld [tilespmem:$0x1F0F0]  }
0x441: {  	v3 =	vor.u32 v52, v0;
	_ =	sdelay $0x3  }
0x442: {  	[tilespmem:v2+s17+$0x0] =	vst.idx.msk $0xffff, v1  }
0x443: {  	v1 =	vld.idx.msk [tilespmem:v3+s13+$0x0], $0xffff;
	_ =	sdelay $0x4  }
0x444: {  	[tilespmem:$0x1F100] =	vst v1  }
0x445: {  	v2 =	vor.u32 s29, v24;
	v1 =	vld [tilespmem:$0x1F100]  }
0x446: {  	v3 =	vor.u32 v37, v0;
	_ =	sdelay $0x3  }
0x447: {  	[tilespmem:v2+s17+$0x0] =	vst.idx.msk $0xffff, v1  }
0x448: {  	v1 =	vld.idx.msk [tilespmem:v3+s13+$0x0], $0xffff;
	_ =	sdelay $0x4  }
0x449: {  	[tilespmem:$0x1F110] =	vst v1  }
0x44a: {  	v2 =	vor.u32 s29, v42;
	v1 =	vld [tilespmem:$0x1F110]  }
0x44b: {  	v3 =	vor.u32 v48, v0;
	_ =	sdelay $0x3  }
0x44c: {  	[tilespmem:v2+s17+$0x0] =	vst.idx.msk $0xffff, v1  }
0x44d: {  	v2 =	vor.u32 s29, v12;
	v1 =	vld.idx.msk [tilespmem:v3+s13+$0x0], $0xffff  }
0x44e: {  	v3 =	vor.u32 v13, v0;
	_ =	sdelay $0x3  }
0x44f: {  	[tilespmem:v2+s17+$0x0] =	vst.idx.msk $0xffff, v1  }
0x450: {  	v2 =	vor.u32 s29, v14;
	v1 =	vld.idx.msk [tilespmem:v3+s13+$0x0], $0xffff  }
0x451: {  	v3 =	vor.u32 v15, v0;
	_ =	sdelay $0x3  }
0x452: {  	[tilespmem:v2+s17+$0x0] =	vst.idx.msk $0xffff, v1  }
0x453: {  	v2 =	vor.u32 s29, v16;
	v1 =	vld.idx.msk [tilespmem:v3+s13+$0x0], $0xffff  }
0x454: {  	v3 =	vor.u32 v32, v0;
	_ =	sdelay $0x3  }
0x455: {  	[tilespmem:v2+s17+$0x0] =	vst.idx.msk $0xffff, v1  }
0x456: {  	v1 =	vld.idx.msk [tilespmem:v3+s13+$0x0], $0xffff;
	_ =	sdelay $0x4  }
0x457: {  	[tilespmem:$0x1F120] =	vst v1;
	v1 =	vld [tilespmem:$0x1FF10];
	_ =	sdelay $0x4  }
0x458: {  	v2 =	vor.u32 s29, v1;
	v1 =	vld [tilespmem:$0x1FF00];
	_ =	sdelay $0x4  }
0x459: {  	v3 =	vor.u32 v1, v0;
	v1 =	vld [tilespmem:$0x1F120];
	_ =	sdelay $0x4  }
0x45a: {  	[tilespmem:v2+s17+$0x0] =	vst.idx.msk $0xffff, v1  }
0x45b: {  	v1 =	vld.idx.msk [tilespmem:v3+s13+$0x0], $0xffff;
	_ =	sdelay $0x4  }
0x45c: {  	[tilespmem:$0x1F130] =	vst v1  }
0x45d: {  	v1 =	vld [tilespmem:$0x1F810];
	_ =	sdelay $0x4  }
0x45e: {  	v2 =	vor.u32 s29, v1;
	v1 =	vld [tilespmem:$0x1FF20];
	_ =	sdelay $0x4  }
0x45f: {  	v3 =	vor.u32 v1, v0;
	v1 =	vld [tilespmem:$0x1F130];
	_ =	sdelay $0x4  }
0x460: {  	[tilespmem:v2+s17+$0x0] =	vst.idx.msk $0xffff, v1  }
0x461: {  	v1 =	vld.idx.msk [tilespmem:v3+s13+$0x0], $0xffff;
	_ =	sdelay $0x4  }
0x462: {  	[tilespmem:$0x1F140] =	vst v1;
	v1 =	vld [tilespmem:$0x1F820];
	_ =	sdelay $0x4  }
0x463: {  	v2 =	vor.u32 s29, v1;
	v1 =	vld [tilespmem:$0x1F4B0];
	_ =	sdelay $0x4  }
0x464: {  	v3 =	vor.u32 v1, v0;
	v1 =	vld [tilespmem:$0x1F140];
	_ =	sdelay $0x4  }
0x465: {  	[tilespmem:v2+s17+$0x0] =	vst.idx.msk $0xffff, v1  }
0x466: {  	v1 =	vld.idx.msk [tilespmem:v3+s13+$0x0], $0xffff;
	_ =	sdelay $0x4  }
0x467: {  	[tilespmem:$0x1F150] =	vst v1;
	v1 =	vld [tilespmem:$0x1F870];
	_ =	sdelay $0x4  }
0x468: {  	v2 =	vor.u32 s29, v1;
	v1 =	vld [tilespmem:$0x1F4C0];
	_ =	sdelay $0x4  }
0x469: {  	v3 =	vor.u32 v1, v0;
	v1 =	vld [tilespmem:$0x1F150];
	_ =	sdelay $0x4  }
0x46a: {  	[tilespmem:v2+s17+$0x0] =	vst.idx.msk $0xffff, v1  }
0x46b: {  	v1 =	vld.idx.msk [tilespmem:v3+s13+$0x0], $0xffff;
	_ =	sdelay $0x4  }
0x46c: {  	[tilespmem:$0x1F160] =	vst v1;
	v1 =	vld [tilespmem:$0x1F4D0];
	_ =	sdelay $0x4  }
0x46d: {  	v2 =	vor.u32 s29, v6;
	v3 =	vor.u32 v1, v0;
	v1 =	vld [tilespmem:$0x1F160];
	_ =	sdelay $0x4  }
0x46e: {  	[tilespmem:v2+s17+$0x0] =	vst.idx.msk $0xffff, v1  }
0x46f: {  	v1 =	vld.idx.msk [tilespmem:v3+s13+$0x0], $0xffff;
	_ =	sdelay $0x4  }
0x470: {  	[tilespmem:$0x1F170] =	vst v1;
	v1 =	vld [tilespmem:$0x1F4E0];
	_ =	sdelay $0x4  }
0x471: {  	v2 =	vor.u32 s29, v25;
	v3 =	vor.u32 v1, v0;
	v1 =	vld [tilespmem:$0x1F170];
	_ =	sdelay $0x4  }
0x472: {  	[tilespmem:v2+s17+$0x0] =	vst.idx.msk $0xffff, v1  }
0x473: {  	v1 =	vld.idx.msk [tilespmem:v3+s13+$0x0], $0xffff;
	_ =	sdelay $0x4  }
0x474: {  	[tilespmem:$0x1F180] =	vst v1;
	v1 =	vld [tilespmem:$0x1F8C0];
	_ =	sdelay $0x4  }
0x475: {  	v2 =	vor.u32 s29, v1;
	v1 =	vld [tilespmem:$0x1F4F0];
	_ =	sdelay $0x4  }
0x476: {  	v3 =	vor.u32 v1, v0;
	v1 =	vld [tilespmem:$0x1F180];
	_ =	sdelay $0x4  }
0x477: {  	[tilespmem:v2+s17+$0x0] =	vst.idx.msk $0xffff, v1  }
0x478: {  	v1 =	vld.idx.msk [tilespmem:v3+s13+$0x0], $0xffff;
	_ =	sdelay $0x4  }
0x479: {  	[tilespmem:$0x1F190] =	vst v1;
	v1 =	vld [tilespmem:$0x1F8D0];
	_ =	sdelay $0x4  }
0x47a: {  	v2 =	vor.u32 s29, v1;
	v1 =	vld [tilespmem:$0x1F500];
	_ =	sdelay $0x4  }
0x47b: {  	v3 =	vor.u32 v1, v0;
	v1 =	vld [tilespmem:$0x1F190];
	_ =	sdelay $0x4  }
0x47c: {  	[tilespmem:v2+s17+$0x0] =	vst.idx.msk $0xffff, v1  }
0x47d: {  	v1 =	vld.idx.msk [tilespmem:v3+s13+$0x0], $0xffff;
	_ =	sdelay $0x4  }
0x47e: {  	[tilespmem:$0x1F1A0] =	vst v1;
	v1 =	vld [tilespmem:$0x1F8E0];
	_ =	sdelay $0x4  }
0x47f: {  	v2 =	vor.u32 s29, v1;
	v1 =	vld [tilespmem:$0x1F510];
	_ =	sdelay $0x4  }
0x480: {  	v3 =	vor.u32 v1, v0;
	v1 =	vld [tilespmem:$0x1F1A0];
	_ =	sdelay $0x4  }
0x481: {  	[tilespmem:v2+s17+$0x0] =	vst.idx.msk $0xffff, v1  }
0x482: {  	v1 =	vld.idx.msk [tilespmem:v3+s13+$0x0], $0xffff;
	_ =	sdelay $0x4  }
0x483: {  	[tilespmem:$0x1F1B0] =	vst v1;
	v1 =	vld [tilespmem:$0x1F520];
	_ =	sdelay $0x4  }
0x484: {  	v2 =	vor.u32 s29, v18;
	v3 =	vor.u32 v1, v0;
	v1 =	vld [tilespmem:$0x1F1B0];
	_ =	sdelay $0x4  }
0x485: {  	[tilespmem:v2+s17+$0x0] =	vst.idx.msk $0xffff, v1  }
0x486: {  	v1 =	vld.idx.msk [tilespmem:v3+s13+$0x0], $0xffff;
	_ =	sdelay $0x4  }
0x487: {  	[tilespmem:$0x1F1C0] =	vst v1;
	v1 =	vld [tilespmem:$0x1F900];
	_ =	sdelay $0x4  }
0x488: {  	v2 =	vor.u32 s29, v1;
	v1 =	vld [tilespmem:$0x1F530];
	_ =	sdelay $0x4  }
0x489: {  	v3 =	vor.u32 v1, v0;
	v1 =	vld [tilespmem:$0x1F1C0];
	_ =	sdelay $0x4  }
0x48a: {  	[tilespmem:v2+s17+$0x0] =	vst.idx.msk $0xffff, v1  }
0x48b: {  	v1 =	vld.idx.msk [tilespmem:v3+s13+$0x0], $0xffff;
	_ =	sdelay $0x4  }
0x48c: {  	[tilespmem:$0x1F1D0] =	vst v1;
	v1 =	vld [tilespmem:$0x1F540];
	_ =	sdelay $0x4  }
0x48d: {  	v2 =	vor.u32 s29, v20;
	v3 =	vor.u32 v1, v0;
	v1 =	vld [tilespmem:$0x1F1D0];
	_ =	sdelay $0x4  }
0x48e: {  	[tilespmem:v2+s17+$0x0] =	vst.idx.msk $0xffff, v1  }
0x48f: {  	v1 =	vld.idx.msk [tilespmem:v3+s13+$0x0], $0xffff;
	_ =	sdelay $0x4  }
0x490: {  	[tilespmem:$0x1F1E0] =	vst v1;
	v1 =	vld [tilespmem:$0x1F920];
	_ =	sdelay $0x4  }
0x491: {  	v2 =	vor.u32 s29, v1;
	v1 =	vld [tilespmem:$0x1F550];
	_ =	sdelay $0x4  }
0x492: {  	v3 =	vor.u32 v1, v0;
	v1 =	vld [tilespmem:$0x1F1E0];
	_ =	sdelay $0x4  }
0x493: {  	[tilespmem:v2+s17+$0x0] =	vst.idx.msk $0xffff, v1  }
0x494: {  	v1 =	vld.idx.msk [tilespmem:v3+s13+$0x0], $0xffff;
	_ =	sdelay $0x4  }
0x495: {  	[tilespmem:$0x1F1F0] =	vst v1;
	v1 =	vld [tilespmem:$0x1F930];
	_ =	sdelay $0x4  }
0x496: {  	v2 =	vor.u32 s29, v1;
	v1 =	vld [tilespmem:$0x1F560];
	_ =	sdelay $0x4  }
0x497: {  	v3 =	vor.u32 v1, v0;
	v1 =	vld [tilespmem:$0x1F1F0];
	_ =	sdelay $0x4  }
0x498: {  	[tilespmem:v2+s17+$0x0] =	vst.idx.msk $0xffff, v1  }
0x499: {  	v1 =	vld.idx.msk [tilespmem:v3+s13+$0x0], $0xffff;
	_ =	sdelay $0x4  }
0x49a: {  	[tilespmem:$0x1F200] =	vst v1;
	v1 =	vld [tilespmem:$0x1F940];
	_ =	sdelay $0x4  }
0x49b: {  	v2 =	vor.u32 s29, v1;
	v1 =	vld [tilespmem:$0x1F570];
	_ =	sdelay $0x4  }
0x49c: {  	v3 =	vor.u32 v1, v0;
	v1 =	vld [tilespmem:$0x1F200];
	_ =	sdelay $0x4  }
0x49d: {  	[tilespmem:v2+s17+$0x0] =	vst.idx.msk $0xffff, v1  }
0x49e: {  	v1 =	vld.idx.msk [tilespmem:v3+s13+$0x0], $0xffff;
	_ =	sdelay $0x4  }
0x49f: {  	[tilespmem:$0x1F210] =	vst v1;
	v1 =	vld [tilespmem:$0x1F950];
	_ =	sdelay $0x4  }
0x4a0: {  	v2 =	vor.u32 s29, v1;
	v1 =	vld [tilespmem:$0x1F580];
	_ =	sdelay $0x4  }
0x4a1: {  	v3 =	vor.u32 v1, v0;
	v1 =	vld [tilespmem:$0x1F210];
	_ =	sdelay $0x4  }
0x4a2: {  	[tilespmem:v2+s17+$0x0] =	vst.idx.msk $0xffff, v1  }
0x4a3: {  	v1 =	vld.idx.msk [tilespmem:v3+s13+$0x0], $0xffff;
	_ =	sdelay $0x4  }
0x4a4: {  	[tilespmem:$0x1F220] =	vst v1;
	v1 =	vld [tilespmem:$0x1F590];
	_ =	sdelay $0x4  }
0x4a5: {  	v2 =	vor.u32 s29, v1;
	v1 =	vld [tilespmem:$0x1F5A0];
	_ =	sdelay $0x4  }
0x4a6: {  	v3 =	vor.u32 v1, v0;
	v1 =	vld [tilespmem:$0x1F220];
	_ =	sdelay $0x4  }
0x4a7: {  	[tilespmem:v2+s17+$0x0] =	vst.idx.msk $0xffff, v1  }
0x4a8: {  	v1 =	vld.idx.msk [tilespmem:v3+s13+$0x0], $0xffff;
	_ =	sdelay $0x4  }
0x4a9: {  	[tilespmem:$0x1F230] =	vst v1;
	v1 =	vld [tilespmem:$0x1F9A0];
	_ =	sdelay $0x4  }
0x4aa: {  	v2 =	vor.u32 s29, v1;
	v1 =	vld [tilespmem:$0x1F5B0];
	_ =	sdelay $0x4  }
0x4ab: {  	v3 =	vor.u32 v1, v0;
	v1 =	vld [tilespmem:$0x1F230];
	_ =	sdelay $0x4  }
0x4ac: {  	[tilespmem:v2+s17+$0x0] =	vst.idx.msk $0xffff, v1  }
0x4ad: {  	v1 =	vld.idx.msk [tilespmem:v3+s13+$0x0], $0xffff;
	_ =	sdelay $0x4  }
0x4ae: {  	[tilespmem:$0x1F240] =	vst v1;
	v1 =	vld [tilespmem:$0x1F9B0];
	_ =	sdelay $0x4  }
0x4af: {  	v2 =	vor.u32 s29, v1;
	v1 =	vld [tilespmem:$0x1F5C0];
	_ =	sdelay $0x4  }
0x4b0: {  	v3 =	vor.u32 v1, v0;
	v1 =	vld [tilespmem:$0x1F240];
	_ =	sdelay $0x4  }
0x4b1: {  	[tilespmem:v2+s17+$0x0] =	vst.idx.msk $0xffff, v1  }
0x4b2: {  	v1 =	vld.idx.msk [tilespmem:v3+s13+$0x0], $0xffff;
	_ =	sdelay $0x4  }
0x4b3: {  	[tilespmem:$0x1F250] =	vst v1;
	v1 =	vld [tilespmem:$0x1F9D0];
	_ =	sdelay $0x4  }
0x4b4: {  	v2 =	vor.u32 s29, v1;
	v1 =	vld [tilespmem:$0x1F5D0];
	_ =	sdelay $0x4  }
0x4b5: {  	v3 =	vor.u32 v1, v0;
	v1 =	vld [tilespmem:$0x1F250];
	_ =	sdelay $0x4  }
0x4b6: {  	[tilespmem:v2+s17+$0x0] =	vst.idx.msk $0xffff, v1  }
0x4b7: {  	v1 =	vld.idx.msk [tilespmem:v3+s13+$0x0], $0xffff;
	_ =	sdelay $0x4  }
0x4b8: {  	[tilespmem:$0x1F260] =	vst v1;
	v1 =	vld [tilespmem:$0x1F9E0];
	_ =	sdelay $0x4  }
0x4b9: {  	v2 =	vor.u32 s29, v1;
	v1 =	vld [tilespmem:$0x1F5E0];
	_ =	sdelay $0x4  }
0x4ba: {  	v3 =	vor.u32 v1, v0;
	v1 =	vld [tilespmem:$0x1F260];
	_ =	sdelay $0x4  }
0x4bb: {  	[tilespmem:v2+s17+$0x0] =	vst.idx.msk $0xffff, v1  }
0x4bc: {  	v1 =	vld.idx.msk [tilespmem:v3+s13+$0x0], $0xffff;
	_ =	sdelay $0x4  }
0x4bd: {  	[tilespmem:$0x1F270] =	vst v1;
	v1 =	vld [tilespmem:$0x1F9F0];
	_ =	sdelay $0x4  }
0x4be: {  	v2 =	vor.u32 s29, v1;
	v1 =	vld [tilespmem:$0x1F5F0];
	_ =	sdelay $0x4  }
0x4bf: {  	v3 =	vor.u32 v1, v0;
	v1 =	vld [tilespmem:$0x1F270];
	_ =	sdelay $0x4  }
0x4c0: {  	[tilespmem:v2+s17+$0x0] =	vst.idx.msk $0xffff, v1  }
0x4c1: {  	v1 =	vld.idx.msk [tilespmem:v3+s13+$0x0], $0xffff;
	_ =	sdelay $0x4  }
0x4c2: {  	[tilespmem:$0x1F280] =	vst v1;
	v1 =	vld [tilespmem:$0x1FA30];
	_ =	sdelay $0x4  }
0x4c3: {  	v2 =	vor.u32 s29, v1;
	v1 =	vld [tilespmem:$0x1F600];
	_ =	sdelay $0x4  }
0x4c4: {  	v3 =	vor.u32 v1, v0;
	v1 =	vld [tilespmem:$0x1F280];
	_ =	sdelay $0x4  }
0x4c5: {  	[tilespmem:v2+s17+$0x0] =	vst.idx.msk $0xffff, v1  }
0x4c6: {  	v1 =	vld.idx.msk [tilespmem:v3+s13+$0x0], $0xffff;
	_ =	sdelay $0x4  }
0x4c7: {  	[tilespmem:$0x1F290] =	vst v1;
	v1 =	vld [tilespmem:$0x1FA40];
	_ =	sdelay $0x4  }
0x4c8: {  	v2 =	vor.u32 s29, v1;
	v1 =	vld [tilespmem:$0x1F610];
	_ =	sdelay $0x4  }
0x4c9: {  	v3 =	vor.u32 v1, v0;
	v1 =	vld [tilespmem:$0x1F290];
	_ =	sdelay $0x4  }
0x4ca: {  	[tilespmem:v2+s17+$0x0] =	vst.idx.msk $0xffff, v1  }
0x4cb: {  	v1 =	vld.idx.msk [tilespmem:v3+s13+$0x0], $0xffff;
	_ =	sdelay $0x4  }
0x4cc: {  	[tilespmem:$0x1F2A0] =	vst v1;
	v1 =	vld [tilespmem:$0x1FE30];
	_ =	sdelay $0x4  }
0x4cd: {  	v2 =	vor.u32 s29, v1;
	v1 =	vld [tilespmem:$0x1F640];
	_ =	sdelay $0x4  }
0x4ce: {  	v3 =	vor.u32 v1, v0;
	v1 =	vld [tilespmem:$0x1F2A0];
	_ =	sdelay $0x4  }
0x4cf: {  	[tilespmem:v2+s17+$0x0] =	vst.idx.msk $0xffff, v1  }
0x4d0: {  	v1 =	vld.idx.msk [tilespmem:v3+s13+$0x0], $0xffff;
	_ =	sdelay $0x4  }
0x4d1: {  	[tilespmem:$0x1F2B0] =	vst v1;
	v1 =	vld [tilespmem:$0x1FE40];
	_ =	sdelay $0x4  }
0x4d2: {  	v2 =	vor.u32 s29, v1;
	v1 =	vld [tilespmem:$0x1F670];
	_ =	sdelay $0x4  }
0x4d3: {  	v3 =	vor.u32 v1, v0;
	v1 =	vld [tilespmem:$0x1F2B0];
	_ =	sdelay $0x4  }
0x4d4: {  	[tilespmem:v2+s17+$0x0] =	vst.idx.msk $0xffff, v1  }
0x4d5: {  	v1 =	vld.idx.msk [tilespmem:v3+s13+$0x0], $0xffff;
	_ =	sdelay $0x4  }
0x4d6: {  	[tilespmem:$0x1F2C0] =	vst v1;
	v1 =	vld [tilespmem:$0x1FE50];
	_ =	sdelay $0x4  }
0x4d7: {  	v2 =	vor.u32 s29, v1;
	v1 =	vld [tilespmem:$0x1F680];
	_ =	sdelay $0x4  }
0x4d8: {  	v3 =	vor.u32 v1, v0;
	v1 =	vld [tilespmem:$0x1F2C0];
	_ =	sdelay $0x4  }
0x4d9: {  	[tilespmem:v2+s17+$0x0] =	vst.idx.msk $0xffff, v1  }
0x4da: {  	v1 =	vld.idx.msk [tilespmem:v3+s13+$0x0], $0xffff;
	_ =	sdelay $0x4  }
0x4db: {  	[tilespmem:$0x1F2D0] =	vst v1;
	v1 =	vld [tilespmem:$0x1FE60];
	_ =	sdelay $0x4  }
0x4dc: {  	v2 =	vor.u32 s29, v1;
	v1 =	vld [tilespmem:$0x1F690];
	_ =	sdelay $0x4  }
0x4dd: {  	v3 =	vor.u32 v1, v0;
	v1 =	vld [tilespmem:$0x1F2D0];
	_ =	sdelay $0x4  }
0x4de: {  	[tilespmem:v2+s17+$0x0] =	vst.idx.msk $0xffff, v1  }
0x4df: {  	v1 =	vld.idx.msk [tilespmem:v3+s13+$0x0], $0xffff;
	_ =	sdelay $0x4  }
0x4e0: {  	[tilespmem:$0x1F2E0] =	vst v1;
	v1 =	vld [tilespmem:$0x1FA50];
	_ =	sdelay $0x4  }
0x4e1: {  	v2 =	vor.u32 s29, v1;
	v1 =	vld [tilespmem:$0x1F6A0];
	_ =	sdelay $0x4  }
0x4e2: {  	v3 =	vor.u32 v1, v0;
	v1 =	vld [tilespmem:$0x1F2E0];
	_ =	sdelay $0x4  }
0x4e3: {  	[tilespmem:v2+s17+$0x0] =	vst.idx.msk $0xffff, v1  }
0x4e4: {  	v1 =	vld.idx.msk [tilespmem:v3+s13+$0x0], $0xffff;
	_ =	sdelay $0x4  }
0x4e5: {  	[tilespmem:$0x1F2F0] =	vst v1;
	v1 =	vld [tilespmem:$0x1FE70];
	_ =	sdelay $0x4  }
0x4e6: {  	v2 =	vor.u32 s29, v1;
	v1 =	vld [tilespmem:$0x1F6B0];
	_ =	sdelay $0x4  }
0x4e7: {  	v3 =	vor.u32 v1, v0;
	v1 =	vld [tilespmem:$0x1F2F0];
	_ =	sdelay $0x4  }
0x4e8: {  	[tilespmem:v2+s17+$0x0] =	vst.idx.msk $0xffff, v1  }
0x4e9: {  	v1 =	vld.idx.msk [tilespmem:v3+s13+$0x0], $0xffff;
	_ =	sdelay $0x4  }
0x4ea: {  	[tilespmem:$0x1F300] =	vst v1;
	v1 =	vld [tilespmem:$0x1FE80];
	_ =	sdelay $0x4  }
0x4eb: {  	v2 =	vor.u32 s29, v1;
	v1 =	vld [tilespmem:$0x1F6C0];
	_ =	sdelay $0x4  }
0x4ec: {  	v3 =	vor.u32 v1, v0;
	v1 =	vld [tilespmem:$0x1F300];
	_ =	sdelay $0x4  }
0x4ed: {  	[tilespmem:v2+s17+$0x0] =	vst.idx.msk $0xffff, v1  }
0x4ee: {  	v1 =	vld.idx.msk [tilespmem:v3+s13+$0x0], $0xffff;
	_ =	sdelay $0x4  }
0x4ef: {  	[tilespmem:$0x1F310] =	vst v1;
	v1 =	vld [tilespmem:$0x1FE90];
	_ =	sdelay $0x4  }
0x4f0: {  	v2 =	vor.u32 s29, v1;
	v1 =	vld [tilespmem:$0x1F6D0];
	_ =	sdelay $0x4  }
0x4f1: {  	v3 =	vor.u32 v1, v0;
	v1 =	vld [tilespmem:$0x1F310];
	_ =	sdelay $0x4  }
0x4f2: {  	[tilespmem:v2+s17+$0x0] =	vst.idx.msk $0xffff, v1  }
0x4f3: {  	v1 =	vld.idx.msk [tilespmem:v3+s13+$0x0], $0xffff;
	_ =	sdelay $0x4  }
0x4f4: {  	[tilespmem:$0x1F320] =	vst v1;
	v1 =	vld [tilespmem:$0x1F6E0];
	_ =	sdelay $0x4  }
0x4f5: {  	v2 =	vor.u32 s29, v1;
	v1 =	vld [tilespmem:$0x1F6F0];
	_ =	sdelay $0x4  }
0x4f6: {  	v3 =	vor.u32 v1, v0;
	v1 =	vld [tilespmem:$0x1F320];
	_ =	sdelay $0x4  }
0x4f7: {  	[tilespmem:v2+s17+$0x0] =	vst.idx.msk $0xffff, v1  }
0x4f8: {  	v1 =	vld.idx.msk [tilespmem:v3+s13+$0x0], $0xffff;
	_ =	sdelay $0x4  }
0x4f9: {  	[tilespmem:$0x1F330] =	vst v1;
	v1 =	vld [tilespmem:$0x1FEA0];
	_ =	sdelay $0x4  }
0x4fa: {  	v2 =	vor.u32 s29, v1;
	v1 =	vld [tilespmem:$0x1F700];
	_ =	sdelay $0x4  }
0x4fb: {  	v3 =	vor.u32 v1, v0;
	v1 =	vld [tilespmem:$0x1F330];
	_ =	sdelay $0x4  }
0x4fc: {  	[tilespmem:v2+s17+$0x0] =	vst.idx.msk $0xffff, v1  }
0x4fd: {  	v1 =	vld.idx.msk [tilespmem:v3+s13+$0x0], $0xffff;
	_ =	sdelay $0x4  }
0x4fe: {  	[tilespmem:$0x1F340] =	vst v1;
	v1 =	vld [tilespmem:$0x1FEB0];
	_ =	sdelay $0x4  }
0x4ff: {  	v2 =	vor.u32 s29, v1;
	v1 =	vld [tilespmem:$0x1F710];
	_ =	sdelay $0x4  }
0x500: {  	v3 =	vor.u32 v1, v0;
	v1 =	vld [tilespmem:$0x1F340];
	_ =	sdelay $0x4  }
0x501: {  	[tilespmem:v2+s17+$0x0] =	vst.idx.msk $0xffff, v1  }
0x502: {  	v1 =	vld.idx.msk [tilespmem:v3+s13+$0x0], $0xffff;
	_ =	sdelay $0x4  }
0x503: {  	[tilespmem:$0x1F350] =	vst v1;
	v1 =	vld [tilespmem:$0x1FAE0];
	_ =	sdelay $0x4  }
0x504: {  	v2 =	vor.u32 s29, v1;
	v1 =	vld [tilespmem:$0x1F720];
	_ =	sdelay $0x4  }
0x505: {  	v3 =	vor.u32 v1, v0;
	v1 =	vld [tilespmem:$0x1F350];
	_ =	sdelay $0x4  }
0x506: {  	[tilespmem:v2+s17+$0x0] =	vst.idx.msk $0xffff, v1  }
0x507: {  	v1 =	vld.idx.msk [tilespmem:v3+s13+$0x0], $0xffff;
	_ =	sdelay $0x4  }
0x508: {  	[tilespmem:$0x1F360] =	vst v1  }
0x509: {  	v2 =	vor.u32 s29, v50;
	v1 =	vld [tilespmem:$0x1F360]  }
0x50a: {  	v3 =	vor.u32 v10, v0;
	_ =	sdelay $0x3  }
0x50b: {  	[tilespmem:v2+s17+$0x0] =	vst.idx.msk $0xffff, v1  }
0x50c: {  	v1 =	vld.idx.msk [tilespmem:v3+s13+$0x0], $0xffff;
	_ =	sdelay $0x4  }
0x50d: {  	[tilespmem:$0x1F370] =	vst v1  }
0x50e: {  	v2 =	vor.u32 s29, v9;
	v1 =	vld [tilespmem:$0x1F370]  }
0x50f: {  	v3 =	vor.u32 v36, v0;
	_ =	sdelay $0x3  }
0x510: {  	[tilespmem:v2+s17+$0x0] =	vst.idx.msk $0xffff, v1  }
0x511: {  	v1 =	vld.idx.msk [tilespmem:v3+s13+$0x0], $0xffff;
	_ =	sdelay $0x4  }
0x512: {  	[tilespmem:$0x1F380] =	vst v1  }
0x513: {  	v2 =	vor.u32 s29, v51;
	v1 =	vld [tilespmem:$0x1F380]  }
0x514: {  	v3 =	vor.u32 v35, v0;
	_ =	sdelay $0x3  }
0x515: {  	[tilespmem:v2+s17+$0x0] =	vst.idx.msk $0xffff, v1  }
0x516: {  	v1 =	vld.idx.msk [tilespmem:v3+s13+$0x0], $0xffff;
	_ =	sdelay $0x4  }
0x517: {  	[tilespmem:$0x1F390] =	vst v1  }
0x518: {  	v2 =	vor.u32 s29, v7;
	v1 =	vld [tilespmem:$0x1F390]  }
0x519: {  	v3 =	vor.u32 v41, v0;
	_ =	sdelay $0x3  }
0x51a: {  	[tilespmem:v2+s17+$0x0] =	vst.idx.msk $0xffff, v1  }
0x51b: {  	v1 =	vld.idx.msk [tilespmem:v3+s13+$0x0], $0xffff;
	_ =	sdelay $0x4  }
0x51c: {  	[tilespmem:$0x1F3A0] =	vst v1  }
0x51d: {  	v2 =	vor.u32 s29, v5;
	v1 =	vld [tilespmem:$0x1F3A0]  }
0x51e: {  	v3 =	vor.u32 v61, v0;
	_ =	sdelay $0x3  }
0x51f: {  	[tilespmem:v2+s17+$0x0] =	vst.idx.msk $0xffff, v1  }
0x520: {  	v1 =	vld.idx.msk [tilespmem:v3+s13+$0x0], $0xffff;
	_ =	sdelay $0x4  }
0x521: {  	[tilespmem:$0x1F3B0] =	vst v1  }
0x522: {  	v2 =	vor.u32 s29, v38;
	v1 =	vld [tilespmem:$0x1F3B0]  }
0x523: {  	v3 =	vor.u32 v8, v0;
	_ =	sdelay $0x3  }
0x524: {  	[tilespmem:v2+s17+$0x0] =	vst.idx.msk $0xffff, v1  }
0x525: {  	v1 =	vld.idx.msk [tilespmem:v3+s13+$0x0], $0xffff;
	_ =	sdelay $0x4  }
0x526: {  	[tilespmem:$0x1F3C0] =	vst v1  }
0x527: {  	v2 =	vor.u32 s29, v53;
	v1 =	vld [tilespmem:$0x1F3C0]  }
0x528: {  	v3 =	vor.u32 v46, v0;
	_ =	sdelay $0x3  }
0x529: {  	[tilespmem:v2+s17+$0x0] =	vst.idx.msk $0xffff, v1  }
0x52a: {  	v1 =	vld.idx.msk [tilespmem:v3+s13+$0x0], $0xffff;
	_ =	sdelay $0x4  }
0x52b: {  	[tilespmem:$0x1F3D0] =	vst v1  }
0x52c: {  	v2 =	vor.u32 s29, v31;
	v1 =	vld [tilespmem:$0x1F3D0]  }
0x52d: {  	v3 =	vor.u32 v30, v0;
	_ =	sdelay $0x3  }
0x52e: {  	[tilespmem:v2+s17+$0x0] =	vst.idx.msk $0xffff, v1  }
0x52f: {  	v1 =	vld.idx.msk [tilespmem:v3+s13+$0x0], $0xffff;
	_ =	sdelay $0x4  }
0x530: {  	[tilespmem:$0x1F3E0] =	vst v1  }
0x531: {  	v2 =	vor.u32 s29, v21;
	v1 =	vld [tilespmem:$0x1F3E0]  }
0x532: {  	v3 =	vor.u32 v27, v0;
	_ =	sdelay $0x3  }
0x533: {  	[tilespmem:v2+s17+$0x0] =	vst.idx.msk $0xffff, v1  }
0x534: {  	v1 =	vld.idx.msk [tilespmem:v3+s13+$0x0], $0xffff;
	_ =	sdelay $0x4  }
0x535: {  	[tilespmem:$0x1F3F0] =	vst v1  }
0x536: {  	v2 =	vor.u32 s29, v33;
	v1 =	vld [tilespmem:$0x1F3F0]  }
0x537: {  	v3 =	vor.u32 v19, v0;
	_ =	sdelay $0x3  }
0x538: {  	[tilespmem:v2+s17+$0x0] =	vst.idx.msk $0xffff, v1  }
0x539: {  	[tilespmem:$0x1F400] =	vst v10;
	v2 =	vor.u32 s29, v57;
	v1 =	vld.idx.msk [tilespmem:v3+s13+$0x0], $0xffff  }
0x53a: {  	[tilespmem:$0x1F410] =	vst v36;
	v0 =	vor.u32 v49, v0  }
0x53b: {  	[tilespmem:$0x1F420] =	vst v35  }
0x53c: {  	[tilespmem:$0x1F430] =	vst v41  }
0x53d: {  	[tilespmem:$0x1F440] =	vst v61  }
0x53e: {  	[tilespmem:v2+s17+$0x0] =	vst.idx.msk $0xffff, v1  }
0x53f: {  	[tilespmem:$0x1F450] =	vst v8;
	v1 =	vor.u32 s29, v26;
	v0 =	vld.idx.msk [tilespmem:v0+s13+$0x0], $0xffff  }
0x540: {  	[tilespmem:$0x1F460] =	vst v46  }
0x541: {  	s28 =	sshll.u32 s26, $0x7;
	[tilespmem:$0x1F470] =	vst v30  }
0x542: {  	[tilespmem:$0x1F480] =	vst v27;
	s29 =	sshll.u32 s26, $0xA;
	s26 =	sand.u32 $0xF00, s28  }
0x543: {  	[tilespmem:$0x1F490] =	vst v19;
	s28 =	sand.u32 $0xFFF8000, s29;
	s29 =	sadd.s32 s2, s26  }
0x544: {  	s29 =	sadd.s32 s28, s29;
	[tilespmem:v1+s17+$0x0] =	vst.idx.msk $0xffff, v0  }
0x545: {  	[hbm4b:s29+s18] =	stream.strided.scatter [tilespmem:s17], [sflag:$0x5], $0x2000, s19, s18, $0x38;
	[tilespmem:$0x8100] =	vst v63  }
0x546: {  	[tilespmem:$0x1F4A0] =	vst v49;
	s29 =	simm.s32 @p0 $0x4  }
0x547: {  	_ =	swait.ge @p0 [sflag:s29], $0x2000  }
0x548: {  	[sflag:s29] =	ssyncset.done @p0 $0x0  }
0x549: {  	[sflag:s29] =	ssyncadd.s32 @p0 $0xFFFFE000;
	s29 =	simm.s32 @!p0 $0x1  }
0x54a: {  	_ =	swait.ge @!p0 [sflag:s29], $0x80  }
0x54b: {  	s30 =	simm.s32 @!p0 $0x80;
	[sflag:s29] =	ssyncset.done @!p0 $0x0  }
0x54c: {  	s31 =	simm.s32 @!p0 $0x0;
	[sflag:s29] =	ssyncadd.s32 @!p0 $0xFFFFFF80;
	s29 =	simm.s32 @!p0 $0x100  }
0x54d: {  	[tilespmem:s29], [sflag:$0x3] =	stream.indirect.gather @!p0 [hbm4b:s4+s30], $0x40, s31, s30, $0xb8;
	[tilespmem:$0x8100] =	vst v63  }
0x54e: {  	s1 =	simm.s32 @!p0 $0x4;
	s29 =	simm.s32 $0x0  }
0x54f: {  	_ =	swait.ge @!p0 [sflag:s1], $0x2000;
	v0 =	vmov s29  }
0x550: {  	[sflag:s1] =	ssyncset.done @!p0 $0x0;
	v0 =	vshll.u32 v0, $0x6  }
0x551: {  	v1 =	vlaneseq.u32;
	[sflag:s1] =	ssyncadd.s32 @!p0 $0xFFFFE000;
	s1 =	sadd.s32 @!p0 s10, s25;
	v0 =	vor.u32 v59, v0  }
0x552: {  	[tilespmem:s30], [sflag:$0x2] =	stream.linear.gather @!p0 [hbm4b:s1+s31], $0x80, $0x38;
	v1 =	vor.u32 v1, v0;
	[tilespmem:$0x8100] =	vst v63  }
0x553: {  	s1 =	simm.s32 @!p1 $0x6  }
0x554: {  	_ =	swait.ge @!p1 [sflag:s1], $0x2000  }
0x555: {  	[sflag:s1] =	ssyncset.done @!p1 $0x0  }
0x556: {  	[sflag:s1] =	ssyncadd.s32 @!p1 $0xFFFFE000  }
0x557: {  	v2 =	vor.u32 s29, v60;
	v1 =	vld.idx.msk [tilespmem:v1+s15+$0x0], $0xffff  }
0x558: {  	v3 =	vor.u32 v4, v0;
	_ =	sdelay $0x3  }
0x559: {  	[tilespmem:v2+s20+$0x0] =	vst.idx.msk $0xffff, v1;
	v2 =	vld [tilespmem:$0x1FA20]  }
0x55a: {  	v1 =	vld.idx.msk [tilespmem:v3+s15+$0x0], $0xffff  }
0x55b: {  	v3 =	vld [tilespmem:$0x1FA10];
	_ =	sdelay $0x3  }
0x55c: {  	v2 =	vor.u32 s29, v2  }
0x55d: {  	v3 =	vor.u32 v3, v0;
	_ =	sdelay $0x3  }
0x55e: {  	[tilespmem:v2+s20+$0x0] =	vst.idx.msk $0xffff, v1;
	v2 =	vld [tilespmem:$0x1FA00]  }
0x55f: {  	v1 =	vld.idx.msk [tilespmem:v3+s15+$0x0], $0xffff  }
0x560: {  	v3 =	vld [tilespmem:$0x1FFE0];
	_ =	sdelay $0x3  }
0x561: {  	v2 =	vor.u32 s29, v2  }
0x562: {  	v3 =	vor.u32 v3, v0;
	_ =	sdelay $0x3  }
0x563: {  	[tilespmem:v2+s20+$0x0] =	vst.idx.msk $0xffff, v1;
	v2 =	vld [tilespmem:$0x1FF80]  }
0x564: {  	v1 =	vld.idx.msk [tilespmem:v3+s15+$0x0], $0xffff  }
0x565: {  	v3 =	vld [tilespmem:$0x1FFF0];
	_ =	sdelay $0x3  }
0x566: {  	v2 =	vor.u32 s29, v2  }
0x567: {  	v3 =	vor.u32 v3, v0;
	_ =	sdelay $0x3  }
0x568: {  	[tilespmem:v2+s20+$0x0] =	vst.idx.msk $0xffff, v1  }
0x569: {  	v1 =	vld.idx.msk [tilespmem:v3+s15+$0x0], $0xffff  }
0x56a: {  	v3 =	vld [tilespmem:$0x1FAD0];
	_ =	sdelay $0x3  }
0x56b: {  	v2 =	vor.u32 s29, v11  }
0x56c: {  	v3 =	vor.u32 v3, v0;
	_ =	sdelay $0x3  }
0x56d: {  	[tilespmem:v2+s20+$0x0] =	vst.idx.msk $0xffff, v1;
	v2 =	vld [tilespmem:$0x1FAC0]  }
0x56e: {  	v1 =	vld.idx.msk [tilespmem:v3+s15+$0x0], $0xffff  }
0x56f: {  	v3 =	vld [tilespmem:$0x1FAB0];
	_ =	sdelay $0x3  }
0x570: {  	v2 =	vor.u32 s29, v2  }
0x571: {  	v3 =	vor.u32 v3, v0;
	_ =	sdelay $0x3  }
0x572: {  	[tilespmem:v2+s20+$0x0] =	vst.idx.msk $0xffff, v1;
	v2 =	vld [tilespmem:$0x1FAA0]  }
0x573: {  	v1 =	vld.idx.msk [tilespmem:v3+s15+$0x0], $0xffff  }
0x574: {  	v3 =	vld [tilespmem:$0x1FA90];
	_ =	sdelay $0x3  }
0x575: {  	v2 =	vor.u32 s29, v2  }
0x576: {  	v3 =	vor.u32 v3, v0;
	_ =	sdelay $0x3  }
0x577: {  	[tilespmem:v2+s20+$0x0] =	vst.idx.msk $0xffff, v1;
	v2 =	vld [tilespmem:$0x1FA80]  }
0x578: {  	v1 =	vld.idx.msk [tilespmem:v3+s15+$0x0], $0xffff  }
0x579: {  	v3 =	vld [tilespmem:$0x1FA70];
	_ =	sdelay $0x3  }
0x57a: {  	v2 =	vor.u32 s29, v2  }
0x57b: {  	v3 =	vor.u32 v3, v0;
	_ =	sdelay $0x3  }
0x57c: {  	[tilespmem:v2+s20+$0x0] =	vst.idx.msk $0xffff, v1;
	v2 =	vld [tilespmem:$0x1FA60]  }
0x57d: {  	v1 =	vld.idx.msk [tilespmem:v3+s15+$0x0], $0xffff  }
0x57e: {  	v3 =	vld [tilespmem:$0x1FF90];
	_ =	sdelay $0x3  }
0x57f: {  	v2 =	vor.u32 s29, v2  }
0x580: {  	v3 =	vor.u32 v3, v0;
	_ =	sdelay $0x3  }
0x581: {  	[tilespmem:v2+s20+$0x0] =	vst.idx.msk $0xffff, v1;
	v2 =	vld [tilespmem:$0x1FF40]  }
0x582: {  	v1 =	vld.idx.msk [tilespmem:v3+s15+$0x0], $0xffff  }
0x583: {  	v3 =	vld [tilespmem:$0x1FFA0];
	_ =	sdelay $0x3  }
0x584: {  	v2 =	vor.u32 s29, v2  }
0x585: {  	v3 =	vor.u32 v3, v0;
	_ =	sdelay $0x3  }
0x586: {  	[tilespmem:v2+s20+$0x0] =	vst.idx.msk $0xffff, v1;
	v2 =	vld [tilespmem:$0x1FF50]  }
0x587: {  	v1 =	vld.idx.msk [tilespmem:v3+s15+$0x0], $0xffff  }
0x588: {  	v3 =	vld [tilespmem:$0x1FFB0];
	_ =	sdelay $0x3  }
0x589: {  	v2 =	vor.u32 s29, v2  }
0x58a: {  	v3 =	vor.u32 v3, v0;
	_ =	sdelay $0x3  }
0x58b: {  	[tilespmem:v2+s20+$0x0] =	vst.idx.msk $0xffff, v1;
	v2 =	vld [tilespmem:$0x1FF60]  }
0x58c: {  	v1 =	vld.idx.msk [tilespmem:v3+s15+$0x0], $0xffff  }
0x58d: {  	v3 =	vld [tilespmem:$0x1FFC0];
	_ =	sdelay $0x3  }
0x58e: {  	v2 =	vor.u32 s29, v2  }
0x58f: {  	v3 =	vor.u32 v3, v0;
	_ =	sdelay $0x3  }
0x590: {  	[tilespmem:v2+s20+$0x0] =	vst.idx.msk $0xffff, v1;
	v2 =	vld [tilespmem:$0x1FF70]  }
0x591: {  	v1 =	vld.idx.msk [tilespmem:v3+s15+$0x0], $0xffff  }
0x592: {  	v3 =	vld [tilespmem:$0x1FFD0];
	_ =	sdelay $0x3  }
0x593: {  	v2 =	vor.u32 s29, v2  }
0x594: {  	v3 =	vor.u32 v3, v0;
	_ =	sdelay $0x3  }
0x595: {  	[tilespmem:v2+s20+$0x0] =	vst.idx.msk $0xffff, v1  }
0x596: {  	v2 =	vor.u32 s29, v12;
	v1 =	vld.idx.msk [tilespmem:v3+s15+$0x0], $0xffff  }
0x597: {  	v3 =	vor.u32 v13, v0;
	_ =	sdelay $0x3  }
0x598: {  	[tilespmem:v2+s20+$0x0] =	vst.idx.msk $0xffff, v1  }
0x599: {  	v2 =	vor.u32 s29, v14;
	v1 =	vld.idx.msk [tilespmem:v3+s15+$0x0], $0xffff  }
0x59a: {  	v3 =	vor.u32 v15, v0;
	_ =	sdelay $0x3  }
0x59b: {  	[tilespmem:v2+s20+$0x0] =	vst.idx.msk $0xffff, v1  }
0x59c: {  	v2 =	vor.u32 s29, v16;
	v1 =	vld.idx.msk [tilespmem:v3+s15+$0x0], $0xffff  }
0x59d: {  	v3 =	vor.u32 v32, v0;
	_ =	sdelay $0x3  }
0x59e: {  	[tilespmem:v2+s20+$0x0] =	vst.idx.msk $0xffff, v1;
	v2 =	vld [tilespmem:$0x1FF10]  }
0x59f: {  	v1 =	vld.idx.msk [tilespmem:v3+s15+$0x0], $0xffff  }
0x5a0: {  	v3 =	vld [tilespmem:$0x1FF00];
	_ =	sdelay $0x3  }
0x5a1: {  	v2 =	vor.u32 s29, v2  }
0x5a2: {  	v3 =	vor.u32 v3, v0;
	_ =	sdelay $0x3  }
0x5a3: {  	[tilespmem:v2+s20+$0x0] =	vst.idx.msk $0xffff, v1;
	v2 =	vld [tilespmem:$0x1F810]  }
0x5a4: {  	v1 =	vld.idx.msk [tilespmem:v3+s15+$0x0], $0xffff  }
0x5a5: {  	v3 =	vld [tilespmem:$0x1FF20];
	_ =	sdelay $0x3  }
0x5a6: {  	v2 =	vor.u32 s29, v2  }
0x5a7: {  	v3 =	vor.u32 v3, v0;
	_ =	sdelay $0x3  }
0x5a8: {  	[tilespmem:v2+s20+$0x0] =	vst.idx.msk $0xffff, v1;
	v2 =	vld [tilespmem:$0x1F820]  }
0x5a9: {  	v1 =	vld.idx.msk [tilespmem:v3+s15+$0x0], $0xffff  }
0x5aa: {  	v3 =	vld [tilespmem:$0x1F4B0];
	_ =	sdelay $0x3  }
0x5ab: {  	v2 =	vor.u32 s29, v2  }
0x5ac: {  	v3 =	vor.u32 v3, v0;
	_ =	sdelay $0x3  }
0x5ad: {  	[tilespmem:v2+s20+$0x0] =	vst.idx.msk $0xffff, v1;
	v2 =	vld [tilespmem:$0x1F870]  }
0x5ae: {  	v1 =	vld.idx.msk [tilespmem:v3+s15+$0x0], $0xffff  }
0x5af: {  	v3 =	vld [tilespmem:$0x1F4C0];
	_ =	sdelay $0x3  }
0x5b0: {  	v2 =	vor.u32 s29, v2  }
0x5b1: {  	v3 =	vor.u32 v3, v0;
	_ =	sdelay $0x3  }
0x5b2: {  	[tilespmem:v2+s20+$0x0] =	vst.idx.msk $0xffff, v1  }
0x5b3: {  	v1 =	vld.idx.msk [tilespmem:v3+s15+$0x0], $0xffff  }
0x5b4: {  	v3 =	vld [tilespmem:$0x1F4D0];
	_ =	sdelay $0x3  }
0x5b5: {  	v2 =	vor.u32 s29, v6  }
0x5b6: {  	v3 =	vor.u32 v3, v0;
	_ =	sdelay $0x3  }
0x5b7: {  	[tilespmem:v2+s20+$0x0] =	vst.idx.msk $0xffff, v1;
	v2 =	vld [tilespmem:$0x1FF30]  }
0x5b8: {  	v1 =	vld.idx.msk [tilespmem:v3+s15+$0x0], $0xffff  }
0x5b9: {  	v3 =	vld [tilespmem:$0x1F4E0];
	_ =	sdelay $0x3  }
0x5ba: {  	v2 =	vor.u32 s29, v2  }
0x5bb: {  	v3 =	vor.u32 v3, v0;
	_ =	sdelay $0x3  }
0x5bc: {  	[tilespmem:v2+s20+$0x0] =	vst.idx.msk $0xffff, v1;
	v2 =	vld [tilespmem:$0x1F8C0]  }
0x5bd: {  	v1 =	vld.idx.msk [tilespmem:v3+s15+$0x0], $0xffff  }
0x5be: {  	v3 =	vld [tilespmem:$0x1F4F0];
	_ =	sdelay $0x3  }
0x5bf: {  	v2 =	vor.u32 s29, v2  }
0x5c0: {  	v3 =	vor.u32 v3, v0;
	_ =	sdelay $0x3  }
0x5c1: {  	[tilespmem:v2+s20+$0x0] =	vst.idx.msk $0xffff, v1;
	v2 =	vld [tilespmem:$0x1F8D0]  }
0x5c2: {  	v1 =	vld.idx.msk [tilespmem:v3+s15+$0x0], $0xffff  }
0x5c3: {  	v3 =	vld [tilespmem:$0x1F500];
	_ =	sdelay $0x3  }
0x5c4: {  	v2 =	vor.u32 s29, v2  }
0x5c5: {  	v3 =	vor.u32 v3, v0;
	_ =	sdelay $0x3  }
0x5c6: {  	[tilespmem:v2+s20+$0x0] =	vst.idx.msk $0xffff, v1;
	v2 =	vld [tilespmem:$0x1F8E0]  }
0x5c7: {  	v1 =	vld.idx.msk [tilespmem:v3+s15+$0x0], $0xffff  }
0x5c8: {  	v3 =	vld [tilespmem:$0x1F510];
	_ =	sdelay $0x3  }
0x5c9: {  	v2 =	vor.u32 s29, v2  }
0x5ca: {  	v3 =	vor.u32 v3, v0;
	_ =	sdelay $0x3  }
0x5cb: {  	[tilespmem:v2+s20+$0x0] =	vst.idx.msk $0xffff, v1  }
0x5cc: {  	v1 =	vld.idx.msk [tilespmem:v3+s15+$0x0], $0xffff  }
0x5cd: {  	v3 =	vld [tilespmem:$0x1F520];
	_ =	sdelay $0x3  }
0x5ce: {  	v2 =	vor.u32 s29, v18  }
0x5cf: {  	v3 =	vor.u32 v3, v0;
	_ =	sdelay $0x3  }
0x5d0: {  	[tilespmem:v2+s20+$0x0] =	vst.idx.msk $0xffff, v1;
	v2 =	vld [tilespmem:$0x1F900]  }
0x5d1: {  	v1 =	vld.idx.msk [tilespmem:v3+s15+$0x0], $0xffff  }
0x5d2: {  	v3 =	vld [tilespmem:$0x1F530];
	_ =	sdelay $0x3  }
0x5d3: {  	v2 =	vor.u32 s29, v2  }
0x5d4: {  	v3 =	vor.u32 v3, v0;
	_ =	sdelay $0x3  }
0x5d5: {  	[tilespmem:v2+s20+$0x0] =	vst.idx.msk $0xffff, v1  }
0x5d6: {  	v1 =	vld.idx.msk [tilespmem:v3+s15+$0x0], $0xffff  }
0x5d7: {  	v3 =	vld [tilespmem:$0x1F540];
	_ =	sdelay $0x3  }
0x5d8: {  	v2 =	vor.u32 s29, v20  }
0x5d9: {  	v3 =	vor.u32 v3, v0;
	_ =	sdelay $0x3  }
0x5da: {  	[tilespmem:v2+s20+$0x0] =	vst.idx.msk $0xffff, v1;
	v2 =	vld [tilespmem:$0x1F920]  }
0x5db: {  	v1 =	vld.idx.msk [tilespmem:v3+s15+$0x0], $0xffff  }
0x5dc: {  	v3 =	vld [tilespmem:$0x1F550];
	_ =	sdelay $0x3  }
0x5dd: {  	v2 =	vor.u32 s29, v2  }
0x5de: {  	v3 =	vor.u32 v3, v0;
	_ =	sdelay $0x3  }
0x5df: {  	[tilespmem:v2+s20+$0x0] =	vst.idx.msk $0xffff, v1;
	v2 =	vld [tilespmem:$0x1F930]  }
0x5e0: {  	v1 =	vld.idx.msk [tilespmem:v3+s15+$0x0], $0xffff  }
0x5e1: {  	v3 =	vld [tilespmem:$0x1F560];
	_ =	sdelay $0x3  }
0x5e2: {  	v2 =	vor.u32 s29, v2  }
0x5e3: {  	v3 =	vor.u32 v3, v0;
	_ =	sdelay $0x3  }
0x5e4: {  	[tilespmem:v2+s20+$0x0] =	vst.idx.msk $0xffff, v1;
	v2 =	vld [tilespmem:$0x1F940]  }
0x5e5: {  	v1 =	vld.idx.msk [tilespmem:v3+s15+$0x0], $0xffff  }
0x5e6: {  	v3 =	vld [tilespmem:$0x1F570];
	_ =	sdelay $0x3  }
0x5e7: {  	v2 =	vor.u32 s29, v2  }
0x5e8: {  	v3 =	vor.u32 v3, v0;
	_ =	sdelay $0x3  }
0x5e9: {  	[tilespmem:v2+s20+$0x0] =	vst.idx.msk $0xffff, v1;
	v2 =	vld [tilespmem:$0x1F950]  }
0x5ea: {  	v1 =	vld.idx.msk [tilespmem:v3+s15+$0x0], $0xffff  }
0x5eb: {  	v3 =	vld [tilespmem:$0x1F580];
	_ =	sdelay $0x3  }
0x5ec: {  	v2 =	vor.u32 s29, v2  }
0x5ed: {  	v3 =	vor.u32 v3, v0;
	_ =	sdelay $0x3  }
0x5ee: {  	[tilespmem:v2+s20+$0x0] =	vst.idx.msk $0xffff, v1;
	v2 =	vld [tilespmem:$0x1F590]  }
0x5ef: {  	v1 =	vld.idx.msk [tilespmem:v3+s15+$0x0], $0xffff  }
0x5f0: {  	v3 =	vld [tilespmem:$0x1F5A0];
	_ =	sdelay $0x3  }
0x5f1: {  	v2 =	vor.u32 s29, v2  }
0x5f2: {  	v3 =	vor.u32 v3, v0;
	_ =	sdelay $0x3  }
0x5f3: {  	[tilespmem:v2+s20+$0x0] =	vst.idx.msk $0xffff, v1;
	v2 =	vld [tilespmem:$0x1F9A0]  }
0x5f4: {  	v1 =	vld.idx.msk [tilespmem:v3+s15+$0x0], $0xffff  }
0x5f5: {  	v3 =	vld [tilespmem:$0x1F5B0];
	_ =	sdelay $0x3  }
0x5f6: {  	v2 =	vor.u32 s29, v2  }
0x5f7: {  	v3 =	vor.u32 v3, v0;
	_ =	sdelay $0x3  }
0x5f8: {  	[tilespmem:v2+s20+$0x0] =	vst.idx.msk $0xffff, v1;
	v2 =	vld [tilespmem:$0x1F9B0]  }
0x5f9: {  	v1 =	vld.idx.msk [tilespmem:v3+s15+$0x0], $0xffff  }
0x5fa: {  	v3 =	vld [tilespmem:$0x1F5C0];
	_ =	sdelay $0x3  }
0x5fb: {  	v2 =	vor.u32 s29, v2  }
0x5fc: {  	v3 =	vor.u32 v3, v0;
	_ =	sdelay $0x3  }
0x5fd: {  	[tilespmem:v2+s20+$0x0] =	vst.idx.msk $0xffff, v1;
	v2 =	vld [tilespmem:$0x1F9D0]  }
0x5fe: {  	v1 =	vld.idx.msk [tilespmem:v3+s15+$0x0], $0xffff  }
0x5ff: {  	v3 =	vld [tilespmem:$0x1F5D0];
	_ =	sdelay $0x3  }
0x600: {  	v2 =	vor.u32 s29, v2  }
0x601: {  	v3 =	vor.u32 v3, v0;
	_ =	sdelay $0x3  }
0x602: {  	[tilespmem:v2+s20+$0x0] =	vst.idx.msk $0xffff, v1;
	v2 =	vld [tilespmem:$0x1F9E0]  }
0x603: {  	v1 =	vld.idx.msk [tilespmem:v3+s15+$0x0], $0xffff  }
0x604: {  	v3 =	vld [tilespmem:$0x1F5E0];
	_ =	sdelay $0x3  }
0x605: {  	v2 =	vor.u32 s29, v2  }
0x606: {  	v3 =	vor.u32 v3, v0;
	_ =	sdelay $0x3  }
0x607: {  	[tilespmem:v2+s20+$0x0] =	vst.idx.msk $0xffff, v1;
	v2 =	vld [tilespmem:$0x1F9F0]  }
0x608: {  	v1 =	vld.idx.msk [tilespmem:v3+s15+$0x0], $0xffff  }
0x609: {  	v3 =	vld [tilespmem:$0x1F5F0];
	_ =	sdelay $0x3  }
0x60a: {  	v2 =	vor.u32 s29, v2  }
0x60b: {  	v3 =	vor.u32 v3, v0;
	_ =	sdelay $0x3  }
0x60c: {  	[tilespmem:v2+s20+$0x0] =	vst.idx.msk $0xffff, v1;
	v2 =	vld [tilespmem:$0x1FA30]  }
0x60d: {  	v1 =	vld.idx.msk [tilespmem:v3+s15+$0x0], $0xffff  }
0x60e: {  	v3 =	vld [tilespmem:$0x1F600];
	_ =	sdelay $0x3  }
0x60f: {  	v2 =	vor.u32 s29, v2  }
0x610: {  	v3 =	vor.u32 v3, v0;
	_ =	sdelay $0x3  }
0x611: {  	[tilespmem:v2+s20+$0x0] =	vst.idx.msk $0xffff, v1;
	v2 =	vld [tilespmem:$0x1FA40]  }
0x612: {  	v1 =	vld.idx.msk [tilespmem:v3+s15+$0x0], $0xffff  }
0x613: {  	v3 =	vld [tilespmem:$0x1F610];
	_ =	sdelay $0x3  }
0x614: {  	v2 =	vor.u32 s29, v2  }
0x615: {  	v3 =	vor.u32 v3, v0;
	_ =	sdelay $0x3  }
0x616: {  	[tilespmem:v2+s20+$0x0] =	vst.idx.msk $0xffff, v1;
	v2 =	vld [tilespmem:$0x1FE30]  }
0x617: {  	v1 =	vld.idx.msk [tilespmem:v3+s15+$0x0], $0xffff  }
0x618: {  	v3 =	vld [tilespmem:$0x1F640];
	_ =	sdelay $0x3  }
0x619: {  	v2 =	vor.u32 s29, v2  }
0x61a: {  	v3 =	vor.u32 v3, v0;
	_ =	sdelay $0x3  }
0x61b: {  	[tilespmem:v2+s20+$0x0] =	vst.idx.msk $0xffff, v1;
	v2 =	vld [tilespmem:$0x1FE40]  }
0x61c: {  	v1 =	vld.idx.msk [tilespmem:v3+s15+$0x0], $0xffff  }
0x61d: {  	v3 =	vld [tilespmem:$0x1F670];
	_ =	sdelay $0x3  }
0x61e: {  	v2 =	vor.u32 s29, v2  }
0x61f: {  	v3 =	vor.u32 v3, v0;
	_ =	sdelay $0x3  }
0x620: {  	[tilespmem:v2+s20+$0x0] =	vst.idx.msk $0xffff, v1;
	v2 =	vld [tilespmem:$0x1FE50]  }
0x621: {  	v1 =	vld.idx.msk [tilespmem:v3+s15+$0x0], $0xffff  }
0x622: {  	v3 =	vld [tilespmem:$0x1F680];
	_ =	sdelay $0x3  }
0x623: {  	v2 =	vor.u32 s29, v2  }
0x624: {  	v3 =	vor.u32 v3, v0;
	_ =	sdelay $0x3  }
0x625: {  	[tilespmem:v2+s20+$0x0] =	vst.idx.msk $0xffff, v1;
	v2 =	vld [tilespmem:$0x1FE60]  }
0x626: {  	v1 =	vld.idx.msk [tilespmem:v3+s15+$0x0], $0xffff  }
0x627: {  	v3 =	vld [tilespmem:$0x1F690];
	_ =	sdelay $0x3  }
0x628: {  	v2 =	vor.u32 s29, v2  }
0x629: {  	v3 =	vor.u32 v3, v0;
	_ =	sdelay $0x3  }
0x62a: {  	[tilespmem:v2+s20+$0x0] =	vst.idx.msk $0xffff, v1;
	v2 =	vld [tilespmem:$0x1FA50]  }
0x62b: {  	v1 =	vld.idx.msk [tilespmem:v3+s15+$0x0], $0xffff  }
0x62c: {  	v3 =	vld [tilespmem:$0x1F6A0];
	_ =	sdelay $0x3  }
0x62d: {  	v2 =	vor.u32 s29, v2  }
0x62e: {  	v3 =	vor.u32 v3, v0;
	_ =	sdelay $0x3  }
0x62f: {  	[tilespmem:v2+s20+$0x0] =	vst.idx.msk $0xffff, v1;
	v2 =	vld [tilespmem:$0x1FE70]  }
0x630: {  	v1 =	vld.idx.msk [tilespmem:v3+s15+$0x0], $0xffff  }
0x631: {  	v3 =	vld [tilespmem:$0x1F6B0];
	_ =	sdelay $0x3  }
0x632: {  	v2 =	vor.u32 s29, v2  }
0x633: {  	v3 =	vor.u32 v3, v0;
	_ =	sdelay $0x3  }
0x634: {  	[tilespmem:v2+s20+$0x0] =	vst.idx.msk $0xffff, v1;
	v2 =	vld [tilespmem:$0x1FE80]  }
0x635: {  	v1 =	vld.idx.msk [tilespmem:v3+s15+$0x0], $0xffff  }
0x636: {  	v3 =	vld [tilespmem:$0x1F6C0];
	_ =	sdelay $0x3  }
0x637: {  	v2 =	vor.u32 s29, v2  }
0x638: {  	v3 =	vor.u32 v3, v0;
	_ =	sdelay $0x3  }
0x639: {  	[tilespmem:v2+s20+$0x0] =	vst.idx.msk $0xffff, v1;
	v2 =	vld [tilespmem:$0x1FE90]  }
0x63a: {  	v1 =	vld.idx.msk [tilespmem:v3+s15+$0x0], $0xffff  }
0x63b: {  	v3 =	vld [tilespmem:$0x1F6D0];
	_ =	sdelay $0x3  }
0x63c: {  	v2 =	vor.u32 s29, v2  }
0x63d: {  	v3 =	vor.u32 v3, v0;
	_ =	sdelay $0x3  }
0x63e: {  	[tilespmem:v2+s20+$0x0] =	vst.idx.msk $0xffff, v1;
	v2 =	vld [tilespmem:$0x1F6E0]  }
0x63f: {  	v1 =	vld.idx.msk [tilespmem:v3+s15+$0x0], $0xffff  }
0x640: {  	v3 =	vld [tilespmem:$0x1F6F0];
	_ =	sdelay $0x3  }
0x641: {  	v2 =	vor.u32 s29, v2  }
0x642: {  	v3 =	vor.u32 v3, v0;
	_ =	sdelay $0x3  }
0x643: {  	[tilespmem:v2+s20+$0x0] =	vst.idx.msk $0xffff, v1;
	v2 =	vld [tilespmem:$0x1FEA0]  }
0x644: {  	v1 =	vld.idx.msk [tilespmem:v3+s15+$0x0], $0xffff  }
0x645: {  	v3 =	vld [tilespmem:$0x1F700];
	_ =	sdelay $0x3  }
0x646: {  	v2 =	vor.u32 s29, v2  }
0x647: {  	v3 =	vor.u32 v3, v0;
	_ =	sdelay $0x3  }
0x648: {  	[tilespmem:v2+s20+$0x0] =	vst.idx.msk $0xffff, v1;
	v2 =	vld [tilespmem:$0x1FEB0]  }
0x649: {  	v1 =	vld.idx.msk [tilespmem:v3+s15+$0x0], $0xffff  }
0x64a: {  	v3 =	vld [tilespmem:$0x1F710];
	_ =	sdelay $0x3  }
0x64b: {  	v2 =	vor.u32 s29, v2  }
0x64c: {  	v3 =	vor.u32 v3, v0;
	_ =	sdelay $0x3  }
0x64d: {  	[tilespmem:v2+s20+$0x0] =	vst.idx.msk $0xffff, v1;
	v2 =	vld [tilespmem:$0x1FAE0]  }
0x64e: {  	v1 =	vld.idx.msk [tilespmem:v3+s15+$0x0], $0xffff  }
0x64f: {  	v3 =	vld [tilespmem:$0x1F720];
	_ =	sdelay $0x3  }
0x650: {  	v2 =	vor.u32 s29, v2  }
0x651: {  	v3 =	vor.u32 v3, v0;
	_ =	sdelay $0x3  }
0x652: {  	[tilespmem:v2+s20+$0x0] =	vst.idx.msk $0xffff, v1  }
0x653: {  	v1 =	vld.idx.msk [tilespmem:v3+s15+$0x0], $0xffff  }
0x654: {  	v3 =	vld [tilespmem:$0x1F400];
	_ =	sdelay $0x3  }
0x655: {  	v2 =	vor.u32 s29, v50  }
0x656: {  	v3 =	vor.u32 v3, v0;
	_ =	sdelay $0x3  }
0x657: {  	[tilespmem:v2+s20+$0x0] =	vst.idx.msk $0xffff, v1  }
0x658: {  	v1 =	vld.idx.msk [tilespmem:v3+s15+$0x0], $0xffff  }
0x659: {  	v3 =	vld [tilespmem:$0x1F410];
	_ =	sdelay $0x3  }
0x65a: {  	v2 =	vor.u32 s29, v9  }
0x65b: {  	v3 =	vor.u32 v3, v0;
	_ =	sdelay $0x3  }
0x65c: {  	[tilespmem:v2+s20+$0x0] =	vst.idx.msk $0xffff, v1  }
0x65d: {  	v1 =	vld.idx.msk [tilespmem:v3+s15+$0x0], $0xffff  }
0x65e: {  	v3 =	vld [tilespmem:$0x1F420];
	_ =	sdelay $0x3  }
0x65f: {  	v2 =	vor.u32 s29, v51  }
0x660: {  	v3 =	vor.u32 v3, v0;
	_ =	sdelay $0x3  }
0x661: {  	[tilespmem:v2+s20+$0x0] =	vst.idx.msk $0xffff, v1  }
0x662: {  	v1 =	vld.idx.msk [tilespmem:v3+s15+$0x0], $0xffff  }
0x663: {  	v3 =	vld [tilespmem:$0x1F430];
	_ =	sdelay $0x3  }
0x664: {  	v2 =	vor.u32 s29, v7  }
0x665: {  	v3 =	vor.u32 v3, v0;
	_ =	sdelay $0x3  }
0x666: {  	[tilespmem:v2+s20+$0x0] =	vst.idx.msk $0xffff, v1  }
0x667: {  	v1 =	vld.idx.msk [tilespmem:v3+s15+$0x0], $0xffff  }
0x668: {  	v3 =	vld [tilespmem:$0x1F440];
	_ =	sdelay $0x3  }
0x669: {  	v2 =	vor.u32 s29, v5  }
0x66a: {  	v3 =	vor.u32 v3, v0;
	_ =	sdelay $0x3  }
0x66b: {  	[tilespmem:v2+s20+$0x0] =	vst.idx.msk $0xffff, v1;
	v2 =	vld [tilespmem:$0x1FEC0]  }
0x66c: {  	v1 =	vld.idx.msk [tilespmem:v3+s15+$0x0], $0xffff  }
0x66d: {  	v3 =	vld [tilespmem:$0x1F450];
	_ =	sdelay $0x3  }
0x66e: {  	v2 =	vor.u32 s29, v2  }
0x66f: {  	v3 =	vor.u32 v3, v0;
	_ =	sdelay $0x3  }
0x670: {  	[tilespmem:v2+s20+$0x0] =	vst.idx.msk $0xffff, v1  }
0x671: {  	v1 =	vld.idx.msk [tilespmem:v3+s15+$0x0], $0xffff  }
0x672: {  	v3 =	vld [tilespmem:$0x1F460];
	_ =	sdelay $0x3  }
0x673: {  	v2 =	vor.u32 s29, v53  }
0x674: {  	v3 =	vor.u32 v3, v0;
	_ =	sdelay $0x3  }
0x675: {  	[tilespmem:v2+s20+$0x0] =	vst.idx.msk $0xffff, v1  }
0x676: {  	v1 =	vld.idx.msk [tilespmem:v3+s15+$0x0], $0xffff  }
0x677: {  	v3 =	vld [tilespmem:$0x1F470];
	_ =	sdelay $0x3  }
0x678: {  	v2 =	vor.u32 s29, v31  }
0x679: {  	v3 =	vor.u32 v3, v0;
	_ =	sdelay $0x3  }
0x67a: {  	[tilespmem:v2+s20+$0x0] =	vst.idx.msk $0xffff, v1  }
0x67b: {  	v1 =	vld.idx.msk [tilespmem:v3+s15+$0x0], $0xffff  }
0x67c: {  	v3 =	vld [tilespmem:$0x1F480];
	_ =	sdelay $0x3  }
0x67d: {  	v2 =	vor.u32 s29, v21  }
0x67e: {  	v3 =	vor.u32 v3, v0;
	_ =	sdelay $0x3  }
0x67f: {  	[tilespmem:v2+s20+$0x0] =	vst.idx.msk $0xffff, v1  }
0x680: {  	v1 =	vld.idx.msk [tilespmem:v3+s15+$0x0], $0xffff  }
0x681: {  	v3 =	vld [tilespmem:$0x1F490];
	_ =	sdelay $0x3  }
0x682: {  	v2 =	vor.u32 s29, v33  }
0x683: {  	v3 =	vor.u32 v3, v0;
	_ =	sdelay $0x3  }
0x684: {  	[tilespmem:v2+s20+$0x0] =	vst.idx.msk $0xffff, v1  }
0x685: {  	v2 =	vor.u32 s29, v57;
	v1 =	vld.idx.msk [tilespmem:v3+s15+$0x0], $0xffff;
	_ =	sdelay $0x4  }
0x686: {  	[tilespmem:v2+s20+$0x0] =	vst.idx.msk $0xffff, v1;
	v1 =	vld [tilespmem:$0x1F4A0];
	_ =	sdelay $0x3  }
0x687: {  	s25 =	simm.s32 $0x10  }
0x688: {  	s30 =	simm.s32 $0x20;
	v0 =	vor.u32 v1, v0;
	v1 =	vmov s25  }
.LBB2_8:
0x689: {  	_ =	sdelay $0x2  }
0x68a: {  	v1 =	vshll.u32 v1, $0x6  }
0x68b: {  	v2 =	vld.idx.msk [tilespmem:v0+s15+$0x0], $0xffff;
	v3 =	vlaneseq.u32;
	v0 =	vor.u32 v59, v1;
	v1 =	vor.u32 s29, v26  }
0x68c: {  	v3 =	vor.u32 v3, v0;
	_ =	sdelay $0x3  }
0x68d: {  	s29 =	smov.u32 s25;
	[tilespmem:v1+s20+$0x0] =	vst.idx.msk $0xffff, v2  }
0x68e: {  	v2 =	vor.u32 s29, v60;
	v1 =	vld.idx.msk [tilespmem:v3+s15+$0x0], $0xffff  }
0x68f: {  	v3 =	vor.u32 v4, v0;
	_ =	sdelay $0x3  }
0x690: {  	[tilespmem:v2+s20+$0x0] =	vst.idx.msk $0xffff, v1  }
0x691: {  	v2 =	vor.u32 s29, v39;
	v1 =	vld.idx.msk [tilespmem:v3+s15+$0x0], $0xffff  }
0x692: {  	v3 =	vor.u32 v43, v0;
	_ =	sdelay $0x3  }
0x693: {  	[tilespmem:v2+s20+$0x0] =	vst.idx.msk $0xffff, v1  }
0x694: {  	v2 =	vor.u32 s29, v34;
	v1 =	vld.idx.msk [tilespmem:v3+s15+$0x0], $0xffff  }
0x695: {  	v3 =	vor.u32 v44, v0;
	_ =	sdelay $0x3  }
0x696: {  	[tilespmem:v2+s20+$0x0] =	vst.idx.msk $0xffff, v1  }
0x697: {  	v2 =	vor.u32 s29, v29;
	v1 =	vld.idx.msk [tilespmem:v3+s15+$0x0], $0xffff  }
0x698: {  	v3 =	vor.u32 v17, v0;
	_ =	sdelay $0x3  }
0x699: {  	[tilespmem:v2+s20+$0x0] =	vst.idx.msk $0xffff, v1  }
0x69a: {  	v2 =	vor.u32 s29, v11;
	v1 =	vld.idx.msk [tilespmem:v3+s15+$0x0], $0xffff  }
0x69b: {  	v3 =	vor.u32 v54, v0;
	_ =	sdelay $0x3  }
0x69c: {  	[tilespmem:v2+s20+$0x0] =	vst.idx.msk $0xffff, v1  }
0x69d: {  	v2 =	vor.u32 s29, v55;
	v1 =	vld.idx.msk [tilespmem:v3+s15+$0x0], $0xffff  }
0x69e: {  	v3 =	vor.u32 v56, v0;
	_ =	sdelay $0x3  }
0x69f: {  	[tilespmem:v2+s20+$0x0] =	vst.idx.msk $0xffff, v1  }
0x6a0: {  	v2 =	vor.u32 s29, v22;
	v1 =	vld.idx.msk [tilespmem:v3+s15+$0x0], $0xffff  }
0x6a1: {  	v3 =	vor.u32 v58, v0;
	_ =	sdelay $0x3  }
0x6a2: {  	[tilespmem:v2+s20+$0x0] =	vst.idx.msk $0xffff, v1  }
0x6a3: {  	v2 =	vor.u32 s29, v40;
	v1 =	vld.idx.msk [tilespmem:v3+s15+$0x0], $0xffff  }
0x6a4: {  	v3 =	vor.u32 v47, v0;
	_ =	sdelay $0x3  }
0x6a5: {  	[tilespmem:v2+s20+$0x0] =	vst.idx.msk $0xffff, v1  }
0x6a6: {  	v2 =	vor.u32 s29, v23;
	v1 =	vld.idx.msk [tilespmem:v3+s15+$0x0], $0xffff  }
0x6a7: {  	v3 =	vor.u32 v62, v0;
	_ =	sdelay $0x3  }
0x6a8: {  	[tilespmem:v2+s20+$0x0] =	vst.idx.msk $0xffff, v1  }
0x6a9: {  	v2 =	vor.u32 s29, v63;
	v1 =	vld.idx.msk [tilespmem:v3+s15+$0x0], $0xffff  }
0x6aa: {  	v3 =	vor.u32 v45, v0;
	_ =	sdelay $0x3  }
0x6ab: {  	[tilespmem:v2+s20+$0x0] =	vst.idx.msk $0xffff, v1  }
0x6ac: {  	v2 =	vor.u32 s29, v28;
	v1 =	vld.idx.msk [tilespmem:v3+s15+$0x0], $0xffff  }
0x6ad: {  	v3 =	vor.u32 v52, v0;
	_ =	sdelay $0x3  }
0x6ae: {  	[tilespmem:v2+s20+$0x0] =	vst.idx.msk $0xffff, v1  }
0x6af: {  	v2 =	vor.u32 s29, v24;
	v1 =	vld.idx.msk [tilespmem:v3+s15+$0x0], $0xffff  }
0x6b0: {  	v3 =	vor.u32 v37, v0;
	_ =	sdelay $0x3  }
0x6b1: {  	[tilespmem:v2+s20+$0x0] =	vst.idx.msk $0xffff, v1  }
0x6b2: {  	v2 =	vor.u32 s29, v42;
	v1 =	vld.idx.msk [tilespmem:v3+s15+$0x0], $0xffff  }
0x6b3: {  	v3 =	vor.u32 v48, v0;
	_ =	sdelay $0x3  }
0x6b4: {  	[tilespmem:v2+s20+$0x0] =	vst.idx.msk $0xffff, v1  }
0x6b5: {  	v2 =	vor.u32 s29, v12;
	v1 =	vld.idx.msk [tilespmem:v3+s15+$0x0], $0xffff  }
0x6b6: {  	v3 =	vor.u32 v13, v0;
	_ =	sdelay $0x3  }
0x6b7: {  	[tilespmem:v2+s20+$0x0] =	vst.idx.msk $0xffff, v1  }
0x6b8: {  	v2 =	vor.u32 s29, v14;
	v1 =	vld.idx.msk [tilespmem:v3+s15+$0x0], $0xffff  }
0x6b9: {  	v3 =	vor.u32 v15, v0;
	_ =	sdelay $0x3  }
0x6ba: {  	[tilespmem:v2+s20+$0x0] =	vst.idx.msk $0xffff, v1  }
0x6bb: {  	v2 =	vor.u32 s29, v16;
	v1 =	vld.idx.msk [tilespmem:v3+s15+$0x0], $0xffff  }
0x6bc: {  	v3 =	vor.u32 v32, v0;
	_ =	sdelay $0x3  }
0x6bd: {  	[tilespmem:v2+s20+$0x0] =	vst.idx.msk $0xffff, v1;
	v2 =	vld [tilespmem:$0x1FF10]  }
0x6be: {  	v1 =	vld.idx.msk [tilespmem:v3+s15+$0x0], $0xffff  }
0x6bf: {  	v3 =	vld [tilespmem:$0x1FF00];
	_ =	sdelay $0x3  }
0x6c0: {  	v2 =	vor.u32 s29, v2  }
0x6c1: {  	v3 =	vor.u32 v3, v0;
	_ =	sdelay $0x3  }
0x6c2: {  	[tilespmem:v2+s20+$0x0] =	vst.idx.msk $0xffff, v1;
	v2 =	vld [tilespmem:$0x1F810]  }
0x6c3: {  	v1 =	vld.idx.msk [tilespmem:v3+s15+$0x0], $0xffff  }
0x6c4: {  	v3 =	vld [tilespmem:$0x1FF20];
	_ =	sdelay $0x3  }
0x6c5: {  	v2 =	vor.u32 s29, v2  }
0x6c6: {  	v3 =	vor.u32 v3, v0;
	_ =	sdelay $0x3  }
0x6c7: {  	[tilespmem:v2+s20+$0x0] =	vst.idx.msk $0xffff, v1;
	v2 =	vld [tilespmem:$0x1F820]  }
0x6c8: {  	v1 =	vld.idx.msk [tilespmem:v3+s15+$0x0], $0xffff  }
0x6c9: {  	v3 =	vld [tilespmem:$0x1F4B0];
	_ =	sdelay $0x3  }
0x6ca: {  	v2 =	vor.u32 s29, v2  }
0x6cb: {  	v3 =	vor.u32 v3, v0;
	_ =	sdelay $0x3  }
0x6cc: {  	[tilespmem:v2+s20+$0x0] =	vst.idx.msk $0xffff, v1;
	v2 =	vld [tilespmem:$0x1F870]  }
0x6cd: {  	v1 =	vld.idx.msk [tilespmem:v3+s15+$0x0], $0xffff  }
0x6ce: {  	v3 =	vld [tilespmem:$0x1F4C0];
	_ =	sdelay $0x3  }
0x6cf: {  	v2 =	vor.u32 s29, v2  }
0x6d0: {  	v3 =	vor.u32 v3, v0;
	_ =	sdelay $0x3  }
0x6d1: {  	[tilespmem:v2+s20+$0x0] =	vst.idx.msk $0xffff, v1  }
0x6d2: {  	v1 =	vld.idx.msk [tilespmem:v3+s15+$0x0], $0xffff  }
0x6d3: {  	v3 =	vld [tilespmem:$0x1F4D0];
	_ =	sdelay $0x3  }
0x6d4: {  	v2 =	vor.u32 s29, v6  }
0x6d5: {  	v3 =	vor.u32 v3, v0;
	_ =	sdelay $0x3  }
0x6d6: {  	[tilespmem:v2+s20+$0x0] =	vst.idx.msk $0xffff, v1  }
0x6d7: {  	v1 =	vld.idx.msk [tilespmem:v3+s15+$0x0], $0xffff  }
0x6d8: {  	v3 =	vld [tilespmem:$0x1F4E0];
	_ =	sdelay $0x3  }
0x6d9: {  	v2 =	vor.u32 s29, v25  }
0x6da: {  	v3 =	vor.u32 v3, v0;
	_ =	sdelay $0x3  }
0x6db: {  	[tilespmem:v2+s20+$0x0] =	vst.idx.msk $0xffff, v1;
	v2 =	vld [tilespmem:$0x1F8C0]  }
0x6dc: {  	v1 =	vld.idx.msk [tilespmem:v3+s15+$0x0], $0xffff  }
0x6dd: {  	v3 =	vld [tilespmem:$0x1F4F0];
	_ =	sdelay $0x3  }
0x6de: {  	v2 =	vor.u32 s29, v2  }
0x6df: {  	v3 =	vor.u32 v3, v0;
	_ =	sdelay $0x3  }
0x6e0: {  	[tilespmem:v2+s20+$0x0] =	vst.idx.msk $0xffff, v1;
	v2 =	vld [tilespmem:$0x1F8D0]  }
0x6e1: {  	v1 =	vld.idx.msk [tilespmem:v3+s15+$0x0], $0xffff  }
0x6e2: {  	v3 =	vld [tilespmem:$0x1F500];
	_ =	sdelay $0x3  }
0x6e3: {  	v2 =	vor.u32 s29, v2  }
0x6e4: {  	v3 =	vor.u32 v3, v0;
	_ =	sdelay $0x3  }
0x6e5: {  	[tilespmem:v2+s20+$0x0] =	vst.idx.msk $0xffff, v1;
	v2 =	vld [tilespmem:$0x1F8E0]  }
0x6e6: {  	v1 =	vld.idx.msk [tilespmem:v3+s15+$0x0], $0xffff  }
0x6e7: {  	v3 =	vld [tilespmem:$0x1F510];
	_ =	sdelay $0x3  }
0x6e8: {  	v2 =	vor.u32 s29, v2  }
0x6e9: {  	v3 =	vor.u32 v3, v0;
	_ =	sdelay $0x3  }
0x6ea: {  	[tilespmem:v2+s20+$0x0] =	vst.idx.msk $0xffff, v1  }
0x6eb: {  	v1 =	vld.idx.msk [tilespmem:v3+s15+$0x0], $0xffff  }
0x6ec: {  	v3 =	vld [tilespmem:$0x1F520];
	_ =	sdelay $0x3  }
0x6ed: {  	v2 =	vor.u32 s29, v18  }
0x6ee: {  	v3 =	vor.u32 v3, v0;
	_ =	sdelay $0x3  }
0x6ef: {  	[tilespmem:v2+s20+$0x0] =	vst.idx.msk $0xffff, v1;
	v2 =	vld [tilespmem:$0x1F900]  }
0x6f0: {  	v1 =	vld.idx.msk [tilespmem:v3+s15+$0x0], $0xffff  }
0x6f1: {  	v3 =	vld [tilespmem:$0x1F530];
	_ =	sdelay $0x3  }
0x6f2: {  	v2 =	vor.u32 s29, v2  }
0x6f3: {  	v3 =	vor.u32 v3, v0;
	_ =	sdelay $0x3  }
0x6f4: {  	[tilespmem:v2+s20+$0x0] =	vst.idx.msk $0xffff, v1  }
0x6f5: {  	v1 =	vld.idx.msk [tilespmem:v3+s15+$0x0], $0xffff  }
0x6f6: {  	v3 =	vld [tilespmem:$0x1F540];
	_ =	sdelay $0x3  }
0x6f7: {  	v2 =	vor.u32 s29, v20  }
0x6f8: {  	v3 =	vor.u32 v3, v0;
	_ =	sdelay $0x3  }
0x6f9: {  	[tilespmem:v2+s20+$0x0] =	vst.idx.msk $0xffff, v1;
	v2 =	vld [tilespmem:$0x1F920]  }
0x6fa: {  	v1 =	vld.idx.msk [tilespmem:v3+s15+$0x0], $0xffff  }
0x6fb: {  	v3 =	vld [tilespmem:$0x1F550];
	_ =	sdelay $0x3  }
0x6fc: {  	v2 =	vor.u32 s29, v2  }
0x6fd: {  	v3 =	vor.u32 v3, v0;
	_ =	sdelay $0x3  }
0x6fe: {  	[tilespmem:v2+s20+$0x0] =	vst.idx.msk $0xffff, v1;
	v2 =	vld [tilespmem:$0x1F930]  }
0x6ff: {  	v1 =	vld.idx.msk [tilespmem:v3+s15+$0x0], $0xffff  }
0x700: {  	v3 =	vld [tilespmem:$0x1F560];
	_ =	sdelay $0x3  }
0x701: {  	v2 =	vor.u32 s29, v2  }
0x702: {  	v3 =	vor.u32 v3, v0;
	_ =	sdelay $0x3  }
0x703: {  	[tilespmem:v2+s20+$0x0] =	vst.idx.msk $0xffff, v1;
	v2 =	vld [tilespmem:$0x1F940]  }
0x704: {  	v1 =	vld.idx.msk [tilespmem:v3+s15+$0x0], $0xffff  }
0x705: {  	v3 =	vld [tilespmem:$0x1F570];
	_ =	sdelay $0x3  }
0x706: {  	v2 =	vor.u32 s29, v2  }
0x707: {  	v3 =	vor.u32 v3, v0;
	_ =	sdelay $0x3  }
0x708: {  	[tilespmem:v2+s20+$0x0] =	vst.idx.msk $0xffff, v1;
	v2 =	vld [tilespmem:$0x1F950]  }
0x709: {  	v1 =	vld.idx.msk [tilespmem:v3+s15+$0x0], $0xffff  }
0x70a: {  	v3 =	vld [tilespmem:$0x1F580];
	_ =	sdelay $0x3  }
0x70b: {  	v2 =	vor.u32 s29, v2  }
0x70c: {  	v3 =	vor.u32 v3, v0;
	_ =	sdelay $0x3  }
0x70d: {  	[tilespmem:v2+s20+$0x0] =	vst.idx.msk $0xffff, v1;
	v2 =	vld [tilespmem:$0x1F590]  }
0x70e: {  	v1 =	vld.idx.msk [tilespmem:v3+s15+$0x0], $0xffff  }
0x70f: {  	v3 =	vld [tilespmem:$0x1F5A0];
	_ =	sdelay $0x3  }
0x710: {  	v2 =	vor.u32 s29, v2  }
0x711: {  	v3 =	vor.u32 v3, v0;
	_ =	sdelay $0x3  }
0x712: {  	[tilespmem:v2+s20+$0x0] =	vst.idx.msk $0xffff, v1;
	v2 =	vld [tilespmem:$0x1F9A0]  }
0x713: {  	v1 =	vld.idx.msk [tilespmem:v3+s15+$0x0], $0xffff  }
0x714: {  	v3 =	vld [tilespmem:$0x1F5B0];
	_ =	sdelay $0x3  }
0x715: {  	v2 =	vor.u32 s29, v2  }
0x716: {  	v3 =	vor.u32 v3, v0;
	_ =	sdelay $0x3  }
0x717: {  	[tilespmem:v2+s20+$0x0] =	vst.idx.msk $0xffff, v1;
	v2 =	vld [tilespmem:$0x1F9B0]  }
0x718: {  	v1 =	vld.idx.msk [tilespmem:v3+s15+$0x0], $0xffff  }
0x719: {  	v3 =	vld [tilespmem:$0x1F5C0];
	_ =	sdelay $0x3  }
0x71a: {  	v2 =	vor.u32 s29, v2  }
0x71b: {  	v3 =	vor.u32 v3, v0;
	_ =	sdelay $0x3  }
0x71c: {  	[tilespmem:v2+s20+$0x0] =	vst.idx.msk $0xffff, v1;
	v2 =	vld [tilespmem:$0x1F9D0]  }
0x71d: {  	v1 =	vld.idx.msk [tilespmem:v3+s15+$0x0], $0xffff  }
0x71e: {  	v3 =	vld [tilespmem:$0x1F5D0];
	_ =	sdelay $0x3  }
0x71f: {  	v2 =	vor.u32 s29, v2  }
0x720: {  	v3 =	vor.u32 v3, v0;
	_ =	sdelay $0x3  }
0x721: {  	[tilespmem:v2+s20+$0x0] =	vst.idx.msk $0xffff, v1;
	v2 =	vld [tilespmem:$0x1F9E0]  }
0x722: {  	v1 =	vld.idx.msk [tilespmem:v3+s15+$0x0], $0xffff  }
0x723: {  	v3 =	vld [tilespmem:$0x1F5E0];
	_ =	sdelay $0x3  }
0x724: {  	v2 =	vor.u32 s29, v2  }
0x725: {  	v3 =	vor.u32 v3, v0;
	_ =	sdelay $0x3  }
0x726: {  	[tilespmem:v2+s20+$0x0] =	vst.idx.msk $0xffff, v1;
	v2 =	vld [tilespmem:$0x1F9F0]  }
0x727: {  	v1 =	vld.idx.msk [tilespmem:v3+s15+$0x0], $0xffff  }
0x728: {  	v3 =	vld [tilespmem:$0x1F5F0];
	_ =	sdelay $0x3  }
0x729: {  	v2 =	vor.u32 s29, v2  }
0x72a: {  	v3 =	vor.u32 v3, v0;
	_ =	sdelay $0x3  }
0x72b: {  	[tilespmem:v2+s20+$0x0] =	vst.idx.msk $0xffff, v1;
	v2 =	vld [tilespmem:$0x1FA30]  }
0x72c: {  	v1 =	vld.idx.msk [tilespmem:v3+s15+$0x0], $0xffff  }
0x72d: {  	v3 =	vld [tilespmem:$0x1F600];
	_ =	sdelay $0x3  }
0x72e: {  	v2 =	vor.u32 s29, v2  }
0x72f: {  	v3 =	vor.u32 v3, v0;
	_ =	sdelay $0x3  }
0x730: {  	[tilespmem:v2+s20+$0x0] =	vst.idx.msk $0xffff, v1;
	v2 =	vld [tilespmem:$0x1FA40]  }
0x731: {  	v1 =	vld.idx.msk [tilespmem:v3+s15+$0x0], $0xffff  }
0x732: {  	v3 =	vld [tilespmem:$0x1F610];
	_ =	sdelay $0x3  }
0x733: {  	v2 =	vor.u32 s29, v2  }
0x734: {  	v3 =	vor.u32 v3, v0;
	_ =	sdelay $0x3  }
0x735: {  	[tilespmem:v2+s20+$0x0] =	vst.idx.msk $0xffff, v1;
	v2 =	vld [tilespmem:$0x1FE30]  }
0x736: {  	v1 =	vld.idx.msk [tilespmem:v3+s15+$0x0], $0xffff  }
0x737: {  	v3 =	vld [tilespmem:$0x1F640];
	_ =	sdelay $0x3  }
0x738: {  	v2 =	vor.u32 s29, v2  }
0x739: {  	v3 =	vor.u32 v3, v0;
	_ =	sdelay $0x3  }
0x73a: {  	[tilespmem:v2+s20+$0x0] =	vst.idx.msk $0xffff, v1;
	v2 =	vld [tilespmem:$0x1FE40]  }
0x73b: {  	v1 =	vld.idx.msk [tilespmem:v3+s15+$0x0], $0xffff  }
0x73c: {  	v3 =	vld [tilespmem:$0x1F670];
	_ =	sdelay $0x3  }
0x73d: {  	v2 =	vor.u32 s29, v2  }
0x73e: {  	v3 =	vor.u32 v3, v0;
	_ =	sdelay $0x3  }
0x73f: {  	[tilespmem:v2+s20+$0x0] =	vst.idx.msk $0xffff, v1;
	v2 =	vld [tilespmem:$0x1FE50]  }
0x740: {  	v1 =	vld.idx.msk [tilespmem:v3+s15+$0x0], $0xffff  }
0x741: {  	v3 =	vld [tilespmem:$0x1F680];
	_ =	sdelay $0x3  }
0x742: {  	v2 =	vor.u32 s29, v2  }
0x743: {  	v3 =	vor.u32 v3, v0;
	_ =	sdelay $0x3  }
0x744: {  	[tilespmem:v2+s20+$0x0] =	vst.idx.msk $0xffff, v1;
	v2 =	vld [tilespmem:$0x1FE60]  }
0x745: {  	v1 =	vld.idx.msk [tilespmem:v3+s15+$0x0], $0xffff  }
0x746: {  	v3 =	vld [tilespmem:$0x1F690];
	_ =	sdelay $0x3  }
0x747: {  	v2 =	vor.u32 s29, v2  }
0x748: {  	v3 =	vor.u32 v3, v0;
	_ =	sdelay $0x3  }
0x749: {  	[tilespmem:v2+s20+$0x0] =	vst.idx.msk $0xffff, v1;
	v2 =	vld [tilespmem:$0x1FA50]  }
0x74a: {  	v1 =	vld.idx.msk [tilespmem:v3+s15+$0x0], $0xffff  }
0x74b: {  	v3 =	vld [tilespmem:$0x1F6A0];
	_ =	sdelay $0x3  }
0x74c: {  	v2 =	vor.u32 s29, v2  }
0x74d: {  	v3 =	vor.u32 v3, v0;
	_ =	sdelay $0x3  }
0x74e: {  	[tilespmem:v2+s20+$0x0] =	vst.idx.msk $0xffff, v1;
	v2 =	vld [tilespmem:$0x1FE70]  }
0x74f: {  	v1 =	vld.idx.msk [tilespmem:v3+s15+$0x0], $0xffff  }
0x750: {  	v3 =	vld [tilespmem:$0x1F6B0];
	_ =	sdelay $0x3  }
0x751: {  	v2 =	vor.u32 s29, v2  }
0x752: {  	v3 =	vor.u32 v3, v0;
	_ =	sdelay $0x3  }
0x753: {  	[tilespmem:v2+s20+$0x0] =	vst.idx.msk $0xffff, v1;
	v2 =	vld [tilespmem:$0x1FE80]  }
0x754: {  	v1 =	vld.idx.msk [tilespmem:v3+s15+$0x0], $0xffff  }
0x755: {  	v3 =	vld [tilespmem:$0x1F6C0];
	_ =	sdelay $0x3  }
0x756: {  	v2 =	vor.u32 s29, v2  }
0x757: {  	v3 =	vor.u32 v3, v0;
	_ =	sdelay $0x3  }
0x758: {  	[tilespmem:v2+s20+$0x0] =	vst.idx.msk $0xffff, v1;
	v2 =	vld [tilespmem:$0x1FE90]  }
0x759: {  	v1 =	vld.idx.msk [tilespmem:v3+s15+$0x0], $0xffff  }
0x75a: {  	v3 =	vld [tilespmem:$0x1F6D0];
	_ =	sdelay $0x3  }
0x75b: {  	v2 =	vor.u32 s29, v2  }
0x75c: {  	v3 =	vor.u32 v3, v0;
	_ =	sdelay $0x3  }
0x75d: {  	[tilespmem:v2+s20+$0x0] =	vst.idx.msk $0xffff, v1;
	v2 =	vld [tilespmem:$0x1F6E0]  }
0x75e: {  	v1 =	vld.idx.msk [tilespmem:v3+s15+$0x0], $0xffff  }
0x75f: {  	v3 =	vld [tilespmem:$0x1F6F0];
	_ =	sdelay $0x3  }
0x760: {  	v2 =	vor.u32 s29, v2  }
0x761: {  	v3 =	vor.u32 v3, v0;
	_ =	sdelay $0x3  }
0x762: {  	[tilespmem:v2+s20+$0x0] =	vst.idx.msk $0xffff, v1;
	v2 =	vld [tilespmem:$0x1FEA0]  }
0x763: {  	v1 =	vld.idx.msk [tilespmem:v3+s15+$0x0], $0xffff  }
0x764: {  	v3 =	vld [tilespmem:$0x1F700];
	_ =	sdelay $0x3  }
0x765: {  	v2 =	vor.u32 s29, v2  }
0x766: {  	v3 =	vor.u32 v3, v0;
	_ =	sdelay $0x3  }
0x767: {  	[tilespmem:v2+s20+$0x0] =	vst.idx.msk $0xffff, v1;
	v2 =	vld [tilespmem:$0x1FEB0]  }
0x768: {  	v1 =	vld.idx.msk [tilespmem:v3+s15+$0x0], $0xffff  }
0x769: {  	v3 =	vld [tilespmem:$0x1F710];
	_ =	sdelay $0x3  }
0x76a: {  	v2 =	vor.u32 s29, v2  }
0x76b: {  	v3 =	vor.u32 v3, v0;
	_ =	sdelay $0x3  }
0x76c: {  	[tilespmem:v2+s20+$0x0] =	vst.idx.msk $0xffff, v1;
	v2 =	vld [tilespmem:$0x1FAE0]  }
0x76d: {  	v1 =	vld.idx.msk [tilespmem:v3+s15+$0x0], $0xffff  }
0x76e: {  	v3 =	vld [tilespmem:$0x1F720];
	_ =	sdelay $0x3  }
0x76f: {  	v2 =	vor.u32 s29, v2  }
0x770: {  	v3 =	vor.u32 v3, v0;
	_ =	sdelay $0x3  }
0x771: {  	[tilespmem:v2+s20+$0x0] =	vst.idx.msk $0xffff, v1  }
0x772: {  	v2 =	vor.u32 s29, v50;
	v1 =	vld.idx.msk [tilespmem:v3+s15+$0x0], $0xffff  }
0x773: {  	v3 =	vor.u32 v10, v0;
	_ =	sdelay $0x3  }
0x774: {  	[tilespmem:v2+s20+$0x0] =	vst.idx.msk $0xffff, v1  }
0x775: {  	v2 =	vor.u32 s29, v9;
	v1 =	vld.idx.msk [tilespmem:v3+s15+$0x0], $0xffff  }
0x776: {  	v3 =	vor.u32 v36, v0;
	_ =	sdelay $0x3  }
0x777: {  	[tilespmem:v2+s20+$0x0] =	vst.idx.msk $0xffff, v1  }
0x778: {  	v2 =	vor.u32 s29, v51;
	v1 =	vld.idx.msk [tilespmem:v3+s15+$0x0], $0xffff  }
0x779: {  	v3 =	vor.u32 v35, v0;
	_ =	sdelay $0x3  }
0x77a: {  	[tilespmem:v2+s20+$0x0] =	vst.idx.msk $0xffff, v1  }
0x77b: {  	v2 =	vor.u32 s29, v7;
	v1 =	vld.idx.msk [tilespmem:v3+s15+$0x0], $0xffff  }
0x77c: {  	v3 =	vor.u32 v41, v0;
	_ =	sdelay $0x3  }
0x77d: {  	[tilespmem:v2+s20+$0x0] =	vst.idx.msk $0xffff, v1  }
0x77e: {  	v2 =	vor.u32 s29, v5;
	v1 =	vld.idx.msk [tilespmem:v3+s15+$0x0], $0xffff  }
0x77f: {  	v3 =	vor.u32 v61, v0;
	_ =	sdelay $0x3  }
0x780: {  	[tilespmem:v2+s20+$0x0] =	vst.idx.msk $0xffff, v1  }
0x781: {  	v2 =	vor.u32 s29, v38;
	v1 =	vld.idx.msk [tilespmem:v3+s15+$0x0], $0xffff  }
0x782: {  	v3 =	vor.u32 v8, v0;
	_ =	sdelay $0x3  }
0x783: {  	[tilespmem:v2+s20+$0x0] =	vst.idx.msk $0xffff, v1  }
0x784: {  	v2 =	vor.u32 s29, v53;
	v1 =	vld.idx.msk [tilespmem:v3+s15+$0x0], $0xffff  }
0x785: {  	v3 =	vor.u32 v46, v0;
	_ =	sdelay $0x3  }
0x786: {  	[tilespmem:v2+s20+$0x0] =	vst.idx.msk $0xffff, v1  }
0x787: {  	v2 =	vor.u32 s29, v31;
	v1 =	vld.idx.msk [tilespmem:v3+s15+$0x0], $0xffff  }
0x788: {  	v3 =	vor.u32 v30, v0;
	_ =	sdelay $0x3  }
0x789: {  	[tilespmem:v2+s20+$0x0] =	vst.idx.msk $0xffff, v1  }
0x78a: {  	v2 =	vor.u32 s29, v21;
	v1 =	vld.idx.msk [tilespmem:v3+s15+$0x0], $0xffff  }
0x78b: {  	v3 =	vor.u32 v27, v0;
	_ =	sdelay $0x3  }
0x78c: {  	[tilespmem:v2+s20+$0x0] =	vst.idx.msk $0xffff, v1  }
0x78d: {  	v2 =	vor.u32 s29, v33;
	v1 =	vld.idx.msk [tilespmem:v3+s15+$0x0], $0xffff  }
0x78e: {  	v3 =	vor.u32 v19, v0;
	_ =	sdelay $0x3  }
0x78f: {  	[tilespmem:v2+s20+$0x0] =	vst.idx.msk $0xffff, v1  }
0x790: {  	p1 =	sne.s32 s30, $0x70;
	v2 =	vld.idx.msk [tilespmem:v3+s15+$0x0], $0xffff;
	v3 =	vor.u32 s29, v57  }
.Ltmp5:
0x791: {  	_ = 	snop;
	(pc) =	sbr.rel @p1 .LBB2_8-.Ltmp5, $3  }
0x792: {  	_ =	sdelay $0x1  }
0x793: {  	s25 =	smov.u32 s30  }
0x794: {  	s30 =	sadd.s32 $0x10, s30;
	v0 =	vor.u32 v49, v0;
	v1 =	vmov s25;
	[tilespmem:v3+s20+$0x0] =	vst.idx.msk $0xffff, v2  }
0x795: {  	_ =	sdelay $0x2  }
0x796: {  	v1 =	vshll.u32 v1, $0x6  }
0x797: {  	v2 =	vld.idx.msk [tilespmem:v0+s15+$0x0], $0xffff;
	v3 =	vlaneseq.u32;
	v0 =	vor.u32 v59, v1;
	v59 =	vor.u32 s29, v26  }
0x798: {  	v3 =	vor.u32 v3, v0;
	_ =	sdelay $0x3  }
0x799: {  	[tilespmem:v59+s20+$0x0] =	vst.idx.msk $0xffff, v2  }
0x79a: {  	v60 =	vor.u32 s25, v60;
	v1 =	vld.idx.msk [tilespmem:v3+s15+$0x0], $0xffff  }
0x79b: {  	v3 =	vor.u32 v4, v0;
	_ =	sdelay $0x3  }
0x79c: {  	[tilespmem:v60+s20+$0x0] =	vst.idx.msk $0xffff, v1  }
0x79d: {  	v59 =	vor.u32 s25, v39;
	v1 =	vld.idx.msk [tilespmem:v3+s15+$0x0], $0xffff  }
0x79e: {  	v3 =	vor.u32 v43, v0;
	_ =	sdelay $0x3  }
0x79f: {  	[tilespmem:v59+s20+$0x0] =	vst.idx.msk $0xffff, v1  }
0x7a0: {  	v60 =	vor.u32 s25, v34;
	v1 =	vld.idx.msk [tilespmem:v3+s15+$0x0], $0xffff  }
0x7a1: {  	v3 =	vor.u32 v44, v0;
	_ =	sdelay $0x3  }
0x7a2: {  	[tilespmem:v60+s20+$0x0] =	vst.idx.msk $0xffff, v1  }
0x7a3: {  	v59 =	vor.u32 s25, v29;
	v1 =	vld.idx.msk [tilespmem:v3+s15+$0x0], $0xffff  }
0x7a4: {  	v3 =	vor.u32 v17, v0;
	_ =	sdelay $0x3  }
0x7a5: {  	[tilespmem:v59+s20+$0x0] =	vst.idx.msk $0xffff, v1  }
0x7a6: {  	v60 =	vor.u32 s25, v11;
	v1 =	vld.idx.msk [tilespmem:v3+s15+$0x0], $0xffff  }
0x7a7: {  	v3 =	vor.u32 v54, v0;
	_ =	sdelay $0x3  }
0x7a8: {  	[tilespmem:v60+s20+$0x0] =	vst.idx.msk $0xffff, v1  }
0x7a9: {  	v60 =	vor.u32 s25, v55;
	v1 =	vld.idx.msk [tilespmem:v3+s15+$0x0], $0xffff  }
0x7aa: {  	v3 =	vor.u32 v56, v0;
	_ =	sdelay $0x3  }
0x7ab: {  	[tilespmem:v60+s20+$0x0] =	vst.idx.msk $0xffff, v1  }
0x7ac: {  	v60 =	vor.u32 s25, v22;
	v1 =	vld.idx.msk [tilespmem:v3+s15+$0x0], $0xffff  }
0x7ad: {  	v3 =	vor.u32 v58, v0;
	_ =	sdelay $0x3  }
0x7ae: {  	[tilespmem:v60+s20+$0x0] =	vst.idx.msk $0xffff, v1  }
0x7af: {  	v60 =	vor.u32 s25, v40;
	v1 =	vld.idx.msk [tilespmem:v3+s15+$0x0], $0xffff  }
0x7b0: {  	v3 =	vor.u32 v47, v0;
	_ =	sdelay $0x3  }
0x7b1: {  	[tilespmem:v60+s20+$0x0] =	vst.idx.msk $0xffff, v1  }
0x7b2: {  	v60 =	vor.u32 s25, v23;
	v1 =	vld.idx.msk [tilespmem:v3+s15+$0x0], $0xffff  }
0x7b3: {  	v3 =	vor.u32 v62, v0;
	_ =	sdelay $0x3  }
0x7b4: {  	[tilespmem:v60+s20+$0x0] =	vst.idx.msk $0xffff, v1  }
0x7b5: {  	v60 =	vor.u32 s25, v63;
	v1 =	vld.idx.msk [tilespmem:v3+s15+$0x0], $0xffff  }
0x7b6: {  	v3 =	vor.u32 v45, v0;
	_ =	sdelay $0x3  }
0x7b7: {  	[tilespmem:v60+s20+$0x0] =	vst.idx.msk $0xffff, v1  }
0x7b8: {  	v60 =	vor.u32 s25, v28;
	v1 =	vld.idx.msk [tilespmem:v3+s15+$0x0], $0xffff  }
0x7b9: {  	v3 =	vor.u32 v52, v0;
	_ =	sdelay $0x3  }
0x7ba: {  	[tilespmem:v60+s20+$0x0] =	vst.idx.msk $0xffff, v1  }
0x7bb: {  	v60 =	vor.u32 s25, v24;
	v1 =	vld.idx.msk [tilespmem:v3+s15+$0x0], $0xffff  }
0x7bc: {  	v3 =	vor.u32 v37, v0;
	_ =	sdelay $0x3  }
0x7bd: {  	[tilespmem:v60+s20+$0x0] =	vst.idx.msk $0xffff, v1  }
0x7be: {  	v60 =	vor.u32 s25, v42;
	v1 =	vld.idx.msk [tilespmem:v3+s15+$0x0], $0xffff  }
0x7bf: {  	v3 =	vor.u32 v48, v0;
	_ =	sdelay $0x3  }
0x7c0: {  	[tilespmem:v60+s20+$0x0] =	vst.idx.msk $0xffff, v1  }
0x7c1: {  	v12 =	vor.u32 s25, v12;
	v1 =	vld.idx.msk [tilespmem:v3+s15+$0x0], $0xffff  }
0x7c2: {  	v3 =	vor.u32 v13, v0;
	_ =	sdelay $0x3  }
0x7c3: {  	[tilespmem:v12+s20+$0x0] =	vst.idx.msk $0xffff, v1  }
0x7c4: {  	v60 =	vor.u32 s25, v14;
	v1 =	vld.idx.msk [tilespmem:v3+s15+$0x0], $0xffff  }
0x7c5: {  	v3 =	vor.u32 v15, v0;
	_ =	sdelay $0x3  }
0x7c6: {  	[tilespmem:v60+s20+$0x0] =	vst.idx.msk $0xffff, v1  }
0x7c7: {  	v12 =	vor.u32 s25, v16;
	v1 =	vld.idx.msk [tilespmem:v3+s15+$0x0], $0xffff  }
0x7c8: {  	v3 =	vor.u32 v32, v0;
	_ =	sdelay $0x3  }
0x7c9: {  	v32 =	vld [tilespmem:$0x1FF10];
	[tilespmem:v12+s20+$0x0] =	vst.idx.msk $0xffff, v1  }
0x7ca: {  	v1 =	vld.idx.msk [tilespmem:v3+s15+$0x0], $0xffff  }
0x7cb: {  	v3 =	vld [tilespmem:$0x1FF00];
	_ =	sdelay $0x3  }
0x7cc: {  	v13 =	vor.u32 s25, v32  }
0x7cd: {  	v3 =	vor.u32 v3, v0;
	_ =	sdelay $0x3  }
0x7ce: {  	v14 =	vld [tilespmem:$0x1F810];
	[tilespmem:v13+s20+$0x0] =	vst.idx.msk $0xffff, v1  }
0x7cf: {  	v1 =	vld.idx.msk [tilespmem:v3+s15+$0x0], $0xffff  }
0x7d0: {  	v3 =	vld [tilespmem:$0x1FF20];
	_ =	sdelay $0x3  }
0x7d1: {  	v2 =	vor.u32 s25, v14  }
0x7d2: {  	v4 =	vmov v3;
	v3 =	vor.u32 v3, v0;
	_ =	sdelay $0x3  }
0x7d3: {  	v15 =	vld [tilespmem:$0x1F820];
	[tilespmem:v2+s20+$0x0] =	vst.idx.msk $0xffff, v1  }
0x7d4: {  	v1 =	vld.idx.msk [tilespmem:v3+s15+$0x0], $0xffff  }
0x7d5: {  	v3 =	vld [tilespmem:$0x1F4B0];
	_ =	sdelay $0x3  }
0x7d6: {  	v2 =	vor.u32 s25, v15  }
0x7d7: {  	v3 =	vor.u32 v3, v0;
	_ =	sdelay $0x3  }
0x7d8: {  	v16 =	vld [tilespmem:$0x1F870];
	[tilespmem:v2+s20+$0x0] =	vst.idx.msk $0xffff, v1  }
0x7d9: {  	v1 =	vld.idx.msk [tilespmem:v3+s15+$0x0], $0xffff  }
0x7da: {  	v3 =	vld [tilespmem:$0x1F4C0];
	_ =	sdelay $0x3  }
0x7db: {  	v2 =	vor.u32 s25, v16  }
0x7dc: {  	v3 =	vor.u32 v3, v0;
	_ =	sdelay $0x3  }
0x7dd: {  	[tilespmem:v2+s20+$0x0] =	vst.idx.msk $0xffff, v1  }
0x7de: {  	v1 =	vld.idx.msk [tilespmem:v3+s15+$0x0], $0xffff  }
0x7df: {  	v3 =	vld [tilespmem:$0x1F4D0];
	_ =	sdelay $0x3  }
0x7e0: {  	v60 =	vor.u32 s25, v6  }
0x7e1: {  	v3 =	vor.u32 v3, v0;
	_ =	sdelay $0x3  }
0x7e2: {  	[tilespmem:v60+s20+$0x0] =	vst.idx.msk $0xffff, v1  }
0x7e3: {  	v1 =	vld.idx.msk [tilespmem:v3+s15+$0x0], $0xffff  }
0x7e4: {  	v3 =	vld [tilespmem:$0x1F4E0];
	_ =	sdelay $0x3  }
0x7e5: {  	v12 =	vor.u32 s25, v25  }
0x7e6: {  	v3 =	vor.u32 v3, v0;
	_ =	sdelay $0x3  }
0x7e7: {  	v13 =	vld [tilespmem:$0x1F8C0];
	[tilespmem:v12+s20+$0x0] =	vst.idx.msk $0xffff, v1  }
0x7e8: {  	v1 =	vld.idx.msk [tilespmem:v3+s15+$0x0], $0xffff  }
0x7e9: {  	v3 =	vld [tilespmem:$0x1F4F0];
	_ =	sdelay $0x3  }
0x7ea: {  	v2 =	vor.u32 s25, v13  }
0x7eb: {  	v3 =	vor.u32 v3, v0;
	_ =	sdelay $0x3  }
0x7ec: {  	v14 =	vld [tilespmem:$0x1F8D0];
	[tilespmem:v2+s20+$0x0] =	vst.idx.msk $0xffff, v1  }
0x7ed: {  	v1 =	vld.idx.msk [tilespmem:v3+s15+$0x0], $0xffff  }
0x7ee: {  	v3 =	vld [tilespmem:$0x1F500];
	_ =	sdelay $0x3  }
0x7ef: {  	v2 =	vor.u32 s25, v14  }
0x7f0: {  	v3 =	vor.u32 v3, v0;
	_ =	sdelay $0x3  }
0x7f1: {  	v15 =	vld [tilespmem:$0x1F8E0];
	[tilespmem:v2+s20+$0x0] =	vst.idx.msk $0xffff, v1  }
0x7f2: {  	v1 =	vld.idx.msk [tilespmem:v3+s15+$0x0], $0xffff  }
0x7f3: {  	v3 =	vld [tilespmem:$0x1F510];
	_ =	sdelay $0x3  }
0x7f4: {  	v2 =	vor.u32 s25, v15  }
0x7f5: {  	v3 =	vor.u32 v3, v0;
	_ =	sdelay $0x3  }
0x7f6: {  	[tilespmem:v2+s20+$0x0] =	vst.idx.msk $0xffff, v1  }
0x7f7: {  	v1 =	vld.idx.msk [tilespmem:v3+s15+$0x0], $0xffff  }
0x7f8: {  	v3 =	vld [tilespmem:$0x1F520];
	_ =	sdelay $0x3  }
0x7f9: {  	v16 =	vor.u32 s25, v18  }
0x7fa: {  	v3 =	vor.u32 v3, v0;
	_ =	sdelay $0x3  }
0x7fb: {  	v18 =	vld [tilespmem:$0x1F900];
	[tilespmem:v16+s20+$0x0] =	vst.idx.msk $0xffff, v1  }
0x7fc: {  	v1 =	vld.idx.msk [tilespmem:v3+s15+$0x0], $0xffff  }
0x7fd: {  	v3 =	vld [tilespmem:$0x1F530];
	_ =	sdelay $0x3  }
0x7fe: {  	v2 =	vor.u32 s25, v18  }
0x7ff: {  	v3 =	vor.u32 v3, v0;
	_ =	sdelay $0x3  }
0x800: {  	[tilespmem:v2+s20+$0x0] =	vst.idx.msk $0xffff, v1  }
0x801: {  	v1 =	vld.idx.msk [tilespmem:v3+s15+$0x0], $0xffff  }
0x802: {  	v3 =	vld [tilespmem:$0x1F540];
	_ =	sdelay $0x3  }
0x803: {  	v60 =	vor.u32 s25, v20  }
0x804: {  	v3 =	vor.u32 v3, v0;
	_ =	sdelay $0x3  }
0x805: {  	v12 =	vld [tilespmem:$0x1F920];
	[tilespmem:v60+s20+$0x0] =	vst.idx.msk $0xffff, v1  }
0x806: {  	v1 =	vld.idx.msk [tilespmem:v3+s15+$0x0], $0xffff  }
0x807: {  	v3 =	vld [tilespmem:$0x1F550];
	_ =	sdelay $0x3  }
0x808: {  	v2 =	vor.u32 s25, v12  }
0x809: {  	v3 =	vor.u32 v3, v0;
	_ =	sdelay $0x3  }
0x80a: {  	v13 =	vld [tilespmem:$0x1F930];
	[tilespmem:v2+s20+$0x0] =	vst.idx.msk $0xffff, v1  }
0x80b: {  	v1 =	vld.idx.msk [tilespmem:v3+s15+$0x0], $0xffff  }
0x80c: {  	v3 =	vld [tilespmem:$0x1F560];
	_ =	sdelay $0x3  }
0x80d: {  	v2 =	vor.u32 s25, v13  }
0x80e: {  	v3 =	vor.u32 v3, v0;
	_ =	sdelay $0x3  }
0x80f: {  	v14 =	vld [tilespmem:$0x1F940];
	[tilespmem:v2+s20+$0x0] =	vst.idx.msk $0xffff, v1  }
0x810: {  	v1 =	vld.idx.msk [tilespmem:v3+s15+$0x0], $0xffff  }
0x811: {  	v3 =	vld [tilespmem:$0x1F570];
	_ =	sdelay $0x3  }
0x812: {  	v2 =	vor.u32 s25, v14  }
0x813: {  	v3 =	vor.u32 v3, v0;
	_ =	sdelay $0x3  }
0x814: {  	v15 =	vld [tilespmem:$0x1F950];
	[tilespmem:v2+s20+$0x0] =	vst.idx.msk $0xffff, v1  }
0x815: {  	v1 =	vld.idx.msk [tilespmem:v3+s15+$0x0], $0xffff  }
0x816: {  	v3 =	vld [tilespmem:$0x1F580];
	_ =	sdelay $0x3  }
0x817: {  	v2 =	vor.u32 s25, v15  }
0x818: {  	v3 =	vor.u32 v3, v0;
	_ =	sdelay $0x3  }
0x819: {  	v16 =	vld [tilespmem:$0x1F590];
	[tilespmem:v2+s20+$0x0] =	vst.idx.msk $0xffff, v1  }
0x81a: {  	v1 =	vld.idx.msk [tilespmem:v3+s15+$0x0], $0xffff  }
0x81b: {  	v3 =	vld [tilespmem:$0x1F5A0];
	_ =	sdelay $0x3  }
0x81c: {  	v2 =	vor.u32 s25, v16  }
0x81d: {  	v3 =	vor.u32 v3, v0;
	_ =	sdelay $0x3  }
0x81e: {  	v18 =	vld [tilespmem:$0x1F9A0];
	[tilespmem:v2+s20+$0x0] =	vst.idx.msk $0xffff, v1  }
0x81f: {  	v1 =	vld.idx.msk [tilespmem:v3+s15+$0x0], $0xffff  }
0x820: {  	v3 =	vld [tilespmem:$0x1F5B0];
	_ =	sdelay $0x3  }
0x821: {  	v2 =	vor.u32 s25, v18  }
0x822: {  	v3 =	vor.u32 v3, v0;
	_ =	sdelay $0x3  }
0x823: {  	v60 =	vld [tilespmem:$0x1F9B0];
	[tilespmem:v2+s20+$0x0] =	vst.idx.msk $0xffff, v1  }
0x824: {  	v1 =	vld.idx.msk [tilespmem:v3+s15+$0x0], $0xffff  }
0x825: {  	v3 =	vld [tilespmem:$0x1F5C0];
	_ =	sdelay $0x3  }
0x826: {  	v2 =	vor.u32 s25, v60  }
0x827: {  	v3 =	vor.u32 v3, v0;
	_ =	sdelay $0x3  }
0x828: {  	v12 =	vld [tilespmem:$0x1F9D0];
	[tilespmem:v2+s20+$0x0] =	vst.idx.msk $0xffff, v1  }
0x829: {  	v1 =	vld.idx.msk [tilespmem:v3+s15+$0x0], $0xffff  }
0x82a: {  	v3 =	vld [tilespmem:$0x1F5D0];
	_ =	sdelay $0x3  }
0x82b: {  	v2 =	vor.u32 s25, v12  }
0x82c: {  	v3 =	vor.u32 v3, v0;
	_ =	sdelay $0x3  }
0x82d: {  	v13 =	vld [tilespmem:$0x1F9E0];
	[tilespmem:v2+s20+$0x0] =	vst.idx.msk $0xffff, v1  }
0x82e: {  	v1 =	vld.idx.msk [tilespmem:v3+s15+$0x0], $0xffff  }
0x82f: {  	v3 =	vld [tilespmem:$0x1F5E0];
	_ =	sdelay $0x3  }
0x830: {  	v2 =	vor.u32 s25, v13  }
0x831: {  	v3 =	vor.u32 v3, v0;
	_ =	sdelay $0x3  }
0x832: {  	v14 =	vld [tilespmem:$0x1F9F0];
	[tilespmem:v2+s20+$0x0] =	vst.idx.msk $0xffff, v1  }
0x833: {  	v1 =	vld.idx.msk [tilespmem:v3+s15+$0x0], $0xffff  }
0x834: {  	v3 =	vld [tilespmem:$0x1F5F0];
	_ =	sdelay $0x3  }
0x835: {  	v2 =	vor.u32 s25, v14  }
0x836: {  	v3 =	vor.u32 v3, v0;
	_ =	sdelay $0x3  }
0x837: {  	v15 =	vld [tilespmem:$0x1FA30];
	[tilespmem:v2+s20+$0x0] =	vst.idx.msk $0xffff, v1  }
0x838: {  	v1 =	vld.idx.msk [tilespmem:v3+s15+$0x0], $0xffff  }
0x839: {  	v3 =	vld [tilespmem:$0x1F600];
	_ =	sdelay $0x3  }
0x83a: {  	v2 =	vor.u32 s25, v15  }
0x83b: {  	v3 =	vor.u32 v3, v0;
	_ =	sdelay $0x3  }
0x83c: {  	v16 =	vld [tilespmem:$0x1FA40];
	[tilespmem:v2+s20+$0x0] =	vst.idx.msk $0xffff, v1  }
0x83d: {  	v1 =	vld.idx.msk [tilespmem:v3+s15+$0x0], $0xffff  }
0x83e: {  	v3 =	vld [tilespmem:$0x1F610];
	_ =	sdelay $0x3  }
0x83f: {  	v2 =	vor.u32 s25, v16  }
0x840: {  	v3 =	vor.u32 v3, v0;
	_ =	sdelay $0x3  }
0x841: {  	v59 =	vmov v11;
	v11 =	vmov v6;
	v6 =	vmov v25;
	v25 =	vld [tilespmem:$0x1FE30];
	[tilespmem:v2+s20+$0x0] =	vst.idx.msk $0xffff, v1  }
0x842: {  	v1 =	vld.idx.msk [tilespmem:v3+s15+$0x0], $0xffff  }
0x843: {  	v3 =	vld [tilespmem:$0x1F640];
	_ =	sdelay $0x3  }
0x844: {  	v18 =	vor.u32 s25, v25  }
0x845: {  	v3 =	vor.u32 v3, v0;
	_ =	sdelay $0x3  }
0x846: {  	v20 =	vld [tilespmem:$0x1FE40];
	[tilespmem:v18+s20+$0x0] =	vst.idx.msk $0xffff, v1  }
0x847: {  	v1 =	vld.idx.msk [tilespmem:v3+s15+$0x0], $0xffff  }
0x848: {  	v3 =	vld [tilespmem:$0x1F670];
	_ =	sdelay $0x3  }
0x849: {  	v60 =	vor.u32 s25, v20  }
0x84a: {  	v3 =	vor.u32 v3, v0;
	_ =	sdelay $0x3  }
0x84b: {  	v2 =	vld [tilespmem:$0x1FE50];
	[tilespmem:v60+s20+$0x0] =	vst.idx.msk $0xffff, v1  }
0x84c: {  	v1 =	vld.idx.msk [tilespmem:v3+s15+$0x0], $0xffff  }
0x84d: {  	v3 =	vld [tilespmem:$0x1F680];
	_ =	sdelay $0x3  }
0x84e: {  	v15 =	vor.u32 s25, v2  }
0x84f: {  	v3 =	vor.u32 v3, v0;
	_ =	sdelay $0x3  }
0x850: {  	v16 =	vld [tilespmem:$0x1FE60];
	[tilespmem:v15+s20+$0x0] =	vst.idx.msk $0xffff, v1  }
0x851: {  	v1 =	vld.idx.msk [tilespmem:v3+s15+$0x0], $0xffff  }
0x852: {  	v3 =	vld [tilespmem:$0x1F690];
	_ =	sdelay $0x3  }
0x853: {  	v18 =	vor.u32 s25, v16  }
0x854: {  	v3 =	vor.u32 v3, v0;
	_ =	sdelay $0x3  }
0x855: {  	v60 =	vld [tilespmem:$0x1FA50];
	[tilespmem:v18+s20+$0x0] =	vst.idx.msk $0xffff, v1  }
0x856: {  	v1 =	vld.idx.msk [tilespmem:v3+s15+$0x0], $0xffff  }
0x857: {  	v3 =	vld [tilespmem:$0x1F6A0];
	_ =	sdelay $0x3  }
0x858: {  	v2 =	vor.u32 s25, v60  }
0x859: {  	v3 =	vor.u32 v3, v0;
	_ =	sdelay $0x3  }
0x85a: {  	[tilespmem:v2+s20+$0x0] =	vst.idx.msk $0xffff, v1;
	v2 =	vld [tilespmem:$0x1FE70]  }
0x85b: {  	v1 =	vld.idx.msk [tilespmem:v3+s15+$0x0], $0xffff  }
0x85c: {  	v3 =	vld [tilespmem:$0x1F6B0];
	_ =	sdelay $0x3  }
0x85d: {  	v16 =	vor.u32 s25, v2  }
0x85e: {  	v3 =	vor.u32 v3, v0;
	_ =	sdelay $0x3  }
0x85f: {  	v18 =	vld [tilespmem:$0x1FE80];
	[tilespmem:v16+s20+$0x0] =	vst.idx.msk $0xffff, v1  }
0x860: {  	v1 =	vld.idx.msk [tilespmem:v3+s15+$0x0], $0xffff  }
0x861: {  	v3 =	vld [tilespmem:$0x1F6C0];
	_ =	sdelay $0x3  }
0x862: {  	v60 =	vor.u32 s25, v18  }
0x863: {  	v3 =	vor.u32 v3, v0;
	_ =	sdelay $0x3  }
0x864: {  	v12 =	vld [tilespmem:$0x1FE90];
	[tilespmem:v60+s20+$0x0] =	vst.idx.msk $0xffff, v1  }
0x865: {  	v1 =	vld.idx.msk [tilespmem:v3+s15+$0x0], $0xffff  }
0x866: {  	v3 =	vld [tilespmem:$0x1F6D0];
	_ =	sdelay $0x3  }
0x867: {  	v13 =	vor.u32 s25, v12  }
0x868: {  	v3 =	vor.u32 v3, v0;
	_ =	sdelay $0x3  }
0x869: {  	v14 =	vld [tilespmem:$0x1F6E0];
	[tilespmem:v13+s20+$0x0] =	vst.idx.msk $0xffff, v1  }
0x86a: {  	v1 =	vld.idx.msk [tilespmem:v3+s15+$0x0], $0xffff  }
0x86b: {  	v3 =	vld [tilespmem:$0x1F6F0];
	_ =	sdelay $0x3  }
0x86c: {  	v2 =	vor.u32 s25, v14  }
0x86d: {  	v3 =	vor.u32 v3, v0;
	_ =	sdelay $0x3  }
0x86e: {  	v15 =	vld [tilespmem:$0x1FEA0];
	[tilespmem:v2+s20+$0x0] =	vst.idx.msk $0xffff, v1  }
0x86f: {  	v1 =	vld.idx.msk [tilespmem:v3+s15+$0x0], $0xffff  }
0x870: {  	v3 =	vld [tilespmem:$0x1F700];
	_ =	sdelay $0x3  }
0x871: {  	v60 =	vor.u32 s25, v15  }
0x872: {  	v3 =	vor.u32 v3, v0;
	_ =	sdelay $0x3  }
0x873: {  	v12 =	vld [tilespmem:$0x1FEB0];
	[tilespmem:v60+s20+$0x0] =	vst.idx.msk $0xffff, v1  }
0x874: {  	v1 =	vld.idx.msk [tilespmem:v3+s15+$0x0], $0xffff  }
0x875: {  	v3 =	vld [tilespmem:$0x1F710];
	_ =	sdelay $0x3  }
0x876: {  	v13 =	vor.u32 s25, v12  }
0x877: {  	v3 =	vor.u32 v3, v0;
	_ =	sdelay $0x3  }
0x878: {  	v14 =	vld [tilespmem:$0x1FAE0];
	[tilespmem:v13+s20+$0x0] =	vst.idx.msk $0xffff, v1  }
0x879: {  	v1 =	vld.idx.msk [tilespmem:v3+s15+$0x0], $0xffff  }
0x87a: {  	v3 =	vld [tilespmem:$0x1F720];
	_ =	sdelay $0x3  }
0x87b: {  	v2 =	vor.u32 s25, v14  }
0x87c: {  	v3 =	vor.u32 v3, v0;
	_ =	sdelay $0x3  }
0x87d: {  	[tilespmem:v2+s20+$0x0] =	vst.idx.msk $0xffff, v1  }
0x87e: {  	v15 =	vor.u32 s25, v50;
	v1 =	vld.idx.msk [tilespmem:v3+s15+$0x0], $0xffff  }
0x87f: {  	v3 =	vor.u32 v10, v0;
	_ =	sdelay $0x3  }
0x880: {  	[tilespmem:v15+s20+$0x0] =	vst.idx.msk $0xffff, v1  }
0x881: {  	v16 =	vor.u32 s25, v9;
	v1 =	vld.idx.msk [tilespmem:v3+s15+$0x0], $0xffff  }
0x882: {  	v3 =	vor.u32 v36, v0;
	_ =	sdelay $0x3  }
0x883: {  	[tilespmem:v16+s20+$0x0] =	vst.idx.msk $0xffff, v1  }
0x884: {  	v18 =	vor.u32 s25, v51;
	v1 =	vld.idx.msk [tilespmem:v3+s15+$0x0], $0xffff  }
0x885: {  	v3 =	vor.u32 v35, v0;
	_ =	sdelay $0x3  }
0x886: {  	[tilespmem:v18+s20+$0x0] =	vst.idx.msk $0xffff, v1  }
0x887: {  	v35 =	vor.u32 s25, v7;
	v1 =	vld.idx.msk [tilespmem:v3+s15+$0x0], $0xffff  }
0x888: {  	v3 =	vor.u32 v41, v0;
	_ =	sdelay $0x3  }
0x889: {  	[tilespmem:v35+s20+$0x0] =	vst.idx.msk $0xffff, v1  }
0x88a: {  	v36 =	vor.u32 s25, v5;
	v1 =	vld.idx.msk [tilespmem:v3+s15+$0x0], $0xffff  }
0x88b: {  	v3 =	vor.u32 v61, v0;
	_ =	sdelay $0x3  }
0x88c: {  	[tilespmem:v36+s20+$0x0] =	vst.idx.msk $0xffff, v1  }
0x88d: {  	v38 =	vor.u32 s25, v38;
	v1 =	vld.idx.msk [tilespmem:v3+s15+$0x0], $0xffff  }
0x88e: {  	v3 =	vor.u32 v8, v0;
	_ =	sdelay $0x3  }
0x88f: {  	[tilespmem:v38+s20+$0x0] =	vst.idx.msk $0xffff, v1  }
0x890: {  	v41 =	vor.u32 s25, v53;
	v1 =	vld.idx.msk [tilespmem:v3+s15+$0x0], $0xffff  }
0x891: {  	v3 =	vor.u32 v46, v0;
	_ =	sdelay $0x3  }
0x892: {  	[tilespmem:v41+s20+$0x0] =	vst.idx.msk $0xffff, v1  }
0x893: {  	v50 =	vor.u32 s25, v31;
	v1 =	vld.idx.msk [tilespmem:v3+s15+$0x0], $0xffff  }
0x894: {  	v3 =	vor.u32 v30, v0;
	_ =	sdelay $0x3  }
0x895: {  	[tilespmem:v50+s20+$0x0] =	vst.idx.msk $0xffff, v1  }
0x896: {  	v51 =	vor.u32 s25, v21;
	v1 =	vld.idx.msk [tilespmem:v3+s15+$0x0], $0xffff  }
0x897: {  	v3 =	vor.u32 v27, v0;
	_ =	sdelay $0x3  }
0x898: {  	[tilespmem:v51+s20+$0x0] =	vst.idx.msk $0xffff, v1  }
0x899: {  	v53 =	vor.u32 s25, v33;
	v1 =	vld.idx.msk [tilespmem:v3+s15+$0x0], $0xffff  }
0x89a: {  	v3 =	vor.u32 v19, v0;
	_ =	sdelay $0x3  }
0x89b: {  	[tilespmem:v53+s20+$0x0] =	vst.idx.msk $0xffff, v1  }
0x89c: {  	v60 =	vor.u32 s25, v57;
	v1 =	vld.idx.msk [tilespmem:v3+s15+$0x0], $0xffff  }
0x89d: {  	v0 =	vor.u32 v49, v0;
	_ =	sdelay $0x3  }
0x89e: {  	[tilespmem:v60+s20+$0x0] =	vst.idx.msk $0xffff, v1  }
0x89f: {  	v61 =	vor.u32 s25, v26;
	v0 =	vld.idx.msk [tilespmem:v0+s15+$0x0], $0xffff;
	_ =	sdelay $0x1  }
.Ltmp6:
0x8a0: {  	_ = 	snop;
	(pc) =	sbr.rel @p0 .LBB2_11-.Ltmp6, $4  }
0x8a1: {  	s1 =	sadd.s32 s2, s28;
	v21 =	vmovc v17;
	v31 =	vmov v37;
	v33 =	vmov v23;
	v35 =	vmov v52  }
0x8a2: {  	s1 =	sadd.s32 s26, s1;
	v26 =	vmovc v29;
	v29 =	vmovc v40;
	v40 =	vmov v28;
	v36 =	vmov v42;
	v38 =	vmov v39  }
0x8a3: {  	s1 =	sadd.s32 $0x80, s1;
	v46 =	vmovc v44;
	v30 =	vmovc v34;
	v34 =	vmov v45;
	v27 =	vmov v54;
	v54 =	vmov v56;
	[tilespmem:v61+s20+$0x0] =	vst.idx.msk $0xffff, v0  }
0x8a4: {  	v53 =	vmovc v43;
	v43 =	vmovc v55;
	v55 =	vmov v47;
	v61 =	vmov v22;
	v22 =	vmov v24;
	[hbm4b:s1+s18] =	stream.strided.scatter [tilespmem:s20], [sflag:$0x6], $0x2000, s19, s18, $0x38;
	[tilespmem:$0x8100] =	vst v63  }
0x8a5: {  	_ =	swait.ge [sflag:s14], $0x80  }
.Ltmp7:
0x8a6: {  	v2 =	vld [tilespmem:$0x1F9C0];
	(pc) =	sbr.rel .LBB2_2-.Ltmp7, $4  }
0x8a7: {  	v20 =	vmov v59;
	v59 =	vld [tilespmem:$0x1FED0]  }
0x8a8: {  	[sflag:s14] =	ssyncset.done $0x0;
	v60 =	vld [tilespmem:$0x1FEE0]  }
0x8a9: {  	s24 =	sadd.s32 $0x1, s24;
	v57 =	vld [tilespmem:$0x1FEF0];
	[sflag:s14] =	ssyncadd.s32 $0xFFFFFF80  }
0x8aa: {  	v47 =	vmov v11;
	v19 =	vld [tilespmem:$0x1FF00];
	[tilespmem:s15], [sflag:$0x4] =	stream.indirect.gather [hbm4b:s4+s11], $0x40, s11, s11, $0xb8  }
.LBB2_12:
0x8ab: {  	_ =	sfence.sel $0x180000  }
0x8ac: {  	[bflag:$0x0] =	sbarrier.arrive $0xFFFF  }
0x8ad: {  	_ =	strace $0x90000047  }
0x8ae: {  	[bflag:$0x2] =	sbarrier.arrive $0xFFFF  }
0x8af: {  	p0 =	sne.s32 s0, $0x0;
	s0 =	rddreg [dreg:$0x2]  }
0x8b0: {  	s0 =	sadd.s32 @!p0 $0x100000, s0  }
0x8b1: {  	[sflag:s0] =	ssyncadd.tile.s32 @!p0 $0x1;
	_ =	shalt  }
.Lfunc_end2:
_tile_overlayer_lowered:
.L_overlay_start_2:
0x8b2: {  	(tag) =	ssettag $0x2  }
0x8b3: {  	s0 =	rddreg [dreg:$0x0];
	s2 =	stileid.u32  }
0x8b4: {  	s1 =	rddreg [dreg:$0x1];
	p0 =	sne.s32 s2, $0x0  }
0x8b5: {  	s3 =	rddreg [dreg:$0x2];
	[bflag:$0x3] =	sbarrier.arrive $0xFFFF;
	s2 =	simm.s32 @!p0 $0x1C07  }
0x8b6: {  	[timem:s3], [sflag:s2] =	dma.local @!p0 [hbm:s0], s1  }
0x8b7: {  	s0 =	simm.s32 @!p0 $0x7  }
0x8b8: {  	_ =	swait.ge @!p0 [sflag:s0], s1  }
0x8b9: {  	s1 =	ssub.s32 @!p0 $0x0, s1;
	[sflag:s0] =	ssyncset.done @!p0 $0x0  }
0x8ba: {  	[sflag:s0] =	ssyncadd.s32 @!p0 s1  }
0x8bb: {  	[bflag:$0x3] =	sbarrier.arrive $0xFFFF  }
0x8bc: {  	_ =	shalt  }

</sc_bundles>
